<compile_context>
chip_gen: v7x
topology: tpu7x:2x2x1
jax: 0.10.2.dev20260603
libtpu: 0.0.44.dev20260713+nightly
codegen_flags: <defaults>
</compile_context>

<pallas_src>
import functools

import jax
import jax.numpy as jnp
from jax import lax
from jax.experimental import pallas as pl
from jax.experimental.pallas import tpu as pltpu
from jax.experimental.pallas import tpu_sc as plsc

N = 10000
E = 320000
D = 128
F2 = 8
G = 64

NC = 2
NS = 16
L = 16
NW = NC * NS
N_PAD = 10240
RPT = N_PAD // NS
CH = 64
NCH = 160
NB = 80
E_PAD = NW * NCH * CH
R = 1000


def _mesh():
    return plsc.VectorSubcoreMesh(core_axis_name="c", subcore_axis_name="s")


def _deg_body(dst_hbm, out_hbm, idx_v, ones_v, zb_v, acc_sh):
    c = lax.axis_index("c")
    s = lax.axis_index("s")
    wid = c * NS + s
    zeros16 = jnp.zeros((L,), jnp.float32)
    ones16 = jnp.ones((L,), jnp.float32)

    def fill(i, carry):
        zb_v[pl.ds(i * L, L)] = zeros16
        ones_v[pl.ds((i % (CH // L)) * L, L)] = ones16
        return carry

    lax.fori_loop(0, RPT // L, fill, 0)
    pltpu.sync_copy(zb_v, acc_sh.at[pl.ds(s * RPT, RPT)])
    pltpu.sync_copy(dst_hbm.at[pl.ds(wid * NCH, NCH)], idx_v)
    plsc.subcore_barrier()

    def body(j, carry):
        pltpu.sync_copy(ones_v, acc_sh.at[idx_v.at[j]], add=True)
        return carry

    lax.fori_loop(0, NCH, body, 0)
    plsc.subcore_barrier()
    pltpu.sync_copy(acc_sh.at[pl.ds(s * RPT, RPT)],
                    out_hbm.at[c, pl.ds(s * RPT, RPT)])


_deg_call = functools.partial(
    pl.kernel,
    out_type=jax.ShapeDtypeStruct((NC, N_PAD), jnp.float32),
    mesh=_mesh(),
    scratch_types=[
        pltpu.VMEM((NCH, CH), jnp.int32),
        pltpu.VMEM((CH,), jnp.float32),
        pltpu.VMEM((RPT,), jnp.float32),
        pltpu.VMEM_SHARED((N_PAD,), jnp.float32),
    ],
)(_deg_body)


RSTG = N // NS


def _make_scatter(feat, staged, async_scatter, lead, nbuf):
    NBUF = nbuf
    NG = NCH // NBUF
    def slot(j, b, zeros_hbm, src_ref, src_v, dst_v, buf, acc_sh, gsem, ssem,
             do_wait, do_issue):
        bg = (b + lead) % NBUF
        if do_issue:
            if do_wait and async_scatter:
                pltpu.make_async_copy(
                    zeros_hbm, buf.at[bg], ssem.at[bg]).wait()
            pltpu.async_copy(
                src_ref.at[src_v.at[j + lead]], buf.at[bg], gsem.at[bg])
        pltpu.make_async_copy(
            src_ref.at[src_v.at[j]], buf.at[b], gsem.at[b]).wait()
        if async_scatter:
            pltpu.async_copy(
                buf.at[b], acc_sh.at[dst_v.at[j]], ssem.at[b], add=True)
        else:
            pltpu.sync_copy(buf.at[b], acc_sh.at[dst_v.at[j]], add=True)

    def body(xs_hbm, src_hbm, dst_hbm, zeros_hbm, out_hbm, src_v, dst_v,
             buf, acc_sh, *rest):
        if staged and async_scatter:
            xs_sh, gsem, ssem = rest
        elif staged:
            xs_sh, gsem = rest
            ssem = None
        elif async_scatter:
            gsem, ssem = rest
        else:
            (gsem,) = rest
            ssem = None
        c = lax.axis_index("c")
        s = lax.axis_index("s")
        wid = c * NS + s

        def zs(t, carry):
            pltpu.sync_copy(zeros_hbm, acc_sh.at[pl.ds(s * RPT + t * CH, CH)])
            return carry

        lax.fori_loop(0, RPT // CH, zs, 0)
        if staged:
            pltpu.sync_copy(xs_hbm.at[pl.ds(s * RSTG, RSTG)],
                            xs_sh.at[pl.ds(s * RSTG, RSTG)])
        pltpu.sync_copy(src_hbm.at[pl.ds(wid * NCH, NCH)], src_v)
        pltpu.sync_copy(dst_hbm.at[pl.ds(wid * NCH, NCH)], dst_v)
        plsc.subcore_barrier()

        src_ref = xs_sh if staged else xs_hbm
        for b in range(lead):
            pltpu.async_copy(src_ref.at[src_v.at[b]], buf.at[b], gsem.at[b])
        for b in range(NBUF):
            slot(b, b, zeros_hbm, src_ref, src_v, dst_v, buf, acc_sh, gsem,
                 ssem, do_wait=(b >= NBUF - lead), do_issue=True)

        def grp(g, carry):
            for b in range(NBUF):
                slot(g * NBUF + b, b, zeros_hbm, src_ref, src_v, dst_v, buf,
                     acc_sh, gsem, ssem, do_wait=True, do_issue=True)
            return carry

        lax.fori_loop(1, NG - 1, grp, 0)
        for b in range(NBUF):
            slot((NG - 1) * NBUF + b, b, zeros_hbm, src_ref, src_v, dst_v,
                 buf, acc_sh, gsem, ssem, do_wait=(b < lead),
                 do_issue=(b < lead))
        if async_scatter:
            for b in range(NBUF):
                pltpu.make_async_copy(zeros_hbm, buf.at[b], ssem.at[b]).wait()
        plsc.subcore_barrier()

        def co(t, carry):
            pltpu.sync_copy(acc_sh.at[pl.ds(s * RPT + t * CH, CH)],
                            out_hbm.at[c, pl.ds(s * RPT + t * CH, CH)])
            return carry

        lax.fori_loop(0, RPT // CH, co, 0)

    scratch = [
        pltpu.VMEM((NCH, CH), jnp.int32),
        pltpu.VMEM((NCH, CH), jnp.int32),
        pltpu.VMEM((NBUF, CH, feat), jnp.float32),
        pltpu.VMEM_SHARED((N_PAD, feat), jnp.float32),
    ]
    if staged:
        scratch.append(pltpu.VMEM_SHARED((N_PAD, feat), jnp.float32))
    scratch.append(pltpu.SemaphoreType.DMA((NBUF,)))
    if async_scatter:
        scratch.append(pltpu.SemaphoreType.DMA((NBUF,)))
    return pl.kernel(
        body,
        out_type=jax.ShapeDtypeStruct((NC, N_PAD, feat), jnp.float32),
        mesh=_mesh(),
        compiler_params=pltpu.CompilerParams(use_tc_tiling_on_sc=False),
        scratch_types=scratch,
    )


NBUF128 = 4
LEAD128 = 3
UCH = 20
UT = 16
UF = 13
CF = 1
NG128 = UCH // NBUF128


def _scat128_body(xs_hbm, src_hbm, dst_hbm, zeros_hbm, out_hbm, src_v, dst_v,
                  b0, b1, b2, b3, acc_sh, s0, s1, s2, s3):
    c = lax.axis_index("c")
    s = lax.axis_index("s")
    wid = c * NS + s
    bufs = [b0, b1, b2, b3]
    sems = [s0, s1, s2, s3]

    def zs(t, carry):
        pltpu.sync_copy(zeros_hbm, acc_sh.at[pl.ds(s * RPT + t * CH, CH)])
        return carry

    lax.fori_loop(0, RPT // CH, zs, 0)
    plsc.subcore_barrier()

    def slot(j, b, do_issue):
        bg = (b + LEAD128) % NBUF128
        if do_issue:
            pltpu.async_copy(
                xs_hbm.at[src_v.at[j + LEAD128]], bufs[bg], sems[bg])
        pltpu.make_async_copy(xs_hbm.at[src_v.at[j]], bufs[b], sems[b]).wait()
        pltpu.sync_copy(bufs[b], acc_sh.at[dst_v.at[j]], add=True)

    def grp(g, carry):
        for b in range(NBUF128):
            slot(g * NBUF128 + b, b, do_issue=True)
        return carry

    nun = jnp.where(c == CF, UF, UT - UF)
    base = jnp.where(c == CF, s * (UF * UCH),
                     NW // 2 * UF * UCH + s * ((UT - UF) * UCH))

    def unit(h, carry):
        off = base + h * UCH
        pltpu.sync_copy(src_hbm.at[pl.ds(off, UCH)], src_v)
        pltpu.sync_copy(dst_hbm.at[pl.ds(off, UCH)], dst_v)
        for b in range(LEAD128):
            pltpu.async_copy(xs_hbm.at[src_v.at[b]], bufs[b], sems[b])
        lax.fori_loop(0, NG128 - 1, grp, 0)
        for b in range(NBUF128):
            slot((NG128 - 1) * NBUF128 + b, b,
                 do_issue=(b < NBUF128 - LEAD128))
        return carry

    lax.fori_loop(0, nun, unit, 0)
    plsc.subcore_barrier()

    def co(t, carry):
        pltpu.sync_copy(acc_sh.at[pl.ds(s * RPT + t * CH, CH)],
                        out_hbm.at[c, pl.ds(s * RPT + t * CH, CH)])
        return carry

    lax.fori_loop(0, RPT // CH, co, 0)


_scat128_call = pl.kernel(
    _scat128_body,
    out_type=jax.ShapeDtypeStruct((NC, N_PAD, D), jnp.float32),
    mesh=_mesh(),
    compiler_params=pltpu.CompilerParams(use_tc_tiling_on_sc=False),
    scratch_types=[
        pltpu.VMEM((UCH, CH), jnp.int32),
        pltpu.VMEM((UCH, CH), jnp.int32),
        pltpu.VMEM((CH, D), jnp.float32),
        pltpu.VMEM((CH, D), jnp.float32),
        pltpu.VMEM((CH, D), jnp.float32),
        pltpu.VMEM((CH, D), jnp.float32),
        pltpu.VMEM_SHARED((N_PAD, D), jnp.float32),
        pltpu.SemaphoreType.DMA,
        pltpu.SemaphoreType.DMA,
        pltpu.SemaphoreType.DMA,
        pltpu.SemaphoreType.DMA,
    ],
)


_scat8_call = _make_scatter(F2, staged=True, async_scatter=True, lead=4,
                            nbuf=8)


def _k2_body(x_ref, w_ref, deg_ref, xs_ref, dinv_ref):
    degv = deg_ref[:, 0] + deg_ref[:, 1] + 1.0
    dinv = lax.rsqrt(degv)
    xw = jnp.dot(x_ref[...], w_ref[...], preferred_element_type=jnp.float32)
    xs_ref[...] = xw * dinv[:, None]
    dinv_ref[...] = dinv[:, None]


_k2_call = pl.pallas_call(
    _k2_body,
    grid=(N // R,),
    in_specs=[
        pl.BlockSpec((R, D), lambda i: (i, 0)),
        pl.BlockSpec((D, D), lambda i: (0, 0)),
        pl.BlockSpec((R, NC), lambda i: (i, 0)),
    ],
    out_specs=[
        pl.BlockSpec((R, D), lambda i: (i, 0)),
        pl.BlockSpec((R, 1), lambda i: (i, 0)),
    ],
    out_shape=[
        jax.ShapeDtypeStruct((N, D), jnp.float32),
        jax.ShapeDtypeStruct((N, 1), jnp.float32),
    ],
)


def _k4_body(acc_ref, xs1_ref, dinv_ref, b1_ref, w2_ref, xs2_ref):
    dinv = dinv_ref[...]
    pre = dinv * (acc_ref[0] + acc_ref[1] + xs1_ref[...]) + b1_ref[...]
    h1 = jnp.where(pre >= 0, pre, 0.2 * pre)
    y = jnp.dot(h1, w2_ref[...], preferred_element_type=jnp.float32)
    xs2_ref[...] = y * dinv


_k4_call = pl.pallas_call(
    _k4_body,
    grid=(N // R,),
    in_specs=[
        pl.BlockSpec((NC, R, D), lambda i: (0, i, 0)),
        pl.BlockSpec((R, D), lambda i: (i, 0)),
        pl.BlockSpec((R, 1), lambda i: (i, 0)),
        pl.BlockSpec((1, D), lambda i: (0, 0)),
        pl.BlockSpec((D, F2), lambda i: (0, 0)),
    ],
    out_specs=pl.BlockSpec((R, F2), lambda i: (i, 0)),
    out_shape=jax.ShapeDtypeStruct((N, F2), jnp.float32),
)


def _k6_body(acc2_ref, xs2_ref, dinv_ref, b2_ref, batch_ref, l1w_ref,
             l1b_ref, l2w_ref, l2b_ref, out_ref):
    pre = (dinv_ref[...] * (acc2_ref[0, :N, :] + acc2_ref[1, :N, :]
                            + xs2_ref[...]) + b2_ref[...])
    h2 = jnp.where(pre >= 0, pre, 0.2 * pre)
    gids = lax.broadcasted_iota(jnp.int32, (G, N), 0)
    onehot = (gids == batch_ref[...]).astype(jnp.float32)
    sums = jnp.dot(onehot, h2, preferred_element_type=jnp.float32)
    cnt = jnp.sum(onehot, axis=1, keepdims=True)
    pooled = sums / jnp.maximum(cnt, 1.0)
    z0 = jnp.dot(pooled, l1w_ref[...],
                 preferred_element_type=jnp.float32) + l1b_ref[...]
    z = jnp.where(z0 >= 0, z0, 0.2 * z0)
    out_ref[...] = jnp.dot(z, l2w_ref[...],
                           preferred_element_type=jnp.float32) + l2b_ref[...]


_k6_call = pl.pallas_call(
    _k6_body,
    out_shape=jax.ShapeDtypeStruct((G, 2), jnp.float32),
)


def kernel(x, edge_index, batch, W1, b1, W2, b2, lin1_W, lin1_b, lin2_W,
           lin2_b):
    src = edge_index[0]
    dst = edge_index[1]
    pad = E_PAD - E
    src_p = jnp.concatenate(
        [src, jnp.zeros((pad,), jnp.int32)]).reshape(E_PAD // CH, CH)
    pad_dst = N + jnp.arange(pad, dtype=jnp.int32) % (N_PAD - N)
    dst_p = jnp.concatenate([dst, pad_dst]).reshape(E_PAD // CH, CH)

    deg = _deg_call(dst_p)
    xs1, dinv = _k2_call(x, W1, deg.T)
    z128 = jnp.zeros((CH, D), jnp.float32)
    z8 = jnp.zeros((CH, F2), jnp.float32)
    acc1 = _scat128_call(xs1, src_p, dst_p, z128)
    xs2 = _k4_call(acc1, xs1, dinv, b1.reshape(1, D), W2)
    acc2 = _scat8_call(xs2, src_p, dst_p, z8)
    out = _k6_call(acc2, xs2, dinv, b2.reshape(1, F2),
                   batch.reshape(1, N), lin1_W, lin1_b.reshape(1, F2),
                   lin2_W, lin2_b.reshape(1, 2))
    return out

# --- scband reference (transcript-rebuilt; emitter-appended) ---
"""Pipeline reference for scband-gnn-16836271800741 (READ-ONLY COPY).

The authoritative reference and input builder live on the scoring server;
editing this copy changes nothing except your own understanding.
"""

import jax, jax.numpy as jnp
import numpy as np

N = 10000
E = 320000
D = 128
H = 128
G = 64


def leaky(v):
    return jnp.where(v >= 0, v, 0.2 * v)


def gcn_conv(x, edge_index, W, b):
    src = edge_index[0]
    dst = edge_index[1]
    loops = jnp.arange(N, dtype=src.dtype)
    src = jnp.concatenate([src, loops])
    dst = jnp.concatenate([dst, loops])
    deg = jax.ops.segment_sum(jnp.ones(src.shape[0], dtype=jnp.float32), dst, num_segments=N)
    dinv = jnp.where(deg > 0, 1.0 / jnp.sqrt(deg), 0.0)
    norm = dinv[src] * dinv[dst]
    xw = x @ W
    msgs = xw[src] * norm[:, None]
    out = jax.ops.segment_sum(msgs, dst, num_segments=N)
    return out + b


def setup_inputs(seed: int = 0):
    key = jax.random.key(seed)
    ks = jax.random.split(key, 12)
    x = jax.random.normal(ks[0], (N, D), dtype=jnp.float32)
    edge_index = jax.random.randint(ks[1], (2, E), 0, N, dtype=jnp.int32)
    batch = jnp.sort(jax.random.randint(ks[2], (N,), 0, G, dtype=jnp.int32))
    W1 = jax.random.normal(ks[3], (D, H), dtype=jnp.float32) * (1.0 / np.sqrt(D))
    b1 = jnp.zeros((H,), dtype=jnp.float32)
    W2 = jax.random.normal(ks[4], (H, 8), dtype=jnp.float32) * (1.0 / np.sqrt(H))
    b2 = jnp.zeros((8,), dtype=jnp.float32)
    lin1_W = jax.random.normal(ks[5], (8, 8), dtype=jnp.float32) * (1.0 / np.sqrt(8))
    lin1_b = jnp.zeros((8,), dtype=jnp.float32)
    lin2_W = jax.random.normal(ks[6], (8, 2), dtype=jnp.float32) * (1.0 / np.sqrt(8))
    lin2_b = jnp.zeros((2,), dtype=jnp.float32)
    return {"x": x, "edge_index": edge_index, "batch": batch, "W1": W1, "b1": b1, "W2": W2, "b2": b2, "lin1_W": lin1_W, "lin1_b": lin1_b, "lin2_W": lin2_W, "lin2_b": lin2_b}


def reference(x, edge_index, batch, W1, b1, W2, b2, lin1_W, lin1_b, lin2_W, lin2_b):
    h = leaky(gcn_conv(x, edge_index, W1, b1))
    h = leaky(gcn_conv(h, edge_index, W2, b2))
    sums = jax.ops.segment_sum(h, batch, num_segments=G)
    cnt = jax.ops.segment_sum(jnp.ones((h.shape[0],), dtype=jnp.float32), batch, num_segments=G)
    pooled = sums / jnp.maximum(cnt, 1.0)[:, None]
    z = leaky(pooled @ lin1_W + lin1_b)
    # dropout is identity in eval mode
    out = z @ lin2_W + lin2_b
    return out

if __name__ == "__main__":
    import jax
    _d = setup_inputs()
    print(jax.jit(kernel)(*tuple(_d.values())))

</pallas_src>

<mosaic_0001>
#map = affine_map<(d0, d1) -> (0, 0)>
module attributes {stable_mosaic.version = 14 : i64} {
  func.func @_deg_body(%arg0: i32, %arg1: i32, %arg2: memref<5120x64xi32, #tpu.memory_space<hbm>>, %arg3: memref<2x10240xf32, #tpu.memory_space<hbm>>, %arg4: memref<160x64xi32, #tpu.memory_space<vmem>>, %arg5: memref<64xf32, #tpu.memory_space<vmem>>, %arg6: memref<640xf32, #tpu.memory_space<vmem>>, %arg7: memref<10240xf32, #tpu.memory_space<vmem_shared>>) attributes {dimension_semantics = [#tpu.dimension_semantics<core_parallel>, #tpu.dimension_semantics<subcore_parallel>], iteration_bounds = array<i64: 2, 16>, scalar_prefetch = 0 : i64, scratch_operands = 4 : i64, tpu.core_type = #tpu.core_type<sc_vector_subcore>, window_params = [{transform_indices = #map}, {transform_indices = #map}]} {
    %mul3A = arith.constant 16 : i32
    %mul3A_0 = arith.muli %arg0, %mul3A : i32
    %add3A = arith.addi %mul3A_0, %arg1 : i32
    %broadcast_in_dim3A = arith.constant 0.000000e+00 : f32
    %broadcast_in_dim3A_1 = vector.broadcast %broadcast_in_dim3A : f32 to vector<16xf32>
    %broadcast_in_dim3A_2 = arith.constant 1.000000e+00 : f32
    %broadcast_in_dim3A_3 = vector.broadcast %broadcast_in_dim3A_2 : f32 to vector<16xf32>
    %scan3A = arith.constant 0 : i32
    %scan3A_4 = arith.constant 0 : i32
    %scan3A_5 = arith.constant 40 : i32
    %scan3A_6 = arith.addi %scan3A_4, %scan3A_5 : i32
    %scan3A_7 = arith.constant 1 : i32
    scf.for %scan3A_24 = %scan3A_4 to %scan3A_6 step %scan3A_7  : i32 {
      %mul3A_25 = arith.constant 16 : i32
      %mul3A_26 = arith.muli %scan3A_24, %mul3A_25 : i32
      %swap3A = arith.index_cast %mul3A_26 : i32 to index
      %swap3A_27 = tpu.vector_load %arg6[%swap3A] {strides = array<i32>} : memref<640xf32, #tpu.memory_space<vmem>>, vector<16xf32>,
      %swap3A_28 = vector.shape_cast %swap3A_27 : vector<16xf32> to vector<16xf32>
      %swap3A_29 = vector.shape_cast %broadcast_in_dim3A_1 : vector<16xf32> to vector<16xf32>
      tpu.vector_store %arg6[%swap3A], %swap3A_29 {strides = array<i32>} : memref<640xf32, #tpu.memory_space<vmem>>, vector<16xf32>,
      %jit3A = arith.constant 4 : i32
      %eq3A = arith.constant 0 : i32
      %eq3A_30 = arith.cmpi eq, %jit3A, %eq3A : i32
      %jit3A_31 = arith.constant 1 : i32
      %select_n3A = arith.select %eq3A_30, %jit3A_31, %jit3A : i32
      %rem3A = arith.remsi %scan3A_24, %select_n3A : i32
      %ne3A = arith.constant 0 : i32
      %ne3A_32 = arith.cmpi ne, %rem3A, %ne3A : i32
      %lt3A = arith.constant 0 : i32
      %lt3A_33 = arith.cmpi slt, %rem3A, %lt3A : i32
      %lt3A_34 = arith.constant 0 : i32
      %lt3A_35 = arith.cmpi slt, %select_n3A, %lt3A_34 : i32
      %ne3A_36 = arith.xori %lt3A_33, %lt3A_35 : i1
      %and3A = arith.andi %ne3A_36, %ne3A_32 : i1
      %add3A_37 = arith.addi %rem3A, %select_n3A : i32
      %select_n3A_38 = arith.select %and3A, %add3A_37, %rem3A : i32
      %mul3A_39 = arith.constant 16 : i32
      %mul3A_40 = arith.muli %select_n3A_38, %mul3A_39 : i32
      %swap3A_41 = arith.index_cast %mul3A_40 : i32 to index
      %swap3A_42 = tpu.vector_load %arg5[%swap3A_41] {strides = array<i32>} : memref<64xf32, #tpu.memory_space<vmem>>, vector<16xf32>,
      %swap3A_43 = vector.shape_cast %swap3A_42 : vector<16xf32> to vector<16xf32>
      %swap3A_44 = vector.shape_cast %broadcast_in_dim3A_3 : vector<16xf32> to vector<16xf32>
      tpu.vector_store %arg5[%swap3A_41], %swap3A_44 {strides = array<i32>} : memref<64xf32, #tpu.memory_space<vmem>>, vector<16xf32>,
    }
    %scan3A_8 = arith.constant 40 : i32
    %mul3A_9 = arith.constant 640 : i32
    %mul3A_10 = arith.muli %arg1, %mul3A_9 : i32
    "tpu.region"() ({
      %run_scoped3A = tpu.sem_alloc : memref<!tpu.dma_semaphore, #tpu.memory_space<semaphore_mem>>
      %dma_start3A = tpu.memref_slice %arg7[%mul3A_10] : memref<10240xf32, #tpu.memory_space<vmem_shared>> -> memref<640xf32, #tpu.memory_space<vmem_shared>>
      %dma_start3A_24 = tpu.memref_slice %arg7[%mul3A_10] : memref<10240xf32, #tpu.memory_space<vmem_shared>> -> memref<640xf32, #tpu.memory_space<vmem_shared>>
      tpu.enqueue_dma source(%arg6 : memref<640xf32, #tpu.memory_space<vmem>>) target(%dma_start3A_24 : memref<640xf32, #tpu.memory_space<vmem_shared>>) target_semaphore(%run_scoped3A : memref<!tpu.dma_semaphore, #tpu.memory_space<semaphore_mem>>)
      %dma_wait3A = tpu.memref_slice %arg7[%mul3A_10] : memref<10240xf32, #tpu.memory_space<vmem_shared>> -> memref<640xf32, #tpu.memory_space<vmem_shared>>
      %dma_wait3A_25 = tpu.memref_slice %arg7[%mul3A_10] : memref<10240xf32, #tpu.memory_space<vmem_shared>> -> memref<640xf32, #tpu.memory_space<vmem_shared>>
      tpu.wait_dma2 semaphore(%run_scoped3A : memref<!tpu.dma_semaphore, #tpu.memory_space<semaphore_mem>>) src(%arg6 : memref<640xf32, #tpu.memory_space<vmem>>) dst(%dma_wait3A_25 : memref<640xf32, #tpu.memory_space<vmem_shared>>)
      tpu.yield
    }) : () -> ()
    %mul3A_11 = arith.constant 160 : i32
    %mul3A_12 = arith.muli %add3A, %mul3A_11 : i32
    "tpu.region"() ({
      %run_scoped3A = tpu.sem_alloc : memref<!tpu.dma_semaphore, #tpu.memory_space<semaphore_mem>>
      %dma_start3A = arith.constant 0 : i32
      %dma_start3A_24 = tpu.memref_slice %arg2[%mul3A_12, %dma_start3A] : memref<5120x64xi32, #tpu.memory_space<hbm>> -> memref<160x64xi32, #tpu.memory_space<hbm>>
      %dma_start3A_25 = arith.constant 0 : i32
      %dma_start3A_26 = tpu.memref_slice %arg2[%mul3A_12, %dma_start3A_25] : memref<5120x64xi32, #tpu.memory_space<hbm>> -> memref<160x64xi32, #tpu.memory_space<hbm>>
      tpu.enqueue_dma source(%dma_start3A_26 : memref<160x64xi32, #tpu.memory_space<hbm>>) target(%arg4 : memref<160x64xi32, #tpu.memory_space<vmem>>) target_semaphore(%run_scoped3A : memref<!tpu.dma_semaphore, #tpu.memory_space<semaphore_mem>>)
      %dma_wait3A = arith.constant 0 : i32
      %dma_wait3A_27 = tpu.memref_slice %arg2[%mul3A_12, %dma_wait3A] : memref<5120x64xi32, #tpu.memory_space<hbm>> -> memref<160x64xi32, #tpu.memory_space<hbm>>
      %dma_wait3A_28 = arith.constant 0 : i32
      %dma_wait3A_29 = tpu.memref_slice %arg2[%mul3A_12, %dma_wait3A_28] : memref<5120x64xi32, #tpu.memory_space<hbm>> -> memref<160x64xi32, #tpu.memory_space<hbm>>
      tpu.wait_dma2 semaphore(%run_scoped3A : memref<!tpu.dma_semaphore, #tpu.memory_space<semaphore_mem>>) src(%dma_wait3A_29 : memref<160x64xi32, #tpu.memory_space<hbm>>) dst(%arg4 : memref<160x64xi32, #tpu.memory_space<vmem>>)
      tpu.yield
    }) : () -> ()
    %barrier3A = arith.constant 0 : index
    tpu.barrier barrier_id(%barrier3A)
    %scan3A_13 = arith.constant 0 : i32
    %scan3A_14 = arith.constant 0 : i32
    %scan3A_15 = arith.constant 160 : i32
    %scan3A_16 = arith.addi %scan3A_14, %scan3A_15 : i32
    %scan3A_17 = arith.constant 1 : i32
    scf.for %scan3A_24 = %scan3A_14 to %scan3A_16 step %scan3A_17  : i32 {
      "tpu.region"() ({
        %run_scoped3A = tpu.sem_alloc : memref<!tpu.dma_semaphore, #tpu.memory_space<semaphore_mem>>
        %dma_start3A = arith.constant 0 : i32
        %dma_start3A_25 = tpu.memref_slice %arg4[%scan3A_24, %dma_start3A] : memref<160x64xi32, #tpu.memory_space<vmem>> -> memref<1x64xi32, #tpu.memory_space<vmem>>
        %dma_start3A_26 = tpu.memref_squeeze %dma_start3A_25 : memref<1x64xi32, #tpu.memory_space<vmem>> -> memref<64xi32, #tpu.memory_space<vmem>>
        %dma_start3A_27 = arith.constant 0 : i32
        %dma_start3A_28 = tpu.memref_slice %arg7[%dma_start3A_27] : memref<10240xf32, #tpu.memory_space<vmem_shared>> -> memref<10240xf32, #tpu.memory_space<vmem_shared>>
        tpu.enqueue_indirect_dma source(%arg5 : memref<64xf32, #tpu.memory_space<vmem>>) target(%dma_start3A_28 : memref<10240xf32, #tpu.memory_space<vmem_shared>>) offsets(%dma_start3A_26 : memref<64xi32, #tpu.memory_space<vmem>>) semaphore(%run_scoped3A : memref<!tpu.dma_semaphore, #tpu.memory_space<semaphore_mem>>) {add = true}
        %dma_wait3A = arith.constant 0 : i32
        %dma_wait3A_29 = tpu.memref_slice %arg4[%scan3A_24, %dma_wait3A] : memref<160x64xi32, #tpu.memory_space<vmem>> -> memref<1x64xi32, #tpu.memory_space<vmem>>
        %dma_wait3A_30 = tpu.memref_squeeze %dma_wait3A_29 : memref<1x64xi32, #tpu.memory_space<vmem>> -> memref<64xi32, #tpu.memory_space<vmem>>
        %dma_wait3A_31 = arith.constant 0 : i32
        %dma_wait3A_32 = tpu.memref_slice %arg7[%dma_wait3A_31] : memref<10240xf32, #tpu.memory_space<vmem_shared>> -> memref<10240xf32, #tpu.memory_space<vmem_shared>>
        tpu.wait_indirect_dma semaphore(%run_scoped3A : memref<!tpu.dma_semaphore, #tpu.memory_space<semaphore_mem>>) src(%arg5 : memref<64xf32, #tpu.memory_space<vmem>>) dst(%dma_wait3A_32 : memref<10240xf32, #tpu.memory_space<vmem_shared>>)
        tpu.yield
      }) : () -> ()
    }
    %scan3A_18 = arith.constant 160 : i32
    %barrier3A_19 = arith.constant 0 : index
    tpu.barrier barrier_id(%barrier3A_19)
    %mul3A_20 = arith.constant 640 : i32
    %mul3A_21 = arith.muli %arg1, %mul3A_20 : i32
    %mul3A_22 = arith.constant 640 : i32
    %mul3A_23 = arith.muli %arg1, %mul3A_22 : i32
    "tpu.region"() ({
      %run_scoped3A = tpu.sem_alloc : memref<!tpu.dma_semaphore, #tpu.memory_space<semaphore_mem>>
      %dma_start3A = tpu.memref_slice %arg3[%arg0, %mul3A_23] : memref<2x10240xf32, #tpu.memory_space<hbm>> -> memref<1x640xf32, #tpu.memory_space<hbm>>
      %dma_start3A_24 = tpu.memref_squeeze %dma_start3A : memref<1x640xf32, #tpu.memory_space<hbm>> -> memref<640xf32, #tpu.memory_space<hbm>>
      %dma_start3A_25 = tpu.memref_slice %arg7[%mul3A_21] : memref<10240xf32, #tpu.memory_space<vmem_shared>> -> memref<640xf32, #tpu.memory_space<vmem_shared>>
      tpu.enqueue_dma source(%dma_start3A_25 : memref<640xf32, #tpu.memory_space<vmem_shared>>) target(%dma_start3A_24 : memref<640xf32, #tpu.memory_space<hbm>>) target_semaphore(%run_scoped3A : memref<!tpu.dma_semaphore, #tpu.memory_space<semaphore_mem>>)
      %dma_wait3A = tpu.memref_slice %arg3[%arg0, %mul3A_23] : memref<2x10240xf32, #tpu.memory_space<hbm>> -> memref<1x640xf32, #tpu.memory_space<hbm>>
      %dma_wait3A_26 = tpu.memref_squeeze %dma_wait3A : memref<1x640xf32, #tpu.memory_space<hbm>> -> memref<640xf32, #tpu.memory_space<hbm>>
      %dma_wait3A_27 = tpu.memref_slice %arg7[%mul3A_21] : memref<10240xf32, #tpu.memory_space<vmem_shared>> -> memref<640xf32, #tpu.memory_space<vmem_shared>>
      tpu.wait_dma2 semaphore(%run_scoped3A : memref<!tpu.dma_semaphore, #tpu.memory_space<semaphore_mem>>) src(%dma_wait3A_27 : memref<640xf32, #tpu.memory_space<vmem_shared>>) dst(%dma_wait3A_26 : memref<640xf32, #tpu.memory_space<hbm>>)
      tpu.yield
    }) : () -> ()
    return
  }
}

#map = affine_map<(d0, d1) -> (0, 0)>
#map1 = affine_map<(d0, d1) -> (0, 0, 0)>
module attributes {stable_mosaic.version = 14 : i64} {
  func.func @body(%arg0: i32, %arg1: i32, %arg2: memref<10000x8xf32, #tpu.memory_space<hbm>>, %arg3: memref<5120x64xi32, #tpu.memory_space<hbm>>, %arg4: memref<5120x64xi32, #tpu.memory_space<hbm>>, %arg5: memref<64x8xf32, #tpu.memory_space<hbm>>, %arg6: memref<2x10240x8xf32, #tpu.memory_space<hbm>>, %arg7: memref<160x64xi32, #tpu.memory_space<vmem>>, %arg8: memref<160x64xi32, #tpu.memory_space<vmem>>, %arg9: memref<8x64x8xf32, #tpu.memory_space<vmem>>, %arg10: memref<10240x8xf32, #tpu.memory_space<vmem_shared>>, %arg11: memref<10240x8xf32, #tpu.memory_space<vmem_shared>>, %arg12: memref<8x!tpu.dma_semaphore, #tpu.memory_space<semaphore_mem>>, %arg13: memref<8x!tpu.dma_semaphore, #tpu.memory_space<semaphore_mem>>) attributes {dimension_semantics = [#tpu.dimension_semantics<core_parallel>, #tpu.dimension_semantics<subcore_parallel>], iteration_bounds = array<i64: 2, 16>, scalar_prefetch = 0 : i64, scratch_operands = 7 : i64, tpu.core_type = #tpu.core_type<sc_vector_subcore>, window_params = [{transform_indices = #map}, {transform_indices = #map}, {transform_indices = #map}, {transform_indices = #map}, {transform_indices = #map1}]} {
    %mul3A = arith.constant 16 : i32
    %mul3A_0 = arith.muli %arg0, %mul3A : i32
    %add3A = arith.addi %mul3A_0, %arg1 : i32
    %scan3A = arith.constant 0 : i32
    %scan3A_1 = arith.constant 0 : i32
    %scan3A_2 = arith.constant 10 : i32
    %scan3A_3 = arith.addi %scan3A_1, %scan3A_2 : i32
    %scan3A_4 = arith.constant 1 : i32
    scf.for %scan3A_937 = %scan3A_1 to %scan3A_3 step %scan3A_4  : i32 {
      %mul3A_938 = arith.constant 640 : i32
      %mul3A_939 = arith.muli %arg1, %mul3A_938 : i32
      %mul3A_940 = arith.constant 64 : i32
      %mul3A_941 = arith.muli %scan3A_937, %mul3A_940 : i32
      %add3A_942 = arith.addi %mul3A_939, %mul3A_941 : i32
      "tpu.region"() ({
        %run_scoped3A = tpu.sem_alloc : memref<!tpu.dma_semaphore, #tpu.memory_space<semaphore_mem>>
        %dma_start3A_943 = arith.constant 0 : i32
        %dma_start3A_944 = tpu.memref_slice %arg10[%add3A_942, %dma_start3A_943] : memref<10240x8xf32, #tpu.memory_space<vmem_shared>> -> memref<64x8xf32, #tpu.memory_space<vmem_shared>>
        tpu.enqueue_dma source(%arg5 : memref<64x8xf32, #tpu.memory_space<hbm>>) target(%dma_start3A_944 : memref<64x8xf32, #tpu.memory_space<vmem_shared>>) target_semaphore(%run_scoped3A : memref<!tpu.dma_semaphore, #tpu.memory_space<semaphore_mem>>)
        %dma_wait3A_945 = arith.constant 0 : i32
        %dma_wait3A_946 = tpu.memref_slice %arg10[%add3A_942, %dma_wait3A_945] : memref<10240x8xf32, #tpu.memory_space<vmem_shared>> -> memref<64x8xf32, #tpu.memory_space<vmem_shared>>
        tpu.wait_dma2 semaphore(%run_scoped3A : memref<!tpu.dma_semaphore, #tpu.memory_space<semaphore_mem>>) src(%arg5 : memref<64x8xf32, #tpu.memory_space<hbm>>) dst(%dma_wait3A_946 : memref<64x8xf32, #tpu.memory_space<vmem_shared>>)
        tpu.yield
      }) : () -> ()
    }
    %scan3A_5 = arith.constant 10 : i32
    %mul3A_6 = arith.constant 625 : i32
    %mul3A_7 = arith.muli %arg1, %mul3A_6 : i32
    %mul3A_8 = arith.constant 625 : i32
    %mul3A_9 = arith.muli %arg1, %mul3A_8 : i32
    "tpu.region"() ({
      %run_scoped3A = tpu.sem_alloc : memref<!tpu.dma_semaphore, #tpu.memory_space<semaphore_mem>>
      %dma_start3A_937 = arith.constant 0 : i32
      %dma_start3A_938 = tpu.memref_slice %arg11[%mul3A_9, %dma_start3A_937] : memref<10240x8xf32, #tpu.memory_space<vmem_shared>> -> memref<625x8xf32, #tpu.memory_space<vmem_shared>>
      %dma_start3A_939 = arith.constant 0 : i32
      %dma_start3A_940 = tpu.memref_slice %arg2[%mul3A_7, %dma_start3A_939] : memref<10000x8xf32, #tpu.memory_space<hbm>> -> memref<625x8xf32, #tpu.memory_space<hbm>>
      tpu.enqueue_dma source(%dma_start3A_940 : memref<625x8xf32, #tpu.memory_space<hbm>>) target(%dma_start3A_938 : memref<625x8xf32, #tpu.memory_space<vmem_shared>>) target_semaphore(%run_scoped3A : memref<!tpu.dma_semaphore, #tpu.memory_space<semaphore_mem>>)
      %dma_wait3A_941 = arith.constant 0 : i32
      %dma_wait3A_942 = tpu.memref_slice %arg11[%mul3A_9, %dma_wait3A_941] : memref<10240x8xf32, #tpu.memory_space<vmem_shared>> -> memref<625x8xf32, #tpu.memory_space<vmem_shared>>
      %dma_wait3A_943 = arith.constant 0 : i32
      %dma_wait3A_944 = tpu.memref_slice %arg2[%mul3A_7, %dma_wait3A_943] : memref<10000x8xf32, #tpu.memory_space<hbm>> -> memref<625x8xf32, #tpu.memory_space<hbm>>
      tpu.wait_dma2 semaphore(%run_scoped3A : memref<!tpu.dma_semaphore, #tpu.memory_space<semaphore_mem>>) src(%dma_wait3A_944 : memref<625x8xf32, #tpu.memory_space<hbm>>) dst(%dma_wait3A_942 : memref<625x8xf32, #tpu.memory_space<vmem_shared>>)
      tpu.yield
    }) : () -> ()
    %mul3A_10 = arith.constant 160 : i32
    %mul3A_11 = arith.muli %add3A, %mul3A_10 : i32
    "tpu.region"() ({
      %run_scoped3A = tpu.sem_alloc : memref<!tpu.dma_semaphore, #tpu.memory_space<semaphore_mem>>
      %dma_start3A_937 = arith.constant 0 : i32
      %dma_start3A_938 = tpu.memref_slice %arg3[%mul3A_11, %dma_start3A_937] : memref<5120x64xi32, #tpu.memory_space<hbm>> -> memref<160x64xi32, #tpu.memory_space<hbm>>
      %dma_start3A_939 = arith.constant 0 : i32
      %dma_start3A_940 = tpu.memref_slice %arg3[%mul3A_11, %dma_start3A_939] : memref<5120x64xi32, #tpu.memory_space<hbm>> -> memref<160x64xi32, #tpu.memory_space<hbm>>
      tpu.enqueue_dma source(%dma_start3A_940 : memref<160x64xi32, #tpu.memory_space<hbm>>) target(%arg7 : memref<160x64xi32, #tpu.memory_space<vmem>>) target_semaphore(%run_scoped3A : memref<!tpu.dma_semaphore, #tpu.memory_space<semaphore_mem>>)
      %dma_wait3A_941 = arith.constant 0 : i32
      %dma_wait3A_942 = tpu.memref_slice %arg3[%mul3A_11, %dma_wait3A_941] : memref<5120x64xi32, #tpu.memory_space<hbm>> -> memref<160x64xi32, #tpu.memory_space<hbm>>
      %dma_wait3A_943 = arith.constant 0 : i32
      %dma_wait3A_944 = tpu.memref_slice %arg3[%mul3A_11, %dma_wait3A_943] : memref<5120x64xi32, #tpu.memory_space<hbm>> -> memref<160x64xi32, #tpu.memory_space<hbm>>
      tpu.wait_dma2 semaphore(%run_scoped3A : memref<!tpu.dma_semaphore, #tpu.memory_space<semaphore_mem>>) src(%dma_wait3A_944 : memref<160x64xi32, #tpu.memory_space<hbm>>) dst(%arg7 : memref<160x64xi32, #tpu.memory_space<vmem>>)
      tpu.yield
    }) : () -> ()
    %mul3A_12 = arith.constant 160 : i32
    %mul3A_13 = arith.muli %add3A, %mul3A_12 : i32
    "tpu.region"() ({
      %run_scoped3A = tpu.sem_alloc : memref<!tpu.dma_semaphore, #tpu.memory_space<semaphore_mem>>
      %dma_start3A_937 = arith.constant 0 : i32
      %dma_start3A_938 = tpu.memref_slice %arg4[%mul3A_13, %dma_start3A_937] : memref<5120x64xi32, #tpu.memory_space<hbm>> -> memref<160x64xi32, #tpu.memory_space<hbm>>
      %dma_start3A_939 = arith.constant 0 : i32
      %dma_start3A_940 = tpu.memref_slice %arg4[%mul3A_13, %dma_start3A_939] : memref<5120x64xi32, #tpu.memory_space<hbm>> -> memref<160x64xi32, #tpu.memory_space<hbm>>
      tpu.enqueue_dma source(%dma_start3A_940 : memref<160x64xi32, #tpu.memory_space<hbm>>) target(%arg8 : memref<160x64xi32, #tpu.memory_space<vmem>>) target_semaphore(%run_scoped3A : memref<!tpu.dma_semaphore, #tpu.memory_space<semaphore_mem>>)
      %dma_wait3A_941 = arith.constant 0 : i32
      %dma_wait3A_942 = tpu.memref_slice %arg4[%mul3A_13, %dma_wait3A_941] : memref<5120x64xi32, #tpu.memory_space<hbm>> -> memref<160x64xi32, #tpu.memory_space<hbm>>
      %dma_wait3A_943 = arith.constant 0 : i32
      %dma_wait3A_944 = tpu.memref_slice %arg4[%mul3A_13, %dma_wait3A_943] : memref<5120x64xi32, #tpu.memory_space<hbm>> -> memref<160x64xi32, #tpu.memory_space<hbm>>
      tpu.wait_dma2 semaphore(%run_scoped3A : memref<!tpu.dma_semaphore, #tpu.memory_space<semaphore_mem>>) src(%dma_wait3A_944 : memref<160x64xi32, #tpu.memory_space<hbm>>) dst(%arg8 : memref<160x64xi32, #tpu.memory_space<vmem>>)
      tpu.yield
    }) : () -> ()
    %barrier3A = arith.constant 0 : index
    tpu.barrier barrier_id(%barrier3A)
    %dma_start3A = arith.constant 0 : i32
    %dma_start3A_14 = arith.constant 0 : i32
    %dma_start3A_15 = arith.constant 0 : i32
    %dma_start3A_16 = arith.constant 0 : i32
    %dma_start3A_17 = arith.constant 0 : i32
    %dma_start3A_18 = tpu.memref_slice %arg9[%dma_start3A_14, %dma_start3A_16, %dma_start3A_17] : memref<8x64x8xf32, #tpu.memory_space<vmem>> -> memref<1x64x8xf32, #tpu.memory_space<vmem>>
    %dma_start3A_19 = tpu.memref_squeeze %dma_start3A_18 : memref<1x64x8xf32, #tpu.memory_space<vmem>> -> memref<64x8xf32, #tpu.memory_space<vmem>>
    %dma_start3A_20 = arith.constant 0 : i32
    %dma_start3A_21 = tpu.memref_slice %arg7[%dma_start3A, %dma_start3A_20] : memref<160x64xi32, #tpu.memory_space<vmem>> -> memref<1x64xi32, #tpu.memory_space<vmem>>
    %dma_start3A_22 = tpu.memref_squeeze %dma_start3A_21 : memref<1x64xi32, #tpu.memory_space<vmem>> -> memref<64xi32, #tpu.memory_space<vmem>>
    %dma_start3A_23 = arith.constant 0 : i32
    %dma_start3A_24 = arith.constant 0 : i32
    %dma_start3A_25 = tpu.memref_slice %arg11[%dma_start3A_23, %dma_start3A_24] : memref<10240x8xf32, #tpu.memory_space<vmem_shared>> -> memref<10240x8xf32, #tpu.memory_space<vmem_shared>>
    %dma_start3A_26 = tpu.memref_slice %arg12[%dma_start3A_15] : memref<8x!tpu.dma_semaphore, #tpu.memory_space<semaphore_mem>> -> memref<1x!tpu.dma_semaphore, #tpu.memory_space<semaphore_mem>>
    %dma_start3A_27 = tpu.memref_squeeze %dma_start3A_26 : memref<1x!tpu.dma_semaphore, #tpu.memory_space<semaphore_mem>> -> memref<!tpu.dma_semaphore, #tpu.memory_space<semaphore_mem>>
    tpu.enqueue_indirect_dma source(%dma_start3A_25 : memref<10240x8xf32, #tpu.memory_space<vmem_shared>>) target(%dma_start3A_19 : memref<64x8xf32, #tpu.memory_space<vmem>>) offsets(%dma_start3A_22 : memref<64xi32, #tpu.memory_space<vmem>>) semaphore(%dma_start3A_27 : memref<!tpu.dma_semaphore, #tpu.memory_space<semaphore_mem>>)
    %dma_start3A_28 = arith.constant 1 : i32
    %dma_start3A_29 = arith.constant 1 : i32
    %dma_start3A_30 = arith.constant 1 : i32
    %dma_start3A_31 = arith.constant 0 : i32
    %dma_start3A_32 = arith.constant 0 : i32
    %dma_start3A_33 = tpu.memref_slice %arg9[%dma_start3A_29, %dma_start3A_31, %dma_start3A_32] : memref<8x64x8xf32, #tpu.memory_space<vmem>> -> memref<1x64x8xf32, #tpu.memory_space<vmem>>
    %dma_start3A_34 = tpu.memref_squeeze %dma_start3A_33 : memref<1x64x8xf32, #tpu.memory_space<vmem>> -> memref<64x8xf32, #tpu.memory_space<vmem>>
    %dma_start3A_35 = arith.constant 0 : i32
    %dma_start3A_36 = tpu.memref_slice %arg7[%dma_start3A_28, %dma_start3A_35] : memref<160x64xi32, #tpu.memory_space<vmem>> -> memref<1x64xi32, #tpu.memory_space<vmem>>
    %dma_start3A_37 = tpu.memref_squeeze %dma_start3A_36 : memref<1x64xi32, #tpu.memory_space<vmem>> -> memref<64xi32, #tpu.memory_space<vmem>>
    %dma_start3A_38 = arith.constant 0 : i32
    %dma_start3A_39 = arith.constant 0 : i32
    %dma_start3A_40 = tpu.memref_slice %arg11[%dma_start3A_38, %dma_start3A_39] : memref<10240x8xf32, #tpu.memory_space<vmem_shared>> -> memref<10240x8xf32, #tpu.memory_space<vmem_shared>>
    %dma_start3A_41 = tpu.memref_slice %arg12[%dma_start3A_30] : memref<8x!tpu.dma_semaphore, #tpu.memory_space<semaphore_mem>> -> memref<1x!tpu.dma_semaphore, #tpu.memory_space<semaphore_mem>>
    %dma_start3A_42 = tpu.memref_squeeze %dma_start3A_41 : memref<1x!tpu.dma_semaphore, #tpu.memory_space<semaphore_mem>> -> memref<!tpu.dma_semaphore, #tpu.memory_space<semaphore_mem>>
    tpu.enqueue_indirect_dma source(%dma_start3A_40 : memref<10240x8xf32, #tpu.memory_space<vmem_shared>>) target(%dma_start3A_34 : memref<64x8xf32, #tpu.memory_space<vmem>>) offsets(%dma_start3A_37 : memref<64xi32, #tpu.memory_space<vmem>>) semaphore(%dma_start3A_42 : memref<!tpu.dma_semaphore, #tpu.memory_space<semaphore_mem>>)
    %dma_start3A_43 = arith.constant 2 : i32
    %dma_start3A_44 = arith.constant 2 : i32
    %dma_start3A_45 = arith.constant 2 : i32
    %dma_start3A_46 = arith.constant 0 : i32
    %dma_start3A_47 = arith.constant 0 : i32
    %dma_start3A_48 = tpu.memref_slice %arg9[%dma_start3A_44, %dma_start3A_46, %dma_start3A_47] : memref<8x64x8xf32, #tpu.memory_space<vmem>> -> memref<1x64x8xf32, #tpu.memory_space<vmem>>
    %dma_start3A_49 = tpu.memref_squeeze %dma_start3A_48 : memref<1x64x8xf32, #tpu.memory_space<vmem>> -> memref<64x8xf32, #tpu.memory_space<vmem>>
    %dma_start3A_50 = arith.constant 0 : i32
    %dma_start3A_51 = tpu.memref_slice %arg7[%dma_start3A_43, %dma_start3A_50] : memref<160x64xi32, #tpu.memory_space<vmem>> -> memref<1x64xi32, #tpu.memory_space<vmem>>
    %dma_start3A_52 = tpu.memref_squeeze %dma_start3A_51 : memref<1x64xi32, #tpu.memory_space<vmem>> -> memref<64xi32, #tpu.memory_space<vmem>>
    %dma_start3A_53 = arith.constant 0 : i32
    %dma_start3A_54 = arith.constant 0 : i32
    %dma_start3A_55 = tpu.memref_slice %arg11[%dma_start3A_53, %dma_start3A_54] : memref<10240x8xf32, #tpu.memory_space<vmem_shared>> -> memref<10240x8xf32, #tpu.memory_space<vmem_shared>>
    %dma_start3A_56 = tpu.memref_slice %arg12[%dma_start3A_45] : memref<8x!tpu.dma_semaphore, #tpu.memory_space<semaphore_mem>> -> memref<1x!tpu.dma_semaphore, #tpu.memory_space<semaphore_mem>>
    %dma_start3A_57 = tpu.memref_squeeze %dma_start3A_56 : memref<1x!tpu.dma_semaphore, #tpu.memory_space<semaphore_mem>> -> memref<!tpu.dma_semaphore, #tpu.memory_space<semaphore_mem>>
    tpu.enqueue_indirect_dma source(%dma_start3A_55 : memref<10240x8xf32, #tpu.memory_space<vmem_shared>>) target(%dma_start3A_49 : memref<64x8xf32, #tpu.memory_space<vmem>>) offsets(%dma_start3A_52 : memref<64xi32, #tpu.memory_space<vmem>>) semaphore(%dma_start3A_57 : memref<!tpu.dma_semaphore, #tpu.memory_space<semaphore_mem>>)
    %dma_start3A_58 = arith.constant 3 : i32
    %dma_start3A_59 = arith.constant 3 : i32
    %dma_start3A_60 = arith.constant 3 : i32
    %dma_start3A_61 = arith.constant 0 : i32
    %dma_start3A_62 = arith.constant 0 : i32
    %dma_start3A_63 = tpu.memref_slice %arg9[%dma_start3A_59, %dma_start3A_61, %dma_start3A_62] : memref<8x64x8xf32, #tpu.memory_space<vmem>> -> memref<1x64x8xf32, #tpu.memory_space<vmem>>
    %dma_start3A_64 = tpu.memref_squeeze %dma_start3A_63 : memref<1x64x8xf32, #tpu.memory_space<vmem>> -> memref<64x8xf32, #tpu.memory_space<vmem>>
    %dma_start3A_65 = arith.constant 0 : i32
    %dma_start3A_66 = tpu.memref_slice %arg7[%dma_start3A_58, %dma_start3A_65] : memref<160x64xi32, #tpu.memory_space<vmem>> -> memref<1x64xi32, #tpu.memory_space<vmem>>
    %dma_start3A_67 = tpu.memref_squeeze %dma_start3A_66 : memref<1x64xi32, #tpu.memory_space<vmem>> -> memref<64xi32, #tpu.memory_space<vmem>>
    %dma_start3A_68 = arith.constant 0 : i32
    %dma_start3A_69 = arith.constant 0 : i32
    %dma_start3A_70 = tpu.memref_slice %arg11[%dma_start3A_68, %dma_start3A_69] : memref<10240x8xf32, #tpu.memory_space<vmem_shared>> -> memref<10240x8xf32, #tpu.memory_space<vmem_shared>>
    %dma_start3A_71 = tpu.memref_slice %arg12[%dma_start3A_60] : memref<8x!tpu.dma_semaphore, #tpu.memory_space<semaphore_mem>> -> memref<1x!tpu.dma_semaphore, #tpu.memory_space<semaphore_mem>>
    %dma_start3A_72 = tpu.memref_squeeze %dma_start3A_71 : memref<1x!tpu.dma_semaphore, #tpu.memory_space<semaphore_mem>> -> memref<!tpu.dma_semaphore, #tpu.memory_space<semaphore_mem>>
    tpu.enqueue_indirect_dma source(%dma_start3A_70 : memref<10240x8xf32, #tpu.memory_space<vmem_shared>>) target(%dma_start3A_64 : memref<64x8xf32, #tpu.memory_space<vmem>>) offsets(%dma_start3A_67 : memref<64xi32, #tpu.memory_space<vmem>>) semaphore(%dma_start3A_72 : memref<!tpu.dma_semaphore, #tpu.memory_space<semaphore_mem>>)
    %dma_start3A_73 = arith.constant 4 : i32
    %dma_start3A_74 = arith.constant 4 : i32
    %dma_start3A_75 = arith.constant 4 : i32
    %dma_start3A_76 = arith.constant 0 : i32
    %dma_start3A_77 = arith.constant 0 : i32
    %dma_start3A_78 = tpu.memref_slice %arg9[%dma_start3A_74, %dma_start3A_76, %dma_start3A_77] : memref<8x64x8xf32, #tpu.memory_space<vmem>> -> memref<1x64x8xf32, #tpu.memory_space<vmem>>
    %dma_start3A_79 = tpu.memref_squeeze %dma_start3A_78 : memref<1x64x8xf32, #tpu.memory_space<vmem>> -> memref<64x8xf32, #tpu.memory_space<vmem>>
    %dma_start3A_80 = arith.constant 0 : i32
    %dma_start3A_81 = tpu.memref_slice %arg7[%dma_start3A_73, %dma_start3A_80] : memref<160x64xi32, #tpu.memory_space<vmem>> -> memref<1x64xi32, #tpu.memory_space<vmem>>
    %dma_start3A_82 = tpu.memref_squeeze %dma_start3A_81 : memref<1x64xi32, #tpu.memory_space<vmem>> -> memref<64xi32, #tpu.memory_space<vmem>>
    %dma_start3A_83 = arith.constant 0 : i32
    %dma_start3A_84 = arith.constant 0 : i32
    %dma_start3A_85 = tpu.memref_slice %arg11[%dma_start3A_83, %dma_start3A_84] : memref<10240x8xf32, #tpu.memory_space<vmem_shared>> -> memref<10240x8xf32, #tpu.memory_space<vmem_shared>>
    %dma_start3A_86 = tpu.memref_slice %arg12[%dma_start3A_75] : memref<8x!tpu.dma_semaphore, #tpu.memory_space<semaphore_mem>> -> memref<1x!tpu.dma_semaphore, #tpu.memory_space<semaphore_mem>>
    %dma_start3A_87 = tpu.memref_squeeze %dma_start3A_86 : memref<1x!tpu.dma_semaphore, #tpu.memory_space<semaphore_mem>> -> memref<!tpu.dma_semaphore, #tpu.memory_space<semaphore_mem>>
    tpu.enqueue_indirect_dma source(%dma_start3A_85 : memref<10240x8xf32, #tpu.memory_space<vmem_shared>>) target(%dma_start3A_79 : memref<64x8xf32, #tpu.memory_space<vmem>>) offsets(%dma_start3A_82 : memref<64xi32, #tpu.memory_space<vmem>>) semaphore(%dma_start3A_87 : memref<!tpu.dma_semaphore, #tpu.memory_space<semaphore_mem>>)
    %dma_wait3A = arith.constant 0 : i32
    %dma_wait3A_88 = arith.constant 0 : i32
    %dma_wait3A_89 = arith.constant 0 : i32
    %dma_wait3A_90 = arith.constant 0 : i32
    %dma_wait3A_91 = arith.constant 0 : i32
    %dma_wait3A_92 = tpu.memref_slice %arg9[%dma_wait3A_88, %dma_wait3A_90, %dma_wait3A_91] : memref<8x64x8xf32, #tpu.memory_space<vmem>> -> memref<1x64x8xf32, #tpu.memory_space<vmem>>
    %dma_wait3A_93 = tpu.memref_squeeze %dma_wait3A_92 : memref<1x64x8xf32, #tpu.memory_space<vmem>> -> memref<64x8xf32, #tpu.memory_space<vmem>>
    %dma_wait3A_94 = arith.constant 0 : i32
    %dma_wait3A_95 = tpu.memref_slice %arg7[%dma_wait3A, %dma_wait3A_94] : memref<160x64xi32, #tpu.memory_space<vmem>> -> memref<1x64xi32, #tpu.memory_space<vmem>>
    %dma_wait3A_96 = tpu.memref_squeeze %dma_wait3A_95 : memref<1x64xi32, #tpu.memory_space<vmem>> -> memref<64xi32, #tpu.memory_space<vmem>>
    %dma_wait3A_97 = arith.constant 0 : i32
    %dma_wait3A_98 = arith.constant 0 : i32
    %dma_wait3A_99 = tpu.memref_slice %arg11[%dma_wait3A_97, %dma_wait3A_98] : memref<10240x8xf32, #tpu.memory_space<vmem_shared>> -> memref<10240x8xf32, #tpu.memory_space<vmem_shared>>
    %dma_wait3A_100 = tpu.memref_slice %arg12[%dma_wait3A_89] : memref<8x!tpu.dma_semaphore, #tpu.memory_space<semaphore_mem>> -> memref<1x!tpu.dma_semaphore, #tpu.memory_space<semaphore_mem>>
    %dma_wait3A_101 = tpu.memref_squeeze %dma_wait3A_100 : memref<1x!tpu.dma_semaphore, #tpu.memory_space<semaphore_mem>> -> memref<!tpu.dma_semaphore, #tpu.memory_space<semaphore_mem>>
    tpu.wait_indirect_dma semaphore(%dma_wait3A_101 : memref<!tpu.dma_semaphore, #tpu.memory_space<semaphore_mem>>) src(%dma_wait3A_99 : memref<10240x8xf32, #tpu.memory_space<vmem_shared>>) dst(%dma_wait3A_93 : memref<64x8xf32, #tpu.memory_space<vmem>>)
    %dma_start3A_102 = arith.constant 0 : i32
    %dma_start3A_103 = arith.constant 0 : i32
    %dma_start3A_104 = arith.constant 0 : i32
    %dma_start3A_105 = arith.constant 0 : i32
    %dma_start3A_106 = arith.constant 0 : i32
    %dma_start3A_107 = tpu.memref_slice %arg9[%dma_start3A_102, %dma_start3A_105, %dma_start3A_106] : memref<8x64x8xf32, #tpu.memory_space<vmem>> -> memref<1x64x8xf32, #tpu.memory_space<vmem>>
    %dma_start3A_108 = tpu.memref_squeeze %dma_start3A_107 : memref<1x64x8xf32, #tpu.memory_space<vmem>> -> memref<64x8xf32, #tpu.memory_space<vmem>>
    %dma_start3A_109 = arith.constant 0 : i32
    %dma_start3A_110 = tpu.memref_slice %arg8[%dma_start3A_103, %dma_start3A_109] : memref<160x64xi32, #tpu.memory_space<vmem>> -> memref<1x64xi32, #tpu.memory_space<vmem>>
    %dma_start3A_111 = tpu.memref_squeeze %dma_start3A_110 : memref<1x64xi32, #tpu.memory_space<vmem>> -> memref<64xi32, #tpu.memory_space<vmem>>
    %dma_start3A_112 = arith.constant 0 : i32
    %dma_start3A_113 = arith.constant 0 : i32
    %dma_start3A_114 = tpu.memref_slice %arg10[%dma_start3A_112, %dma_start3A_113] : memref<10240x8xf32, #tpu.memory_space<vmem_shared>> -> memref<10240x8xf32, #tpu.memory_space<vmem_shared>>
    %dma_start3A_115 = tpu.memref_slice %arg13[%dma_start3A_104] : memref<8x!tpu.dma_semaphore, #tpu.memory_space<semaphore_mem>> -> memref<1x!tpu.dma_semaphore, #tpu.memory_space<semaphore_mem>>
    %dma_start3A_116 = tpu.memref_squeeze %dma_start3A_115 : memref<1x!tpu.dma_semaphore, #tpu.memory_space<semaphore_mem>> -> memref<!tpu.dma_semaphore, #tpu.memory_space<semaphore_mem>>
    tpu.enqueue_indirect_dma source(%dma_start3A_108 : memref<64x8xf32, #tpu.memory_space<vmem>>) target(%dma_start3A_114 : memref<10240x8xf32, #tpu.memory_space<vmem_shared>>) offsets(%dma_start3A_111 : memref<64xi32, #tpu.memory_space<vmem>>) semaphore(%dma_start3A_116 : memref<!tpu.dma_semaphore, #tpu.memory_space<semaphore_mem>>) {add = true}
    %dma_start3A_117 = arith.constant 5 : i32
    %dma_start3A_118 = arith.constant 5 : i32
    %dma_start3A_119 = arith.constant 5 : i32
    %dma_start3A_120 = arith.constant 0 : i32
    %dma_start3A_121 = arith.constant 0 : i32
    %dma_start3A_122 = tpu.memref_slice %arg9[%dma_start3A_118, %dma_start3A_120, %dma_start3A_121] : memref<8x64x8xf32, #tpu.memory_space<vmem>> -> memref<1x64x8xf32, #tpu.memory_space<vmem>>
    %dma_start3A_123 = tpu.memref_squeeze %dma_start3A_122 : memref<1x64x8xf32, #tpu.memory_space<vmem>> -> memref<64x8xf32, #tpu.memory_space<vmem>>
    %dma_start3A_124 = arith.constant 0 : i32
    %dma_start3A_125 = tpu.memref_slice %arg7[%dma_start3A_117, %dma_start3A_124] : memref<160x64xi32, #tpu.memory_space<vmem>> -> memref<1x64xi32, #tpu.memory_space<vmem>>
    %dma_start3A_126 = tpu.memref_squeeze %dma_start3A_125 : memref<1x64xi32, #tpu.memory_space<vmem>> -> memref<64xi32, #tpu.memory_space<vmem>>
    %dma_start3A_127 = arith.constant 0 : i32
    %dma_start3A_128 = arith.constant 0 : i32
    %dma_start3A_129 = tpu.memref_slice %arg11[%dma_start3A_127, %dma_start3A_128] : memref<10240x8xf32, #tpu.memory_space<vmem_shared>> -> memref<10240x8xf32, #tpu.memory_space<vmem_shared>>
    %dma_start3A_130 = tpu.memref_slice %arg12[%dma_start3A_119] : memref<8x!tpu.dma_semaphore, #tpu.memory_space<semaphore_mem>> -> memref<1x!tpu.dma_semaphore, #tpu.memory_space<semaphore_mem>>
    %dma_start3A_131 = tpu.memref_squeeze %dma_start3A_130 : memref<1x!tpu.dma_semaphore, #tpu.memory_space<semaphore_mem>> -> memref<!tpu.dma_semaphore, #tpu.memory_space<semaphore_mem>>
    tpu.enqueue_indirect_dma source(%dma_start3A_129 : memref<10240x8xf32, #tpu.memory_space<vmem_shared>>) target(%dma_start3A_123 : memref<64x8xf32, #tpu.memory_space<vmem>>) offsets(%dma_start3A_126 : memref<64xi32, #tpu.memory_space<vmem>>) semaphore(%dma_start3A_131 : memref<!tpu.dma_semaphore, #tpu.memory_space<semaphore_mem>>)
    %dma_wait3A_132 = arith.constant 1 : i32
    %dma_wait3A_133 = arith.constant 1 : i32
    %dma_wait3A_134 = arith.constant 1 : i32
    %dma_wait3A_135 = arith.constant 0 : i32
    %dma_wait3A_136 = arith.constant 0 : i32
    %dma_wait3A_137 = tpu.memref_slice %arg9[%dma_wait3A_133, %dma_wait3A_135, %dma_wait3A_136] : memref<8x64x8xf32, #tpu.memory_space<vmem>> -> memref<1x64x8xf32, #tpu.memory_space<vmem>>
    %dma_wait3A_138 = tpu.memref_squeeze %dma_wait3A_137 : memref<1x64x8xf32, #tpu.memory_space<vmem>> -> memref<64x8xf32, #tpu.memory_space<vmem>>
    %dma_wait3A_139 = arith.constant 0 : i32
    %dma_wait3A_140 = tpu.memref_slice %arg7[%dma_wait3A_132, %dma_wait3A_139] : memref<160x64xi32, #tpu.memory_space<vmem>> -> memref<1x64xi32, #tpu.memory_space<vmem>>
    %dma_wait3A_141 = tpu.memref_squeeze %dma_wait3A_140 : memref<1x64xi32, #tpu.memory_space<vmem>> -> memref<64xi32, #tpu.memory_space<vmem>>
    %dma_wait3A_142 = arith.constant 0 : i32
    %dma_wait3A_143 = arith.constant 0 : i32
    %dma_wait3A_144 = tpu.memref_slice %arg11[%dma_wait3A_142, %dma_wait3A_143] : memref<10240x8xf32, #tpu.memory_space<vmem_shared>> -> memref<10240x8xf32, #tpu.memory_space<vmem_shared>>
    %dma_wait3A_145 = tpu.memref_slice %arg12[%dma_wait3A_134] : memref<8x!tpu.dma_semaphore, #tpu.memory_space<semaphore_mem>> -> memref<1x!tpu.dma_semaphore, #tpu.memory_space<semaphore_mem>>
    %dma_wait3A_146 = tpu.memref_squeeze %dma_wait3A_145 : memref<1x!tpu.dma_semaphore, #tpu.memory_space<semaphore_mem>> -> memref<!tpu.dma_semaphore, #tpu.memory_space<semaphore_mem>>
    tpu.wait_indirect_dma semaphore(%dma_wait3A_146 : memref<!tpu.dma_semaphore, #tpu.memory_space<semaphore_mem>>) src(%dma_wait3A_144 : memref<10240x8xf32, #tpu.memory_space<vmem_shared>>) dst(%dma_wait3A_138 : memref<64x8xf32, #tpu.memory_space<vmem>>)
    %dma_start3A_147 = arith.constant 1 : i32
    %dma_start3A_148 = arith.constant 1 : i32
    %dma_start3A_149 = arith.constant 1 : i32
    %dma_start3A_150 = arith.constant 0 : i32
    %dma_start3A_151 = arith.constant 0 : i32
    %dma_start3A_152 = tpu.memref_slice %arg9[%dma_start3A_147, %dma_start3A_150, %dma_start3A_151] : memref<8x64x8xf32, #tpu.memory_space<vmem>> -> memref<1x64x8xf32, #tpu.memory_space<vmem>>
    %dma_start3A_153 = tpu.memref_squeeze %dma_start3A_152 : memref<1x64x8xf32, #tpu.memory_space<vmem>> -> memref<64x8xf32, #tpu.memory_space<vmem>>
    %dma_start3A_154 = arith.constant 0 : i32
    %dma_start3A_155 = tpu.memref_slice %arg8[%dma_start3A_148, %dma_start3A_154] : memref<160x64xi32, #tpu.memory_space<vmem>> -> memref<1x64xi32, #tpu.memory_space<vmem>>
    %dma_start3A_156 = tpu.memref_squeeze %dma_start3A_155 : memref<1x64xi32, #tpu.memory_space<vmem>> -> memref<64xi32, #tpu.memory_space<vmem>>
    %dma_start3A_157 = arith.constant 0 : i32
    %dma_start3A_158 = arith.constant 0 : i32
    %dma_start3A_159 = tpu.memref_slice %arg10[%dma_start3A_157, %dma_start3A_158] : memref<10240x8xf32, #tpu.memory_space<vmem_shared>> -> memref<10240x8xf32, #tpu.memory_space<vmem_shared>>
    %dma_start3A_160 = tpu.memref_slice %arg13[%dma_start3A_149] : memref<8x!tpu.dma_semaphore, #tpu.memory_space<semaphore_mem>> -> memref<1x!tpu.dma_semaphore, #tpu.memory_space<semaphore_mem>>
    %dma_start3A_161 = tpu.memref_squeeze %dma_start3A_160 : memref<1x!tpu.dma_semaphore, #tpu.memory_space<semaphore_mem>> -> memref<!tpu.dma_semaphore, #tpu.memory_space<semaphore_mem>>
    tpu.enqueue_indirect_dma source(%dma_start3A_153 : memref<64x8xf32, #tpu.memory_space<vmem>>) target(%dma_start3A_159 : memref<10240x8xf32, #tpu.memory_space<vmem_shared>>) offsets(%dma_start3A_156 : memref<64xi32, #tpu.memory_space<vmem>>) semaphore(%dma_start3A_161 : memref<!tpu.dma_semaphore, #tpu.memory_space<semaphore_mem>>) {add = true}
    %dma_start3A_162 = arith.constant 6 : i32
    %dma_start3A_163 = arith.constant 6 : i32
    %dma_start3A_164 = arith.constant 6 : i32
    %dma_start3A_165 = arith.constant 0 : i32
    %dma_start3A_166 = arith.constant 0 : i32
    %dma_start3A_167 = tpu.memref_slice %arg9[%dma_start3A_163, %dma_start3A_165, %dma_start3A_166] : memref<8x64x8xf32, #tpu.memory_space<vmem>> -> memref<1x64x8xf32, #tpu.memory_space<vmem>>
    %dma_start3A_168 = tpu.memref_squeeze %dma_start3A_167 : memref<1x64x8xf32, #tpu.memory_space<vmem>> -> memref<64x8xf32, #tpu.memory_space<vmem>>
    %dma_start3A_169 = arith.constant 0 : i32
    %dma_start3A_170 = tpu.memref_slice %arg7[%dma_start3A_162, %dma_start3A_169] : memref<160x64xi32, #tpu.memory_space<vmem>> -> memref<1x64xi32, #tpu.memory_space<vmem>>
    %dma_start3A_171 = tpu.memref_squeeze %dma_start3A_170 : memref<1x64xi32, #tpu.memory_space<vmem>> -> memref<64xi32, #tpu.memory_space<vmem>>
    %dma_start3A_172 = arith.constant 0 : i32
    %dma_start3A_173 = arith.constant 0 : i32
    %dma_start3A_174 = tpu.memref_slice %arg11[%dma_start3A_172, %dma_start3A_173] : memref<10240x8xf32, #tpu.memory_space<vmem_shared>> -> memref<10240x8xf32, #tpu.memory_space<vmem_shared>>
    %dma_start3A_175 = tpu.memref_slice %arg12[%dma_start3A_164] : memref<8x!tpu.dma_semaphore, #tpu.memory_space<semaphore_mem>> -> memref<1x!tpu.dma_semaphore, #tpu.memory_space<semaphore_mem>>
    %dma_start3A_176 = tpu.memref_squeeze %dma_start3A_175 : memref<1x!tpu.dma_semaphore, #tpu.memory_space<semaphore_mem>> -> memref<!tpu.dma_semaphore, #tpu.memory_space<semaphore_mem>>
    tpu.enqueue_indirect_dma source(%dma_start3A_174 : memref<10240x8xf32, #tpu.memory_space<vmem_shared>>) target(%dma_start3A_168 : memref<64x8xf32, #tpu.memory_space<vmem>>) offsets(%dma_start3A_171 : memref<64xi32, #tpu.memory_space<vmem>>) semaphore(%dma_start3A_176 : memref<!tpu.dma_semaphore, #tpu.memory_space<semaphore_mem>>)
    %dma_wait3A_177 = arith.constant 2 : i32
    %dma_wait3A_178 = arith.constant 2 : i32
    %dma_wait3A_179 = arith.constant 2 : i32
    %dma_wait3A_180 = arith.constant 0 : i32
    %dma_wait3A_181 = arith.constant 0 : i32
    %dma_wait3A_182 = tpu.memref_slice %arg9[%dma_wait3A_178, %dma_wait3A_180, %dma_wait3A_181] : memref<8x64x8xf32, #tpu.memory_space<vmem>> -> memref<1x64x8xf32, #tpu.memory_space<vmem>>
    %dma_wait3A_183 = tpu.memref_squeeze %dma_wait3A_182 : memref<1x64x8xf32, #tpu.memory_space<vmem>> -> memref<64x8xf32, #tpu.memory_space<vmem>>
    %dma_wait3A_184 = arith.constant 0 : i32
    %dma_wait3A_185 = tpu.memref_slice %arg7[%dma_wait3A_177, %dma_wait3A_184] : memref<160x64xi32, #tpu.memory_space<vmem>> -> memref<1x64xi32, #tpu.memory_space<vmem>>
    %dma_wait3A_186 = tpu.memref_squeeze %dma_wait3A_185 : memref<1x64xi32, #tpu.memory_space<vmem>> -> memref<64xi32, #tpu.memory_space<vmem>>
    %dma_wait3A_187 = arith.constant 0 : i32
    %dma_wait3A_188 = arith.constant 0 : i32
    %dma_wait3A_189 = tpu.memref_slice %arg11[%dma_wait3A_187, %dma_wait3A_188] : memref<10240x8xf32, #tpu.memory_space<vmem_shared>> -> memref<10240x8xf32, #tpu.memory_space<vmem_shared>>
    %dma_wait3A_190 = tpu.memref_slice %arg12[%dma_wait3A_179] : memref<8x!tpu.dma_semaphore, #tpu.memory_space<semaphore_mem>> -> memref<1x!tpu.dma_semaphore, #tpu.memory_space<semaphore_mem>>
    %dma_wait3A_191 = tpu.memref_squeeze %dma_wait3A_190 : memref<1x!tpu.dma_semaphore, #tpu.memory_space<semaphore_mem>> -> memref<!tpu.dma_semaphore, #tpu.memory_space<semaphore_mem>>
    tpu.wait_indirect_dma semaphore(%dma_wait3A_191 : memref<!tpu.dma_semaphore, #tpu.memory_space<semaphore_mem>>) src(%dma_wait3A_189 : memref<10240x8xf32, #tpu.memory_space<vmem_shared>>) dst(%dma_wait3A_183 : memref<64x8xf32, #tpu.memory_space<vmem>>)
    %dma_start3A_192 = arith.constant 2 : i32
    %dma_start3A_193 = arith.constant 2 : i32
    %dma_start3A_194 = arith.constant 2 : i32
    %dma_start3A_195 = arith.constant 0 : i32
    %dma_start3A_196 = arith.constant 0 : i32
    %dma_start3A_197 = tpu.memref_slice %arg9[%dma_start3A_192, %dma_start3A_195, %dma_start3A_196] : memref<8x64x8xf32, #tpu.memory_space<vmem>> -> memref<1x64x8xf32, #tpu.memory_space<vmem>>
    %dma_start3A_198 = tpu.memref_squeeze %dma_start3A_197 : memref<1x64x8xf32, #tpu.memory_space<vmem>> -> memref<64x8xf32, #tpu.memory_space<vmem>>
    %dma_start3A_199 = arith.constant 0 : i32
    %dma_start3A_200 = tpu.memref_slice %arg8[%dma_start3A_193, %dma_start3A_199] : memref<160x64xi32, #tpu.memory_space<vmem>> -> memref<1x64xi32, #tpu.memory_space<vmem>>
    %dma_start3A_201 = tpu.memref_squeeze %dma_start3A_200 : memref<1x64xi32, #tpu.memory_space<vmem>> -> memref<64xi32, #tpu.memory_space<vmem>>
    %dma_start3A_202 = arith.constant 0 : i32
    %dma_start3A_203 = arith.constant 0 : i32
    %dma_start3A_204 = tpu.memref_slice %arg10[%dma_start3A_202, %dma_start3A_203] : memref<10240x8xf32, #tpu.memory_space<vmem_shared>> -> memref<10240x8xf32, #tpu.memory_space<vmem_shared>>
    %dma_start3A_205 = tpu.memref_slice %arg13[%dma_start3A_194] : memref<8x!tpu.dma_semaphore, #tpu.memory_space<semaphore_mem>> -> memref<1x!tpu.dma_semaphore, #tpu.memory_space<semaphore_mem>>
    %dma_start3A_206 = tpu.memref_squeeze %dma_start3A_205 : memref<1x!tpu.dma_semaphore, #tpu.memory_space<semaphore_mem>> -> memref<!tpu.dma_semaphore, #tpu.memory_space<semaphore_mem>>
    tpu.enqueue_indirect_dma source(%dma_start3A_198 : memref<64x8xf32, #tpu.memory_space<vmem>>) target(%dma_start3A_204 : memref<10240x8xf32, #tpu.memory_space<vmem_shared>>) offsets(%dma_start3A_201 : memref<64xi32, #tpu.memory_space<vmem>>) semaphore(%dma_start3A_206 : memref<!tpu.dma_semaphore, #tpu.memory_space<semaphore_mem>>) {add = true}
    %dma_start3A_207 = arith.constant 7 : i32
    %dma_start3A_208 = arith.constant 7 : i32
    %dma_start3A_209 = arith.constant 7 : i32
    %dma_start3A_210 = arith.constant 0 : i32
    %dma_start3A_211 = arith.constant 0 : i32
    %dma_start3A_212 = tpu.memref_slice %arg9[%dma_start3A_208, %dma_start3A_210, %dma_start3A_211] : memref<8x64x8xf32, #tpu.memory_space<vmem>> -> memref<1x64x8xf32, #tpu.memory_space<vmem>>
    %dma_start3A_213 = tpu.memref_squeeze %dma_start3A_212 : memref<1x64x8xf32, #tpu.memory_space<vmem>> -> memref<64x8xf32, #tpu.memory_space<vmem>>
    %dma_start3A_214 = arith.constant 0 : i32
    %dma_start3A_215 = tpu.memref_slice %arg7[%dma_start3A_207, %dma_start3A_214] : memref<160x64xi32, #tpu.memory_space<vmem>> -> memref<1x64xi32, #tpu.memory_space<vmem>>
    %dma_start3A_216 = tpu.memref_squeeze %dma_start3A_215 : memref<1x64xi32, #tpu.memory_space<vmem>> -> memref<64xi32, #tpu.memory_space<vmem>>
    %dma_start3A_217 = arith.constant 0 : i32
    %dma_start3A_218 = arith.constant 0 : i32
    %dma_start3A_219 = tpu.memref_slice %arg11[%dma_start3A_217, %dma_start3A_218] : memref<10240x8xf32, #tpu.memory_space<vmem_shared>> -> memref<10240x8xf32, #tpu.memory_space<vmem_shared>>
    %dma_start3A_220 = tpu.memref_slice %arg12[%dma_start3A_209] : memref<8x!tpu.dma_semaphore, #tpu.memory_space<semaphore_mem>> -> memref<1x!tpu.dma_semaphore, #tpu.memory_space<semaphore_mem>>
    %dma_start3A_221 = tpu.memref_squeeze %dma_start3A_220 : memref<1x!tpu.dma_semaphore, #tpu.memory_space<semaphore_mem>> -> memref<!tpu.dma_semaphore, #tpu.memory_space<semaphore_mem>>
    tpu.enqueue_indirect_dma source(%dma_start3A_219 : memref<10240x8xf32, #tpu.memory_space<vmem_shared>>) target(%dma_start3A_213 : memref<64x8xf32, #tpu.memory_space<vmem>>) offsets(%dma_start3A_216 : memref<64xi32, #tpu.memory_space<vmem>>) semaphore(%dma_start3A_221 : memref<!tpu.dma_semaphore, #tpu.memory_space<semaphore_mem>>)
    %dma_wait3A_222 = arith.constant 3 : i32
    %dma_wait3A_223 = arith.constant 3 : i32
    %dma_wait3A_224 = arith.constant 3 : i32
    %dma_wait3A_225 = arith.constant 0 : i32
    %dma_wait3A_226 = arith.constant 0 : i32
    %dma_wait3A_227 = tpu.memref_slice %arg9[%dma_wait3A_223, %dma_wait3A_225, %dma_wait3A_226] : memref<8x64x8xf32, #tpu.memory_space<vmem>> -> memref<1x64x8xf32, #tpu.memory_space<vmem>>
    %dma_wait3A_228 = tpu.memref_squeeze %dma_wait3A_227 : memref<1x64x8xf32, #tpu.memory_space<vmem>> -> memref<64x8xf32, #tpu.memory_space<vmem>>
    %dma_wait3A_229 = arith.constant 0 : i32
    %dma_wait3A_230 = tpu.memref_slice %arg7[%dma_wait3A_222, %dma_wait3A_229] : memref<160x64xi32, #tpu.memory_space<vmem>> -> memref<1x64xi32, #tpu.memory_space<vmem>>
    %dma_wait3A_231 = tpu.memref_squeeze %dma_wait3A_230 : memref<1x64xi32, #tpu.memory_space<vmem>> -> memref<64xi32, #tpu.memory_space<vmem>>
    %dma_wait3A_232 = arith.constant 0 : i32
    %dma_wait3A_233 = arith.constant 0 : i32
    %dma_wait3A_234 = tpu.memref_slice %arg11[%dma_wait3A_232, %dma_wait3A_233] : memref<10240x8xf32, #tpu.memory_space<vmem_shared>> -> memref<10240x8xf32, #tpu.memory_space<vmem_shared>>
    %dma_wait3A_235 = tpu.memref_slice %arg12[%dma_wait3A_224] : memref<8x!tpu.dma_semaphore, #tpu.memory_space<semaphore_mem>> -> memref<1x!tpu.dma_semaphore, #tpu.memory_space<semaphore_mem>>
    %dma_wait3A_236 = tpu.memref_squeeze %dma_wait3A_235 : memref<1x!tpu.dma_semaphore, #tpu.memory_space<semaphore_mem>> -> memref<!tpu.dma_semaphore, #tpu.memory_space<semaphore_mem>>
    tpu.wait_indirect_dma semaphore(%dma_wait3A_236 : memref<!tpu.dma_semaphore, #tpu.memory_space<semaphore_mem>>) src(%dma_wait3A_234 : memref<10240x8xf32, #tpu.memory_space<vmem_shared>>) dst(%dma_wait3A_228 : memref<64x8xf32, #tpu.memory_space<vmem>>)
    %dma_start3A_237 = arith.constant 3 : i32
    %dma_start3A_238 = arith.constant 3 : i32
    %dma_start3A_239 = arith.constant 3 : i32
    %dma_start3A_240 = arith.constant 0 : i32
    %dma_start3A_241 = arith.constant 0 : i32
    %dma_start3A_242 = tpu.memref_slice %arg9[%dma_start3A_237, %dma_start3A_240, %dma_start3A_241] : memref<8x64x8xf32, #tpu.memory_space<vmem>> -> memref<1x64x8xf32, #tpu.memory_space<vmem>>
    %dma_start3A_243 = tpu.memref_squeeze %dma_start3A_242 : memref<1x64x8xf32, #tpu.memory_space<vmem>> -> memref<64x8xf32, #tpu.memory_space<vmem>>
    %dma_start3A_244 = arith.constant 0 : i32
    %dma_start3A_245 = tpu.memref_slice %arg8[%dma_start3A_238, %dma_start3A_244] : memref<160x64xi32, #tpu.memory_space<vmem>> -> memref<1x64xi32, #tpu.memory_space<vmem>>
    %dma_start3A_246 = tpu.memref_squeeze %dma_start3A_245 : memref<1x64xi32, #tpu.memory_space<vmem>> -> memref<64xi32, #tpu.memory_space<vmem>>
    %dma_start3A_247 = arith.constant 0 : i32
    %dma_start3A_248 = arith.constant 0 : i32
    %dma_start3A_249 = tpu.memref_slice %arg10[%dma_start3A_247, %dma_start3A_248] : memref<10240x8xf32, #tpu.memory_space<vmem_shared>> -> memref<10240x8xf32, #tpu.memory_space<vmem_shared>>
    %dma_start3A_250 = tpu.memref_slice %arg13[%dma_start3A_239] : memref<8x!tpu.dma_semaphore, #tpu.memory_space<semaphore_mem>> -> memref<1x!tpu.dma_semaphore, #tpu.memory_space<semaphore_mem>>
    %dma_start3A_251 = tpu.memref_squeeze %dma_start3A_250 : memref<1x!tpu.dma_semaphore, #tpu.memory_space<semaphore_mem>> -> memref<!tpu.dma_semaphore, #tpu.memory_space<semaphore_mem>>
    tpu.enqueue_indirect_dma source(%dma_start3A_243 : memref<64x8xf32, #tpu.memory_space<vmem>>) target(%dma_start3A_249 : memref<10240x8xf32, #tpu.memory_space<vmem_shared>>) offsets(%dma_start3A_246 : memref<64xi32, #tpu.memory_space<vmem>>) semaphore(%dma_start3A_251 : memref<!tpu.dma_semaphore, #tpu.memory_space<semaphore_mem>>) {add = true}
    %dma_wait3A_252 = arith.constant 0 : i32
    %dma_wait3A_253 = arith.constant 0 : i32
    %dma_wait3A_254 = arith.constant 0 : i32
    %dma_wait3A_255 = arith.constant 0 : i32
    %dma_wait3A_256 = tpu.memref_slice %arg9[%dma_wait3A_252, %dma_wait3A_254, %dma_wait3A_255] : memref<8x64x8xf32, #tpu.memory_space<vmem>> -> memref<1x64x8xf32, #tpu.memory_space<vmem>>
    %dma_wait3A_257 = tpu.memref_squeeze %dma_wait3A_256 : memref<1x64x8xf32, #tpu.memory_space<vmem>> -> memref<64x8xf32, #tpu.memory_space<vmem>>
    %dma_wait3A_258 = tpu.memref_slice %arg13[%dma_wait3A_253] : memref<8x!tpu.dma_semaphore, #tpu.memory_space<semaphore_mem>> -> memref<1x!tpu.dma_semaphore, #tpu.memory_space<semaphore_mem>>
    %dma_wait3A_259 = tpu.memref_squeeze %dma_wait3A_258 : memref<1x!tpu.dma_semaphore, #tpu.memory_space<semaphore_mem>> -> memref<!tpu.dma_semaphore, #tpu.memory_space<semaphore_mem>>
    %dma_wait3A_260 = arith.constant 0 : i32
    %dma_wait3A_261 = arith.constant 0 : i32
    %dma_wait3A_262 = tpu.memref_slice %arg9[%dma_wait3A_252, %dma_wait3A_260, %dma_wait3A_261] : memref<8x64x8xf32, #tpu.memory_space<vmem>> -> memref<1x64x8xf32, #tpu.memory_space<vmem>>
    %dma_wait3A_263 = tpu.memref_squeeze %dma_wait3A_262 : memref<1x64x8xf32, #tpu.memory_space<vmem>> -> memref<64x8xf32, #tpu.memory_space<vmem>>
    tpu.wait_dma2 semaphore(%dma_wait3A_259 : memref<!tpu.dma_semaphore, #tpu.memory_space<semaphore_mem>>) src(%arg5 : memref<64x8xf32, #tpu.memory_space<hbm>>) dst(%dma_wait3A_263 : memref<64x8xf32, #tpu.memory_space<vmem>>)
    %dma_start3A_264 = arith.constant 8 : i32
    %dma_start3A_265 = arith.constant 0 : i32
    %dma_start3A_266 = arith.constant 0 : i32
    %dma_start3A_267 = arith.constant 0 : i32
    %dma_start3A_268 = arith.constant 0 : i32
    %dma_start3A_269 = tpu.memref_slice %arg9[%dma_start3A_265, %dma_start3A_267, %dma_start3A_268] : memref<8x64x8xf32, #tpu.memory_space<vmem>> -> memref<1x64x8xf32, #tpu.memory_space<vmem>>
    %dma_start3A_270 = tpu.memref_squeeze %dma_start3A_269 : memref<1x64x8xf32, #tpu.memory_space<vmem>> -> memref<64x8xf32, #tpu.memory_space<vmem>>
    %dma_start3A_271 = arith.constant 0 : i32
    %dma_start3A_272 = tpu.memref_slice %arg7[%dma_start3A_264, %dma_start3A_271] : memref<160x64xi32, #tpu.memory_space<vmem>> -> memref<1x64xi32, #tpu.memory_space<vmem>>
    %dma_start3A_273 = tpu.memref_squeeze %dma_start3A_272 : memref<1x64xi32, #tpu.memory_space<vmem>> -> memref<64xi32, #tpu.memory_space<vmem>>
    %dma_start3A_274 = arith.constant 0 : i32
    %dma_start3A_275 = arith.constant 0 : i32
    %dma_start3A_276 = tpu.memref_slice %arg11[%dma_start3A_274, %dma_start3A_275] : memref<10240x8xf32, #tpu.memory_space<vmem_shared>> -> memref<10240x8xf32, #tpu.memory_space<vmem_shared>>
    %dma_start3A_277 = tpu.memref_slice %arg12[%dma_start3A_266] : memref<8x!tpu.dma_semaphore, #tpu.memory_space<semaphore_mem>> -> memref<1x!tpu.dma_semaphore, #tpu.memory_space<semaphore_mem>>
    %dma_start3A_278 = tpu.memref_squeeze %dma_start3A_277 : memref<1x!tpu.dma_semaphore, #tpu.memory_space<semaphore_mem>> -> memref<!tpu.dma_semaphore, #tpu.memory_space<semaphore_mem>>
    tpu.enqueue_indirect_dma source(%dma_start3A_276 : memref<10240x8xf32, #tpu.memory_space<vmem_shared>>) target(%dma_start3A_270 : memref<64x8xf32, #tpu.memory_space<vmem>>) offsets(%dma_start3A_273 : memref<64xi32, #tpu.memory_space<vmem>>) semaphore(%dma_start3A_278 : memref<!tpu.dma_semaphore, #tpu.memory_space<semaphore_mem>>)
    %dma_wait3A_279 = arith.constant 4 : i32
    %dma_wait3A_280 = arith.constant 4 : i32
    %dma_wait3A_281 = arith.constant 4 : i32
    %dma_wait3A_282 = arith.constant 0 : i32
    %dma_wait3A_283 = arith.constant 0 : i32
    %dma_wait3A_284 = tpu.memref_slice %arg9[%dma_wait3A_280, %dma_wait3A_282, %dma_wait3A_283] : memref<8x64x8xf32, #tpu.memory_space<vmem>> -> memref<1x64x8xf32, #tpu.memory_space<vmem>>
    %dma_wait3A_285 = tpu.memref_squeeze %dma_wait3A_284 : memref<1x64x8xf32, #tpu.memory_space<vmem>> -> memref<64x8xf32, #tpu.memory_space<vmem>>
    %dma_wait3A_286 = arith.constant 0 : i32
    %dma_wait3A_287 = tpu.memref_slice %arg7[%dma_wait3A_279, %dma_wait3A_286] : memref<160x64xi32, #tpu.memory_space<vmem>> -> memref<1x64xi32, #tpu.memory_space<vmem>>
    %dma_wait3A_288 = tpu.memref_squeeze %dma_wait3A_287 : memref<1x64xi32, #tpu.memory_space<vmem>> -> memref<64xi32, #tpu.memory_space<vmem>>
    %dma_wait3A_289 = arith.constant 0 : i32
    %dma_wait3A_290 = arith.constant 0 : i32
    %dma_wait3A_291 = tpu.memref_slice %arg11[%dma_wait3A_289, %dma_wait3A_290] : memref<10240x8xf32, #tpu.memory_space<vmem_shared>> -> memref<10240x8xf32, #tpu.memory_space<vmem_shared>>
    %dma_wait3A_292 = tpu.memref_slice %arg12[%dma_wait3A_281] : memref<8x!tpu.dma_semaphore, #tpu.memory_space<semaphore_mem>> -> memref<1x!tpu.dma_semaphore, #tpu.memory_space<semaphore_mem>>
    %dma_wait3A_293 = tpu.memref_squeeze %dma_wait3A_292 : memref<1x!tpu.dma_semaphore, #tpu.memory_space<semaphore_mem>> -> memref<!tpu.dma_semaphore, #tpu.memory_space<semaphore_mem>>
    tpu.wait_indirect_dma semaphore(%dma_wait3A_293 : memref<!tpu.dma_semaphore, #tpu.memory_space<semaphore_mem>>) src(%dma_wait3A_291 : memref<10240x8xf32, #tpu.memory_space<vmem_shared>>) dst(%dma_wait3A_285 : memref<64x8xf32, #tpu.memory_space<vmem>>)
    %dma_start3A_294 = arith.constant 4 : i32
    %dma_start3A_295 = arith.constant 4 : i32
    %dma_start3A_296 = arith.constant 4 : i32
    %dma_start3A_297 = arith.constant 0 : i32
    %dma_start3A_298 = arith.constant 0 : i32
    %dma_start3A_299 = tpu.memref_slice %arg9[%dma_start3A_294, %dma_start3A_297, %dma_start3A_298] : memref<8x64x8xf32, #tpu.memory_space<vmem>> -> memref<1x64x8xf32, #tpu.memory_space<vmem>>
    %dma_start3A_300 = tpu.memref_squeeze %dma_start3A_299 : memref<1x64x8xf32, #tpu.memory_space<vmem>> -> memref<64x8xf32, #tpu.memory_space<vmem>>
    %dma_start3A_301 = arith.constant 0 : i32
    %dma_start3A_302 = tpu.memref_slice %arg8[%dma_start3A_295, %dma_start3A_301] : memref<160x64xi32, #tpu.memory_space<vmem>> -> memref<1x64xi32, #tpu.memory_space<vmem>>
    %dma_start3A_303 = tpu.memref_squeeze %dma_start3A_302 : memref<1x64xi32, #tpu.memory_space<vmem>> -> memref<64xi32, #tpu.memory_space<vmem>>
    %dma_start3A_304 = arith.constant 0 : i32
    %dma_start3A_305 = arith.constant 0 : i32
    %dma_start3A_306 = tpu.memref_slice %arg10[%dma_start3A_304, %dma_start3A_305] : memref<10240x8xf32, #tpu.memory_space<vmem_shared>> -> memref<10240x8xf32, #tpu.memory_space<vmem_shared>>
    %dma_start3A_307 = tpu.memref_slice %arg13[%dma_start3A_296] : memref<8x!tpu.dma_semaphore, #tpu.memory_space<semaphore_mem>> -> memref<1x!tpu.dma_semaphore, #tpu.memory_space<semaphore_mem>>
    %dma_start3A_308 = tpu.memref_squeeze %dma_start3A_307 : memref<1x!tpu.dma_semaphore, #tpu.memory_space<semaphore_mem>> -> memref<!tpu.dma_semaphore, #tpu.memory_space<semaphore_mem>>
    tpu.enqueue_indirect_dma source(%dma_start3A_300 : memref<64x8xf32, #tpu.memory_space<vmem>>) target(%dma_start3A_306 : memref<10240x8xf32, #tpu.memory_space<vmem_shared>>) offsets(%dma_start3A_303 : memref<64xi32, #tpu.memory_space<vmem>>) semaphore(%dma_start3A_308 : memref<!tpu.dma_semaphore, #tpu.memory_space<semaphore_mem>>) {add = true}
    %dma_wait3A_309 = arith.constant 1 : i32
    %dma_wait3A_310 = arith.constant 1 : i32
    %dma_wait3A_311 = arith.constant 0 : i32
    %dma_wait3A_312 = arith.constant 0 : i32
    %dma_wait3A_313 = tpu.memref_slice %arg9[%dma_wait3A_309, %dma_wait3A_311, %dma_wait3A_312] : memref<8x64x8xf32, #tpu.memory_space<vmem>> -> memref<1x64x8xf32, #tpu.memory_space<vmem>>
    %dma_wait3A_314 = tpu.memref_squeeze %dma_wait3A_313 : memref<1x64x8xf32, #tpu.memory_space<vmem>> -> memref<64x8xf32, #tpu.memory_space<vmem>>
    %dma_wait3A_315 = tpu.memref_slice %arg13[%dma_wait3A_310] : memref<8x!tpu.dma_semaphore, #tpu.memory_space<semaphore_mem>> -> memref<1x!tpu.dma_semaphore, #tpu.memory_space<semaphore_mem>>
    %dma_wait3A_316 = tpu.memref_squeeze %dma_wait3A_315 : memref<1x!tpu.dma_semaphore, #tpu.memory_space<semaphore_mem>> -> memref<!tpu.dma_semaphore, #tpu.memory_space<semaphore_mem>>
    %dma_wait3A_317 = arith.constant 0 : i32
    %dma_wait3A_318 = arith.constant 0 : i32
    %dma_wait3A_319 = tpu.memref_slice %arg9[%dma_wait3A_309, %dma_wait3A_317, %dma_wait3A_318] : memref<8x64x8xf32, #tpu.memory_space<vmem>> -> memref<1x64x8xf32, #tpu.memory_space<vmem>>
    %dma_wait3A_320 = tpu.memref_squeeze %dma_wait3A_319 : memref<1x64x8xf32, #tpu.memory_space<vmem>> -> memref<64x8xf32, #tpu.memory_space<vmem>>
    tpu.wait_dma2 semaphore(%dma_wait3A_316 : memref<!tpu.dma_semaphore, #tpu.memory_space<semaphore_mem>>) src(%arg5 : memref<64x8xf32, #tpu.memory_space<hbm>>) dst(%dma_wait3A_320 : memref<64x8xf32, #tpu.memory_space<vmem>>)
    %dma_start3A_321 = arith.constant 9 : i32
    %dma_start3A_322 = arith.constant 1 : i32
    %dma_start3A_323 = arith.constant 1 : i32
    %dma_start3A_324 = arith.constant 0 : i32
    %dma_start3A_325 = arith.constant 0 : i32
    %dma_start3A_326 = tpu.memref_slice %arg9[%dma_start3A_322, %dma_start3A_324, %dma_start3A_325] : memref<8x64x8xf32, #tpu.memory_space<vmem>> -> memref<1x64x8xf32, #tpu.memory_space<vmem>>
    %dma_start3A_327 = tpu.memref_squeeze %dma_start3A_326 : memref<1x64x8xf32, #tpu.memory_space<vmem>> -> memref<64x8xf32, #tpu.memory_space<vmem>>
    %dma_start3A_328 = arith.constant 0 : i32
    %dma_start3A_329 = tpu.memref_slice %arg7[%dma_start3A_321, %dma_start3A_328] : memref<160x64xi32, #tpu.memory_space<vmem>> -> memref<1x64xi32, #tpu.memory_space<vmem>>
    %dma_start3A_330 = tpu.memref_squeeze %dma_start3A_329 : memref<1x64xi32, #tpu.memory_space<vmem>> -> memref<64xi32, #tpu.memory_space<vmem>>
    %dma_start3A_331 = arith.constant 0 : i32
    %dma_start3A_332 = arith.constant 0 : i32
    %dma_start3A_333 = tpu.memref_slice %arg11[%dma_start3A_331, %dma_start3A_332] : memref<10240x8xf32, #tpu.memory_space<vmem_shared>> -> memref<10240x8xf32, #tpu.memory_space<vmem_shared>>
    %dma_start3A_334 = tpu.memref_slice %arg12[%dma_start3A_323] : memref<8x!tpu.dma_semaphore, #tpu.memory_space<semaphore_mem>> -> memref<1x!tpu.dma_semaphore, #tpu.memory_space<semaphore_mem>>
    %dma_start3A_335 = tpu.memref_squeeze %dma_start3A_334 : memref<1x!tpu.dma_semaphore, #tpu.memory_space<semaphore_mem>> -> memref<!tpu.dma_semaphore, #tpu.memory_space<semaphore_mem>>
    tpu.enqueue_indirect_dma source(%dma_start3A_333 : memref<10240x8xf32, #tpu.memory_space<vmem_shared>>) target(%dma_start3A_327 : memref<64x8xf32, #tpu.memory_space<vmem>>) offsets(%dma_start3A_330 : memref<64xi32, #tpu.memory_space<vmem>>) semaphore(%dma_start3A_335 : memref<!tpu.dma_semaphore, #tpu.memory_space<semaphore_mem>>)
    %dma_wait3A_336 = arith.constant 5 : i32
    %dma_wait3A_337 = arith.constant 5 : i32
    %dma_wait3A_338 = arith.constant 5 : i32
    %dma_wait3A_339 = arith.constant 0 : i32
    %dma_wait3A_340 = arith.constant 0 : i32
    %dma_wait3A_341 = tpu.memref_slice %arg9[%dma_wait3A_337, %dma_wait3A_339, %dma_wait3A_340] : memref<8x64x8xf32, #tpu.memory_space<vmem>> -> memref<1x64x8xf32, #tpu.memory_space<vmem>>
    %dma_wait3A_342 = tpu.memref_squeeze %dma_wait3A_341 : memref<1x64x8xf32, #tpu.memory_space<vmem>> -> memref<64x8xf32, #tpu.memory_space<vmem>>
    %dma_wait3A_343 = arith.constant 0 : i32
    %dma_wait3A_344 = tpu.memref_slice %arg7[%dma_wait3A_336, %dma_wait3A_343] : memref<160x64xi32, #tpu.memory_space<vmem>> -> memref<1x64xi32, #tpu.memory_space<vmem>>
    %dma_wait3A_345 = tpu.memref_squeeze %dma_wait3A_344 : memref<1x64xi32, #tpu.memory_space<vmem>> -> memref<64xi32, #tpu.memory_space<vmem>>
    %dma_wait3A_346 = arith.constant 0 : i32
    %dma_wait3A_347 = arith.constant 0 : i32
    %dma_wait3A_348 = tpu.memref_slice %arg11[%dma_wait3A_346, %dma_wait3A_347] : memref<10240x8xf32, #tpu.memory_space<vmem_shared>> -> memref<10240x8xf32, #tpu.memory_space<vmem_shared>>
    %dma_wait3A_349 = tpu.memref_slice %arg12[%dma_wait3A_338] : memref<8x!tpu.dma_semaphore, #tpu.memory_space<semaphore_mem>> -> memref<1x!tpu.dma_semaphore, #tpu.memory_space<semaphore_mem>>
    %dma_wait3A_350 = tpu.memref_squeeze %dma_wait3A_349 : memref<1x!tpu.dma_semaphore, #tpu.memory_space<semaphore_mem>> -> memref<!tpu.dma_semaphore, #tpu.memory_space<semaphore_mem>>
    tpu.wait_indirect_dma semaphore(%dma_wait3A_350 : memref<!tpu.dma_semaphore, #tpu.memory_space<semaphore_mem>>) src(%dma_wait3A_348 : memref<10240x8xf32, #tpu.memory_space<vmem_shared>>) dst(%dma_wait3A_342 : memref<64x8xf32, #tpu.memory_space<vmem>>)
    %dma_start3A_351 = arith.constant 5 : i32
    %dma_start3A_352 = arith.constant 5 : i32
    %dma_start3A_353 = arith.constant 5 : i32
    %dma_start3A_354 = arith.constant 0 : i32
    %dma_start3A_355 = arith.constant 0 : i32
    %dma_start3A_356 = tpu.memref_slice %arg9[%dma_start3A_351, %dma_start3A_354, %dma_start3A_355] : memref<8x64x8xf32, #tpu.memory_space<vmem>> -> memref<1x64x8xf32, #tpu.memory_space<vmem>>
    %dma_start3A_357 = tpu.memref_squeeze %dma_start3A_356 : memref<1x64x8xf32, #tpu.memory_space<vmem>> -> memref<64x8xf32, #tpu.memory_space<vmem>>
    %dma_start3A_358 = arith.constant 0 : i32
    %dma_start3A_359 = tpu.memref_slice %arg8[%dma_start3A_352, %dma_start3A_358] : memref<160x64xi32, #tpu.memory_space<vmem>> -> memref<1x64xi32, #tpu.memory_space<vmem>>
    %dma_start3A_360 = tpu.memref_squeeze %dma_start3A_359 : memref<1x64xi32, #tpu.memory_space<vmem>> -> memref<64xi32, #tpu.memory_space<vmem>>
    %dma_start3A_361 = arith.constant 0 : i32
    %dma_start3A_362 = arith.constant 0 : i32
    %dma_start3A_363 = tpu.memref_slice %arg10[%dma_start3A_361, %dma_start3A_362] : memref<10240x8xf32, #tpu.memory_space<vmem_shared>> -> memref<10240x8xf32, #tpu.memory_space<vmem_shared>>
    %dma_start3A_364 = tpu.memref_slice %arg13[%dma_start3A_353] : memref<8x!tpu.dma_semaphore, #tpu.memory_space<semaphore_mem>> -> memref<1x!tpu.dma_semaphore, #tpu.memory_space<semaphore_mem>>
    %dma_start3A_365 = tpu.memref_squeeze %dma_start3A_364 : memref<1x!tpu.dma_semaphore, #tpu.memory_space<semaphore_mem>> -> memref<!tpu.dma_semaphore, #tpu.memory_space<semaphore_mem>>
    tpu.enqueue_indirect_dma source(%dma_start3A_357 : memref<64x8xf32, #tpu.memory_space<vmem>>) target(%dma_start3A_363 : memref<10240x8xf32, #tpu.memory_space<vmem_shared>>) offsets(%dma_start3A_360 : memref<64xi32, #tpu.memory_space<vmem>>) semaphore(%dma_start3A_365 : memref<!tpu.dma_semaphore, #tpu.memory_space<semaphore_mem>>) {add = true}
    %dma_wait3A_366 = arith.constant 2 : i32
    %dma_wait3A_367 = arith.constant 2 : i32
    %dma_wait3A_368 = arith.constant 0 : i32
    %dma_wait3A_369 = arith.constant 0 : i32
    %dma_wait3A_370 = tpu.memref_slice %arg9[%dma_wait3A_366, %dma_wait3A_368, %dma_wait3A_369] : memref<8x64x8xf32, #tpu.memory_space<vmem>> -> memref<1x64x8xf32, #tpu.memory_space<vmem>>
    %dma_wait3A_371 = tpu.memref_squeeze %dma_wait3A_370 : memref<1x64x8xf32, #tpu.memory_space<vmem>> -> memref<64x8xf32, #tpu.memory_space<vmem>>
    %dma_wait3A_372 = tpu.memref_slice %arg13[%dma_wait3A_367] : memref<8x!tpu.dma_semaphore, #tpu.memory_space<semaphore_mem>> -> memref<1x!tpu.dma_semaphore, #tpu.memory_space<semaphore_mem>>
    %dma_wait3A_373 = tpu.memref_squeeze %dma_wait3A_372 : memref<1x!tpu.dma_semaphore, #tpu.memory_space<semaphore_mem>> -> memref<!tpu.dma_semaphore, #tpu.memory_space<semaphore_mem>>
    %dma_wait3A_374 = arith.constant 0 : i32
    %dma_wait3A_375 = arith.constant 0 : i32
    %dma_wait3A_376 = tpu.memref_slice %arg9[%dma_wait3A_366, %dma_wait3A_374, %dma_wait3A_375] : memref<8x64x8xf32, #tpu.memory_space<vmem>> -> memref<1x64x8xf32, #tpu.memory_space<vmem>>
    %dma_wait3A_377 = tpu.memref_squeeze %dma_wait3A_376 : memref<1x64x8xf32, #tpu.memory_space<vmem>> -> memref<64x8xf32, #tpu.memory_space<vmem>>
    tpu.wait_dma2 semaphore(%dma_wait3A_373 : memref<!tpu.dma_semaphore, #tpu.memory_space<semaphore_mem>>) src(%arg5 : memref<64x8xf32, #tpu.memory_space<hbm>>) dst(%dma_wait3A_377 : memref<64x8xf32, #tpu.memory_space<vmem>>)
    %dma_start3A_378 = arith.constant 10 : i32
    %dma_start3A_379 = arith.constant 2 : i32
    %dma_start3A_380 = arith.constant 2 : i32
    %dma_start3A_381 = arith.constant 0 : i32
    %dma_start3A_382 = arith.constant 0 : i32
    %dma_start3A_383 = tpu.memref_slice %arg9[%dma_start3A_379, %dma_start3A_381, %dma_start3A_382] : memref<8x64x8xf32, #tpu.memory_space<vmem>> -> memref<1x64x8xf32, #tpu.memory_space<vmem>>
    %dma_start3A_384 = tpu.memref_squeeze %dma_start3A_383 : memref<1x64x8xf32, #tpu.memory_space<vmem>> -> memref<64x8xf32, #tpu.memory_space<vmem>>
    %dma_start3A_385 = arith.constant 0 : i32
    %dma_start3A_386 = tpu.memref_slice %arg7[%dma_start3A_378, %dma_start3A_385] : memref<160x64xi32, #tpu.memory_space<vmem>> -> memref<1x64xi32, #tpu.memory_space<vmem>>
    %dma_start3A_387 = tpu.memref_squeeze %dma_start3A_386 : memref<1x64xi32, #tpu.memory_space<vmem>> -> memref<64xi32, #tpu.memory_space<vmem>>
    %dma_start3A_388 = arith.constant 0 : i32
    %dma_start3A_389 = arith.constant 0 : i32
    %dma_start3A_390 = tpu.memref_slice %arg11[%dma_start3A_388, %dma_start3A_389] : memref<10240x8xf32, #tpu.memory_space<vmem_shared>> -> memref<10240x8xf32, #tpu.memory_space<vmem_shared>>
    %dma_start3A_391 = tpu.memref_slice %arg12[%dma_start3A_380] : memref<8x!tpu.dma_semaphore, #tpu.memory_space<semaphore_mem>> -> memref<1x!tpu.dma_semaphore, #tpu.memory_space<semaphore_mem>>
    %dma_start3A_392 = tpu.memref_squeeze %dma_start3A_391 : memref<1x!tpu.dma_semaphore, #tpu.memory_space<semaphore_mem>> -> memref<!tpu.dma_semaphore, #tpu.memory_space<semaphore_mem>>
    tpu.enqueue_indirect_dma source(%dma_start3A_390 : memref<10240x8xf32, #tpu.memory_space<vmem_shared>>) target(%dma_start3A_384 : memref<64x8xf32, #tpu.memory_space<vmem>>) offsets(%dma_start3A_387 : memref<64xi32, #tpu.memory_space<vmem>>) semaphore(%dma_start3A_392 : memref<!tpu.dma_semaphore, #tpu.memory_space<semaphore_mem>>)
    %dma_wait3A_393 = arith.constant 6 : i32
    %dma_wait3A_394 = arith.constant 6 : i32
    %dma_wait3A_395 = arith.constant 6 : i32
    %dma_wait3A_396 = arith.constant 0 : i32
    %dma_wait3A_397 = arith.constant 0 : i32
    %dma_wait3A_398 = tpu.memref_slice %arg9[%dma_wait3A_394, %dma_wait3A_396, %dma_wait3A_397] : memref<8x64x8xf32, #tpu.memory_space<vmem>> -> memref<1x64x8xf32, #tpu.memory_space<vmem>>
    %dma_wait3A_399 = tpu.memref_squeeze %dma_wait3A_398 : memref<1x64x8xf32, #tpu.memory_space<vmem>> -> memref<64x8xf32, #tpu.memory_space<vmem>>
    %dma_wait3A_400 = arith.constant 0 : i32
    %dma_wait3A_401 = tpu.memref_slice %arg7[%dma_wait3A_393, %dma_wait3A_400] : memref<160x64xi32, #tpu.memory_space<vmem>> -> memref<1x64xi32, #tpu.memory_space<vmem>>
    %dma_wait3A_402 = tpu.memref_squeeze %dma_wait3A_401 : memref<1x64xi32, #tpu.memory_space<vmem>> -> memref<64xi32, #tpu.memory_space<vmem>>
    %dma_wait3A_403 = arith.constant 0 : i32
    %dma_wait3A_404 = arith.constant 0 : i32
    %dma_wait3A_405 = tpu.memref_slice %arg11[%dma_wait3A_403, %dma_wait3A_404] : memref<10240x8xf32, #tpu.memory_space<vmem_shared>> -> memref<10240x8xf32, #tpu.memory_space<vmem_shared>>
    %dma_wait3A_406 = tpu.memref_slice %arg12[%dma_wait3A_395] : memref<8x!tpu.dma_semaphore, #tpu.memory_space<semaphore_mem>> -> memref<1x!tpu.dma_semaphore, #tpu.memory_space<semaphore_mem>>
    %dma_wait3A_407 = tpu.memref_squeeze %dma_wait3A_406 : memref<1x!tpu.dma_semaphore, #tpu.memory_space<semaphore_mem>> -> memref<!tpu.dma_semaphore, #tpu.memory_space<semaphore_mem>>
    tpu.wait_indirect_dma semaphore(%dma_wait3A_407 : memref<!tpu.dma_semaphore, #tpu.memory_space<semaphore_mem>>) src(%dma_wait3A_405 : memref<10240x8xf32, #tpu.memory_space<vmem_shared>>) dst(%dma_wait3A_399 : memref<64x8xf32, #tpu.memory_space<vmem>>)
    %dma_start3A_408 = arith.constant 6 : i32
    %dma_start3A_409 = arith.constant 6 : i32
    %dma_start3A_410 = arith.constant 6 : i32
    %dma_start3A_411 = arith.constant 0 : i32
    %dma_start3A_412 = arith.constant 0 : i32
    %dma_start3A_413 = tpu.memref_slice %arg9[%dma_start3A_408, %dma_start3A_411, %dma_start3A_412] : memref<8x64x8xf32, #tpu.memory_space<vmem>> -> memref<1x64x8xf32, #tpu.memory_space<vmem>>
    %dma_start3A_414 = tpu.memref_squeeze %dma_start3A_413 : memref<1x64x8xf32, #tpu.memory_space<vmem>> -> memref<64x8xf32, #tpu.memory_space<vmem>>
    %dma_start3A_415 = arith.constant 0 : i32
    %dma_start3A_416 = tpu.memref_slice %arg8[%dma_start3A_409, %dma_start3A_415] : memref<160x64xi32, #tpu.memory_space<vmem>> -> memref<1x64xi32, #tpu.memory_space<vmem>>
    %dma_start3A_417 = tpu.memref_squeeze %dma_start3A_416 : memref<1x64xi32, #tpu.memory_space<vmem>> -> memref<64xi32, #tpu.memory_space<vmem>>
    %dma_start3A_418 = arith.constant 0 : i32
    %dma_start3A_419 = arith.constant 0 : i32
    %dma_start3A_420 = tpu.memref_slice %arg10[%dma_start3A_418, %dma_start3A_419] : memref<10240x8xf32, #tpu.memory_space<vmem_shared>> -> memref<10240x8xf32, #tpu.memory_space<vmem_shared>>
    %dma_start3A_421 = tpu.memref_slice %arg13[%dma_start3A_410] : memref<8x!tpu.dma_semaphore, #tpu.memory_space<semaphore_mem>> -> memref<1x!tpu.dma_semaphore, #tpu.memory_space<semaphore_mem>>
    %dma_start3A_422 = tpu.memref_squeeze %dma_start3A_421 : memref<1x!tpu.dma_semaphore, #tpu.memory_space<semaphore_mem>> -> memref<!tpu.dma_semaphore, #tpu.memory_space<semaphore_mem>>
    tpu.enqueue_indirect_dma source(%dma_start3A_414 : memref<64x8xf32, #tpu.memory_space<vmem>>) target(%dma_start3A_420 : memref<10240x8xf32, #tpu.memory_space<vmem_shared>>) offsets(%dma_start3A_417 : memref<64xi32, #tpu.memory_space<vmem>>) semaphore(%dma_start3A_422 : memref<!tpu.dma_semaphore, #tpu.memory_space<semaphore_mem>>) {add = true}
    %dma_wait3A_423 = arith.constant 3 : i32
    %dma_wait3A_424 = arith.constant 3 : i32
    %dma_wait3A_425 = arith.constant 0 : i32
    %dma_wait3A_426 = arith.constant 0 : i32
    %dma_wait3A_427 = tpu.memref_slice %arg9[%dma_wait3A_423, %dma_wait3A_425, %dma_wait3A_426] : memref<8x64x8xf32, #tpu.memory_space<vmem>> -> memref<1x64x8xf32, #tpu.memory_space<vmem>>
    %dma_wait3A_428 = tpu.memref_squeeze %dma_wait3A_427 : memref<1x64x8xf32, #tpu.memory_space<vmem>> -> memref<64x8xf32, #tpu.memory_space<vmem>>
    %dma_wait3A_429 = tpu.memref_slice %arg13[%dma_wait3A_424] : memref<8x!tpu.dma_semaphore, #tpu.memory_space<semaphore_mem>> -> memref<1x!tpu.dma_semaphore, #tpu.memory_space<semaphore_mem>>
    %dma_wait3A_430 = tpu.memref_squeeze %dma_wait3A_429 : memref<1x!tpu.dma_semaphore, #tpu.memory_space<semaphore_mem>> -> memref<!tpu.dma_semaphore, #tpu.memory_space<semaphore_mem>>
    %dma_wait3A_431 = arith.constant 0 : i32
    %dma_wait3A_432 = arith.constant 0 : i32
    %dma_wait3A_433 = tpu.memref_slice %arg9[%dma_wait3A_423, %dma_wait3A_431, %dma_wait3A_432] : memref<8x64x8xf32, #tpu.memory_space<vmem>> -> memref<1x64x8xf32, #tpu.memory_space<vmem>>
    %dma_wait3A_434 = tpu.memref_squeeze %dma_wait3A_433 : memref<1x64x8xf32, #tpu.memory_space<vmem>> -> memref<64x8xf32, #tpu.memory_space<vmem>>
    tpu.wait_dma2 semaphore(%dma_wait3A_430 : memref<!tpu.dma_semaphore, #tpu.memory_space<semaphore_mem>>) src(%arg5 : memref<64x8xf32, #tpu.memory_space<hbm>>) dst(%dma_wait3A_434 : memref<64x8xf32, #tpu.memory_space<vmem>>)
    %dma_start3A_435 = arith.constant 11 : i32
    %dma_start3A_436 = arith.constant 3 : i32
    %dma_start3A_437 = arith.constant 3 : i32
    %dma_start3A_438 = arith.constant 0 : i32
    %dma_start3A_439 = arith.constant 0 : i32
    %dma_start3A_440 = tpu.memref_slice %arg9[%dma_start3A_436, %dma_start3A_438, %dma_start3A_439] : memref<8x64x8xf32, #tpu.memory_space<vmem>> -> memref<1x64x8xf32, #tpu.memory_space<vmem>>
    %dma_start3A_441 = tpu.memref_squeeze %dma_start3A_440 : memref<1x64x8xf32, #tpu.memory_space<vmem>> -> memref<64x8xf32, #tpu.memory_space<vmem>>
    %dma_start3A_442 = arith.constant 0 : i32
    %dma_start3A_443 = tpu.memref_slice %arg7[%dma_start3A_435, %dma_start3A_442] : memref<160x64xi32, #tpu.memory_space<vmem>> -> memref<1x64xi32, #tpu.memory_space<vmem>>
    %dma_start3A_444 = tpu.memref_squeeze %dma_start3A_443 : memref<1x64xi32, #tpu.memory_space<vmem>> -> memref<64xi32, #tpu.memory_space<vmem>>
    %dma_start3A_445 = arith.constant 0 : i32
    %dma_start3A_446 = arith.constant 0 : i32
    %dma_start3A_447 = tpu.memref_slice %arg11[%dma_start3A_445, %dma_start3A_446] : memref<10240x8xf32, #tpu.memory_space<vmem_shared>> -> memref<10240x8xf32, #tpu.memory_space<vmem_shared>>
    %dma_start3A_448 = tpu.memref_slice %arg12[%dma_start3A_437] : memref<8x!tpu.dma_semaphore, #tpu.memory_space<semaphore_mem>> -> memref<1x!tpu.dma_semaphore, #tpu.memory_space<semaphore_mem>>
    %dma_start3A_449 = tpu.memref_squeeze %dma_start3A_448 : memref<1x!tpu.dma_semaphore, #tpu.memory_space<semaphore_mem>> -> memref<!tpu.dma_semaphore, #tpu.memory_space<semaphore_mem>>
    tpu.enqueue_indirect_dma source(%dma_start3A_447 : memref<10240x8xf32, #tpu.memory_space<vmem_shared>>) target(%dma_start3A_441 : memref<64x8xf32, #tpu.memory_space<vmem>>) offsets(%dma_start3A_444 : memref<64xi32, #tpu.memory_space<vmem>>) semaphore(%dma_start3A_449 : memref<!tpu.dma_semaphore, #tpu.memory_space<semaphore_mem>>)
    %dma_wait3A_450 = arith.constant 7 : i32
    %dma_wait3A_451 = arith.constant 7 : i32
    %dma_wait3A_452 = arith.constant 7 : i32
    %dma_wait3A_453 = arith.constant 0 : i32
    %dma_wait3A_454 = arith.constant 0 : i32
    %dma_wait3A_455 = tpu.memref_slice %arg9[%dma_wait3A_451, %dma_wait3A_453, %dma_wait3A_454] : memref<8x64x8xf32, #tpu.memory_space<vmem>> -> memref<1x64x8xf32, #tpu.memory_space<vmem>>
    %dma_wait3A_456 = tpu.memref_squeeze %dma_wait3A_455 : memref<1x64x8xf32, #tpu.memory_space<vmem>> -> memref<64x8xf32, #tpu.memory_space<vmem>>
    %dma_wait3A_457 = arith.constant 0 : i32
    %dma_wait3A_458 = tpu.memref_slice %arg7[%dma_wait3A_450, %dma_wait3A_457] : memref<160x64xi32, #tpu.memory_space<vmem>> -> memref<1x64xi32, #tpu.memory_space<vmem>>
    %dma_wait3A_459 = tpu.memref_squeeze %dma_wait3A_458 : memref<1x64xi32, #tpu.memory_space<vmem>> -> memref<64xi32, #tpu.memory_space<vmem>>
    %dma_wait3A_460 = arith.constant 0 : i32
    %dma_wait3A_461 = arith.constant 0 : i32
    %dma_wait3A_462 = tpu.memref_slice %arg11[%dma_wait3A_460, %dma_wait3A_461] : memref<10240x8xf32, #tpu.memory_space<vmem_shared>> -> memref<10240x8xf32, #tpu.memory_space<vmem_shared>>
    %dma_wait3A_463 = tpu.memref_slice %arg12[%dma_wait3A_452] : memref<8x!tpu.dma_semaphore, #tpu.memory_space<semaphore_mem>> -> memref<1x!tpu.dma_semaphore, #tpu.memory_space<semaphore_mem>>
    %dma_wait3A_464 = tpu.memref_squeeze %dma_wait3A_463 : memref<1x!tpu.dma_semaphore, #tpu.memory_space<semaphore_mem>> -> memref<!tpu.dma_semaphore, #tpu.memory_space<semaphore_mem>>
    tpu.wait_indirect_dma semaphore(%dma_wait3A_464 : memref<!tpu.dma_semaphore, #tpu.memory_space<semaphore_mem>>) src(%dma_wait3A_462 : memref<10240x8xf32, #tpu.memory_space<vmem_shared>>) dst(%dma_wait3A_456 : memref<64x8xf32, #tpu.memory_space<vmem>>)
    %dma_start3A_465 = arith.constant 7 : i32
    %dma_start3A_466 = arith.constant 7 : i32
    %dma_start3A_467 = arith.constant 7 : i32
    %dma_start3A_468 = arith.constant 0 : i32
    %dma_start3A_469 = arith.constant 0 : i32
    %dma_start3A_470 = tpu.memref_slice %arg9[%dma_start3A_465, %dma_start3A_468, %dma_start3A_469] : memref<8x64x8xf32, #tpu.memory_space<vmem>> -> memref<1x64x8xf32, #tpu.memory_space<vmem>>
    %dma_start3A_471 = tpu.memref_squeeze %dma_start3A_470 : memref<1x64x8xf32, #tpu.memory_space<vmem>> -> memref<64x8xf32, #tpu.memory_space<vmem>>
    %dma_start3A_472 = arith.constant 0 : i32
    %dma_start3A_473 = tpu.memref_slice %arg8[%dma_start3A_466, %dma_start3A_472] : memref<160x64xi32, #tpu.memory_space<vmem>> -> memref<1x64xi32, #tpu.memory_space<vmem>>
    %dma_start3A_474 = tpu.memref_squeeze %dma_start3A_473 : memref<1x64xi32, #tpu.memory_space<vmem>> -> memref<64xi32, #tpu.memory_space<vmem>>
    %dma_start3A_475 = arith.constant 0 : i32
    %dma_start3A_476 = arith.constant 0 : i32
    %dma_start3A_477 = tpu.memref_slice %arg10[%dma_start3A_475, %dma_start3A_476] : memref<10240x8xf32, #tpu.memory_space<vmem_shared>> -> memref<10240x8xf32, #tpu.memory_space<vmem_shared>>
    %dma_start3A_478 = tpu.memref_slice %arg13[%dma_start3A_467] : memref<8x!tpu.dma_semaphore, #tpu.memory_space<semaphore_mem>> -> memref<1x!tpu.dma_semaphore, #tpu.memory_space<semaphore_mem>>
    %dma_start3A_479 = tpu.memref_squeeze %dma_start3A_478 : memref<1x!tpu.dma_semaphore, #tpu.memory_space<semaphore_mem>> -> memref<!tpu.dma_semaphore, #tpu.memory_space<semaphore_mem>>
    tpu.enqueue_indirect_dma source(%dma_start3A_471 : memref<64x8xf32, #tpu.memory_space<vmem>>) target(%dma_start3A_477 : memref<10240x8xf32, #tpu.memory_space<vmem_shared>>) offsets(%dma_start3A_474 : memref<64xi32, #tpu.memory_space<vmem>>) semaphore(%dma_start3A_479 : memref<!tpu.dma_semaphore, #tpu.memory_space<semaphore_mem>>) {add = true}
    %scan3A_480 = arith.constant 0 : i32
    %scan3A_481 = arith.constant 1 : i32
    %scan3A_482 = arith.constant 18 : i32
    %scan3A_483 = arith.addi %scan3A_481, %scan3A_482 : i32
    %scan3A_484 = arith.constant 1 : i32
    scf.for %scan3A_937 = %scan3A_481 to %scan3A_483 step %scan3A_484  : i32 {
      %mul3A_938 = arith.constant 8 : i32
      %mul3A_939 = arith.muli %scan3A_937, %mul3A_938 : i32
      %add3A_940 = arith.constant 0 : i32
      %add3A_941 = arith.addi %mul3A_939, %add3A_940 : i32
      %dma_wait3A_942 = arith.constant 4 : i32
      %dma_wait3A_943 = arith.constant 4 : i32
      %dma_wait3A_944 = arith.constant 0 : i32
      %dma_wait3A_945 = arith.constant 0 : i32
      %dma_wait3A_946 = tpu.memref_slice %arg9[%dma_wait3A_942, %dma_wait3A_944, %dma_wait3A_945] : memref<8x64x8xf32, #tpu.memory_space<vmem>> -> memref<1x64x8xf32, #tpu.memory_space<vmem>>
      %dma_wait3A_947 = tpu.memref_squeeze %dma_wait3A_946 : memref<1x64x8xf32, #tpu.memory_space<vmem>> -> memref<64x8xf32, #tpu.memory_space<vmem>>
      %dma_wait3A_948 = tpu.memref_slice %arg13[%dma_wait3A_943] : memref<8x!tpu.dma_semaphore, #tpu.memory_space<semaphore_mem>> -> memref<1x!tpu.dma_semaphore, #tpu.memory_space<semaphore_mem>>
      %dma_wait3A_949 = tpu.memref_squeeze %dma_wait3A_948 : memref<1x!tpu.dma_semaphore, #tpu.memory_space<semaphore_mem>> -> memref<!tpu.dma_semaphore, #tpu.memory_space<semaphore_mem>>
      %dma_wait3A_950 = arith.constant 0 : i32
      %dma_wait3A_951 = arith.constant 0 : i32
      %dma_wait3A_952 = tpu.memref_slice %arg9[%dma_wait3A_942, %dma_wait3A_950, %dma_wait3A_951] : memref<8x64x8xf32, #tpu.memory_space<vmem>> -> memref<1x64x8xf32, #tpu.memory_space<vmem>>
      %dma_wait3A_953 = tpu.memref_squeeze %dma_wait3A_952 : memref<1x64x8xf32, #tpu.memory_space<vmem>> -> memref<64x8xf32, #tpu.memory_space<vmem>>
      tpu.wait_dma2 semaphore(%dma_wait3A_949 : memref<!tpu.dma_semaphore, #tpu.memory_space<semaphore_mem>>) src(%arg5 : memref<64x8xf32, #tpu.memory_space<hbm>>) dst(%dma_wait3A_953 : memref<64x8xf32, #tpu.memory_space<vmem>>)
      %add3A_954 = arith.constant 4 : i32
      %add3A_955 = arith.addi %add3A_941, %add3A_954 : i32
      %dma_start3A_956 = arith.constant 4 : i32
      %dma_start3A_957 = arith.constant 4 : i32
      %dma_start3A_958 = arith.constant 0 : i32
      %dma_start3A_959 = arith.constant 0 : i32
      %dma_start3A_960 = tpu.memref_slice %arg9[%dma_start3A_956, %dma_start3A_958, %dma_start3A_959] : memref<8x64x8xf32, #tpu.memory_space<vmem>> -> memref<1x64x8xf32, #tpu.memory_space<vmem>>
      %dma_start3A_961 = tpu.memref_squeeze %dma_start3A_960 : memref<1x64x8xf32, #tpu.memory_space<vmem>> -> memref<64x8xf32, #tpu.memory_space<vmem>>
      %dma_start3A_962 = arith.constant 0 : i32
      %dma_start3A_963 = tpu.memref_slice %arg7[%add3A_955, %dma_start3A_962] : memref<160x64xi32, #tpu.memory_space<vmem>> -> memref<1x64xi32, #tpu.memory_space<vmem>>
      %dma_start3A_964 = tpu.memref_squeeze %dma_start3A_963 : memref<1x64xi32, #tpu.memory_space<vmem>> -> memref<64xi32, #tpu.memory_space<vmem>>
      %dma_start3A_965 = arith.constant 0 : i32
      %dma_start3A_966 = arith.constant 0 : i32
      %dma_start3A_967 = tpu.memref_slice %arg11[%dma_start3A_965, %dma_start3A_966] : memref<10240x8xf32, #tpu.memory_space<vmem_shared>> -> memref<10240x8xf32, #tpu.memory_space<vmem_shared>>
      %dma_start3A_968 = tpu.memref_slice %arg12[%dma_start3A_957] : memref<8x!tpu.dma_semaphore, #tpu.memory_space<semaphore_mem>> -> memref<1x!tpu.dma_semaphore, #tpu.memory_space<semaphore_mem>>
      %dma_start3A_969 = tpu.memref_squeeze %dma_start3A_968 : memref<1x!tpu.dma_semaphore, #tpu.memory_space<semaphore_mem>> -> memref<!tpu.dma_semaphore, #tpu.memory_space<semaphore_mem>>
      tpu.enqueue_indirect_dma source(%dma_start3A_967 : memref<10240x8xf32, #tpu.memory_space<vmem_shared>>) target(%dma_start3A_961 : memref<64x8xf32, #tpu.memory_space<vmem>>) offsets(%dma_start3A_964 : memref<64xi32, #tpu.memory_space<vmem>>) semaphore(%dma_start3A_969 : memref<!tpu.dma_semaphore, #tpu.memory_space<semaphore_mem>>)
      %dma_wait3A_970 = arith.constant 0 : i32
      %dma_wait3A_971 = arith.constant 0 : i32
      %dma_wait3A_972 = arith.constant 0 : i32
      %dma_wait3A_973 = arith.constant 0 : i32
      %dma_wait3A_974 = tpu.memref_slice %arg9[%dma_wait3A_970, %dma_wait3A_972, %dma_wait3A_973] : memref<8x64x8xf32, #tpu.memory_space<vmem>> -> memref<1x64x8xf32, #tpu.memory_space<vmem>>
      %dma_wait3A_975 = tpu.memref_squeeze %dma_wait3A_974 : memref<1x64x8xf32, #tpu.memory_space<vmem>> -> memref<64x8xf32, #tpu.memory_space<vmem>>
      %dma_wait3A_976 = arith.constant 0 : i32
      %dma_wait3A_977 = tpu.memref_slice %arg7[%add3A_941, %dma_wait3A_976] : memref<160x64xi32, #tpu.memory_space<vmem>> -> memref<1x64xi32, #tpu.memory_space<vmem>>
      %dma_wait3A_978 = tpu.memref_squeeze %dma_wait3A_977 : memref<1x64xi32, #tpu.memory_space<vmem>> -> memref<64xi32, #tpu.memory_space<vmem>>
      %dma_wait3A_979 = arith.constant 0 : i32
      %dma_wait3A_980 = arith.constant 0 : i32
      %dma_wait3A_981 = tpu.memref_slice %arg11[%dma_wait3A_979, %dma_wait3A_980] : memref<10240x8xf32, #tpu.memory_space<vmem_shared>> -> memref<10240x8xf32, #tpu.memory_space<vmem_shared>>
      %dma_wait3A_982 = tpu.memref_slice %arg12[%dma_wait3A_971] : memref<8x!tpu.dma_semaphore, #tpu.memory_space<semaphore_mem>> -> memref<1x!tpu.dma_semaphore, #tpu.memory_space<semaphore_mem>>
      %dma_wait3A_983 = tpu.memref_squeeze %dma_wait3A_982 : memref<1x!tpu.dma_semaphore, #tpu.memory_space<semaphore_mem>> -> memref<!tpu.dma_semaphore, #tpu.memory_space<semaphore_mem>>
      tpu.wait_indirect_dma semaphore(%dma_wait3A_983 : memref<!tpu.dma_semaphore, #tpu.memory_space<semaphore_mem>>) src(%dma_wait3A_981 : memref<10240x8xf32, #tpu.memory_space<vmem_shared>>) dst(%dma_wait3A_975 : memref<64x8xf32, #tpu.memory_space<vmem>>)
      %dma_start3A_984 = arith.constant 0 : i32
      %dma_start3A_985 = arith.constant 0 : i32
      %dma_start3A_986 = arith.constant 0 : i32
      %dma_start3A_987 = arith.constant 0 : i32
      %dma_start3A_988 = tpu.memref_slice %arg9[%dma_start3A_984, %dma_start3A_986, %dma_start3A_987] : memref<8x64x8xf32, #tpu.memory_space<vmem>> -> memref<1x64x8xf32, #tpu.memory_space<vmem>>
      %dma_start3A_989 = tpu.memref_squeeze %dma_start3A_988 : memref<1x64x8xf32, #tpu.memory_space<vmem>> -> memref<64x8xf32, #tpu.memory_space<vmem>>
      %dma_start3A_990 = arith.constant 0 : i32
      %dma_start3A_991 = tpu.memref_slice %arg8[%add3A_941, %dma_start3A_990] : memref<160x64xi32, #tpu.memory_space<vmem>> -> memref<1x64xi32, #tpu.memory_space<vmem>>
      %dma_start3A_992 = tpu.memref_squeeze %dma_start3A_991 : memref<1x64xi32, #tpu.memory_space<vmem>> -> memref<64xi32, #tpu.memory_space<vmem>>
      %dma_start3A_993 = arith.constant 0 : i32
      %dma_start3A_994 = arith.constant 0 : i32
      %dma_start3A_995 = tpu.memref_slice %arg10[%dma_start3A_993, %dma_start3A_994] : memref<10240x8xf32, #tpu.memory_space<vmem_shared>> -> memref<10240x8xf32, #tpu.memory_space<vmem_shared>>
      %dma_start3A_996 = tpu.memref_slice %arg13[%dma_start3A_985] : memref<8x!tpu.dma_semaphore, #tpu.memory_space<semaphore_mem>> -> memref<1x!tpu.dma_semaphore, #tpu.memory_space<semaphore_mem>>
      %dma_start3A_997 = tpu.memref_squeeze %dma_start3A_996 : memref<1x!tpu.dma_semaphore, #tpu.memory_space<semaphore_mem>> -> memref<!tpu.dma_semaphore, #tpu.memory_space<semaphore_mem>>
      tpu.enqueue_indirect_dma source(%dma_start3A_989 : memref<64x8xf32, #tpu.memory_space<vmem>>) target(%dma_start3A_995 : memref<10240x8xf32, #tpu.memory_space<vmem_shared>>) offsets(%dma_start3A_992 : memref<64xi32, #tpu.memory_space<vmem>>) semaphore(%dma_start3A_997 : memref<!tpu.dma_semaphore, #tpu.memory_space<semaphore_mem>>) {add = true}
      %mul3A_998 = arith.constant 8 : i32
      %mul3A_999 = arith.muli %scan3A_937, %mul3A_998 : i32
      %add3A_1000 = arith.constant 1 : i32
      %add3A_1001 = arith.addi %mul3A_999, %add3A_1000 : i32
      %dma_wait3A_1002 = arith.constant 5 : i32
      %dma_wait3A_1003 = arith.constant 5 : i32
      %dma_wait3A_1004 = arith.constant 0 : i32
      %dma_wait3A_1005 = arith.constant 0 : i32
      %dma_wait3A_1006 = tpu.memref_slice %arg9[%dma_wait3A_1002, %dma_wait3A_1004, %dma_wait3A_1005] : memref<8x64x8xf32, #tpu.memory_space<vmem>> -> memref<1x64x8xf32, #tpu.memory_space<vmem>>
      %dma_wait3A_1007 = tpu.memref_squeeze %dma_wait3A_1006 : memref<1x64x8xf32, #tpu.memory_space<vmem>> -> memref<64x8xf32, #tpu.memory_space<vmem>>
      %dma_wait3A_1008 = tpu.memref_slice %arg13[%dma_wait3A_1003] : memref<8x!tpu.dma_semaphore, #tpu.memory_space<semaphore_mem>> -> memref<1x!tpu.dma_semaphore, #tpu.memory_space<semaphore_mem>>
      %dma_wait3A_1009 = tpu.memref_squeeze %dma_wait3A_1008 : memref<1x!tpu.dma_semaphore, #tpu.memory_space<semaphore_mem>> -> memref<!tpu.dma_semaphore, #tpu.memory_space<semaphore_mem>>
      %dma_wait3A_1010 = arith.constant 0 : i32
      %dma_wait3A_1011 = arith.constant 0 : i32
      %dma_wait3A_1012 = tpu.memref_slice %arg9[%dma_wait3A_1002, %dma_wait3A_1010, %dma_wait3A_1011] : memref<8x64x8xf32, #tpu.memory_space<vmem>> -> memref<1x64x8xf32, #tpu.memory_space<vmem>>
      %dma_wait3A_1013 = tpu.memref_squeeze %dma_wait3A_1012 : memref<1x64x8xf32, #tpu.memory_space<vmem>> -> memref<64x8xf32, #tpu.memory_space<vmem>>
      tpu.wait_dma2 semaphore(%dma_wait3A_1009 : memref<!tpu.dma_semaphore, #tpu.memory_space<semaphore_mem>>) src(%arg5 : memref<64x8xf32, #tpu.memory_space<hbm>>) dst(%dma_wait3A_1013 : memref<64x8xf32, #tpu.memory_space<vmem>>)
      %add3A_1014 = arith.constant 4 : i32
      %add3A_1015 = arith.addi %add3A_1001, %add3A_1014 : i32
      %dma_start3A_1016 = arith.constant 5 : i32
      %dma_start3A_1017 = arith.constant 5 : i32
      %dma_start3A_1018 = arith.constant 0 : i32
      %dma_start3A_1019 = arith.constant 0 : i32
      %dma_start3A_1020 = tpu.memref_slice %arg9[%dma_start3A_1016, %dma_start3A_1018, %dma_start3A_1019] : memref<8x64x8xf32, #tpu.memory_space<vmem>> -> memref<1x64x8xf32, #tpu.memory_space<vmem>>
      %dma_start3A_1021 = tpu.memref_squeeze %dma_start3A_1020 : memref<1x64x8xf32, #tpu.memory_space<vmem>> -> memref<64x8xf32, #tpu.memory_space<vmem>>
      %dma_start3A_1022 = arith.constant 0 : i32
      %dma_start3A_1023 = tpu.memref_slice %arg7[%add3A_1015, %dma_start3A_1022] : memref<160x64xi32, #tpu.memory_space<vmem>> -> memref<1x64xi32, #tpu.memory_space<vmem>>
      %dma_start3A_1024 = tpu.memref_squeeze %dma_start3A_1023 : memref<1x64xi32, #tpu.memory_space<vmem>> -> memref<64xi32, #tpu.memory_space<vmem>>
      %dma_start3A_1025 = arith.constant 0 : i32
      %dma_start3A_1026 = arith.constant 0 : i32
      %dma_start3A_1027 = tpu.memref_slice %arg11[%dma_start3A_1025, %dma_start3A_1026] : memref<10240x8xf32, #tpu.memory_space<vmem_shared>> -> memref<10240x8xf32, #tpu.memory_space<vmem_shared>>
      %dma_start3A_1028 = tpu.memref_slice %arg12[%dma_start3A_1017] : memref<8x!tpu.dma_semaphore, #tpu.memory_space<semaphore_mem>> -> memref<1x!tpu.dma_semaphore, #tpu.memory_space<semaphore_mem>>
      %dma_start3A_1029 = tpu.memref_squeeze %dma_start3A_1028 : memref<1x!tpu.dma_semaphore, #tpu.memory_space<semaphore_mem>> -> memref<!tpu.dma_semaphore, #tpu.memory_space<semaphore_mem>>
      tpu.enqueue_indirect_dma source(%dma_start3A_1027 : memref<10240x8xf32, #tpu.memory_space<vmem_shared>>) target(%dma_start3A_1021 : memref<64x8xf32, #tpu.memory_space<vmem>>) offsets(%dma_start3A_1024 : memref<64xi32, #tpu.memory_space<vmem>>) semaphore(%dma_start3A_1029 : memref<!tpu.dma_semaphore, #tpu.memory_space<semaphore_mem>>)
      %dma_wait3A_1030 = arith.constant 1 : i32
      %dma_wait3A_1031 = arith.constant 1 : i32
      %dma_wait3A_1032 = arith.constant 0 : i32
      %dma_wait3A_1033 = arith.constant 0 : i32
      %dma_wait3A_1034 = tpu.memref_slice %arg9[%dma_wait3A_1030, %dma_wait3A_1032, %dma_wait3A_1033] : memref<8x64x8xf32, #tpu.memory_space<vmem>> -> memref<1x64x8xf32, #tpu.memory_space<vmem>>
      %dma_wait3A_1035 = tpu.memref_squeeze %dma_wait3A_1034 : memref<1x64x8xf32, #tpu.memory_space<vmem>> -> memref<64x8xf32, #tpu.memory_space<vmem>>
      %dma_wait3A_1036 = arith.constant 0 : i32
      %dma_wait3A_1037 = tpu.memref_slice %arg7[%add3A_1001, %dma_wait3A_1036] : memref<160x64xi32, #tpu.memory_space<vmem>> -> memref<1x64xi32, #tpu.memory_space<vmem>>
      %dma_wait3A_1038 = tpu.memref_squeeze %dma_wait3A_1037 : memref<1x64xi32, #tpu.memory_space<vmem>> -> memref<64xi32, #tpu.memory_space<vmem>>
      %dma_wait3A_1039 = arith.constant 0 : i32
      %dma_wait3A_1040 = arith.constant 0 : i32
      %dma_wait3A_1041 = tpu.memref_slice %arg11[%dma_wait3A_1039, %dma_wait3A_1040] : memref<10240x8xf32, #tpu.memory_space<vmem_shared>> -> memref<10240x8xf32, #tpu.memory_space<vmem_shared>>
      %dma_wait3A_1042 = tpu.memref_slice %arg12[%dma_wait3A_1031] : memref<8x!tpu.dma_semaphore, #tpu.memory_space<semaphore_mem>> -> memref<1x!tpu.dma_semaphore, #tpu.memory_space<semaphore_mem>>
      %dma_wait3A_1043 = tpu.memref_squeeze %dma_wait3A_1042 : memref<1x!tpu.dma_semaphore, #tpu.memory_space<semaphore_mem>> -> memref<!tpu.dma_semaphore, #tpu.memory_space<semaphore_mem>>
      tpu.wait_indirect_dma semaphore(%dma_wait3A_1043 : memref<!tpu.dma_semaphore, #tpu.memory_space<semaphore_mem>>) src(%dma_wait3A_1041 : memref<10240x8xf32, #tpu.memory_space<vmem_shared>>) dst(%dma_wait3A_1035 : memref<64x8xf32, #tpu.memory_space<vmem>>)
      %dma_start3A_1044 = arith.constant 1 : i32
      %dma_start3A_1045 = arith.constant 1 : i32
      %dma_start3A_1046 = arith.constant 0 : i32
      %dma_start3A_1047 = arith.constant 0 : i32
      %dma_start3A_1048 = tpu.memref_slice %arg9[%dma_start3A_1044, %dma_start3A_1046, %dma_start3A_1047] : memref<8x64x8xf32, #tpu.memory_space<vmem>> -> memref<1x64x8xf32, #tpu.memory_space<vmem>>
      %dma_start3A_1049 = tpu.memref_squeeze %dma_start3A_1048 : memref<1x64x8xf32, #tpu.memory_space<vmem>> -> memref<64x8xf32, #tpu.memory_space<vmem>>
      %dma_start3A_1050 = arith.constant 0 : i32
      %dma_start3A_1051 = tpu.memref_slice %arg8[%add3A_1001, %dma_start3A_1050] : memref<160x64xi32, #tpu.memory_space<vmem>> -> memref<1x64xi32, #tpu.memory_space<vmem>>
      %dma_start3A_1052 = tpu.memref_squeeze %dma_start3A_1051 : memref<1x64xi32, #tpu.memory_space<vmem>> -> memref<64xi32, #tpu.memory_space<vmem>>
      %dma_start3A_1053 = arith.constant 0 : i32
      %dma_start3A_1054 = arith.constant 0 : i32
      %dma_start3A_1055 = tpu.memref_slice %arg10[%dma_start3A_1053, %dma_start3A_1054] : memref<10240x8xf32, #tpu.memory_space<vmem_shared>> -> memref<10240x8xf32, #tpu.memory_space<vmem_shared>>
      %dma_start3A_1056 = tpu.memref_slice %arg13[%dma_start3A_1045] : memref<8x!tpu.dma_semaphore, #tpu.memory_space<semaphore_mem>> -> memref<1x!tpu.dma_semaphore, #tpu.memory_space<semaphore_mem>>
      %dma_start3A_1057 = tpu.memref_squeeze %dma_start3A_1056 : memref<1x!tpu.dma_semaphore, #tpu.memory_space<semaphore_mem>> -> memref<!tpu.dma_semaphore, #tpu.memory_space<semaphore_mem>>
      tpu.enqueue_indirect_dma source(%dma_start3A_1049 : memref<64x8xf32, #tpu.memory_space<vmem>>) target(%dma_start3A_1055 : memref<10240x8xf32, #tpu.memory_space<vmem_shared>>) offsets(%dma_start3A_1052 : memref<64xi32, #tpu.memory_space<vmem>>) semaphore(%dma_start3A_1057 : memref<!tpu.dma_semaphore, #tpu.memory_space<semaphore_mem>>) {add = true}
      %mul3A_1058 = arith.constant 8 : i32
      %mul3A_1059 = arith.muli %scan3A_937, %mul3A_1058 : i32
      %add3A_1060 = arith.constant 2 : i32
      %add3A_1061 = arith.addi %mul3A_1059, %add3A_1060 : i32
      %dma_wait3A_1062 = arith.constant 6 : i32
      %dma_wait3A_1063 = arith.constant 6 : i32
      %dma_wait3A_1064 = arith.constant 0 : i32
      %dma_wait3A_1065 = arith.constant 0 : i32
      %dma_wait3A_1066 = tpu.memref_slice %arg9[%dma_wait3A_1062, %dma_wait3A_1064, %dma_wait3A_1065] : memref<8x64x8xf32, #tpu.memory_space<vmem>> -> memref<1x64x8xf32, #tpu.memory_space<vmem>>
      %dma_wait3A_1067 = tpu.memref_squeeze %dma_wait3A_1066 : memref<1x64x8xf32, #tpu.memory_space<vmem>> -> memref<64x8xf32, #tpu.memory_space<vmem>>
      %dma_wait3A_1068 = tpu.memref_slice %arg13[%dma_wait3A_1063] : memref<8x!tpu.dma_semaphore, #tpu.memory_space<semaphore_mem>> -> memref<1x!tpu.dma_semaphore, #tpu.memory_space<semaphore_mem>>
      %dma_wait3A_1069 = tpu.memref_squeeze %dma_wait3A_1068 : memref<1x!tpu.dma_semaphore, #tpu.memory_space<semaphore_mem>> -> memref<!tpu.dma_semaphore, #tpu.memory_space<semaphore_mem>>
      %dma_wait3A_1070 = arith.constant 0 : i32
      %dma_wait3A_1071 = arith.constant 0 : i32
      %dma_wait3A_1072 = tpu.memref_slice %arg9[%dma_wait3A_1062, %dma_wait3A_1070, %dma_wait3A_1071] : memref<8x64x8xf32, #tpu.memory_space<vmem>> -> memref<1x64x8xf32, #tpu.memory_space<vmem>>
      %dma_wait3A_1073 = tpu.memref_squeeze %dma_wait3A_1072 : memref<1x64x8xf32, #tpu.memory_space<vmem>> -> memref<64x8xf32, #tpu.memory_space<vmem>>
      tpu.wait_dma2 semaphore(%dma_wait3A_1069 : memref<!tpu.dma_semaphore, #tpu.memory_space<semaphore_mem>>) src(%arg5 : memref<64x8xf32, #tpu.memory_space<hbm>>) dst(%dma_wait3A_1073 : memref<64x8xf32, #tpu.memory_space<vmem>>)
      %add3A_1074 = arith.constant 4 : i32
      %add3A_1075 = arith.addi %add3A_1061, %add3A_1074 : i32
      %dma_start3A_1076 = arith.constant 6 : i32
      %dma_start3A_1077 = arith.constant 6 : i32
      %dma_start3A_1078 = arith.constant 0 : i32
      %dma_start3A_1079 = arith.constant 0 : i32
      %dma_start3A_1080 = tpu.memref_slice %arg9[%dma_start3A_1076, %dma_start3A_1078, %dma_start3A_1079] : memref<8x64x8xf32, #tpu.memory_space<vmem>> -> memref<1x64x8xf32, #tpu.memory_space<vmem>>
      %dma_start3A_1081 = tpu.memref_squeeze %dma_start3A_1080 : memref<1x64x8xf32, #tpu.memory_space<vmem>> -> memref<64x8xf32, #tpu.memory_space<vmem>>
      %dma_start3A_1082 = arith.constant 0 : i32
      %dma_start3A_1083 = tpu.memref_slice %arg7[%add3A_1075, %dma_start3A_1082] : memref<160x64xi32, #tpu.memory_space<vmem>> -> memref<1x64xi32, #tpu.memory_space<vmem>>
      %dma_start3A_1084 = tpu.memref_squeeze %dma_start3A_1083 : memref<1x64xi32, #tpu.memory_space<vmem>> -> memref<64xi32, #tpu.memory_space<vmem>>
      %dma_start3A_1085 = arith.constant 0 : i32
      %dma_start3A_1086 = arith.constant 0 : i32
      %dma_start3A_1087 = tpu.memref_slice %arg11[%dma_start3A_1085, %dma_start3A_1086] : memref<10240x8xf32, #tpu.memory_space<vmem_shared>> -> memref<10240x8xf32, #tpu.memory_space<vmem_shared>>
      %dma_start3A_1088 = tpu.memref_slice %arg12[%dma_start3A_1077] : memref<8x!tpu.dma_semaphore, #tpu.memory_space<semaphore_mem>> -> memref<1x!tpu.dma_semaphore, #tpu.memory_space<semaphore_mem>>
      %dma_start3A_1089 = tpu.memref_squeeze %dma_start3A_1088 : memref<1x!tpu.dma_semaphore, #tpu.memory_space<semaphore_mem>> -> memref<!tpu.dma_semaphore, #tpu.memory_space<semaphore_mem>>
      tpu.enqueue_indirect_dma source(%dma_start3A_1087 : memref<10240x8xf32, #tpu.memory_space<vmem_shared>>) target(%dma_start3A_1081 : memref<64x8xf32, #tpu.memory_space<vmem>>) offsets(%dma_start3A_1084 : memref<64xi32, #tpu.memory_space<vmem>>) semaphore(%dma_start3A_1089 : memref<!tpu.dma_semaphore, #tpu.memory_space<semaphore_mem>>)
      %dma_wait3A_1090 = arith.constant 2 : i32
      %dma_wait3A_1091 = arith.constant 2 : i32
      %dma_wait3A_1092 = arith.constant 0 : i32
      %dma_wait3A_1093 = arith.constant 0 : i32
      %dma_wait3A_1094 = tpu.memref_slice %arg9[%dma_wait3A_1090, %dma_wait3A_1092, %dma_wait3A_1093] : memref<8x64x8xf32, #tpu.memory_space<vmem>> -> memref<1x64x8xf32, #tpu.memory_space<vmem>>
      %dma_wait3A_1095 = tpu.memref_squeeze %dma_wait3A_1094 : memref<1x64x8xf32, #tpu.memory_space<vmem>> -> memref<64x8xf32, #tpu.memory_space<vmem>>
      %dma_wait3A_1096 = arith.constant 0 : i32
      %dma_wait3A_1097 = tpu.memref_slice %arg7[%add3A_1061, %dma_wait3A_1096] : memref<160x64xi32, #tpu.memory_space<vmem>> -> memref<1x64xi32, #tpu.memory_space<vmem>>
      %dma_wait3A_1098 = tpu.memref_squeeze %dma_wait3A_1097 : memref<1x64xi32, #tpu.memory_space<vmem>> -> memref<64xi32, #tpu.memory_space<vmem>>
      %dma_wait3A_1099 = arith.constant 0 : i32
      %dma_wait3A_1100 = arith.constant 0 : i32
      %dma_wait3A_1101 = tpu.memref_slice %arg11[%dma_wait3A_1099, %dma_wait3A_1100] : memref<10240x8xf32, #tpu.memory_space<vmem_shared>> -> memref<10240x8xf32, #tpu.memory_space<vmem_shared>>
      %dma_wait3A_1102 = tpu.memref_slice %arg12[%dma_wait3A_1091] : memref<8x!tpu.dma_semaphore, #tpu.memory_space<semaphore_mem>> -> memref<1x!tpu.dma_semaphore, #tpu.memory_space<semaphore_mem>>
      %dma_wait3A_1103 = tpu.memref_squeeze %dma_wait3A_1102 : memref<1x!tpu.dma_semaphore, #tpu.memory_space<semaphore_mem>> -> memref<!tpu.dma_semaphore, #tpu.memory_space<semaphore_mem>>
      tpu.wait_indirect_dma semaphore(%dma_wait3A_1103 : memref<!tpu.dma_semaphore, #tpu.memory_space<semaphore_mem>>) src(%dma_wait3A_1101 : memref<10240x8xf32, #tpu.memory_space<vmem_shared>>) dst(%dma_wait3A_1095 : memref<64x8xf32, #tpu.memory_space<vmem>>)
      %dma_start3A_1104 = arith.constant 2 : i32
      %dma_start3A_1105 = arith.constant 2 : i32
      %dma_start3A_1106 = arith.constant 0 : i32
      %dma_start3A_1107 = arith.constant 0 : i32
      %dma_start3A_1108 = tpu.memref_slice %arg9[%dma_start3A_1104, %dma_start3A_1106, %dma_start3A_1107] : memref<8x64x8xf32, #tpu.memory_space<vmem>> -> memref<1x64x8xf32, #tpu.memory_space<vmem>>
      %dma_start3A_1109 = tpu.memref_squeeze %dma_start3A_1108 : memref<1x64x8xf32, #tpu.memory_space<vmem>> -> memref<64x8xf32, #tpu.memory_space<vmem>>
      %dma_start3A_1110 = arith.constant 0 : i32
      %dma_start3A_1111 = tpu.memref_slice %arg8[%add3A_1061, %dma_start3A_1110] : memref<160x64xi32, #tpu.memory_space<vmem>> -> memref<1x64xi32, #tpu.memory_space<vmem>>
      %dma_start3A_1112 = tpu.memref_squeeze %dma_start3A_1111 : memref<1x64xi32, #tpu.memory_space<vmem>> -> memref<64xi32, #tpu.memory_space<vmem>>
      %dma_start3A_1113 = arith.constant 0 : i32
      %dma_start3A_1114 = arith.constant 0 : i32
      %dma_start3A_1115 = tpu.memref_slice %arg10[%dma_start3A_1113, %dma_start3A_1114] : memref<10240x8xf32, #tpu.memory_space<vmem_shared>> -> memref<10240x8xf32, #tpu.memory_space<vmem_shared>>
      %dma_start3A_1116 = tpu.memref_slice %arg13[%dma_start3A_1105] : memref<8x!tpu.dma_semaphore, #tpu.memory_space<semaphore_mem>> -> memref<1x!tpu.dma_semaphore, #tpu.memory_space<semaphore_mem>>
      %dma_start3A_1117 = tpu.memref_squeeze %dma_start3A_1116 : memref<1x!tpu.dma_semaphore, #tpu.memory_space<semaphore_mem>> -> memref<!tpu.dma_semaphore, #tpu.memory_space<semaphore_mem>>
      tpu.enqueue_indirect_dma source(%dma_start3A_1109 : memref<64x8xf32, #tpu.memory_space<vmem>>) target(%dma_start3A_1115 : memref<10240x8xf32, #tpu.memory_space<vmem_shared>>) offsets(%dma_start3A_1112 : memref<64xi32, #tpu.memory_space<vmem>>) semaphore(%dma_start3A_1117 : memref<!tpu.dma_semaphore, #tpu.memory_space<semaphore_mem>>) {add = true}
      %mul3A_1118 = arith.constant 8 : i32
      %mul3A_1119 = arith.muli %scan3A_937, %mul3A_1118 : i32
      %add3A_1120 = arith.constant 3 : i32
      %add3A_1121 = arith.addi %mul3A_1119, %add3A_1120 : i32
      %dma_wait3A_1122 = arith.constant 7 : i32
      %dma_wait3A_1123 = arith.constant 7 : i32
      %dma_wait3A_1124 = arith.constant 0 : i32
      %dma_wait3A_1125 = arith.constant 0 : i32
      %dma_wait3A_1126 = tpu.memref_slice %arg9[%dma_wait3A_1122, %dma_wait3A_1124, %dma_wait3A_1125] : memref<8x64x8xf32, #tpu.memory_space<vmem>> -> memref<1x64x8xf32, #tpu.memory_space<vmem>>
      %dma_wait3A_1127 = tpu.memref_squeeze %dma_wait3A_1126 : memref<1x64x8xf32, #tpu.memory_space<vmem>> -> memref<64x8xf32, #tpu.memory_space<vmem>>
      %dma_wait3A_1128 = tpu.memref_slice %arg13[%dma_wait3A_1123] : memref<8x!tpu.dma_semaphore, #tpu.memory_space<semaphore_mem>> -> memref<1x!tpu.dma_semaphore, #tpu.memory_space<semaphore_mem>>
      %dma_wait3A_1129 = tpu.memref_squeeze %dma_wait3A_1128 : memref<1x!tpu.dma_semaphore, #tpu.memory_space<semaphore_mem>> -> memref<!tpu.dma_semaphore, #tpu.memory_space<semaphore_mem>>
      %dma_wait3A_1130 = arith.constant 0 : i32
      %dma_wait3A_1131 = arith.constant 0 : i32
      %dma_wait3A_1132 = tpu.memref_slice %arg9[%dma_wait3A_1122, %dma_wait3A_1130, %dma_wait3A_1131] : memref<8x64x8xf32, #tpu.memory_space<vmem>> -> memref<1x64x8xf32, #tpu.memory_space<vmem>>
      %dma_wait3A_1133 = tpu.memref_squeeze %dma_wait3A_1132 : memref<1x64x8xf32, #tpu.memory_space<vmem>> -> memref<64x8xf32, #tpu.memory_space<vmem>>
      tpu.wait_dma2 semaphore(%dma_wait3A_1129 : memref<!tpu.dma_semaphore, #tpu.memory_space<semaphore_mem>>) src(%arg5 : memref<64x8xf32, #tpu.memory_space<hbm>>) dst(%dma_wait3A_1133 : memref<64x8xf32, #tpu.memory_space<vmem>>)
      %add3A_1134 = arith.constant 4 : i32
      %add3A_1135 = arith.addi %add3A_1121, %add3A_1134 : i32
      %dma_start3A_1136 = arith.constant 7 : i32
      %dma_start3A_1137 = arith.constant 7 : i32
      %dma_start3A_1138 = arith.constant 0 : i32
      %dma_start3A_1139 = arith.constant 0 : i32
      %dma_start3A_1140 = tpu.memref_slice %arg9[%dma_start3A_1136, %dma_start3A_1138, %dma_start3A_1139] : memref<8x64x8xf32, #tpu.memory_space<vmem>> -> memref<1x64x8xf32, #tpu.memory_space<vmem>>
      %dma_start3A_1141 = tpu.memref_squeeze %dma_start3A_1140 : memref<1x64x8xf32, #tpu.memory_space<vmem>> -> memref<64x8xf32, #tpu.memory_space<vmem>>
      %dma_start3A_1142 = arith.constant 0 : i32
      %dma_start3A_1143 = tpu.memref_slice %arg7[%add3A_1135, %dma_start3A_1142] : memref<160x64xi32, #tpu.memory_space<vmem>> -> memref<1x64xi32, #tpu.memory_space<vmem>>
      %dma_start3A_1144 = tpu.memref_squeeze %dma_start3A_1143 : memref<1x64xi32, #tpu.memory_space<vmem>> -> memref<64xi32, #tpu.memory_space<vmem>>
      %dma_start3A_1145 = arith.constant 0 : i32
      %dma_start3A_1146 = arith.constant 0 : i32
      %dma_start3A_1147 = tpu.memref_slice %arg11[%dma_start3A_1145, %dma_start3A_1146] : memref<10240x8xf32, #tpu.memory_space<vmem_shared>> -> memref<10240x8xf32, #tpu.memory_space<vmem_shared>>
      %dma_start3A_1148 = tpu.memref_slice %arg12[%dma_start3A_1137] : memref<8x!tpu.dma_semaphore, #tpu.memory_space<semaphore_mem>> -> memref<1x!tpu.dma_semaphore, #tpu.memory_space<semaphore_mem>>
      %dma_start3A_1149 = tpu.memref_squeeze %dma_start3A_1148 : memref<1x!tpu.dma_semaphore, #tpu.memory_space<semaphore_mem>> -> memref<!tpu.dma_semaphore, #tpu.memory_space<semaphore_mem>>
      tpu.enqueue_indirect_dma source(%dma_start3A_1147 : memref<10240x8xf32, #tpu.memory_space<vmem_shared>>) target(%dma_start3A_1141 : memref<64x8xf32, #tpu.memory_space<vmem>>) offsets(%dma_start3A_1144 : memref<64xi32, #tpu.memory_space<vmem>>) semaphore(%dma_start3A_1149 : memref<!tpu.dma_semaphore, #tpu.memory_space<semaphore_mem>>)
      %dma_wait3A_1150 = arith.constant 3 : i32
      %dma_wait3A_1151 = arith.constant 3 : i32
      %dma_wait3A_1152 = arith.constant 0 : i32
      %dma_wait3A_1153 = arith.constant 0 : i32
      %dma_wait3A_1154 = tpu.memref_slice %arg9[%dma_wait3A_1150, %dma_wait3A_1152, %dma_wait3A_1153] : memref<8x64x8xf32, #tpu.memory_space<vmem>> -> memref<1x64x8xf32, #tpu.memory_space<vmem>>
      %dma_wait3A_1155 = tpu.memref_squeeze %dma_wait3A_1154 : memref<1x64x8xf32, #tpu.memory_space<vmem>> -> memref<64x8xf32, #tpu.memory_space<vmem>>
      %dma_wait3A_1156 = arith.constant 0 : i32
      %dma_wait3A_1157 = tpu.memref_slice %arg7[%add3A_1121, %dma_wait3A_1156] : memref<160x64xi32, #tpu.memory_space<vmem>> -> memref<1x64xi32, #tpu.memory_space<vmem>>
      %dma_wait3A_1158 = tpu.memref_squeeze %dma_wait3A_1157 : memref<1x64xi32, #tpu.memory_space<vmem>> -> memref<64xi32, #tpu.memory_space<vmem>>
      %dma_wait3A_1159 = arith.constant 0 : i32
      %dma_wait3A_1160 = arith.constant 0 : i32
      %dma_wait3A_1161 = tpu.memref_slice %arg11[%dma_wait3A_1159, %dma_wait3A_1160] : memref<10240x8xf32, #tpu.memory_space<vmem_shared>> -> memref<10240x8xf32, #tpu.memory_space<vmem_shared>>
      %dma_wait3A_1162 = tpu.memref_slice %arg12[%dma_wait3A_1151] : memref<8x!tpu.dma_semaphore, #tpu.memory_space<semaphore_mem>> -> memref<1x!tpu.dma_semaphore, #tpu.memory_space<semaphore_mem>>
      %dma_wait3A_1163 = tpu.memref_squeeze %dma_wait3A_1162 : memref<1x!tpu.dma_semaphore, #tpu.memory_space<semaphore_mem>> -> memref<!tpu.dma_semaphore, #tpu.memory_space<semaphore_mem>>
      tpu.wait_indirect_dma semaphore(%dma_wait3A_1163 : memref<!tpu.dma_semaphore, #tpu.memory_space<semaphore_mem>>) src(%dma_wait3A_1161 : memref<10240x8xf32, #tpu.memory_space<vmem_shared>>) dst(%dma_wait3A_1155 : memref<64x8xf32, #tpu.memory_space<vmem>>)
      %dma_start3A_1164 = arith.constant 3 : i32
      %dma_start3A_1165 = arith.constant 3 : i32
      %dma_start3A_1166 = arith.constant 0 : i32
      %dma_start3A_1167 = arith.constant 0 : i32
      %dma_start3A_1168 = tpu.memref_slice %arg9[%dma_start3A_1164, %dma_start3A_1166, %dma_start3A_1167] : memref<8x64x8xf32, #tpu.memory_space<vmem>> -> memref<1x64x8xf32, #tpu.memory_space<vmem>>
      %dma_start3A_1169 = tpu.memref_squeeze %dma_start3A_1168 : memref<1x64x8xf32, #tpu.memory_space<vmem>> -> memref<64x8xf32, #tpu.memory_space<vmem>>
      %dma_start3A_1170 = arith.constant 0 : i32
      %dma_start3A_1171 = tpu.memref_slice %arg8[%add3A_1121, %dma_start3A_1170] : memref<160x64xi32, #tpu.memory_space<vmem>> -> memref<1x64xi32, #tpu.memory_space<vmem>>
      %dma_start3A_1172 = tpu.memref_squeeze %dma_start3A_1171 : memref<1x64xi32, #tpu.memory_space<vmem>> -> memref<64xi32, #tpu.memory_space<vmem>>
      %dma_start3A_1173 = arith.constant 0 : i32
      %dma_start3A_1174 = arith.constant 0 : i32
      %dma_start3A_1175 = tpu.memref_slice %arg10[%dma_start3A_1173, %dma_start3A_1174] : memref<10240x8xf32, #tpu.memory_space<vmem_shared>> -> memref<10240x8xf32, #tpu.memory_space<vmem_shared>>
      %dma_start3A_1176 = tpu.memref_slice %arg13[%dma_start3A_1165] : memref<8x!tpu.dma_semaphore, #tpu.memory_space<semaphore_mem>> -> memref<1x!tpu.dma_semaphore, #tpu.memory_space<semaphore_mem>>
      %dma_start3A_1177 = tpu.memref_squeeze %dma_start3A_1176 : memref<1x!tpu.dma_semaphore, #tpu.memory_space<semaphore_mem>> -> memref<!tpu.dma_semaphore, #tpu.memory_space<semaphore_mem>>
      tpu.enqueue_indirect_dma source(%dma_start3A_1169 : memref<64x8xf32, #tpu.memory_space<vmem>>) target(%dma_start3A_1175 : memref<10240x8xf32, #tpu.memory_space<vmem_shared>>) offsets(%dma_start3A_1172 : memref<64xi32, #tpu.memory_space<vmem>>) semaphore(%dma_start3A_1177 : memref<!tpu.dma_semaphore, #tpu.memory_space<semaphore_mem>>) {add = true}
      %mul3A_1178 = arith.constant 8 : i32
      %mul3A_1179 = arith.muli %scan3A_937, %mul3A_1178 : i32
      %add3A_1180 = arith.constant 4 : i32
      %add3A_1181 = arith.addi %mul3A_1179, %add3A_1180 : i32
      %dma_wait3A_1182 = arith.constant 0 : i32
      %dma_wait3A_1183 = arith.constant 0 : i32
      %dma_wait3A_1184 = arith.constant 0 : i32
      %dma_wait3A_1185 = arith.constant 0 : i32
      %dma_wait3A_1186 = tpu.memref_slice %arg9[%dma_wait3A_1182, %dma_wait3A_1184, %dma_wait3A_1185] : memref<8x64x8xf32, #tpu.memory_space<vmem>> -> memref<1x64x8xf32, #tpu.memory_space<vmem>>
      %dma_wait3A_1187 = tpu.memref_squeeze %dma_wait3A_1186 : memref<1x64x8xf32, #tpu.memory_space<vmem>> -> memref<64x8xf32, #tpu.memory_space<vmem>>
      %dma_wait3A_1188 = tpu.memref_slice %arg13[%dma_wait3A_1183] : memref<8x!tpu.dma_semaphore, #tpu.memory_space<semaphore_mem>> -> memref<1x!tpu.dma_semaphore, #tpu.memory_space<semaphore_mem>>
      %dma_wait3A_1189 = tpu.memref_squeeze %dma_wait3A_1188 : memref<1x!tpu.dma_semaphore, #tpu.memory_space<semaphore_mem>> -> memref<!tpu.dma_semaphore, #tpu.memory_space<semaphore_mem>>
      %dma_wait3A_1190 = arith.constant 0 : i32
      %dma_wait3A_1191 = arith.constant 0 : i32
      %dma_wait3A_1192 = tpu.memref_slice %arg9[%dma_wait3A_1182, %dma_wait3A_1190, %dma_wait3A_1191] : memref<8x64x8xf32, #tpu.memory_space<vmem>> -> memref<1x64x8xf32, #tpu.memory_space<vmem>>
      %dma_wait3A_1193 = tpu.memref_squeeze %dma_wait3A_1192 : memref<1x64x8xf32, #tpu.memory_space<vmem>> -> memref<64x8xf32, #tpu.memory_space<vmem>>
      tpu.wait_dma2 semaphore(%dma_wait3A_1189 : memref<!tpu.dma_semaphore, #tpu.memory_space<semaphore_mem>>) src(%arg5 : memref<64x8xf32, #tpu.memory_space<hbm>>) dst(%dma_wait3A_1193 : memref<64x8xf32, #tpu.memory_space<vmem>>)
      %add3A_1194 = arith.constant 4 : i32
      %add3A_1195 = arith.addi %add3A_1181, %add3A_1194 : i32
      %dma_start3A_1196 = arith.constant 0 : i32
      %dma_start3A_1197 = arith.constant 0 : i32
      %dma_start3A_1198 = arith.constant 0 : i32
      %dma_start3A_1199 = arith.constant 0 : i32
      %dma_start3A_1200 = tpu.memref_slice %arg9[%dma_start3A_1196, %dma_start3A_1198, %dma_start3A_1199] : memref<8x64x8xf32, #tpu.memory_space<vmem>> -> memref<1x64x8xf32, #tpu.memory_space<vmem>>
      %dma_start3A_1201 = tpu.memref_squeeze %dma_start3A_1200 : memref<1x64x8xf32, #tpu.memory_space<vmem>> -> memref<64x8xf32, #tpu.memory_space<vmem>>
      %dma_start3A_1202 = arith.constant 0 : i32
      %dma_start3A_1203 = tpu.memref_slice %arg7[%add3A_1195, %dma_start3A_1202] : memref<160x64xi32, #tpu.memory_space<vmem>> -> memref<1x64xi32, #tpu.memory_space<vmem>>
      %dma_start3A_1204 = tpu.memref_squeeze %dma_start3A_1203 : memref<1x64xi32, #tpu.memory_space<vmem>> -> memref<64xi32, #tpu.memory_space<vmem>>
      %dma_start3A_1205 = arith.constant 0 : i32
      %dma_start3A_1206 = arith.constant 0 : i32
      %dma_start3A_1207 = tpu.memref_slice %arg11[%dma_start3A_1205, %dma_start3A_1206] : memref<10240x8xf32, #tpu.memory_space<vmem_shared>> -> memref<10240x8xf32, #tpu.memory_space<vmem_shared>>
      %dma_start3A_1208 = tpu.memref_slice %arg12[%dma_start3A_1197] : memref<8x!tpu.dma_semaphore, #tpu.memory_space<semaphore_mem>> -> memref<1x!tpu.dma_semaphore, #tpu.memory_space<semaphore_mem>>
      %dma_start3A_1209 = tpu.memref_squeeze %dma_start3A_1208 : memref<1x!tpu.dma_semaphore, #tpu.memory_space<semaphore_mem>> -> memref<!tpu.dma_semaphore, #tpu.memory_space<semaphore_mem>>
      tpu.enqueue_indirect_dma source(%dma_start3A_1207 : memref<10240x8xf32, #tpu.memory_space<vmem_shared>>) target(%dma_start3A_1201 : memref<64x8xf32, #tpu.memory_space<vmem>>) offsets(%dma_start3A_1204 : memref<64xi32, #tpu.memory_space<vmem>>) semaphore(%dma_start3A_1209 : memref<!tpu.dma_semaphore, #tpu.memory_space<semaphore_mem>>)
      %dma_wait3A_1210 = arith.constant 4 : i32
      %dma_wait3A_1211 = arith.constant 4 : i32
      %dma_wait3A_1212 = arith.constant 0 : i32
      %dma_wait3A_1213 = arith.constant 0 : i32
      %dma_wait3A_1214 = tpu.memref_slice %arg9[%dma_wait3A_1210, %dma_wait3A_1212, %dma_wait3A_1213] : memref<8x64x8xf32, #tpu.memory_space<vmem>> -> memref<1x64x8xf32, #tpu.memory_space<vmem>>
      %dma_wait3A_1215 = tpu.memref_squeeze %dma_wait3A_1214 : memref<1x64x8xf32, #tpu.memory_space<vmem>> -> memref<64x8xf32, #tpu.memory_space<vmem>>
      %dma_wait3A_1216 = arith.constant 0 : i32
      %dma_wait3A_1217 = tpu.memref_slice %arg7[%add3A_1181, %dma_wait3A_1216] : memref<160x64xi32, #tpu.memory_space<vmem>> -> memref<1x64xi32, #tpu.memory_space<vmem>>
      %dma_wait3A_1218 = tpu.memref_squeeze %dma_wait3A_1217 : memref<1x64xi32, #tpu.memory_space<vmem>> -> memref<64xi32, #tpu.memory_space<vmem>>
      %dma_wait3A_1219 = arith.constant 0 : i32
      %dma_wait3A_1220 = arith.constant 0 : i32
      %dma_wait3A_1221 = tpu.memref_slice %arg11[%dma_wait3A_1219, %dma_wait3A_1220] : memref<10240x8xf32, #tpu.memory_space<vmem_shared>> -> memref<10240x8xf32, #tpu.memory_space<vmem_shared>>
      %dma_wait3A_1222 = tpu.memref_slice %arg12[%dma_wait3A_1211] : memref<8x!tpu.dma_semaphore, #tpu.memory_space<semaphore_mem>> -> memref<1x!tpu.dma_semaphore, #tpu.memory_space<semaphore_mem>>
      %dma_wait3A_1223 = tpu.memref_squeeze %dma_wait3A_1222 : memref<1x!tpu.dma_semaphore, #tpu.memory_space<semaphore_mem>> -> memref<!tpu.dma_semaphore, #tpu.memory_space<semaphore_mem>>
      tpu.wait_indirect_dma semaphore(%dma_wait3A_1223 : memref<!tpu.dma_semaphore, #tpu.memory_space<semaphore_mem>>) src(%dma_wait3A_1221 : memref<10240x8xf32, #tpu.memory_space<vmem_shared>>) dst(%dma_wait3A_1215 : memref<64x8xf32, #tpu.memory_space<vmem>>)
      %dma_start3A_1224 = arith.constant 4 : i32
      %dma_start3A_1225 = arith.constant 4 : i32
      %dma_start3A_1226 = arith.constant 0 : i32
      %dma_start3A_1227 = arith.constant 0 : i32
      %dma_start3A_1228 = tpu.memref_slice %arg9[%dma_start3A_1224, %dma_start3A_1226, %dma_start3A_1227] : memref<8x64x8xf32, #tpu.memory_space<vmem>> -> memref<1x64x8xf32, #tpu.memory_space<vmem>>
      %dma_start3A_1229 = tpu.memref_squeeze %dma_start3A_1228 : memref<1x64x8xf32, #tpu.memory_space<vmem>> -> memref<64x8xf32, #tpu.memory_space<vmem>>
      %dma_start3A_1230 = arith.constant 0 : i32
      %dma_start3A_1231 = tpu.memref_slice %arg8[%add3A_1181, %dma_start3A_1230] : memref<160x64xi32, #tpu.memory_space<vmem>> -> memref<1x64xi32, #tpu.memory_space<vmem>>
      %dma_start3A_1232 = tpu.memref_squeeze %dma_start3A_1231 : memref<1x64xi32, #tpu.memory_space<vmem>> -> memref<64xi32, #tpu.memory_space<vmem>>
      %dma_start3A_1233 = arith.constant 0 : i32
      %dma_start3A_1234 = arith.constant 0 : i32
      %dma_start3A_1235 = tpu.memref_slice %arg10[%dma_start3A_1233, %dma_start3A_1234] : memref<10240x8xf32, #tpu.memory_space<vmem_shared>> -> memref<10240x8xf32, #tpu.memory_space<vmem_shared>>
      %dma_start3A_1236 = tpu.memref_slice %arg13[%dma_start3A_1225] : memref<8x!tpu.dma_semaphore, #tpu.memory_space<semaphore_mem>> -> memref<1x!tpu.dma_semaphore, #tpu.memory_space<semaphore_mem>>
      %dma_start3A_1237 = tpu.memref_squeeze %dma_start3A_1236 : memref<1x!tpu.dma_semaphore, #tpu.memory_space<semaphore_mem>> -> memref<!tpu.dma_semaphore, #tpu.memory_space<semaphore_mem>>
      tpu.enqueue_indirect_dma source(%dma_start3A_1229 : memref<64x8xf32, #tpu.memory_space<vmem>>) target(%dma_start3A_1235 : memref<10240x8xf32, #tpu.memory_space<vmem_shared>>) offsets(%dma_start3A_1232 : memref<64xi32, #tpu.memory_space<vmem>>) semaphore(%dma_start3A_1237 : memref<!tpu.dma_semaphore, #tpu.memory_space<semaphore_mem>>) {add = true}
      %mul3A_1238 = arith.constant 8 : i32
      %mul3A_1239 = arith.muli %scan3A_937, %mul3A_1238 : i32
      %add3A_1240 = arith.constant 5 : i32
      %add3A_1241 = arith.addi %mul3A_1239, %add3A_1240 : i32
      %dma_wait3A_1242 = arith.constant 1 : i32
      %dma_wait3A_1243 = arith.constant 1 : i32
      %dma_wait3A_1244 = arith.constant 0 : i32
      %dma_wait3A_1245 = arith.constant 0 : i32
      %dma_wait3A_1246 = tpu.memref_slice %arg9[%dma_wait3A_1242, %dma_wait3A_1244, %dma_wait3A_1245] : memref<8x64x8xf32, #tpu.memory_space<vmem>> -> memref<1x64x8xf32, #tpu.memory_space<vmem>>
      %dma_wait3A_1247 = tpu.memref_squeeze %dma_wait3A_1246 : memref<1x64x8xf32, #tpu.memory_space<vmem>> -> memref<64x8xf32, #tpu.memory_space<vmem>>
      %dma_wait3A_1248 = tpu.memref_slice %arg13[%dma_wait3A_1243] : memref<8x!tpu.dma_semaphore, #tpu.memory_space<semaphore_mem>> -> memref<1x!tpu.dma_semaphore, #tpu.memory_space<semaphore_mem>>
      %dma_wait3A_1249 = tpu.memref_squeeze %dma_wait3A_1248 : memref<1x!tpu.dma_semaphore, #tpu.memory_space<semaphore_mem>> -> memref<!tpu.dma_semaphore, #tpu.memory_space<semaphore_mem>>
      %dma_wait3A_1250 = arith.constant 0 : i32
      %dma_wait3A_1251 = arith.constant 0 : i32
      %dma_wait3A_1252 = tpu.memref_slice %arg9[%dma_wait3A_1242, %dma_wait3A_1250, %dma_wait3A_1251] : memref<8x64x8xf32, #tpu.memory_space<vmem>> -> memref<1x64x8xf32, #tpu.memory_space<vmem>>
      %dma_wait3A_1253 = tpu.memref_squeeze %dma_wait3A_1252 : memref<1x64x8xf32, #tpu.memory_space<vmem>> -> memref<64x8xf32, #tpu.memory_space<vmem>>
      tpu.wait_dma2 semaphore(%dma_wait3A_1249 : memref<!tpu.dma_semaphore, #tpu.memory_space<semaphore_mem>>) src(%arg5 : memref<64x8xf32, #tpu.memory_space<hbm>>) dst(%dma_wait3A_1253 : memref<64x8xf32, #tpu.memory_space<vmem>>)
      %add3A_1254 = arith.constant 4 : i32
      %add3A_1255 = arith.addi %add3A_1241, %add3A_1254 : i32
      %dma_start3A_1256 = arith.constant 1 : i32
      %dma_start3A_1257 = arith.constant 1 : i32
      %dma_start3A_1258 = arith.constant 0 : i32
      %dma_start3A_1259 = arith.constant 0 : i32
      %dma_start3A_1260 = tpu.memref_slice %arg9[%dma_start3A_1256, %dma_start3A_1258, %dma_start3A_1259] : memref<8x64x8xf32, #tpu.memory_space<vmem>> -> memref<1x64x8xf32, #tpu.memory_space<vmem>>
      %dma_start3A_1261 = tpu.memref_squeeze %dma_start3A_1260 : memref<1x64x8xf32, #tpu.memory_space<vmem>> -> memref<64x8xf32, #tpu.memory_space<vmem>>
      %dma_start3A_1262 = arith.constant 0 : i32
      %dma_start3A_1263 = tpu.memref_slice %arg7[%add3A_1255, %dma_start3A_1262] : memref<160x64xi32, #tpu.memory_space<vmem>> -> memref<1x64xi32, #tpu.memory_space<vmem>>
      %dma_start3A_1264 = tpu.memref_squeeze %dma_start3A_1263 : memref<1x64xi32, #tpu.memory_space<vmem>> -> memref<64xi32, #tpu.memory_space<vmem>>
      %dma_start3A_1265 = arith.constant 0 : i32
      %dma_start3A_1266 = arith.constant 0 : i32
      %dma_start3A_1267 = tpu.memref_slice %arg11[%dma_start3A_1265, %dma_start3A_1266] : memref<10240x8xf32, #tpu.memory_space<vmem_shared>> -> memref<10240x8xf32, #tpu.memory_space<vmem_shared>>
      %dma_start3A_1268 = tpu.memref_slice %arg12[%dma_start3A_1257] : memref<8x!tpu.dma_semaphore, #tpu.memory_space<semaphore_mem>> -> memref<1x!tpu.dma_semaphore, #tpu.memory_space<semaphore_mem>>
      %dma_start3A_1269 = tpu.memref_squeeze %dma_start3A_1268 : memref<1x!tpu.dma_semaphore, #tpu.memory_space<semaphore_mem>> -> memref<!tpu.dma_semaphore, #tpu.memory_space<semaphore_mem>>
      tpu.enqueue_indirect_dma source(%dma_start3A_1267 : memref<10240x8xf32, #tpu.memory_space<vmem_shared>>) target(%dma_start3A_1261 : memref<64x8xf32, #tpu.memory_space<vmem>>) offsets(%dma_start3A_1264 : memref<64xi32, #tpu.memory_space<vmem>>) semaphore(%dma_start3A_1269 : memref<!tpu.dma_semaphore, #tpu.memory_space<semaphore_mem>>)
      %dma_wait3A_1270 = arith.constant 5 : i32
      %dma_wait3A_1271 = arith.constant 5 : i32
      %dma_wait3A_1272 = arith.constant 0 : i32
      %dma_wait3A_1273 = arith.constant 0 : i32
      %dma_wait3A_1274 = tpu.memref_slice %arg9[%dma_wait3A_1270, %dma_wait3A_1272, %dma_wait3A_1273] : memref<8x64x8xf32, #tpu.memory_space<vmem>> -> memref<1x64x8xf32, #tpu.memory_space<vmem>>
      %dma_wait3A_1275 = tpu.memref_squeeze %dma_wait3A_1274 : memref<1x64x8xf32, #tpu.memory_space<vmem>> -> memref<64x8xf32, #tpu.memory_space<vmem>>
      %dma_wait3A_1276 = arith.constant 0 : i32
      %dma_wait3A_1277 = tpu.memref_slice %arg7[%add3A_1241, %dma_wait3A_1276] : memref<160x64xi32, #tpu.memory_space<vmem>> -> memref<1x64xi32, #tpu.memory_space<vmem>>
      %dma_wait3A_1278 = tpu.memref_squeeze %dma_wait3A_1277 : memref<1x64xi32, #tpu.memory_space<vmem>> -> memref<64xi32, #tpu.memory_space<vmem>>
      %dma_wait3A_1279 = arith.constant 0 : i32
      %dma_wait3A_1280 = arith.constant 0 : i32
      %dma_wait3A_1281 = tpu.memref_slice %arg11[%dma_wait3A_1279, %dma_wait3A_1280] : memref<10240x8xf32, #tpu.memory_space<vmem_shared>> -> memref<10240x8xf32, #tpu.memory_space<vmem_shared>>
      %dma_wait3A_1282 = tpu.memref_slice %arg12[%dma_wait3A_1271] : memref<8x!tpu.dma_semaphore, #tpu.memory_space<semaphore_mem>> -> memref<1x!tpu.dma_semaphore, #tpu.memory_space<semaphore_mem>>
      %dma_wait3A_1283 = tpu.memref_squeeze %dma_wait3A_1282 : memref<1x!tpu.dma_semaphore, #tpu.memory_space<semaphore_mem>> -> memref<!tpu.dma_semaphore, #tpu.memory_space<semaphore_mem>>
      tpu.wait_indirect_dma semaphore(%dma_wait3A_1283 : memref<!tpu.dma_semaphore, #tpu.memory_space<semaphore_mem>>) src(%dma_wait3A_1281 : memref<10240x8xf32, #tpu.memory_space<vmem_shared>>) dst(%dma_wait3A_1275 : memref<64x8xf32, #tpu.memory_space<vmem>>)
      %dma_start3A_1284 = arith.constant 5 : i32
      %dma_start3A_1285 = arith.constant 5 : i32
      %dma_start3A_1286 = arith.constant 0 : i32
      %dma_start3A_1287 = arith.constant 0 : i32
      %dma_start3A_1288 = tpu.memref_slice %arg9[%dma_start3A_1284, %dma_start3A_1286, %dma_start3A_1287] : memref<8x64x8xf32, #tpu.memory_space<vmem>> -> memref<1x64x8xf32, #tpu.memory_space<vmem>>
      %dma_start3A_1289 = tpu.memref_squeeze %dma_start3A_1288 : memref<1x64x8xf32, #tpu.memory_space<vmem>> -> memref<64x8xf32, #tpu.memory_space<vmem>>
      %dma_start3A_1290 = arith.constant 0 : i32
      %dma_start3A_1291 = tpu.memref_slice %arg8[%add3A_1241, %dma_start3A_1290] : memref<160x64xi32, #tpu.memory_space<vmem>> -> memref<1x64xi32, #tpu.memory_space<vmem>>
      %dma_start3A_1292 = tpu.memref_squeeze %dma_start3A_1291 : memref<1x64xi32, #tpu.memory_space<vmem>> -> memref<64xi32, #tpu.memory_space<vmem>>
      %dma_start3A_1293 = arith.constant 0 : i32
      %dma_start3A_1294 = arith.constant 0 : i32
      %dma_start3A_1295 = tpu.memref_slice %arg10[%dma_start3A_1293, %dma_start3A_1294] : memref<10240x8xf32, #tpu.memory_space<vmem_shared>> -> memref<10240x8xf32, #tpu.memory_space<vmem_shared>>
      %dma_start3A_1296 = tpu.memref_slice %arg13[%dma_start3A_1285] : memref<8x!tpu.dma_semaphore, #tpu.memory_space<semaphore_mem>> -> memref<1x!tpu.dma_semaphore, #tpu.memory_space<semaphore_mem>>
      %dma_start3A_1297 = tpu.memref_squeeze %dma_start3A_1296 : memref<1x!tpu.dma_semaphore, #tpu.memory_space<semaphore_mem>> -> memref<!tpu.dma_semaphore, #tpu.memory_space<semaphore_mem>>
      tpu.enqueue_indirect_dma source(%dma_start3A_1289 : memref<64x8xf32, #tpu.memory_space<vmem>>) target(%dma_start3A_1295 : memref<10240x8xf32, #tpu.memory_space<vmem_shared>>) offsets(%dma_start3A_1292 : memref<64xi32, #tpu.memory_space<vmem>>) semaphore(%dma_start3A_1297 : memref<!tpu.dma_semaphore, #tpu.memory_space<semaphore_mem>>) {add = true}
      %mul3A_1298 = arith.constant 8 : i32
      %mul3A_1299 = arith.muli %scan3A_937, %mul3A_1298 : i32
      %add3A_1300 = arith.constant 6 : i32
      %add3A_1301 = arith.addi %mul3A_1299, %add3A_1300 : i32
      %dma_wait3A_1302 = arith.constant 2 : i32
      %dma_wait3A_1303 = arith.constant 2 : i32
      %dma_wait3A_1304 = arith.constant 0 : i32
      %dma_wait3A_1305 = arith.constant 0 : i32
      %dma_wait3A_1306 = tpu.memref_slice %arg9[%dma_wait3A_1302, %dma_wait3A_1304, %dma_wait3A_1305] : memref<8x64x8xf32, #tpu.memory_space<vmem>> -> memref<1x64x8xf32, #tpu.memory_space<vmem>>
      %dma_wait3A_1307 = tpu.memref_squeeze %dma_wait3A_1306 : memref<1x64x8xf32, #tpu.memory_space<vmem>> -> memref<64x8xf32, #tpu.memory_space<vmem>>
      %dma_wait3A_1308 = tpu.memref_slice %arg13[%dma_wait3A_1303] : memref<8x!tpu.dma_semaphore, #tpu.memory_space<semaphore_mem>> -> memref<1x!tpu.dma_semaphore, #tpu.memory_space<semaphore_mem>>
      %dma_wait3A_1309 = tpu.memref_squeeze %dma_wait3A_1308 : memref<1x!tpu.dma_semaphore, #tpu.memory_space<semaphore_mem>> -> memref<!tpu.dma_semaphore, #tpu.memory_space<semaphore_mem>>
      %dma_wait3A_1310 = arith.constant 0 : i32
      %dma_wait3A_1311 = arith.constant 0 : i32
      %dma_wait3A_1312 = tpu.memref_slice %arg9[%dma_wait3A_1302, %dma_wait3A_1310, %dma_wait3A_1311] : memref<8x64x8xf32, #tpu.memory_space<vmem>> -> memref<1x64x8xf32, #tpu.memory_space<vmem>>
      %dma_wait3A_1313 = tpu.memref_squeeze %dma_wait3A_1312 : memref<1x64x8xf32, #tpu.memory_space<vmem>> -> memref<64x8xf32, #tpu.memory_space<vmem>>
      tpu.wait_dma2 semaphore(%dma_wait3A_1309 : memref<!tpu.dma_semaphore, #tpu.memory_space<semaphore_mem>>) src(%arg5 : memref<64x8xf32, #tpu.memory_space<hbm>>) dst(%dma_wait3A_1313 : memref<64x8xf32, #tpu.memory_space<vmem>>)
      %add3A_1314 = arith.constant 4 : i32
      %add3A_1315 = arith.addi %add3A_1301, %add3A_1314 : i32
      %dma_start3A_1316 = arith.constant 2 : i32
      %dma_start3A_1317 = arith.constant 2 : i32
      %dma_start3A_1318 = arith.constant 0 : i32
      %dma_start3A_1319 = arith.constant 0 : i32
      %dma_start3A_1320 = tpu.memref_slice %arg9[%dma_start3A_1316, %dma_start3A_1318, %dma_start3A_1319] : memref<8x64x8xf32, #tpu.memory_space<vmem>> -> memref<1x64x8xf32, #tpu.memory_space<vmem>>
      %dma_start3A_1321 = tpu.memref_squeeze %dma_start3A_1320 : memref<1x64x8xf32, #tpu.memory_space<vmem>> -> memref<64x8xf32, #tpu.memory_space<vmem>>
      %dma_start3A_1322 = arith.constant 0 : i32
      %dma_start3A_1323 = tpu.memref_slice %arg7[%add3A_1315, %dma_start3A_1322] : memref<160x64xi32, #tpu.memory_space<vmem>> -> memref<1x64xi32, #tpu.memory_space<vmem>>
      %dma_start3A_1324 = tpu.memref_squeeze %dma_start3A_1323 : memref<1x64xi32, #tpu.memory_space<vmem>> -> memref<64xi32, #tpu.memory_space<vmem>>
      %dma_start3A_1325 = arith.constant 0 : i32
      %dma_start3A_1326 = arith.constant 0 : i32
      %dma_start3A_1327 = tpu.memref_slice %arg11[%dma_start3A_1325, %dma_start3A_1326] : memref<10240x8xf32, #tpu.memory_space<vmem_shared>> -> memref<10240x8xf32, #tpu.memory_space<vmem_shared>>
      %dma_start3A_1328 = tpu.memref_slice %arg12[%dma_start3A_1317] : memref<8x!tpu.dma_semaphore, #tpu.memory_space<semaphore_mem>> -> memref<1x!tpu.dma_semaphore, #tpu.memory_space<semaphore_mem>>
      %dma_start3A_1329 = tpu.memref_squeeze %dma_start3A_1328 : memref<1x!tpu.dma_semaphore, #tpu.memory_space<semaphore_mem>> -> memref<!tpu.dma_semaphore, #tpu.memory_space<semaphore_mem>>
      tpu.enqueue_indirect_dma source(%dma_start3A_1327 : memref<10240x8xf32, #tpu.memory_space<vmem_shared>>) target(%dma_start3A_1321 : memref<64x8xf32, #tpu.memory_space<vmem>>) offsets(%dma_start3A_1324 : memref<64xi32, #tpu.memory_space<vmem>>) semaphore(%dma_start3A_1329 : memref<!tpu.dma_semaphore, #tpu.memory_space<semaphore_mem>>)
      %dma_wait3A_1330 = arith.constant 6 : i32
      %dma_wait3A_1331 = arith.constant 6 : i32
      %dma_wait3A_1332 = arith.constant 0 : i32
      %dma_wait3A_1333 = arith.constant 0 : i32
      %dma_wait3A_1334 = tpu.memref_slice %arg9[%dma_wait3A_1330, %dma_wait3A_1332, %dma_wait3A_1333] : memref<8x64x8xf32, #tpu.memory_space<vmem>> -> memref<1x64x8xf32, #tpu.memory_space<vmem>>
      %dma_wait3A_1335 = tpu.memref_squeeze %dma_wait3A_1334 : memref<1x64x8xf32, #tpu.memory_space<vmem>> -> memref<64x8xf32, #tpu.memory_space<vmem>>
      %dma_wait3A_1336 = arith.constant 0 : i32
      %dma_wait3A_1337 = tpu.memref_slice %arg7[%add3A_1301, %dma_wait3A_1336] : memref<160x64xi32, #tpu.memory_space<vmem>> -> memref<1x64xi32, #tpu.memory_space<vmem>>
      %dma_wait3A_1338 = tpu.memref_squeeze %dma_wait3A_1337 : memref<1x64xi32, #tpu.memory_space<vmem>> -> memref<64xi32, #tpu.memory_space<vmem>>
      %dma_wait3A_1339 = arith.constant 0 : i32
      %dma_wait3A_1340 = arith.constant 0 : i32
      %dma_wait3A_1341 = tpu.memref_slice %arg11[%dma_wait3A_1339, %dma_wait3A_1340] : memref<10240x8xf32, #tpu.memory_space<vmem_shared>> -> memref<10240x8xf32, #tpu.memory_space<vmem_shared>>
      %dma_wait3A_1342 = tpu.memref_slice %arg12[%dma_wait3A_1331] : memref<8x!tpu.dma_semaphore, #tpu.memory_space<semaphore_mem>> -> memref<1x!tpu.dma_semaphore, #tpu.memory_space<semaphore_mem>>
      %dma_wait3A_1343 = tpu.memref_squeeze %dma_wait3A_1342 : memref<1x!tpu.dma_semaphore, #tpu.memory_space<semaphore_mem>> -> memref<!tpu.dma_semaphore, #tpu.memory_space<semaphore_mem>>
      tpu.wait_indirect_dma semaphore(%dma_wait3A_1343 : memref<!tpu.dma_semaphore, #tpu.memory_space<semaphore_mem>>) src(%dma_wait3A_1341 : memref<10240x8xf32, #tpu.memory_space<vmem_shared>>) dst(%dma_wait3A_1335 : memref<64x8xf32, #tpu.memory_space<vmem>>)
      %dma_start3A_1344 = arith.constant 6 : i32
      %dma_start3A_1345 = arith.constant 6 : i32
      %dma_start3A_1346 = arith.constant 0 : i32
      %dma_start3A_1347 = arith.constant 0 : i32
      %dma_start3A_1348 = tpu.memref_slice %arg9[%dma_start3A_1344, %dma_start3A_1346, %dma_start3A_1347] : memref<8x64x8xf32, #tpu.memory_space<vmem>> -> memref<1x64x8xf32, #tpu.memory_space<vmem>>
      %dma_start3A_1349 = tpu.memref_squeeze %dma_start3A_1348 : memref<1x64x8xf32, #tpu.memory_space<vmem>> -> memref<64x8xf32, #tpu.memory_space<vmem>>
      %dma_start3A_1350 = arith.constant 0 : i32
      %dma_start3A_1351 = tpu.memref_slice %arg8[%add3A_1301, %dma_start3A_1350] : memref<160x64xi32, #tpu.memory_space<vmem>> -> memref<1x64xi32, #tpu.memory_space<vmem>>
      %dma_start3A_1352 = tpu.memref_squeeze %dma_start3A_1351 : memref<1x64xi32, #tpu.memory_space<vmem>> -> memref<64xi32, #tpu.memory_space<vmem>>
      %dma_start3A_1353 = arith.constant 0 : i32
      %dma_start3A_1354 = arith.constant 0 : i32
      %dma_start3A_1355 = tpu.memref_slice %arg10[%dma_start3A_1353, %dma_start3A_1354] : memref<10240x8xf32, #tpu.memory_space<vmem_shared>> -> memref<10240x8xf32, #tpu.memory_space<vmem_shared>>
      %dma_start3A_1356 = tpu.memref_slice %arg13[%dma_start3A_1345] : memref<8x!tpu.dma_semaphore, #tpu.memory_space<semaphore_mem>> -> memref<1x!tpu.dma_semaphore, #tpu.memory_space<semaphore_mem>>
      %dma_start3A_1357 = tpu.memref_squeeze %dma_start3A_1356 : memref<1x!tpu.dma_semaphore, #tpu.memory_space<semaphore_mem>> -> memref<!tpu.dma_semaphore, #tpu.memory_space<semaphore_mem>>
      tpu.enqueue_indirect_dma source(%dma_start3A_1349 : memref<64x8xf32, #tpu.memory_space<vmem>>) target(%dma_start3A_1355 : memref<10240x8xf32, #tpu.memory_space<vmem_shared>>) offsets(%dma_start3A_1352 : memref<64xi32, #tpu.memory_space<vmem>>) semaphore(%dma_start3A_1357 : memref<!tpu.dma_semaphore, #tpu.memory_space<semaphore_mem>>) {add = true}
      %mul3A_1358 = arith.constant 8 : i32
      %mul3A_1359 = arith.muli %scan3A_937, %mul3A_1358 : i32
      %add3A_1360 = arith.constant 7 : i32
      %add3A_1361 = arith.addi %mul3A_1359, %add3A_1360 : i32
      %dma_wait3A_1362 = arith.constant 3 : i32
      %dma_wait3A_1363 = arith.constant 3 : i32
      %dma_wait3A_1364 = arith.constant 0 : i32
      %dma_wait3A_1365 = arith.constant 0 : i32
      %dma_wait3A_1366 = tpu.memref_slice %arg9[%dma_wait3A_1362, %dma_wait3A_1364, %dma_wait3A_1365] : memref<8x64x8xf32, #tpu.memory_space<vmem>> -> memref<1x64x8xf32, #tpu.memory_space<vmem>>
      %dma_wait3A_1367 = tpu.memref_squeeze %dma_wait3A_1366 : memref<1x64x8xf32, #tpu.memory_space<vmem>> -> memref<64x8xf32, #tpu.memory_space<vmem>>
      %dma_wait3A_1368 = tpu.memref_slice %arg13[%dma_wait3A_1363] : memref<8x!tpu.dma_semaphore, #tpu.memory_space<semaphore_mem>> -> memref<1x!tpu.dma_semaphore, #tpu.memory_space<semaphore_mem>>
      %dma_wait3A_1369 = tpu.memref_squeeze %dma_wait3A_1368 : memref<1x!tpu.dma_semaphore, #tpu.memory_space<semaphore_mem>> -> memref<!tpu.dma_semaphore, #tpu.memory_space<semaphore_mem>>
      %dma_wait3A_1370 = arith.constant 0 : i32
      %dma_wait3A_1371 = arith.constant 0 : i32
      %dma_wait3A_1372 = tpu.memref_slice %arg9[%dma_wait3A_1362, %dma_wait3A_1370, %dma_wait3A_1371] : memref<8x64x8xf32, #tpu.memory_space<vmem>> -> memref<1x64x8xf32, #tpu.memory_space<vmem>>
      %dma_wait3A_1373 = tpu.memref_squeeze %dma_wait3A_1372 : memref<1x64x8xf32, #tpu.memory_space<vmem>> -> memref<64x8xf32, #tpu.memory_space<vmem>>
      tpu.wait_dma2 semaphore(%dma_wait3A_1369 : memref<!tpu.dma_semaphore, #tpu.memory_space<semaphore_mem>>) src(%arg5 : memref<64x8xf32, #tpu.memory_space<hbm>>) dst(%dma_wait3A_1373 : memref<64x8xf32, #tpu.memory_space<vmem>>)
      %add3A_1374 = arith.constant 4 : i32
      %add3A_1375 = arith.addi %add3A_1361, %add3A_1374 : i32
      %dma_start3A_1376 = arith.constant 3 : i32
      %dma_start3A_1377 = arith.constant 3 : i32
      %dma_start3A_1378 = arith.constant 0 : i32
      %dma_start3A_1379 = arith.constant 0 : i32
      %dma_start3A_1380 = tpu.memref_slice %arg9[%dma_start3A_1376, %dma_start3A_1378, %dma_start3A_1379] : memref<8x64x8xf32, #tpu.memory_space<vmem>> -> memref<1x64x8xf32, #tpu.memory_space<vmem>>
      %dma_start3A_1381 = tpu.memref_squeeze %dma_start3A_1380 : memref<1x64x8xf32, #tpu.memory_space<vmem>> -> memref<64x8xf32, #tpu.memory_space<vmem>>
      %dma_start3A_1382 = arith.constant 0 : i32
      %dma_start3A_1383 = tpu.memref_slice %arg7[%add3A_1375, %dma_start3A_1382] : memref<160x64xi32, #tpu.memory_space<vmem>> -> memref<1x64xi32, #tpu.memory_space<vmem>>
      %dma_start3A_1384 = tpu.memref_squeeze %dma_start3A_1383 : memref<1x64xi32, #tpu.memory_space<vmem>> -> memref<64xi32, #tpu.memory_space<vmem>>
      %dma_start3A_1385 = arith.constant 0 : i32
      %dma_start3A_1386 = arith.constant 0 : i32
      %dma_start3A_1387 = tpu.memref_slice %arg11[%dma_start3A_1385, %dma_start3A_1386] : memref<10240x8xf32, #tpu.memory_space<vmem_shared>> -> memref<10240x8xf32, #tpu.memory_space<vmem_shared>>
      %dma_start3A_1388 = tpu.memref_slice %arg12[%dma_start3A_1377] : memref<8x!tpu.dma_semaphore, #tpu.memory_space<semaphore_mem>> -> memref<1x!tpu.dma_semaphore, #tpu.memory_space<semaphore_mem>>
      %dma_start3A_1389 = tpu.memref_squeeze %dma_start3A_1388 : memref<1x!tpu.dma_semaphore, #tpu.memory_space<semaphore_mem>> -> memref<!tpu.dma_semaphore, #tpu.memory_space<semaphore_mem>>
      tpu.enqueue_indirect_dma source(%dma_start3A_1387 : memref<10240x8xf32, #tpu.memory_space<vmem_shared>>) target(%dma_start3A_1381 : memref<64x8xf32, #tpu.memory_space<vmem>>) offsets(%dma_start3A_1384 : memref<64xi32, #tpu.memory_space<vmem>>) semaphore(%dma_start3A_1389 : memref<!tpu.dma_semaphore, #tpu.memory_space<semaphore_mem>>)
      %dma_wait3A_1390 = arith.constant 7 : i32
      %dma_wait3A_1391 = arith.constant 7 : i32
      %dma_wait3A_1392 = arith.constant 0 : i32
      %dma_wait3A_1393 = arith.constant 0 : i32
      %dma_wait3A_1394 = tpu.memref_slice %arg9[%dma_wait3A_1390, %dma_wait3A_1392, %dma_wait3A_1393] : memref<8x64x8xf32, #tpu.memory_space<vmem>> -> memref<1x64x8xf32, #tpu.memory_space<vmem>>
      %dma_wait3A_1395 = tpu.memref_squeeze %dma_wait3A_1394 : memref<1x64x8xf32, #tpu.memory_space<vmem>> -> memref<64x8xf32, #tpu.memory_space<vmem>>
      %dma_wait3A_1396 = arith.constant 0 : i32
      %dma_wait3A_1397 = tpu.memref_slice %arg7[%add3A_1361, %dma_wait3A_1396] : memref<160x64xi32, #tpu.memory_space<vmem>> -> memref<1x64xi32, #tpu.memory_space<vmem>>
      %dma_wait3A_1398 = tpu.memref_squeeze %dma_wait3A_1397 : memref<1x64xi32, #tpu.memory_space<vmem>> -> memref<64xi32, #tpu.memory_space<vmem>>
      %dma_wait3A_1399 = arith.constant 0 : i32
      %dma_wait3A_1400 = arith.constant 0 : i32
      %dma_wait3A_1401 = tpu.memref_slice %arg11[%dma_wait3A_1399, %dma_wait3A_1400] : memref<10240x8xf32, #tpu.memory_space<vmem_shared>> -> memref<10240x8xf32, #tpu.memory_space<vmem_shared>>
      %dma_wait3A_1402 = tpu.memref_slice %arg12[%dma_wait3A_1391] : memref<8x!tpu.dma_semaphore, #tpu.memory_space<semaphore_mem>> -> memref<1x!tpu.dma_semaphore, #tpu.memory_space<semaphore_mem>>
      %dma_wait3A_1403 = tpu.memref_squeeze %dma_wait3A_1402 : memref<1x!tpu.dma_semaphore, #tpu.memory_space<semaphore_mem>> -> memref<!tpu.dma_semaphore, #tpu.memory_space<semaphore_mem>>
      tpu.wait_indirect_dma semaphore(%dma_wait3A_1403 : memref<!tpu.dma_semaphore, #tpu.memory_space<semaphore_mem>>) src(%dma_wait3A_1401 : memref<10240x8xf32, #tpu.memory_space<vmem_shared>>) dst(%dma_wait3A_1395 : memref<64x8xf32, #tpu.memory_space<vmem>>)
      %dma_start3A_1404 = arith.constant 7 : i32
      %dma_start3A_1405 = arith.constant 7 : i32
      %dma_start3A_1406 = arith.constant 0 : i32
      %dma_start3A_1407 = arith.constant 0 : i32
      %dma_start3A_1408 = tpu.memref_slice %arg9[%dma_start3A_1404, %dma_start3A_1406, %dma_start3A_1407] : memref<8x64x8xf32, #tpu.memory_space<vmem>> -> memref<1x64x8xf32, #tpu.memory_space<vmem>>
      %dma_start3A_1409 = tpu.memref_squeeze %dma_start3A_1408 : memref<1x64x8xf32, #tpu.memory_space<vmem>> -> memref<64x8xf32, #tpu.memory_space<vmem>>
      %dma_start3A_1410 = arith.constant 0 : i32
      %dma_start3A_1411 = tpu.memref_slice %arg8[%add3A_1361, %dma_start3A_1410] : memref<160x64xi32, #tpu.memory_space<vmem>> -> memref<1x64xi32, #tpu.memory_space<vmem>>
      %dma_start3A_1412 = tpu.memref_squeeze %dma_start3A_1411 : memref<1x64xi32, #tpu.memory_space<vmem>> -> memref<64xi32, #tpu.memory_space<vmem>>
      %dma_start3A_1413 = arith.constant 0 : i32
      %dma_start3A_1414 = arith.constant 0 : i32
      %dma_start3A_1415 = tpu.memref_slice %arg10[%dma_start3A_1413, %dma_start3A_1414] : memref<10240x8xf32, #tpu.memory_space<vmem_shared>> -> memref<10240x8xf32, #tpu.memory_space<vmem_shared>>
      %dma_start3A_1416 = tpu.memref_slice %arg13[%dma_start3A_1405] : memref<8x!tpu.dma_semaphore, #tpu.memory_space<semaphore_mem>> -> memref<1x!tpu.dma_semaphore, #tpu.memory_space<semaphore_mem>>
      %dma_start3A_1417 = tpu.memref_squeeze %dma_start3A_1416 : memref<1x!tpu.dma_semaphore, #tpu.memory_space<semaphore_mem>> -> memref<!tpu.dma_semaphore, #tpu.memory_space<semaphore_mem>>
      tpu.enqueue_indirect_dma source(%dma_start3A_1409 : memref<64x8xf32, #tpu.memory_space<vmem>>) target(%dma_start3A_1415 : memref<10240x8xf32, #tpu.memory_space<vmem_shared>>) offsets(%dma_start3A_1412 : memref<64xi32, #tpu.memory_space<vmem>>) semaphore(%dma_start3A_1417 : memref<!tpu.dma_semaphore, #tpu.memory_space<semaphore_mem>>) {add = true}
    }
    %scan3A_485 = arith.constant 18 : i32
    %dma_wait3A_486 = arith.constant 4 : i32
    %dma_wait3A_487 = arith.constant 4 : i32
    %dma_wait3A_488 = arith.constant 0 : i32
    %dma_wait3A_489 = arith.constant 0 : i32
    %dma_wait3A_490 = tpu.memref_slice %arg9[%dma_wait3A_486, %dma_wait3A_488, %dma_wait3A_489] : memref<8x64x8xf32, #tpu.memory_space<vmem>> -> memref<1x64x8xf32, #tpu.memory_space<vmem>>
    %dma_wait3A_491 = tpu.memref_squeeze %dma_wait3A_490 : memref<1x64x8xf32, #tpu.memory_space<vmem>> -> memref<64x8xf32, #tpu.memory_space<vmem>>
    %dma_wait3A_492 = tpu.memref_slice %arg13[%dma_wait3A_487] : memref<8x!tpu.dma_semaphore, #tpu.memory_space<semaphore_mem>> -> memref<1x!tpu.dma_semaphore, #tpu.memory_space<semaphore_mem>>
    %dma_wait3A_493 = tpu.memref_squeeze %dma_wait3A_492 : memref<1x!tpu.dma_semaphore, #tpu.memory_space<semaphore_mem>> -> memref<!tpu.dma_semaphore, #tpu.memory_space<semaphore_mem>>
    %dma_wait3A_494 = arith.constant 0 : i32
    %dma_wait3A_495 = arith.constant 0 : i32
    %dma_wait3A_496 = tpu.memref_slice %arg9[%dma_wait3A_486, %dma_wait3A_494, %dma_wait3A_495] : memref<8x64x8xf32, #tpu.memory_space<vmem>> -> memref<1x64x8xf32, #tpu.memory_space<vmem>>
    %dma_wait3A_497 = tpu.memref_squeeze %dma_wait3A_496 : memref<1x64x8xf32, #tpu.memory_space<vmem>> -> memref<64x8xf32, #tpu.memory_space<vmem>>
    tpu.wait_dma2 semaphore(%dma_wait3A_493 : memref<!tpu.dma_semaphore, #tpu.memory_space<semaphore_mem>>) src(%arg5 : memref<64x8xf32, #tpu.memory_space<hbm>>) dst(%dma_wait3A_497 : memref<64x8xf32, #tpu.memory_space<vmem>>)
    %dma_start3A_498 = arith.constant 156 : i32
    %dma_start3A_499 = arith.constant 4 : i32
    %dma_start3A_500 = arith.constant 4 : i32
    %dma_start3A_501 = arith.constant 0 : i32
    %dma_start3A_502 = arith.constant 0 : i32
    %dma_start3A_503 = tpu.memref_slice %arg9[%dma_start3A_499, %dma_start3A_501, %dma_start3A_502] : memref<8x64x8xf32, #tpu.memory_space<vmem>> -> memref<1x64x8xf32, #tpu.memory_space<vmem>>
    %dma_start3A_504 = tpu.memref_squeeze %dma_start3A_503 : memref<1x64x8xf32, #tpu.memory_space<vmem>> -> memref<64x8xf32, #tpu.memory_space<vmem>>
    %dma_start3A_505 = arith.constant 0 : i32
    %dma_start3A_506 = tpu.memref_slice %arg7[%dma_start3A_498, %dma_start3A_505] : memref<160x64xi32, #tpu.memory_space<vmem>> -> memref<1x64xi32, #tpu.memory_space<vmem>>
    %dma_start3A_507 = tpu.memref_squeeze %dma_start3A_506 : memref<1x64xi32, #tpu.memory_space<vmem>> -> memref<64xi32, #tpu.memory_space<vmem>>
    %dma_start3A_508 = arith.constant 0 : i32
    %dma_start3A_509 = arith.constant 0 : i32
    %dma_start3A_510 = tpu.memref_slice %arg11[%dma_start3A_508, %dma_start3A_509] : memref<10240x8xf32, #tpu.memory_space<vmem_shared>> -> memref<10240x8xf32, #tpu.memory_space<vmem_shared>>
    %dma_start3A_511 = tpu.memref_slice %arg12[%dma_start3A_500] : memref<8x!tpu.dma_semaphore, #tpu.memory_space<semaphore_mem>> -> memref<1x!tpu.dma_semaphore, #tpu.memory_space<semaphore_mem>>
    %dma_start3A_512 = tpu.memref_squeeze %dma_start3A_511 : memref<1x!tpu.dma_semaphore, #tpu.memory_space<semaphore_mem>> -> memref<!tpu.dma_semaphore, #tpu.memory_space<semaphore_mem>>
    tpu.enqueue_indirect_dma source(%dma_start3A_510 : memref<10240x8xf32, #tpu.memory_space<vmem_shared>>) target(%dma_start3A_504 : memref<64x8xf32, #tpu.memory_space<vmem>>) offsets(%dma_start3A_507 : memref<64xi32, #tpu.memory_space<vmem>>) semaphore(%dma_start3A_512 : memref<!tpu.dma_semaphore, #tpu.memory_space<semaphore_mem>>)
    %dma_wait3A_513 = arith.constant 152 : i32
    %dma_wait3A_514 = arith.constant 0 : i32
    %dma_wait3A_515 = arith.constant 0 : i32
    %dma_wait3A_516 = arith.constant 0 : i32
    %dma_wait3A_517 = arith.constant 0 : i32
    %dma_wait3A_518 = tpu.memref_slice %arg9[%dma_wait3A_514, %dma_wait3A_516, %dma_wait3A_517] : memref<8x64x8xf32, #tpu.memory_space<vmem>> -> memref<1x64x8xf32, #tpu.memory_space<vmem>>
    %dma_wait3A_519 = tpu.memref_squeeze %dma_wait3A_518 : memref<1x64x8xf32, #tpu.memory_space<vmem>> -> memref<64x8xf32, #tpu.memory_space<vmem>>
    %dma_wait3A_520 = arith.constant 0 : i32
    %dma_wait3A_521 = tpu.memref_slice %arg7[%dma_wait3A_513, %dma_wait3A_520] : memref<160x64xi32, #tpu.memory_space<vmem>> -> memref<1x64xi32, #tpu.memory_space<vmem>>
    %dma_wait3A_522 = tpu.memref_squeeze %dma_wait3A_521 : memref<1x64xi32, #tpu.memory_space<vmem>> -> memref<64xi32, #tpu.memory_space<vmem>>
    %dma_wait3A_523 = arith.constant 0 : i32
    %dma_wait3A_524 = arith.constant 0 : i32
    %dma_wait3A_525 = tpu.memref_slice %arg11[%dma_wait3A_523, %dma_wait3A_524] : memref<10240x8xf32, #tpu.memory_space<vmem_shared>> -> memref<10240x8xf32, #tpu.memory_space<vmem_shared>>
    %dma_wait3A_526 = tpu.memref_slice %arg12[%dma_wait3A_515] : memref<8x!tpu.dma_semaphore, #tpu.memory_space<semaphore_mem>> -> memref<1x!tpu.dma_semaphore, #tpu.memory_space<semaphore_mem>>
    %dma_wait3A_527 = tpu.memref_squeeze %dma_wait3A_526 : memref<1x!tpu.dma_semaphore, #tpu.memory_space<semaphore_mem>> -> memref<!tpu.dma_semaphore, #tpu.memory_space<semaphore_mem>>
    tpu.wait_indirect_dma semaphore(%dma_wait3A_527 : memref<!tpu.dma_semaphore, #tpu.memory_space<semaphore_mem>>) src(%dma_wait3A_525 : memref<10240x8xf32, #tpu.memory_space<vmem_shared>>) dst(%dma_wait3A_519 : memref<64x8xf32, #tpu.memory_space<vmem>>)
    %dma_start3A_528 = arith.constant 0 : i32
    %dma_start3A_529 = arith.constant 152 : i32
    %dma_start3A_530 = arith.constant 0 : i32
    %dma_start3A_531 = arith.constant 0 : i32
    %dma_start3A_532 = arith.constant 0 : i32
    %dma_start3A_533 = tpu.memref_slice %arg9[%dma_start3A_528, %dma_start3A_531, %dma_start3A_532] : memref<8x64x8xf32, #tpu.memory_space<vmem>> -> memref<1x64x8xf32, #tpu.memory_space<vmem>>
    %dma_start3A_534 = tpu.memref_squeeze %dma_start3A_533 : memref<1x64x8xf32, #tpu.memory_space<vmem>> -> memref<64x8xf32, #tpu.memory_space<vmem>>
    %dma_start3A_535 = arith.constant 0 : i32
    %dma_start3A_536 = tpu.memref_slice %arg8[%dma_start3A_529, %dma_start3A_535] : memref<160x64xi32, #tpu.memory_space<vmem>> -> memref<1x64xi32, #tpu.memory_space<vmem>>
    %dma_start3A_537 = tpu.memref_squeeze %dma_start3A_536 : memref<1x64xi32, #tpu.memory_space<vmem>> -> memref<64xi32, #tpu.memory_space<vmem>>
    %dma_start3A_538 = arith.constant 0 : i32
    %dma_start3A_539 = arith.constant 0 : i32
    %dma_start3A_540 = tpu.memref_slice %arg10[%dma_start3A_538, %dma_start3A_539] : memref<10240x8xf32, #tpu.memory_space<vmem_shared>> -> memref<10240x8xf32, #tpu.memory_space<vmem_shared>>
    %dma_start3A_541 = tpu.memref_slice %arg13[%dma_start3A_530] : memref<8x!tpu.dma_semaphore, #tpu.memory_space<semaphore_mem>> -> memref<1x!tpu.dma_semaphore, #tpu.memory_space<semaphore_mem>>
    %dma_start3A_542 = tpu.memref_squeeze %dma_start3A_541 : memref<1x!tpu.dma_semaphore, #tpu.memory_space<semaphore_mem>> -> memref<!tpu.dma_semaphore, #tpu.memory_space<semaphore_mem>>
    tpu.enqueue_indirect_dma source(%dma_start3A_534 : memref<64x8xf32, #tpu.memory_space<vmem>>) target(%dma_start3A_540 : memref<10240x8xf32, #tpu.memory_space<vmem_shared>>) offsets(%dma_start3A_537 : memref<64xi32, #tpu.memory_space<vmem>>) semaphore(%dma_start3A_542 : memref<!tpu.dma_semaphore, #tpu.memory_space<semaphore_mem>>) {add = true}
    %dma_wait3A_543 = arith.constant 5 : i32
    %dma_wait3A_544 = arith.constant 5 : i32
    %dma_wait3A_545 = arith.constant 0 : i32
    %dma_wait3A_546 = arith.constant 0 : i32
    %dma_wait3A_547 = tpu.memref_slice %arg9[%dma_wait3A_543, %dma_wait3A_545, %dma_wait3A_546] : memref<8x64x8xf32, #tpu.memory_space<vmem>> -> memref<1x64x8xf32, #tpu.memory_space<vmem>>
    %dma_wait3A_548 = tpu.memref_squeeze %dma_wait3A_547 : memref<1x64x8xf32, #tpu.memory_space<vmem>> -> memref<64x8xf32, #tpu.memory_space<vmem>>
    %dma_wait3A_549 = tpu.memref_slice %arg13[%dma_wait3A_544] : memref<8x!tpu.dma_semaphore, #tpu.memory_space<semaphore_mem>> -> memref<1x!tpu.dma_semaphore, #tpu.memory_space<semaphore_mem>>
    %dma_wait3A_550 = tpu.memref_squeeze %dma_wait3A_549 : memref<1x!tpu.dma_semaphore, #tpu.memory_space<semaphore_mem>> -> memref<!tpu.dma_semaphore, #tpu.memory_space<semaphore_mem>>
    %dma_wait3A_551 = arith.constant 0 : i32
    %dma_wait3A_552 = arith.constant 0 : i32
    %dma_wait3A_553 = tpu.memref_slice %arg9[%dma_wait3A_543, %dma_wait3A_551, %dma_wait3A_552] : memref<8x64x8xf32, #tpu.memory_space<vmem>> -> memref<1x64x8xf32, #tpu.memory_space<vmem>>
    %dma_wait3A_554 = tpu.memref_squeeze %dma_wait3A_553 : memref<1x64x8xf32, #tpu.memory_space<vmem>> -> memref<64x8xf32, #tpu.memory_space<vmem>>
    tpu.wait_dma2 semaphore(%dma_wait3A_550 : memref<!tpu.dma_semaphore, #tpu.memory_space<semaphore_mem>>) src(%arg5 : memref<64x8xf32, #tpu.memory_space<hbm>>) dst(%dma_wait3A_554 : memref<64x8xf32, #tpu.memory_space<vmem>>)
    %dma_start3A_555 = arith.constant 157 : i32
    %dma_start3A_556 = arith.constant 5 : i32
    %dma_start3A_557 = arith.constant 5 : i32
    %dma_start3A_558 = arith.constant 0 : i32
    %dma_start3A_559 = arith.constant 0 : i32
    %dma_start3A_560 = tpu.memref_slice %arg9[%dma_start3A_556, %dma_start3A_558, %dma_start3A_559] : memref<8x64x8xf32, #tpu.memory_space<vmem>> -> memref<1x64x8xf32, #tpu.memory_space<vmem>>
    %dma_start3A_561 = tpu.memref_squeeze %dma_start3A_560 : memref<1x64x8xf32, #tpu.memory_space<vmem>> -> memref<64x8xf32, #tpu.memory_space<vmem>>
    %dma_start3A_562 = arith.constant 0 : i32
    %dma_start3A_563 = tpu.memref_slice %arg7[%dma_start3A_555, %dma_start3A_562] : memref<160x64xi32, #tpu.memory_space<vmem>> -> memref<1x64xi32, #tpu.memory_space<vmem>>
    %dma_start3A_564 = tpu.memref_squeeze %dma_start3A_563 : memref<1x64xi32, #tpu.memory_space<vmem>> -> memref<64xi32, #tpu.memory_space<vmem>>
    %dma_start3A_565 = arith.constant 0 : i32
    %dma_start3A_566 = arith.constant 0 : i32
    %dma_start3A_567 = tpu.memref_slice %arg11[%dma_start3A_565, %dma_start3A_566] : memref<10240x8xf32, #tpu.memory_space<vmem_shared>> -> memref<10240x8xf32, #tpu.memory_space<vmem_shared>>
    %dma_start3A_568 = tpu.memref_slice %arg12[%dma_start3A_557] : memref<8x!tpu.dma_semaphore, #tpu.memory_space<semaphore_mem>> -> memref<1x!tpu.dma_semaphore, #tpu.memory_space<semaphore_mem>>
    %dma_start3A_569 = tpu.memref_squeeze %dma_start3A_568 : memref<1x!tpu.dma_semaphore, #tpu.memory_space<semaphore_mem>> -> memref<!tpu.dma_semaphore, #tpu.memory_space<semaphore_mem>>
    tpu.enqueue_indirect_dma source(%dma_start3A_567 : memref<10240x8xf32, #tpu.memory_space<vmem_shared>>) target(%dma_start3A_561 : memref<64x8xf32, #tpu.memory_space<vmem>>) offsets(%dma_start3A_564 : memref<64xi32, #tpu.memory_space<vmem>>) semaphore(%dma_start3A_569 : memref<!tpu.dma_semaphore, #tpu.memory_space<semaphore_mem>>)
    %dma_wait3A_570 = arith.constant 153 : i32
    %dma_wait3A_571 = arith.constant 1 : i32
    %dma_wait3A_572 = arith.constant 1 : i32
    %dma_wait3A_573 = arith.constant 0 : i32
    %dma_wait3A_574 = arith.constant 0 : i32
    %dma_wait3A_575 = tpu.memref_slice %arg9[%dma_wait3A_571, %dma_wait3A_573, %dma_wait3A_574] : memref<8x64x8xf32, #tpu.memory_space<vmem>> -> memref<1x64x8xf32, #tpu.memory_space<vmem>>
    %dma_wait3A_576 = tpu.memref_squeeze %dma_wait3A_575 : memref<1x64x8xf32, #tpu.memory_space<vmem>> -> memref<64x8xf32, #tpu.memory_space<vmem>>
    %dma_wait3A_577 = arith.constant 0 : i32
    %dma_wait3A_578 = tpu.memref_slice %arg7[%dma_wait3A_570, %dma_wait3A_577] : memref<160x64xi32, #tpu.memory_space<vmem>> -> memref<1x64xi32, #tpu.memory_space<vmem>>
    %dma_wait3A_579 = tpu.memref_squeeze %dma_wait3A_578 : memref<1x64xi32, #tpu.memory_space<vmem>> -> memref<64xi32, #tpu.memory_space<vmem>>
    %dma_wait3A_580 = arith.constant 0 : i32
    %dma_wait3A_581 = arith.constant 0 : i32
    %dma_wait3A_582 = tpu.memref_slice %arg11[%dma_wait3A_580, %dma_wait3A_581] : memref<10240x8xf32, #tpu.memory_space<vmem_shared>> -> memref<10240x8xf32, #tpu.memory_space<vmem_shared>>
    %dma_wait3A_583 = tpu.memref_slice %arg12[%dma_wait3A_572] : memref<8x!tpu.dma_semaphore, #tpu.memory_space<semaphore_mem>> -> memref<1x!tpu.dma_semaphore, #tpu.memory_space<semaphore_mem>>
    %dma_wait3A_584 = tpu.memref_squeeze %dma_wait3A_583 : memref<1x!tpu.dma_semaphore, #tpu.memory_space<semaphore_mem>> -> memref<!tpu.dma_semaphore, #tpu.memory_space<semaphore_mem>>
    tpu.wait_indirect_dma semaphore(%dma_wait3A_584 : memref<!tpu.dma_semaphore, #tpu.memory_space<semaphore_mem>>) src(%dma_wait3A_582 : memref<10240x8xf32, #tpu.memory_space<vmem_shared>>) dst(%dma_wait3A_576 : memref<64x8xf32, #tpu.memory_space<vmem>>)
    %dma_start3A_585 = arith.constant 1 : i32
    %dma_start3A_586 = arith.constant 153 : i32
    %dma_start3A_587 = arith.constant 1 : i32
    %dma_start3A_588 = arith.constant 0 : i32
    %dma_start3A_589 = arith.constant 0 : i32
    %dma_start3A_590 = tpu.memref_slice %arg9[%dma_start3A_585, %dma_start3A_588, %dma_start3A_589] : memref<8x64x8xf32, #tpu.memory_space<vmem>> -> memref<1x64x8xf32, #tpu.memory_space<vmem>>
    %dma_start3A_591 = tpu.memref_squeeze %dma_start3A_590 : memref<1x64x8xf32, #tpu.memory_space<vmem>> -> memref<64x8xf32, #tpu.memory_space<vmem>>
    %dma_start3A_592 = arith.constant 0 : i32
    %dma_start3A_593 = tpu.memref_slice %arg8[%dma_start3A_586, %dma_start3A_592] : memref<160x64xi32, #tpu.memory_space<vmem>> -> memref<1x64xi32, #tpu.memory_space<vmem>>
    %dma_start3A_594 = tpu.memref_squeeze %dma_start3A_593 : memref<1x64xi32, #tpu.memory_space<vmem>> -> memref<64xi32, #tpu.memory_space<vmem>>
    %dma_start3A_595 = arith.constant 0 : i32
    %dma_start3A_596 = arith.constant 0 : i32
    %dma_start3A_597 = tpu.memref_slice %arg10[%dma_start3A_595, %dma_start3A_596] : memref<10240x8xf32, #tpu.memory_space<vmem_shared>> -> memref<10240x8xf32, #tpu.memory_space<vmem_shared>>
    %dma_start3A_598 = tpu.memref_slice %arg13[%dma_start3A_587] : memref<8x!tpu.dma_semaphore, #tpu.memory_space<semaphore_mem>> -> memref<1x!tpu.dma_semaphore, #tpu.memory_space<semaphore_mem>>
    %dma_start3A_599 = tpu.memref_squeeze %dma_start3A_598 : memref<1x!tpu.dma_semaphore, #tpu.memory_space<semaphore_mem>> -> memref<!tpu.dma_semaphore, #tpu.memory_space<semaphore_mem>>
    tpu.enqueue_indirect_dma source(%dma_start3A_591 : memref<64x8xf32, #tpu.memory_space<vmem>>) target(%dma_start3A_597 : memref<10240x8xf32, #tpu.memory_space<vmem_shared>>) offsets(%dma_start3A_594 : memref<64xi32, #tpu.memory_space<vmem>>) semaphore(%dma_start3A_599 : memref<!tpu.dma_semaphore, #tpu.memory_space<semaphore_mem>>) {add = true}
    %dma_wait3A_600 = arith.constant 6 : i32
    %dma_wait3A_601 = arith.constant 6 : i32
    %dma_wait3A_602 = arith.constant 0 : i32
    %dma_wait3A_603 = arith.constant 0 : i32
    %dma_wait3A_604 = tpu.memref_slice %arg9[%dma_wait3A_600, %dma_wait3A_602, %dma_wait3A_603] : memref<8x64x8xf32, #tpu.memory_space<vmem>> -> memref<1x64x8xf32, #tpu.memory_space<vmem>>
    %dma_wait3A_605 = tpu.memref_squeeze %dma_wait3A_604 : memref<1x64x8xf32, #tpu.memory_space<vmem>> -> memref<64x8xf32, #tpu.memory_space<vmem>>
    %dma_wait3A_606 = tpu.memref_slice %arg13[%dma_wait3A_601] : memref<8x!tpu.dma_semaphore, #tpu.memory_space<semaphore_mem>> -> memref<1x!tpu.dma_semaphore, #tpu.memory_space<semaphore_mem>>
    %dma_wait3A_607 = tpu.memref_squeeze %dma_wait3A_606 : memref<1x!tpu.dma_semaphore, #tpu.memory_space<semaphore_mem>> -> memref<!tpu.dma_semaphore, #tpu.memory_space<semaphore_mem>>
    %dma_wait3A_608 = arith.constant 0 : i32
    %dma_wait3A_609 = arith.constant 0 : i32
    %dma_wait3A_610 = tpu.memref_slice %arg9[%dma_wait3A_600, %dma_wait3A_608, %dma_wait3A_609] : memref<8x64x8xf32, #tpu.memory_space<vmem>> -> memref<1x64x8xf32, #tpu.memory_space<vmem>>
    %dma_wait3A_611 = tpu.memref_squeeze %dma_wait3A_610 : memref<1x64x8xf32, #tpu.memory_space<vmem>> -> memref<64x8xf32, #tpu.memory_space<vmem>>
    tpu.wait_dma2 semaphore(%dma_wait3A_607 : memref<!tpu.dma_semaphore, #tpu.memory_space<semaphore_mem>>) src(%arg5 : memref<64x8xf32, #tpu.memory_space<hbm>>) dst(%dma_wait3A_611 : memref<64x8xf32, #tpu.memory_space<vmem>>)
    %dma_start3A_612 = arith.constant 158 : i32
    %dma_start3A_613 = arith.constant 6 : i32
    %dma_start3A_614 = arith.constant 6 : i32
    %dma_start3A_615 = arith.constant 0 : i32
    %dma_start3A_616 = arith.constant 0 : i32
    %dma_start3A_617 = tpu.memref_slice %arg9[%dma_start3A_613, %dma_start3A_615, %dma_start3A_616] : memref<8x64x8xf32, #tpu.memory_space<vmem>> -> memref<1x64x8xf32, #tpu.memory_space<vmem>>
    %dma_start3A_618 = tpu.memref_squeeze %dma_start3A_617 : memref<1x64x8xf32, #tpu.memory_space<vmem>> -> memref<64x8xf32, #tpu.memory_space<vmem>>
    %dma_start3A_619 = arith.constant 0 : i32
    %dma_start3A_620 = tpu.memref_slice %arg7[%dma_start3A_612, %dma_start3A_619] : memref<160x64xi32, #tpu.memory_space<vmem>> -> memref<1x64xi32, #tpu.memory_space<vmem>>
    %dma_start3A_621 = tpu.memref_squeeze %dma_start3A_620 : memref<1x64xi32, #tpu.memory_space<vmem>> -> memref<64xi32, #tpu.memory_space<vmem>>
    %dma_start3A_622 = arith.constant 0 : i32
    %dma_start3A_623 = arith.constant 0 : i32
    %dma_start3A_624 = tpu.memref_slice %arg11[%dma_start3A_622, %dma_start3A_623] : memref<10240x8xf32, #tpu.memory_space<vmem_shared>> -> memref<10240x8xf32, #tpu.memory_space<vmem_shared>>
    %dma_start3A_625 = tpu.memref_slice %arg12[%dma_start3A_614] : memref<8x!tpu.dma_semaphore, #tpu.memory_space<semaphore_mem>> -> memref<1x!tpu.dma_semaphore, #tpu.memory_space<semaphore_mem>>
    %dma_start3A_626 = tpu.memref_squeeze %dma_start3A_625 : memref<1x!tpu.dma_semaphore, #tpu.memory_space<semaphore_mem>> -> memref<!tpu.dma_semaphore, #tpu.memory_space<semaphore_mem>>
    tpu.enqueue_indirect_dma source(%dma_start3A_624 : memref<10240x8xf32, #tpu.memory_space<vmem_shared>>) target(%dma_start3A_618 : memref<64x8xf32, #tpu.memory_space<vmem>>) offsets(%dma_start3A_621 : memref<64xi32, #tpu.memory_space<vmem>>) semaphore(%dma_start3A_626 : memref<!tpu.dma_semaphore, #tpu.memory_space<semaphore_mem>>)
    %dma_wait3A_627 = arith.constant 154 : i32
    %dma_wait3A_628 = arith.constant 2 : i32
    %dma_wait3A_629 = arith.constant 2 : i32
    %dma_wait3A_630 = arith.constant 0 : i32
    %dma_wait3A_631 = arith.constant 0 : i32
    %dma_wait3A_632 = tpu.memref_slice %arg9[%dma_wait3A_628, %dma_wait3A_630, %dma_wait3A_631] : memref<8x64x8xf32, #tpu.memory_space<vmem>> -> memref<1x64x8xf32, #tpu.memory_space<vmem>>
    %dma_wait3A_633 = tpu.memref_squeeze %dma_wait3A_632 : memref<1x64x8xf32, #tpu.memory_space<vmem>> -> memref<64x8xf32, #tpu.memory_space<vmem>>
    %dma_wait3A_634 = arith.constant 0 : i32
    %dma_wait3A_635 = tpu.memref_slice %arg7[%dma_wait3A_627, %dma_wait3A_634] : memref<160x64xi32, #tpu.memory_space<vmem>> -> memref<1x64xi32, #tpu.memory_space<vmem>>
    %dma_wait3A_636 = tpu.memref_squeeze %dma_wait3A_635 : memref<1x64xi32, #tpu.memory_space<vmem>> -> memref<64xi32, #tpu.memory_space<vmem>>
    %dma_wait3A_637 = arith.constant 0 : i32
    %dma_wait3A_638 = arith.constant 0 : i32
    %dma_wait3A_639 = tpu.memref_slice %arg11[%dma_wait3A_637, %dma_wait3A_638] : memref<10240x8xf32, #tpu.memory_space<vmem_shared>> -> memref<10240x8xf32, #tpu.memory_space<vmem_shared>>
    %dma_wait3A_640 = tpu.memref_slice %arg12[%dma_wait3A_629] : memref<8x!tpu.dma_semaphore, #tpu.memory_space<semaphore_mem>> -> memref<1x!tpu.dma_semaphore, #tpu.memory_space<semaphore_mem>>
    %dma_wait3A_641 = tpu.memref_squeeze %dma_wait3A_640 : memref<1x!tpu.dma_semaphore, #tpu.memory_space<semaphore_mem>> -> memref<!tpu.dma_semaphore, #tpu.memory_space<semaphore_mem>>
    tpu.wait_indirect_dma semaphore(%dma_wait3A_641 : memref<!tpu.dma_semaphore, #tpu.memory_space<semaphore_mem>>) src(%dma_wait3A_639 : memref<10240x8xf32, #tpu.memory_space<vmem_shared>>) dst(%dma_wait3A_633 : memref<64x8xf32, #tpu.memory_space<vmem>>)
    %dma_start3A_642 = arith.constant 2 : i32
    %dma_start3A_643 = arith.constant 154 : i32
    %dma_start3A_644 = arith.constant 2 : i32
    %dma_start3A_645 = arith.constant 0 : i32
    %dma_start3A_646 = arith.constant 0 : i32
    %dma_start3A_647 = tpu.memref_slice %arg9[%dma_start3A_642, %dma_start3A_645, %dma_start3A_646] : memref<8x64x8xf32, #tpu.memory_space<vmem>> -> memref<1x64x8xf32, #tpu.memory_space<vmem>>
    %dma_start3A_648 = tpu.memref_squeeze %dma_start3A_647 : memref<1x64x8xf32, #tpu.memory_space<vmem>> -> memref<64x8xf32, #tpu.memory_space<vmem>>
    %dma_start3A_649 = arith.constant 0 : i32
    %dma_start3A_650 = tpu.memref_slice %arg8[%dma_start3A_643, %dma_start3A_649] : memref<160x64xi32, #tpu.memory_space<vmem>> -> memref<1x64xi32, #tpu.memory_space<vmem>>
    %dma_start3A_651 = tpu.memref_squeeze %dma_start3A_650 : memref<1x64xi32, #tpu.memory_space<vmem>> -> memref<64xi32, #tpu.memory_space<vmem>>
    %dma_start3A_652 = arith.constant 0 : i32
    %dma_start3A_653 = arith.constant 0 : i32
    %dma_start3A_654 = tpu.memref_slice %arg10[%dma_start3A_652, %dma_start3A_653] : memref<10240x8xf32, #tpu.memory_space<vmem_shared>> -> memref<10240x8xf32, #tpu.memory_space<vmem_shared>>
    %dma_start3A_655 = tpu.memref_slice %arg13[%dma_start3A_644] : memref<8x!tpu.dma_semaphore, #tpu.memory_space<semaphore_mem>> -> memref<1x!tpu.dma_semaphore, #tpu.memory_space<semaphore_mem>>
    %dma_start3A_656 = tpu.memref_squeeze %dma_start3A_655 : memref<1x!tpu.dma_semaphore, #tpu.memory_space<semaphore_mem>> -> memref<!tpu.dma_semaphore, #tpu.memory_space<semaphore_mem>>
    tpu.enqueue_indirect_dma source(%dma_start3A_648 : memref<64x8xf32, #tpu.memory_space<vmem>>) target(%dma_start3A_654 : memref<10240x8xf32, #tpu.memory_space<vmem_shared>>) offsets(%dma_start3A_651 : memref<64xi32, #tpu.memory_space<vmem>>) semaphore(%dma_start3A_656 : memref<!tpu.dma_semaphore, #tpu.memory_space<semaphore_mem>>) {add = true}
    %dma_wait3A_657 = arith.constant 7 : i32
    %dma_wait3A_658 = arith.constant 7 : i32
    %dma_wait3A_659 = arith.constant 0 : i32
    %dma_wait3A_660 = arith.constant 0 : i32
    %dma_wait3A_661 = tpu.memref_slice %arg9[%dma_wait3A_657, %dma_wait3A_659, %dma_wait3A_660] : memref<8x64x8xf32, #tpu.memory_space<vmem>> -> memref<1x64x8xf32, #tpu.memory_space<vmem>>
    %dma_wait3A_662 = tpu.memref_squeeze %dma_wait3A_661 : memref<1x64x8xf32, #tpu.memory_space<vmem>> -> memref<64x8xf32, #tpu.memory_space<vmem>>
    %dma_wait3A_663 = tpu.memref_slice %arg13[%dma_wait3A_658] : memref<8x!tpu.dma_semaphore, #tpu.memory_space<semaphore_mem>> -> memref<1x!tpu.dma_semaphore, #tpu.memory_space<semaphore_mem>>
    %dma_wait3A_664 = tpu.memref_squeeze %dma_wait3A_663 : memref<1x!tpu.dma_semaphore, #tpu.memory_space<semaphore_mem>> -> memref<!tpu.dma_semaphore, #tpu.memory_space<semaphore_mem>>
    %dma_wait3A_665 = arith.constant 0 : i32
    %dma_wait3A_666 = arith.constant 0 : i32
    %dma_wait3A_667 = tpu.memref_slice %arg9[%dma_wait3A_657, %dma_wait3A_665, %dma_wait3A_666] : memref<8x64x8xf32, #tpu.memory_space<vmem>> -> memref<1x64x8xf32, #tpu.memory_space<vmem>>
    %dma_wait3A_668 = tpu.memref_squeeze %dma_wait3A_667 : memref<1x64x8xf32, #tpu.memory_space<vmem>> -> memref<64x8xf32, #tpu.memory_space<vmem>>
    tpu.wait_dma2 semaphore(%dma_wait3A_664 : memref<!tpu.dma_semaphore, #tpu.memory_space<semaphore_mem>>) src(%arg5 : memref<64x8xf32, #tpu.memory_space<hbm>>) dst(%dma_wait3A_668 : memref<64x8xf32, #tpu.memory_space<vmem>>)
    %dma_start3A_669 = arith.constant 159 : i32
    %dma_start3A_670 = arith.constant 7 : i32
    %dma_start3A_671 = arith.constant 7 : i32
    %dma_start3A_672 = arith.constant 0 : i32
    %dma_start3A_673 = arith.constant 0 : i32
    %dma_start3A_674 = tpu.memref_slice %arg9[%dma_start3A_670, %dma_start3A_672, %dma_start3A_673] : memref<8x64x8xf32, #tpu.memory_space<vmem>> -> memref<1x64x8xf32, #tpu.memory_space<vmem>>
    %dma_start3A_675 = tpu.memref_squeeze %dma_start3A_674 : memref<1x64x8xf32, #tpu.memory_space<vmem>> -> memref<64x8xf32, #tpu.memory_space<vmem>>
    %dma_start3A_676 = arith.constant 0 : i32
    %dma_start3A_677 = tpu.memref_slice %arg7[%dma_start3A_669, %dma_start3A_676] : memref<160x64xi32, #tpu.memory_space<vmem>> -> memref<1x64xi32, #tpu.memory_space<vmem>>
    %dma_start3A_678 = tpu.memref_squeeze %dma_start3A_677 : memref<1x64xi32, #tpu.memory_space<vmem>> -> memref<64xi32, #tpu.memory_space<vmem>>
    %dma_start3A_679 = arith.constant 0 : i32
    %dma_start3A_680 = arith.constant 0 : i32
    %dma_start3A_681 = tpu.memref_slice %arg11[%dma_start3A_679, %dma_start3A_680] : memref<10240x8xf32, #tpu.memory_space<vmem_shared>> -> memref<10240x8xf32, #tpu.memory_space<vmem_shared>>
    %dma_start3A_682 = tpu.memref_slice %arg12[%dma_start3A_671] : memref<8x!tpu.dma_semaphore, #tpu.memory_space<semaphore_mem>> -> memref<1x!tpu.dma_semaphore, #tpu.memory_space<semaphore_mem>>
    %dma_start3A_683 = tpu.memref_squeeze %dma_start3A_682 : memref<1x!tpu.dma_semaphore, #tpu.memory_space<semaphore_mem>> -> memref<!tpu.dma_semaphore, #tpu.memory_space<semaphore_mem>>
    tpu.enqueue_indirect_dma source(%dma_start3A_681 : memref<10240x8xf32, #tpu.memory_space<vmem_shared>>) target(%dma_start3A_675 : memref<64x8xf32, #tpu.memory_space<vmem>>) offsets(%dma_start3A_678 : memref<64xi32, #tpu.memory_space<vmem>>) semaphore(%dma_start3A_683 : memref<!tpu.dma_semaphore, #tpu.memory_space<semaphore_mem>>)
    %dma_wait3A_684 = arith.constant 155 : i32
    %dma_wait3A_685 = arith.constant 3 : i32
    %dma_wait3A_686 = arith.constant 3 : i32
    %dma_wait3A_687 = arith.constant 0 : i32
    %dma_wait3A_688 = arith.constant 0 : i32
    %dma_wait3A_689 = tpu.memref_slice %arg9[%dma_wait3A_685, %dma_wait3A_687, %dma_wait3A_688] : memref<8x64x8xf32, #tpu.memory_space<vmem>> -> memref<1x64x8xf32, #tpu.memory_space<vmem>>
    %dma_wait3A_690 = tpu.memref_squeeze %dma_wait3A_689 : memref<1x64x8xf32, #tpu.memory_space<vmem>> -> memref<64x8xf32, #tpu.memory_space<vmem>>
    %dma_wait3A_691 = arith.constant 0 : i32
    %dma_wait3A_692 = tpu.memref_slice %arg7[%dma_wait3A_684, %dma_wait3A_691] : memref<160x64xi32, #tpu.memory_space<vmem>> -> memref<1x64xi32, #tpu.memory_space<vmem>>
    %dma_wait3A_693 = tpu.memref_squeeze %dma_wait3A_692 : memref<1x64xi32, #tpu.memory_space<vmem>> -> memref<64xi32, #tpu.memory_space<vmem>>
    %dma_wait3A_694 = arith.constant 0 : i32
    %dma_wait3A_695 = arith.constant 0 : i32
    %dma_wait3A_696 = tpu.memref_slice %arg11[%dma_wait3A_694, %dma_wait3A_695] : memref<10240x8xf32, #tpu.memory_space<vmem_shared>> -> memref<10240x8xf32, #tpu.memory_space<vmem_shared>>
    %dma_wait3A_697 = tpu.memref_slice %arg12[%dma_wait3A_686] : memref<8x!tpu.dma_semaphore, #tpu.memory_space<semaphore_mem>> -> memref<1x!tpu.dma_semaphore, #tpu.memory_space<semaphore_mem>>
    %dma_wait3A_698 = tpu.memref_squeeze %dma_wait3A_697 : memref<1x!tpu.dma_semaphore, #tpu.memory_space<semaphore_mem>> -> memref<!tpu.dma_semaphore, #tpu.memory_space<semaphore_mem>>
    tpu.wait_indirect_dma semaphore(%dma_wait3A_698 : memref<!tpu.dma_semaphore, #tpu.memory_space<semaphore_mem>>) src(%dma_wait3A_696 : memref<10240x8xf32, #tpu.memory_space<vmem_shared>>) dst(%dma_wait3A_690 : memref<64x8xf32, #tpu.memory_space<vmem>>)
    %dma_start3A_699 = arith.constant 3 : i32
    %dma_start3A_700 = arith.constant 155 : i32
    %dma_start3A_701 = arith.constant 3 : i32
    %dma_start3A_702 = arith.constant 0 : i32
    %dma_start3A_703 = arith.constant 0 : i32
    %dma_start3A_704 = tpu.memref_slice %arg9[%dma_start3A_699, %dma_start3A_702, %dma_start3A_703] : memref<8x64x8xf32, #tpu.memory_space<vmem>> -> memref<1x64x8xf32, #tpu.memory_space<vmem>>
    %dma_start3A_705 = tpu.memref_squeeze %dma_start3A_704 : memref<1x64x8xf32, #tpu.memory_space<vmem>> -> memref<64x8xf32, #tpu.memory_space<vmem>>
    %dma_start3A_706 = arith.constant 0 : i32
    %dma_start3A_707 = tpu.memref_slice %arg8[%dma_start3A_700, %dma_start3A_706] : memref<160x64xi32, #tpu.memory_space<vmem>> -> memref<1x64xi32, #tpu.memory_space<vmem>>
    %dma_start3A_708 = tpu.memref_squeeze %dma_start3A_707 : memref<1x64xi32, #tpu.memory_space<vmem>> -> memref<64xi32, #tpu.memory_space<vmem>>
    %dma_start3A_709 = arith.constant 0 : i32
    %dma_start3A_710 = arith.constant 0 : i32
    %dma_start3A_711 = tpu.memref_slice %arg10[%dma_start3A_709, %dma_start3A_710] : memref<10240x8xf32, #tpu.memory_space<vmem_shared>> -> memref<10240x8xf32, #tpu.memory_space<vmem_shared>>
    %dma_start3A_712 = tpu.memref_slice %arg13[%dma_start3A_701] : memref<8x!tpu.dma_semaphore, #tpu.memory_space<semaphore_mem>> -> memref<1x!tpu.dma_semaphore, #tpu.memory_space<semaphore_mem>>
    %dma_start3A_713 = tpu.memref_squeeze %dma_start3A_712 : memref<1x!tpu.dma_semaphore, #tpu.memory_space<semaphore_mem>> -> memref<!tpu.dma_semaphore, #tpu.memory_space<semaphore_mem>>
    tpu.enqueue_indirect_dma source(%dma_start3A_705 : memref<64x8xf32, #tpu.memory_space<vmem>>) target(%dma_start3A_711 : memref<10240x8xf32, #tpu.memory_space<vmem_shared>>) offsets(%dma_start3A_708 : memref<64xi32, #tpu.memory_space<vmem>>) semaphore(%dma_start3A_713 : memref<!tpu.dma_semaphore, #tpu.memory_space<semaphore_mem>>) {add = true}
    %dma_wait3A_714 = arith.constant 156 : i32
    %dma_wait3A_715 = arith.constant 4 : i32
    %dma_wait3A_716 = arith.constant 4 : i32
    %dma_wait3A_717 = arith.constant 0 : i32
    %dma_wait3A_718 = arith.constant 0 : i32
    %dma_wait3A_719 = tpu.memref_slice %arg9[%dma_wait3A_715, %dma_wait3A_717, %dma_wait3A_718] : memref<8x64x8xf32, #tpu.memory_space<vmem>> -> memref<1x64x8xf32, #tpu.memory_space<vmem>>
    %dma_wait3A_720 = tpu.memref_squeeze %dma_wait3A_719 : memref<1x64x8xf32, #tpu.memory_space<vmem>> -> memref<64x8xf32, #tpu.memory_space<vmem>>
    %dma_wait3A_721 = arith.constant 0 : i32
    %dma_wait3A_722 = tpu.memref_slice %arg7[%dma_wait3A_714, %dma_wait3A_721] : memref<160x64xi32, #tpu.memory_space<vmem>> -> memref<1x64xi32, #tpu.memory_space<vmem>>
    %dma_wait3A_723 = tpu.memref_squeeze %dma_wait3A_722 : memref<1x64xi32, #tpu.memory_space<vmem>> -> memref<64xi32, #tpu.memory_space<vmem>>
    %dma_wait3A_724 = arith.constant 0 : i32
    %dma_wait3A_725 = arith.constant 0 : i32
    %dma_wait3A_726 = tpu.memref_slice %arg11[%dma_wait3A_724, %dma_wait3A_725] : memref<10240x8xf32, #tpu.memory_space<vmem_shared>> -> memref<10240x8xf32, #tpu.memory_space<vmem_shared>>
    %dma_wait3A_727 = tpu.memref_slice %arg12[%dma_wait3A_716] : memref<8x!tpu.dma_semaphore, #tpu.memory_space<semaphore_mem>> -> memref<1x!tpu.dma_semaphore, #tpu.memory_space<semaphore_mem>>
    %dma_wait3A_728 = tpu.memref_squeeze %dma_wait3A_727 : memref<1x!tpu.dma_semaphore, #tpu.memory_space<semaphore_mem>> -> memref<!tpu.dma_semaphore, #tpu.memory_space<semaphore_mem>>
    tpu.wait_indirect_dma semaphore(%dma_wait3A_728 : memref<!tpu.dma_semaphore, #tpu.memory_space<semaphore_mem>>) src(%dma_wait3A_726 : memref<10240x8xf32, #tpu.memory_space<vmem_shared>>) dst(%dma_wait3A_720 : memref<64x8xf32, #tpu.memory_space<vmem>>)
    %dma_start3A_729 = arith.constant 4 : i32
    %dma_start3A_730 = arith.constant 156 : i32
    %dma_start3A_731 = arith.constant 4 : i32
    %dma_start3A_732 = arith.constant 0 : i32
    %dma_start3A_733 = arith.constant 0 : i32
    %dma_start3A_734 = tpu.memref_slice %arg9[%dma_start3A_729, %dma_start3A_732, %dma_start3A_733] : memref<8x64x8xf32, #tpu.memory_space<vmem>> -> memref<1x64x8xf32, #tpu.memory_space<vmem>>
    %dma_start3A_735 = tpu.memref_squeeze %dma_start3A_734 : memref<1x64x8xf32, #tpu.memory_space<vmem>> -> memref<64x8xf32, #tpu.memory_space<vmem>>
    %dma_start3A_736 = arith.constant 0 : i32
    %dma_start3A_737 = tpu.memref_slice %arg8[%dma_start3A_730, %dma_start3A_736] : memref<160x64xi32, #tpu.memory_space<vmem>> -> memref<1x64xi32, #tpu.memory_space<vmem>>
    %dma_start3A_738 = tpu.memref_squeeze %dma_start3A_737 : memref<1x64xi32, #tpu.memory_space<vmem>> -> memref<64xi32, #tpu.memory_space<vmem>>
    %dma_start3A_739 = arith.constant 0 : i32
    %dma_start3A_740 = arith.constant 0 : i32
    %dma_start3A_741 = tpu.memref_slice %arg10[%dma_start3A_739, %dma_start3A_740] : memref<10240x8xf32, #tpu.memory_space<vmem_shared>> -> memref<10240x8xf32, #tpu.memory_space<vmem_shared>>
    %dma_start3A_742 = tpu.memref_slice %arg13[%dma_start3A_731] : memref<8x!tpu.dma_semaphore, #tpu.memory_space<semaphore_mem>> -> memref<1x!tpu.dma_semaphore, #tpu.memory_space<semaphore_mem>>
    %dma_start3A_743 = tpu.memref_squeeze %dma_start3A_742 : memref<1x!tpu.dma_semaphore, #tpu.memory_space<semaphore_mem>> -> memref<!tpu.dma_semaphore, #tpu.memory_space<semaphore_mem>>
    tpu.enqueue_indirect_dma source(%dma_start3A_735 : memref<64x8xf32, #tpu.memory_space<vmem>>) target(%dma_start3A_741 : memref<10240x8xf32, #tpu.memory_space<vmem_shared>>) offsets(%dma_start3A_738 : memref<64xi32, #tpu.memory_space<vmem>>) semaphore(%dma_start3A_743 : memref<!tpu.dma_semaphore, #tpu.memory_space<semaphore_mem>>) {add = true}
    %dma_wait3A_744 = arith.constant 157 : i32
    %dma_wait3A_745 = arith.constant 5 : i32
    %dma_wait3A_746 = arith.constant 5 : i32
    %dma_wait3A_747 = arith.constant 0 : i32
    %dma_wait3A_748 = arith.constant 0 : i32
    %dma_wait3A_749 = tpu.memref_slice %arg9[%dma_wait3A_745, %dma_wait3A_747, %dma_wait3A_748] : memref<8x64x8xf32, #tpu.memory_space<vmem>> -> memref<1x64x8xf32, #tpu.memory_space<vmem>>
    %dma_wait3A_750 = tpu.memref_squeeze %dma_wait3A_749 : memref<1x64x8xf32, #tpu.memory_space<vmem>> -> memref<64x8xf32, #tpu.memory_space<vmem>>
    %dma_wait3A_751 = arith.constant 0 : i32
    %dma_wait3A_752 = tpu.memref_slice %arg7[%dma_wait3A_744, %dma_wait3A_751] : memref<160x64xi32, #tpu.memory_space<vmem>> -> memref<1x64xi32, #tpu.memory_space<vmem>>
    %dma_wait3A_753 = tpu.memref_squeeze %dma_wait3A_752 : memref<1x64xi32, #tpu.memory_space<vmem>> -> memref<64xi32, #tpu.memory_space<vmem>>
    %dma_wait3A_754 = arith.constant 0 : i32
    %dma_wait3A_755 = arith.constant 0 : i32
    %dma_wait3A_756 = tpu.memref_slice %arg11[%dma_wait3A_754, %dma_wait3A_755] : memref<10240x8xf32, #tpu.memory_space<vmem_shared>> -> memref<10240x8xf32, #tpu.memory_space<vmem_shared>>
    %dma_wait3A_757 = tpu.memref_slice %arg12[%dma_wait3A_746] : memref<8x!tpu.dma_semaphore, #tpu.memory_space<semaphore_mem>> -> memref<1x!tpu.dma_semaphore, #tpu.memory_space<semaphore_mem>>
    %dma_wait3A_758 = tpu.memref_squeeze %dma_wait3A_757 : memref<1x!tpu.dma_semaphore, #tpu.memory_space<semaphore_mem>> -> memref<!tpu.dma_semaphore, #tpu.memory_space<semaphore_mem>>
    tpu.wait_indirect_dma semaphore(%dma_wait3A_758 : memref<!tpu.dma_semaphore, #tpu.memory_space<semaphore_mem>>) src(%dma_wait3A_756 : memref<10240x8xf32, #tpu.memory_space<vmem_shared>>) dst(%dma_wait3A_750 : memref<64x8xf32, #tpu.memory_space<vmem>>)
    %dma_start3A_759 = arith.constant 5 : i32
    %dma_start3A_760 = arith.constant 157 : i32
    %dma_start3A_761 = arith.constant 5 : i32
    %dma_start3A_762 = arith.constant 0 : i32
    %dma_start3A_763 = arith.constant 0 : i32
    %dma_start3A_764 = tpu.memref_slice %arg9[%dma_start3A_759, %dma_start3A_762, %dma_start3A_763] : memref<8x64x8xf32, #tpu.memory_space<vmem>> -> memref<1x64x8xf32, #tpu.memory_space<vmem>>
    %dma_start3A_765 = tpu.memref_squeeze %dma_start3A_764 : memref<1x64x8xf32, #tpu.memory_space<vmem>> -> memref<64x8xf32, #tpu.memory_space<vmem>>
    %dma_start3A_766 = arith.constant 0 : i32
    %dma_start3A_767 = tpu.memref_slice %arg8[%dma_start3A_760, %dma_start3A_766] : memref<160x64xi32, #tpu.memory_space<vmem>> -> memref<1x64xi32, #tpu.memory_space<vmem>>
    %dma_start3A_768 = tpu.memref_squeeze %dma_start3A_767 : memref<1x64xi32, #tpu.memory_space<vmem>> -> memref<64xi32, #tpu.memory_space<vmem>>
    %dma_start3A_769 = arith.constant 0 : i32
    %dma_start3A_770 = arith.constant 0 : i32
    %dma_start3A_771 = tpu.memref_slice %arg10[%dma_start3A_769, %dma_start3A_770] : memref<10240x8xf32, #tpu.memory_space<vmem_shared>> -> memref<10240x8xf32, #tpu.memory_space<vmem_shared>>
    %dma_start3A_772 = tpu.memref_slice %arg13[%dma_start3A_761] : memref<8x!tpu.dma_semaphore, #tpu.memory_space<semaphore_mem>> -> memref<1x!tpu.dma_semaphore, #tpu.memory_space<semaphore_mem>>
    %dma_start3A_773 = tpu.memref_squeeze %dma_start3A_772 : memref<1x!tpu.dma_semaphore, #tpu.memory_space<semaphore_mem>> -> memref<!tpu.dma_semaphore, #tpu.memory_space<semaphore_mem>>
    tpu.enqueue_indirect_dma source(%dma_start3A_765 : memref<64x8xf32, #tpu.memory_space<vmem>>) target(%dma_start3A_771 : memref<10240x8xf32, #tpu.memory_space<vmem_shared>>) offsets(%dma_start3A_768 : memref<64xi32, #tpu.memory_space<vmem>>) semaphore(%dma_start3A_773 : memref<!tpu.dma_semaphore, #tpu.memory_space<semaphore_mem>>) {add = true}
    %dma_wait3A_774 = arith.constant 158 : i32
    %dma_wait3A_775 = arith.constant 6 : i32
    %dma_wait3A_776 = arith.constant 6 : i32
    %dma_wait3A_777 = arith.constant 0 : i32
    %dma_wait3A_778 = arith.constant 0 : i32
    %dma_wait3A_779 = tpu.memref_slice %arg9[%dma_wait3A_775, %dma_wait3A_777, %dma_wait3A_778] : memref<8x64x8xf32, #tpu.memory_space<vmem>> -> memref<1x64x8xf32, #tpu.memory_space<vmem>>
    %dma_wait3A_780 = tpu.memref_squeeze %dma_wait3A_779 : memref<1x64x8xf32, #tpu.memory_space<vmem>> -> memref<64x8xf32, #tpu.memory_space<vmem>>
    %dma_wait3A_781 = arith.constant 0 : i32
    %dma_wait3A_782 = tpu.memref_slice %arg7[%dma_wait3A_774, %dma_wait3A_781] : memref<160x64xi32, #tpu.memory_space<vmem>> -> memref<1x64xi32, #tpu.memory_space<vmem>>
    %dma_wait3A_783 = tpu.memref_squeeze %dma_wait3A_782 : memref<1x64xi32, #tpu.memory_space<vmem>> -> memref<64xi32, #tpu.memory_space<vmem>>
    %dma_wait3A_784 = arith.constant 0 : i32
    %dma_wait3A_785 = arith.constant 0 : i32
    %dma_wait3A_786 = tpu.memref_slice %arg11[%dma_wait3A_784, %dma_wait3A_785] : memref<10240x8xf32, #tpu.memory_space<vmem_shared>> -> memref<10240x8xf32, #tpu.memory_space<vmem_shared>>
    %dma_wait3A_787 = tpu.memref_slice %arg12[%dma_wait3A_776] : memref<8x!tpu.dma_semaphore, #tpu.memory_space<semaphore_mem>> -> memref<1x!tpu.dma_semaphore, #tpu.memory_space<semaphore_mem>>
    %dma_wait3A_788 = tpu.memref_squeeze %dma_wait3A_787 : memref<1x!tpu.dma_semaphore, #tpu.memory_space<semaphore_mem>> -> memref<!tpu.dma_semaphore, #tpu.memory_space<semaphore_mem>>
    tpu.wait_indirect_dma semaphore(%dma_wait3A_788 : memref<!tpu.dma_semaphore, #tpu.memory_space<semaphore_mem>>) src(%dma_wait3A_786 : memref<10240x8xf32, #tpu.memory_space<vmem_shared>>) dst(%dma_wait3A_780 : memref<64x8xf32, #tpu.memory_space<vmem>>)
    %dma_start3A_789 = arith.constant 6 : i32
    %dma_start3A_790 = arith.constant 158 : i32
    %dma_start3A_791 = arith.constant 6 : i32
    %dma_start3A_792 = arith.constant 0 : i32
    %dma_start3A_793 = arith.constant 0 : i32
    %dma_start3A_794 = tpu.memref_slice %arg9[%dma_start3A_789, %dma_start3A_792, %dma_start3A_793] : memref<8x64x8xf32, #tpu.memory_space<vmem>> -> memref<1x64x8xf32, #tpu.memory_space<vmem>>
    %dma_start3A_795 = tpu.memref_squeeze %dma_start3A_794 : memref<1x64x8xf32, #tpu.memory_space<vmem>> -> memref<64x8xf32, #tpu.memory_space<vmem>>
    %dma_start3A_796 = arith.constant 0 : i32
    %dma_start3A_797 = tpu.memref_slice %arg8[%dma_start3A_790, %dma_start3A_796] : memref<160x64xi32, #tpu.memory_space<vmem>> -> memref<1x64xi32, #tpu.memory_space<vmem>>
    %dma_start3A_798 = tpu.memref_squeeze %dma_start3A_797 : memref<1x64xi32, #tpu.memory_space<vmem>> -> memref<64xi32, #tpu.memory_space<vmem>>
    %dma_start3A_799 = arith.constant 0 : i32
    %dma_start3A_800 = arith.constant 0 : i32
    %dma_start3A_801 = tpu.memref_slice %arg10[%dma_start3A_799, %dma_start3A_800] : memref<10240x8xf32, #tpu.memory_space<vmem_shared>> -> memref<10240x8xf32, #tpu.memory_space<vmem_shared>>
    %dma_start3A_802 = tpu.memref_slice %arg13[%dma_start3A_791] : memref<8x!tpu.dma_semaphore, #tpu.memory_space<semaphore_mem>> -> memref<1x!tpu.dma_semaphore, #tpu.memory_space<semaphore_mem>>
    %dma_start3A_803 = tpu.memref_squeeze %dma_start3A_802 : memref<1x!tpu.dma_semaphore, #tpu.memory_space<semaphore_mem>> -> memref<!tpu.dma_semaphore, #tpu.memory_space<semaphore_mem>>
    tpu.enqueue_indirect_dma source(%dma_start3A_795 : memref<64x8xf32, #tpu.memory_space<vmem>>) target(%dma_start3A_801 : memref<10240x8xf32, #tpu.memory_space<vmem_shared>>) offsets(%dma_start3A_798 : memref<64xi32, #tpu.memory_space<vmem>>) semaphore(%dma_start3A_803 : memref<!tpu.dma_semaphore, #tpu.memory_space<semaphore_mem>>) {add = true}
    %dma_wait3A_804 = arith.constant 159 : i32
    %dma_wait3A_805 = arith.constant 7 : i32
    %dma_wait3A_806 = arith.constant 7 : i32
    %dma_wait3A_807 = arith.constant 0 : i32
    %dma_wait3A_808 = arith.constant 0 : i32
    %dma_wait3A_809 = tpu.memref_slice %arg9[%dma_wait3A_805, %dma_wait3A_807, %dma_wait3A_808] : memref<8x64x8xf32, #tpu.memory_space<vmem>> -> memref<1x64x8xf32, #tpu.memory_space<vmem>>
    %dma_wait3A_810 = tpu.memref_squeeze %dma_wait3A_809 : memref<1x64x8xf32, #tpu.memory_space<vmem>> -> memref<64x8xf32, #tpu.memory_space<vmem>>
    %dma_wait3A_811 = arith.constant 0 : i32
    %dma_wait3A_812 = tpu.memref_slice %arg7[%dma_wait3A_804, %dma_wait3A_811] : memref<160x64xi32, #tpu.memory_space<vmem>> -> memref<1x64xi32, #tpu.memory_space<vmem>>
    %dma_wait3A_813 = tpu.memref_squeeze %dma_wait3A_812 : memref<1x64xi32, #tpu.memory_space<vmem>> -> memref<64xi32, #tpu.memory_space<vmem>>
    %dma_wait3A_814 = arith.constant 0 : i32
    %dma_wait3A_815 = arith.constant 0 : i32
    %dma_wait3A_816 = tpu.memref_slice %arg11[%dma_wait3A_814, %dma_wait3A_815] : memref<10240x8xf32, #tpu.memory_space<vmem_shared>> -> memref<10240x8xf32, #tpu.memory_space<vmem_shared>>
    %dma_wait3A_817 = tpu.memref_slice %arg12[%dma_wait3A_806] : memref<8x!tpu.dma_semaphore, #tpu.memory_space<semaphore_mem>> -> memref<1x!tpu.dma_semaphore, #tpu.memory_space<semaphore_mem>>
    %dma_wait3A_818 = tpu.memref_squeeze %dma_wait3A_817 : memref<1x!tpu.dma_semaphore, #tpu.memory_space<semaphore_mem>> -> memref<!tpu.dma_semaphore, #tpu.memory_space<semaphore_mem>>
    tpu.wait_indirect_dma semaphore(%dma_wait3A_818 : memref<!tpu.dma_semaphore, #tpu.memory_space<semaphore_mem>>) src(%dma_wait3A_816 : memref<10240x8xf32, #tpu.memory_space<vmem_shared>>) dst(%dma_wait3A_810 : memref<64x8xf32, #tpu.memory_space<vmem>>)
    %dma_start3A_819 = arith.constant 7 : i32
    %dma_start3A_820 = arith.constant 159 : i32
    %dma_start3A_821 = arith.constant 7 : i32
    %dma_start3A_822 = arith.constant 0 : i32
    %dma_start3A_823 = arith.constant 0 : i32
    %dma_start3A_824 = tpu.memref_slice %arg9[%dma_start3A_819, %dma_start3A_822, %dma_start3A_823] : memref<8x64x8xf32, #tpu.memory_space<vmem>> -> memref<1x64x8xf32, #tpu.memory_space<vmem>>
    %dma_start3A_825 = tpu.memref_squeeze %dma_start3A_824 : memref<1x64x8xf32, #tpu.memory_space<vmem>> -> memref<64x8xf32, #tpu.memory_space<vmem>>
    %dma_start3A_826 = arith.constant 0 : i32
    %dma_start3A_827 = tpu.memref_slice %arg8[%dma_start3A_820, %dma_start3A_826] : memref<160x64xi32, #tpu.memory_space<vmem>> -> memref<1x64xi32, #tpu.memory_space<vmem>>
    %dma_start3A_828 = tpu.memref_squeeze %dma_start3A_827 : memref<1x64xi32, #tpu.memory_space<vmem>> -> memref<64xi32, #tpu.memory_space<vmem>>
    %dma_start3A_829 = arith.constant 0 : i32
    %dma_start3A_830 = arith.constant 0 : i32
    %dma_start3A_831 = tpu.memref_slice %arg10[%dma_start3A_829, %dma_start3A_830] : memref<10240x8xf32, #tpu.memory_space<vmem_shared>> -> memref<10240x8xf32, #tpu.memory_space<vmem_shared>>
    %dma_start3A_832 = tpu.memref_slice %arg13[%dma_start3A_821] : memref<8x!tpu.dma_semaphore, #tpu.memory_space<semaphore_mem>> -> memref<1x!tpu.dma_semaphore, #tpu.memory_space<semaphore_mem>>
    %dma_start3A_833 = tpu.memref_squeeze %dma_start3A_832 : memref<1x!tpu.dma_semaphore, #tpu.memory_space<semaphore_mem>> -> memref<!tpu.dma_semaphore, #tpu.memory_space<semaphore_mem>>
    tpu.enqueue_indirect_dma source(%dma_start3A_825 : memref<64x8xf32, #tpu.memory_space<vmem>>) target(%dma_start3A_831 : memref<10240x8xf32, #tpu.memory_space<vmem_shared>>) offsets(%dma_start3A_828 : memref<64xi32, #tpu.memory_space<vmem>>) semaphore(%dma_start3A_833 : memref<!tpu.dma_semaphore, #tpu.memory_space<semaphore_mem>>) {add = true}
    %dma_wait3A_834 = arith.constant 0 : i32
    %dma_wait3A_835 = arith.constant 0 : i32
    %dma_wait3A_836 = arith.constant 0 : i32
    %dma_wait3A_837 = arith.constant 0 : i32
    %dma_wait3A_838 = tpu.memref_slice %arg9[%dma_wait3A_834, %dma_wait3A_836, %dma_wait3A_837] : memref<8x64x8xf32, #tpu.memory_space<vmem>> -> memref<1x64x8xf32, #tpu.memory_space<vmem>>
    %dma_wait3A_839 = tpu.memref_squeeze %dma_wait3A_838 : memref<1x64x8xf32, #tpu.memory_space<vmem>> -> memref<64x8xf32, #tpu.memory_space<vmem>>
    %dma_wait3A_840 = tpu.memref_slice %arg13[%dma_wait3A_835] : memref<8x!tpu.dma_semaphore, #tpu.memory_space<semaphore_mem>> -> memref<1x!tpu.dma_semaphore, #tpu.memory_space<semaphore_mem>>
    %dma_wait3A_841 = tpu.memref_squeeze %dma_wait3A_840 : memref<1x!tpu.dma_semaphore, #tpu.memory_space<semaphore_mem>> -> memref<!tpu.dma_semaphore, #tpu.memory_space<semaphore_mem>>
    %dma_wait3A_842 = arith.constant 0 : i32
    %dma_wait3A_843 = arith.constant 0 : i32
    %dma_wait3A_844 = tpu.memref_slice %arg9[%dma_wait3A_834, %dma_wait3A_842, %dma_wait3A_843] : memref<8x64x8xf32, #tpu.memory_space<vmem>> -> memref<1x64x8xf32, #tpu.memory_space<vmem>>
    %dma_wait3A_845 = tpu.memref_squeeze %dma_wait3A_844 : memref<1x64x8xf32, #tpu.memory_space<vmem>> -> memref<64x8xf32, #tpu.memory_space<vmem>>
    tpu.wait_dma2 semaphore(%dma_wait3A_841 : memref<!tpu.dma_semaphore, #tpu.memory_space<semaphore_mem>>) src(%arg5 : memref<64x8xf32, #tpu.memory_space<hbm>>) dst(%dma_wait3A_845 : memref<64x8xf32, #tpu.memory_space<vmem>>)
    %dma_wait3A_846 = arith.constant 1 : i32
    %dma_wait3A_847 = arith.constant 1 : i32
    %dma_wait3A_848 = arith.constant 0 : i32
    %dma_wait3A_849 = arith.constant 0 : i32
    %dma_wait3A_850 = tpu.memref_slice %arg9[%dma_wait3A_846, %dma_wait3A_848, %dma_wait3A_849] : memref<8x64x8xf32, #tpu.memory_space<vmem>> -> memref<1x64x8xf32, #tpu.memory_space<vmem>>
    %dma_wait3A_851 = tpu.memref_squeeze %dma_wait3A_850 : memref<1x64x8xf32, #tpu.memory_space<vmem>> -> memref<64x8xf32, #tpu.memory_space<vmem>>
    %dma_wait3A_852 = tpu.memref_slice %arg13[%dma_wait3A_847] : memref<8x!tpu.dma_semaphore, #tpu.memory_space<semaphore_mem>> -> memref<1x!tpu.dma_semaphore, #tpu.memory_space<semaphore_mem>>
    %dma_wait3A_853 = tpu.memref_squeeze %dma_wait3A_852 : memref<1x!tpu.dma_semaphore, #tpu.memory_space<semaphore_mem>> -> memref<!tpu.dma_semaphore, #tpu.memory_space<semaphore_mem>>
    %dma_wait3A_854 = arith.constant 0 : i32
    %dma_wait3A_855 = arith.constant 0 : i32
    %dma_wait3A_856 = tpu.memref_slice %arg9[%dma_wait3A_846, %dma_wait3A_854, %dma_wait3A_855] : memref<8x64x8xf32, #tpu.memory_space<vmem>> -> memref<1x64x8xf32, #tpu.memory_space<vmem>>
    %dma_wait3A_857 = tpu.memref_squeeze %dma_wait3A_856 : memref<1x64x8xf32, #tpu.memory_space<vmem>> -> memref<64x8xf32, #tpu.memory_space<vmem>>
    tpu.wait_dma2 semaphore(%dma_wait3A_853 : memref<!tpu.dma_semaphore, #tpu.memory_space<semaphore_mem>>) src(%arg5 : memref<64x8xf32, #tpu.memory_space<hbm>>) dst(%dma_wait3A_857 : memref<64x8xf32, #tpu.memory_space<vmem>>)
    %dma_wait3A_858 = arith.constant 2 : i32
    %dma_wait3A_859 = arith.constant 2 : i32
    %dma_wait3A_860 = arith.constant 0 : i32
    %dma_wait3A_861 = arith.constant 0 : i32
    %dma_wait3A_862 = tpu.memref_slice %arg9[%dma_wait3A_858, %dma_wait3A_860, %dma_wait3A_861] : memref<8x64x8xf32, #tpu.memory_space<vmem>> -> memref<1x64x8xf32, #tpu.memory_space<vmem>>
    %dma_wait3A_863 = tpu.memref_squeeze %dma_wait3A_862 : memref<1x64x8xf32, #tpu.memory_space<vmem>> -> memref<64x8xf32, #tpu.memory_space<vmem>>
    %dma_wait3A_864 = tpu.memref_slice %arg13[%dma_wait3A_859] : memref<8x!tpu.dma_semaphore, #tpu.memory_space<semaphore_mem>> -> memref<1x!tpu.dma_semaphore, #tpu.memory_space<semaphore_mem>>
    %dma_wait3A_865 = tpu.memref_squeeze %dma_wait3A_864 : memref<1x!tpu.dma_semaphore, #tpu.memory_space<semaphore_mem>> -> memref<!tpu.dma_semaphore, #tpu.memory_space<semaphore_mem>>
    %dma_wait3A_866 = arith.constant 0 : i32
    %dma_wait3A_867 = arith.constant 0 : i32
    %dma_wait3A_868 = tpu.memref_slice %arg9[%dma_wait3A_858, %dma_wait3A_866, %dma_wait3A_867] : memref<8x64x8xf32, #tpu.memory_space<vmem>> -> memref<1x64x8xf32, #tpu.memory_space<vmem>>
    %dma_wait3A_869 = tpu.memref_squeeze %dma_wait3A_868 : memref<1x64x8xf32, #tpu.memory_space<vmem>> -> memref<64x8xf32, #tpu.memory_space<vmem>>
    tpu.wait_dma2 semaphore(%dma_wait3A_865 : memref<!tpu.dma_semaphore, #tpu.memory_space<semaphore_mem>>) src(%arg5 : memref<64x8xf32, #tpu.memory_space<hbm>>) dst(%dma_wait3A_869 : memref<64x8xf32, #tpu.memory_space<vmem>>)
    %dma_wait3A_870 = arith.constant 3 : i32
    %dma_wait3A_871 = arith.constant 3 : i32
    %dma_wait3A_872 = arith.constant 0 : i32
    %dma_wait3A_873 = arith.constant 0 : i32
    %dma_wait3A_874 = tpu.memref_slice %arg9[%dma_wait3A_870, %dma_wait3A_872, %dma_wait3A_873] : memref<8x64x8xf32, #tpu.memory_space<vmem>> -> memref<1x64x8xf32, #tpu.memory_space<vmem>>
    %dma_wait3A_875 = tpu.memref_squeeze %dma_wait3A_874 : memref<1x64x8xf32, #tpu.memory_space<vmem>> -> memref<64x8xf32, #tpu.memory_space<vmem>>
    %dma_wait3A_876 = tpu.memref_slice %arg13[%dma_wait3A_871] : memref<8x!tpu.dma_semaphore, #tpu.memory_space<semaphore_mem>> -> memref<1x!tpu.dma_semaphore, #tpu.memory_space<semaphore_mem>>
    %dma_wait3A_877 = tpu.memref_squeeze %dma_wait3A_876 : memref<1x!tpu.dma_semaphore, #tpu.memory_space<semaphore_mem>> -> memref<!tpu.dma_semaphore, #tpu.memory_space<semaphore_mem>>
    %dma_wait3A_878 = arith.constant 0 : i32
    %dma_wait3A_879 = arith.constant 0 : i32
    %dma_wait3A_880 = tpu.memref_slice %arg9[%dma_wait3A_870, %dma_wait3A_878, %dma_wait3A_879] : memref<8x64x8xf32, #tpu.memory_space<vmem>> -> memref<1x64x8xf32, #tpu.memory_space<vmem>>
    %dma_wait3A_881 = tpu.memref_squeeze %dma_wait3A_880 : memref<1x64x8xf32, #tpu.memory_space<vmem>> -> memref<64x8xf32, #tpu.memory_space<vmem>>
    tpu.wait_dma2 semaphore(%dma_wait3A_877 : memref<!tpu.dma_semaphore, #tpu.memory_space<semaphore_mem>>) src(%arg5 : memref<64x8xf32, #tpu.memory_space<hbm>>) dst(%dma_wait3A_881 : memref<64x8xf32, #tpu.memory_space<vmem>>)
    %dma_wait3A_882 = arith.constant 4 : i32
    %dma_wait3A_883 = arith.constant 4 : i32
    %dma_wait3A_884 = arith.constant 0 : i32
    %dma_wait3A_885 = arith.constant 0 : i32
    %dma_wait3A_886 = tpu.memref_slice %arg9[%dma_wait3A_882, %dma_wait3A_884, %dma_wait3A_885] : memref<8x64x8xf32, #tpu.memory_space<vmem>> -> memref<1x64x8xf32, #tpu.memory_space<vmem>>
    %dma_wait3A_887 = tpu.memref_squeeze %dma_wait3A_886 : memref<1x64x8xf32, #tpu.memory_space<vmem>> -> memref<64x8xf32, #tpu.memory_space<vmem>>
    %dma_wait3A_888 = tpu.memref_slice %arg13[%dma_wait3A_883] : memref<8x!tpu.dma_semaphore, #tpu.memory_space<semaphore_mem>> -> memref<1x!tpu.dma_semaphore, #tpu.memory_space<semaphore_mem>>
    %dma_wait3A_889 = tpu.memref_squeeze %dma_wait3A_888 : memref<1x!tpu.dma_semaphore, #tpu.memory_space<semaphore_mem>> -> memref<!tpu.dma_semaphore, #tpu.memory_space<semaphore_mem>>
    %dma_wait3A_890 = arith.constant 0 : i32
    %dma_wait3A_891 = arith.constant 0 : i32
    %dma_wait3A_892 = tpu.memref_slice %arg9[%dma_wait3A_882, %dma_wait3A_890, %dma_wait3A_891] : memref<8x64x8xf32, #tpu.memory_space<vmem>> -> memref<1x64x8xf32, #tpu.memory_space<vmem>>
    %dma_wait3A_893 = tpu.memref_squeeze %dma_wait3A_892 : memref<1x64x8xf32, #tpu.memory_space<vmem>> -> memref<64x8xf32, #tpu.memory_space<vmem>>
    tpu.wait_dma2 semaphore(%dma_wait3A_889 : memref<!tpu.dma_semaphore, #tpu.memory_space<semaphore_mem>>) src(%arg5 : memref<64x8xf32, #tpu.memory_space<hbm>>) dst(%dma_wait3A_893 : memref<64x8xf32, #tpu.memory_space<vmem>>)
    %dma_wait3A_894 = arith.constant 5 : i32
    %dma_wait3A_895 = arith.constant 5 : i32
    %dma_wait3A_896 = arith.constant 0 : i32
    %dma_wait3A_897 = arith.constant 0 : i32
    %dma_wait3A_898 = tpu.memref_slice %arg9[%dma_wait3A_894, %dma_wait3A_896, %dma_wait3A_897] : memref<8x64x8xf32, #tpu.memory_space<vmem>> -> memref<1x64x8xf32, #tpu.memory_space<vmem>>
    %dma_wait3A_899 = tpu.memref_squeeze %dma_wait3A_898 : memref<1x64x8xf32, #tpu.memory_space<vmem>> -> memref<64x8xf32, #tpu.memory_space<vmem>>
    %dma_wait3A_900 = tpu.memref_slice %arg13[%dma_wait3A_895] : memref<8x!tpu.dma_semaphore, #tpu.memory_space<semaphore_mem>> -> memref<1x!tpu.dma_semaphore, #tpu.memory_space<semaphore_mem>>
    %dma_wait3A_901 = tpu.memref_squeeze %dma_wait3A_900 : memref<1x!tpu.dma_semaphore, #tpu.memory_space<semaphore_mem>> -> memref<!tpu.dma_semaphore, #tpu.memory_space<semaphore_mem>>
    %dma_wait3A_902 = arith.constant 0 : i32
    %dma_wait3A_903 = arith.constant 0 : i32
    %dma_wait3A_904 = tpu.memref_slice %arg9[%dma_wait3A_894, %dma_wait3A_902, %dma_wait3A_903] : memref<8x64x8xf32, #tpu.memory_space<vmem>> -> memref<1x64x8xf32, #tpu.memory_space<vmem>>
    %dma_wait3A_905 = tpu.memref_squeeze %dma_wait3A_904 : memref<1x64x8xf32, #tpu.memory_space<vmem>> -> memref<64x8xf32, #tpu.memory_space<vmem>>
    tpu.wait_dma2 semaphore(%dma_wait3A_901 : memref<!tpu.dma_semaphore, #tpu.memory_space<semaphore_mem>>) src(%arg5 : memref<64x8xf32, #tpu.memory_space<hbm>>) dst(%dma_wait3A_905 : memref<64x8xf32, #tpu.memory_space<vmem>>)
    %dma_wait3A_906 = arith.constant 6 : i32
    %dma_wait3A_907 = arith.constant 6 : i32
    %dma_wait3A_908 = arith.constant 0 : i32
    %dma_wait3A_909 = arith.constant 0 : i32
    %dma_wait3A_910 = tpu.memref_slice %arg9[%dma_wait3A_906, %dma_wait3A_908, %dma_wait3A_909] : memref<8x64x8xf32, #tpu.memory_space<vmem>> -> memref<1x64x8xf32, #tpu.memory_space<vmem>>
    %dma_wait3A_911 = tpu.memref_squeeze %dma_wait3A_910 : memref<1x64x8xf32, #tpu.memory_space<vmem>> -> memref<64x8xf32, #tpu.memory_space<vmem>>
    %dma_wait3A_912 = tpu.memref_slice %arg13[%dma_wait3A_907] : memref<8x!tpu.dma_semaphore, #tpu.memory_space<semaphore_mem>> -> memref<1x!tpu.dma_semaphore, #tpu.memory_space<semaphore_mem>>
    %dma_wait3A_913 = tpu.memref_squeeze %dma_wait3A_912 : memref<1x!tpu.dma_semaphore, #tpu.memory_space<semaphore_mem>> -> memref<!tpu.dma_semaphore, #tpu.memory_space<semaphore_mem>>
    %dma_wait3A_914 = arith.constant 0 : i32
    %dma_wait3A_915 = arith.constant 0 : i32
    %dma_wait3A_916 = tpu.memref_slice %arg9[%dma_wait3A_906, %dma_wait3A_914, %dma_wait3A_915] : memref<8x64x8xf32, #tpu.memory_space<vmem>> -> memref<1x64x8xf32, #tpu.memory_space<vmem>>
    %dma_wait3A_917 = tpu.memref_squeeze %dma_wait3A_916 : memref<1x64x8xf32, #tpu.memory_space<vmem>> -> memref<64x8xf32, #tpu.memory_space<vmem>>
    tpu.wait_dma2 semaphore(%dma_wait3A_913 : memref<!tpu.dma_semaphore, #tpu.memory_space<semaphore_mem>>) src(%arg5 : memref<64x8xf32, #tpu.memory_space<hbm>>) dst(%dma_wait3A_917 : memref<64x8xf32, #tpu.memory_space<vmem>>)
    %dma_wait3A_918 = arith.constant 7 : i32
    %dma_wait3A_919 = arith.constant 7 : i32
    %dma_wait3A_920 = arith.constant 0 : i32
    %dma_wait3A_921 = arith.constant 0 : i32
    %dma_wait3A_922 = tpu.memref_slice %arg9[%dma_wait3A_918, %dma_wait3A_920, %dma_wait3A_921] : memref<8x64x8xf32, #tpu.memory_space<vmem>> -> memref<1x64x8xf32, #tpu.memory_space<vmem>>
    %dma_wait3A_923 = tpu.memref_squeeze %dma_wait3A_922 : memref<1x64x8xf32, #tpu.memory_space<vmem>> -> memref<64x8xf32, #tpu.memory_space<vmem>>
    %dma_wait3A_924 = tpu.memref_slice %arg13[%dma_wait3A_919] : memref<8x!tpu.dma_semaphore, #tpu.memory_space<semaphore_mem>> -> memref<1x!tpu.dma_semaphore, #tpu.memory_space<semaphore_mem>>
    %dma_wait3A_925 = tpu.memref_squeeze %dma_wait3A_924 : memref<1x!tpu.dma_semaphore, #tpu.memory_space<semaphore_mem>> -> memref<!tpu.dma_semaphore, #tpu.memory_space<semaphore_mem>>
    %dma_wait3A_926 = arith.constant 0 : i32
    %dma_wait3A_927 = arith.constant 0 : i32
    %dma_wait3A_928 = tpu.memref_slice %arg9[%dma_wait3A_918, %dma_wait3A_926, %dma_wait3A_927] : memref<8x64x8xf32, #tpu.memory_space<vmem>> -> memref<1x64x8xf32, #tpu.memory_space<vmem>>
    %dma_wait3A_929 = tpu.memref_squeeze %dma_wait3A_928 : memref<1x64x8xf32, #tpu.memory_space<vmem>> -> memref<64x8xf32, #tpu.memory_space<vmem>>
    tpu.wait_dma2 semaphore(%dma_wait3A_925 : memref<!tpu.dma_semaphore, #tpu.memory_space<semaphore_mem>>) src(%arg5 : memref<64x8xf32, #tpu.memory_space<hbm>>) dst(%dma_wait3A_929 : memref<64x8xf32, #tpu.memory_space<vmem>>)
    %barrier3A_930 = arith.constant 0 : index
    tpu.barrier barrier_id(%barrier3A_930)
    %scan3A_931 = arith.constant 0 : i32
    %scan3A_932 = arith.constant 0 : i32
    %scan3A_933 = arith.constant 10 : i32
    %scan3A_934 = arith.addi %scan3A_932, %scan3A_933 : i32
    %scan3A_935 = arith.constant 1 : i32
    scf.for %scan3A_937 = %scan3A_932 to %scan3A_934 step %scan3A_935  : i32 {
      %mul3A_938 = arith.constant 640 : i32
      %mul3A_939 = arith.muli %arg1, %mul3A_938 : i32
      %mul3A_940 = arith.constant 64 : i32
      %mul3A_941 = arith.muli %scan3A_937, %mul3A_940 : i32
      %add3A_942 = arith.addi %mul3A_939, %mul3A_941 : i32
      %mul3A_943 = arith.constant 640 : i32
      %mul3A_944 = arith.muli %arg1, %mul3A_943 : i32
      %mul3A_945 = arith.constant 64 : i32
      %mul3A_946 = arith.muli %scan3A_937, %mul3A_945 : i32
      %add3A_947 = arith.addi %mul3A_944, %mul3A_946 : i32
      "tpu.region"() ({
        %run_scoped3A = tpu.sem_alloc : memref<!tpu.dma_semaphore, #tpu.memory_space<semaphore_mem>>
        %dma_start3A_948 = arith.constant 0 : i32
        %dma_start3A_949 = tpu.memref_slice %arg6[%arg0, %add3A_947, %dma_start3A_948] : memref<2x10240x8xf32, #tpu.memory_space<hbm>> -> memref<1x64x8xf32, #tpu.memory_space<hbm>>
        %dma_start3A_950 = tpu.memref_squeeze %dma_start3A_949 : memref<1x64x8xf32, #tpu.memory_space<hbm>> -> memref<64x8xf32, #tpu.memory_space<hbm>>
        %dma_start3A_951 = arith.constant 0 : i32
        %dma_start3A_952 = tpu.memref_slice %arg10[%add3A_942, %dma_start3A_951] : memref<10240x8xf32, #tpu.memory_space<vmem_shared>> -> memref<64x8xf32, #tpu.memory_space<vmem_shared>>
        tpu.enqueue_dma source(%dma_start3A_952 : memref<64x8xf32, #tpu.memory_space<vmem_shared>>) target(%dma_start3A_950 : memref<64x8xf32, #tpu.memory_space<hbm>>) target_semaphore(%run_scoped3A : memref<!tpu.dma_semaphore, #tpu.memory_space<semaphore_mem>>)
        %dma_wait3A_953 = arith.constant 0 : i32
        %dma_wait3A_954 = tpu.memref_slice %arg6[%arg0, %add3A_947, %dma_wait3A_953] : memref<2x10240x8xf32, #tpu.memory_space<hbm>> -> memref<1x64x8xf32, #tpu.memory_space<hbm>>
        %dma_wait3A_955 = tpu.memref_squeeze %dma_wait3A_954 : memref<1x64x8xf32, #tpu.memory_space<hbm>> -> memref<64x8xf32, #tpu.memory_space<hbm>>
        %dma_wait3A_956 = arith.constant 0 : i32
        %dma_wait3A_957 = tpu.memref_slice %arg10[%add3A_942, %dma_wait3A_956] : memref<10240x8xf32, #tpu.memory_space<vmem_shared>> -> memref<64x8xf32, #tpu.memory_space<vmem_shared>>
        tpu.wait_dma2 semaphore(%run_scoped3A : memref<!tpu.dma_semaphore, #tpu.memory_space<semaphore_mem>>) src(%dma_wait3A_957 : memref<64x8xf32, #tpu.memory_space<vmem_shared>>) dst(%dma_wait3A_955 : memref<64x8xf32, #tpu.memory_space<hbm>>)
        tpu.yield
      }) : () -> ()
    }
    %scan3A_936 = arith.constant 10 : i32
    return
  }
}

#map = affine_map<(d0, d1) -> (0, 0)>
#map1 = affine_map<(d0, d1) -> (0, 0, 0)>
module attributes {stable_mosaic.version = 14 : i64} {
  func.func @_scat128_body(%arg0: i32, %arg1: i32, %arg2: memref<10000x128xf32, #tpu.memory_space<hbm>>, %arg3: memref<5120x64xi32, #tpu.memory_space<hbm>>, %arg4: memref<5120x64xi32, #tpu.memory_space<hbm>>, %arg5: memref<64x128xf32, #tpu.memory_space<hbm>>, %arg6: memref<2x10240x128xf32, #tpu.memory_space<hbm>>, %arg7: memref<20x64xi32, #tpu.memory_space<vmem>>, %arg8: memref<20x64xi32, #tpu.memory_space<vmem>>, %arg9: memref<64x128xf32, #tpu.memory_space<vmem>>, %arg10: memref<64x128xf32, #tpu.memory_space<vmem>>, %arg11: memref<64x128xf32, #tpu.memory_space<vmem>>, %arg12: memref<64x128xf32, #tpu.memory_space<vmem>>, %arg13: memref<10240x128xf32, #tpu.memory_space<vmem_shared>>, %arg14: memref<!tpu.dma_semaphore, #tpu.memory_space<semaphore_mem>>, %arg15: memref<!tpu.dma_semaphore, #tpu.memory_space<semaphore_mem>>, %arg16: memref<!tpu.dma_semaphore, #tpu.memory_space<semaphore_mem>>, %arg17: memref<!tpu.dma_semaphore, #tpu.memory_space<semaphore_mem>>) attributes {dimension_semantics = [#tpu.dimension_semantics<core_parallel>, #tpu.dimension_semantics<subcore_parallel>], iteration_bounds = array<i64: 2, 16>, scalar_prefetch = 0 : i64, scratch_operands = 11 : i64, tpu.core_type = #tpu.core_type<sc_vector_subcore>, window_params = [{transform_indices = #map}, {transform_indices = #map}, {transform_indices = #map}, {transform_indices = #map}, {transform_indices = #map1}]} {
    %mul3A = arith.constant 16 : i32
    %mul3A_0 = arith.muli %arg0, %mul3A : i32
    %add3A = arith.addi %mul3A_0, %arg1 : i32
    %scan3A = arith.constant 0 : i32
    %scan3A_1 = arith.constant 0 : i32
    %scan3A_2 = arith.constant 10 : i32
    %scan3A_3 = arith.addi %scan3A_1, %scan3A_2 : i32
    %scan3A_4 = arith.constant 1 : i32
    scf.for %scan3A_33 = %scan3A_1 to %scan3A_3 step %scan3A_4  : i32 {
      %mul3A_34 = arith.constant 640 : i32
      %mul3A_35 = arith.muli %arg1, %mul3A_34 : i32
      %mul3A_36 = arith.constant 64 : i32
      %mul3A_37 = arith.muli %scan3A_33, %mul3A_36 : i32
      %add3A_38 = arith.addi %mul3A_35, %mul3A_37 : i32
      "tpu.region"() ({
        %run_scoped3A = tpu.sem_alloc : memref<!tpu.dma_semaphore, #tpu.memory_space<semaphore_mem>>
        %dma_start3A = arith.constant 0 : i32
        %dma_start3A_39 = tpu.memref_slice %arg13[%add3A_38, %dma_start3A] : memref<10240x128xf32, #tpu.memory_space<vmem_shared>> -> memref<64x128xf32, #tpu.memory_space<vmem_shared>>
        tpu.enqueue_dma source(%arg5 : memref<64x128xf32, #tpu.memory_space<hbm>>) target(%dma_start3A_39 : memref<64x128xf32, #tpu.memory_space<vmem_shared>>) target_semaphore(%run_scoped3A : memref<!tpu.dma_semaphore, #tpu.memory_space<semaphore_mem>>)
        %dma_wait3A = arith.constant 0 : i32
        %dma_wait3A_40 = tpu.memref_slice %arg13[%add3A_38, %dma_wait3A] : memref<10240x128xf32, #tpu.memory_space<vmem_shared>> -> memref<64x128xf32, #tpu.memory_space<vmem_shared>>
        tpu.wait_dma2 semaphore(%run_scoped3A : memref<!tpu.dma_semaphore, #tpu.memory_space<semaphore_mem>>) src(%arg5 : memref<64x128xf32, #tpu.memory_space<hbm>>) dst(%dma_wait3A_40 : memref<64x128xf32, #tpu.memory_space<vmem_shared>>)
        tpu.yield
      }) : () -> ()
    }
    %scan3A_5 = arith.constant 10 : i32
    %barrier3A = arith.constant 0 : index
    tpu.barrier barrier_id(%barrier3A)
    %eq3A = arith.constant 1 : i32
    %eq3A_6 = arith.cmpi eq, %arg0, %eq3A : i32
    %jit3A = arith.constant 13 : i32
    %jit3A_7 = arith.constant 3 : i32
    %select_n3A = arith.select %eq3A_6, %jit3A, %jit3A_7 : i32
    %eq3A_8 = arith.constant 1 : i32
    %eq3A_9 = arith.cmpi eq, %arg0, %eq3A_8 : i32
    %mul3A_10 = arith.constant 260 : i32
    %mul3A_11 = arith.muli %arg1, %mul3A_10 : i32
    %mul3A_12 = arith.constant 60 : i32
    %mul3A_13 = arith.muli %arg1, %mul3A_12 : i32
    %add3A_14 = arith.constant 4160 : i32
    %add3A_15 = arith.addi %add3A_14, %mul3A_13 : i32
    %select_n3A_16 = arith.select %eq3A_9, %mul3A_11, %add3A_15 : i32
    %while3A = arith.constant 0 : i32
    %while3A_17 = arith.constant 0 : i32
    %while3A_18 = arith.subi %select_n3A, %while3A_17 : i32
    %while3A_19 = arith.addi %while3A_17, %while3A_18 : i32
    %while3A_20 = arith.constant 1 : i32
    %while3A_21 = arith.divsi %while3A_18, %while3A_20 : i32
    %while3A_22 = arith.muli %while3A_21, %while3A_20 : i32
    %while3A_23 = arith.addi %while3A_17, %while3A_22 : i32
    %while3A_24 = arith.constant 1 : i32
    scf.for %while3A_33 = %while3A_17 to %while3A_23 step %while3A_24  : i32 {
      %mul3A_34 = arith.constant 20 : i32
      %mul3A_35 = arith.muli %while3A_33, %mul3A_34 : i32
      %add3A_36 = arith.addi %select_n3A_16, %mul3A_35 : i32
      "tpu.region"() ({
        %run_scoped3A_100 = tpu.sem_alloc : memref<!tpu.dma_semaphore, #tpu.memory_space<semaphore_mem>>
        %dma_start3A_101 = arith.constant 0 : i32
        %dma_start3A_102 = tpu.memref_slice %arg3[%add3A_36, %dma_start3A_101] : memref<5120x64xi32, #tpu.memory_space<hbm>> -> memref<20x64xi32, #tpu.memory_space<hbm>>
        %dma_start3A_103 = arith.constant 0 : i32
        %dma_start3A_104 = tpu.memref_slice %arg3[%add3A_36, %dma_start3A_103] : memref<5120x64xi32, #tpu.memory_space<hbm>> -> memref<20x64xi32, #tpu.memory_space<hbm>>
        tpu.enqueue_dma source(%dma_start3A_104 : memref<20x64xi32, #tpu.memory_space<hbm>>) target(%arg7 : memref<20x64xi32, #tpu.memory_space<vmem>>) target_semaphore(%run_scoped3A_100 : memref<!tpu.dma_semaphore, #tpu.memory_space<semaphore_mem>>)
        %dma_wait3A_105 = arith.constant 0 : i32
        %dma_wait3A_106 = tpu.memref_slice %arg3[%add3A_36, %dma_wait3A_105] : memref<5120x64xi32, #tpu.memory_space<hbm>> -> memref<20x64xi32, #tpu.memory_space<hbm>>
        %dma_wait3A_107 = arith.constant 0 : i32
        %dma_wait3A_108 = tpu.memref_slice %arg3[%add3A_36, %dma_wait3A_107] : memref<5120x64xi32, #tpu.memory_space<hbm>> -> memref<20x64xi32, #tpu.memory_space<hbm>>
        tpu.wait_dma2 semaphore(%run_scoped3A_100 : memref<!tpu.dma_semaphore, #tpu.memory_space<semaphore_mem>>) src(%dma_wait3A_108 : memref<20x64xi32, #tpu.memory_space<hbm>>) dst(%arg7 : memref<20x64xi32, #tpu.memory_space<vmem>>)
        tpu.yield
      }) : () -> ()
      "tpu.region"() ({
        %run_scoped3A_100 = tpu.sem_alloc : memref<!tpu.dma_semaphore, #tpu.memory_space<semaphore_mem>>
        %dma_start3A_101 = arith.constant 0 : i32
        %dma_start3A_102 = tpu.memref_slice %arg4[%add3A_36, %dma_start3A_101] : memref<5120x64xi32, #tpu.memory_space<hbm>> -> memref<20x64xi32, #tpu.memory_space<hbm>>
        %dma_start3A_103 = arith.constant 0 : i32
        %dma_start3A_104 = tpu.memref_slice %arg4[%add3A_36, %dma_start3A_103] : memref<5120x64xi32, #tpu.memory_space<hbm>> -> memref<20x64xi32, #tpu.memory_space<hbm>>
        tpu.enqueue_dma source(%dma_start3A_104 : memref<20x64xi32, #tpu.memory_space<hbm>>) target(%arg8 : memref<20x64xi32, #tpu.memory_space<vmem>>) target_semaphore(%run_scoped3A_100 : memref<!tpu.dma_semaphore, #tpu.memory_space<semaphore_mem>>)
        %dma_wait3A_105 = arith.constant 0 : i32
        %dma_wait3A_106 = tpu.memref_slice %arg4[%add3A_36, %dma_wait3A_105] : memref<5120x64xi32, #tpu.memory_space<hbm>> -> memref<20x64xi32, #tpu.memory_space<hbm>>
        %dma_wait3A_107 = arith.constant 0 : i32
        %dma_wait3A_108 = tpu.memref_slice %arg4[%add3A_36, %dma_wait3A_107] : memref<5120x64xi32, #tpu.memory_space<hbm>> -> memref<20x64xi32, #tpu.memory_space<hbm>>
        tpu.wait_dma2 semaphore(%run_scoped3A_100 : memref<!tpu.dma_semaphore, #tpu.memory_space<semaphore_mem>>) src(%dma_wait3A_108 : memref<20x64xi32, #tpu.memory_space<hbm>>) dst(%arg8 : memref<20x64xi32, #tpu.memory_space<vmem>>)
        tpu.yield
      }) : () -> ()
      %dma_start3A = arith.constant 0 : i32
      %dma_start3A_37 = arith.constant 0 : i32
      %dma_start3A_38 = tpu.memref_slice %arg7[%dma_start3A, %dma_start3A_37] : memref<20x64xi32, #tpu.memory_space<vmem>> -> memref<1x64xi32, #tpu.memory_space<vmem>>
      %dma_start3A_39 = tpu.memref_squeeze %dma_start3A_38 : memref<1x64xi32, #tpu.memory_space<vmem>> -> memref<64xi32, #tpu.memory_space<vmem>>
      %dma_start3A_40 = arith.constant 0 : i32
      %dma_start3A_41 = arith.constant 0 : i32
      %dma_start3A_42 = tpu.memref_slice %arg2[%dma_start3A_40, %dma_start3A_41] : memref<10000x128xf32, #tpu.memory_space<hbm>> -> memref<10000x128xf32, #tpu.memory_space<hbm>>
      tpu.enqueue_indirect_dma source(%dma_start3A_42 : memref<10000x128xf32, #tpu.memory_space<hbm>>) target(%arg9 : memref<64x128xf32, #tpu.memory_space<vmem>>) offsets(%dma_start3A_39 : memref<64xi32, #tpu.memory_space<vmem>>) semaphore(%arg14 : memref<!tpu.dma_semaphore, #tpu.memory_space<semaphore_mem>>)
      %dma_start3A_43 = arith.constant 1 : i32
      %dma_start3A_44 = arith.constant 0 : i32
      %dma_start3A_45 = tpu.memref_slice %arg7[%dma_start3A_43, %dma_start3A_44] : memref<20x64xi32, #tpu.memory_space<vmem>> -> memref<1x64xi32, #tpu.memory_space<vmem>>
      %dma_start3A_46 = tpu.memref_squeeze %dma_start3A_45 : memref<1x64xi32, #tpu.memory_space<vmem>> -> memref<64xi32, #tpu.memory_space<vmem>>
      %dma_start3A_47 = arith.constant 0 : i32
      %dma_start3A_48 = arith.constant 0 : i32
      %dma_start3A_49 = tpu.memref_slice %arg2[%dma_start3A_47, %dma_start3A_48] : memref<10000x128xf32, #tpu.memory_space<hbm>> -> memref<10000x128xf32, #tpu.memory_space<hbm>>
      tpu.enqueue_indirect_dma source(%dma_start3A_49 : memref<10000x128xf32, #tpu.memory_space<hbm>>) target(%arg10 : memref<64x128xf32, #tpu.memory_space<vmem>>) offsets(%dma_start3A_46 : memref<64xi32, #tpu.memory_space<vmem>>) semaphore(%arg15 : memref<!tpu.dma_semaphore, #tpu.memory_space<semaphore_mem>>)
      %dma_start3A_50 = arith.constant 2 : i32
      %dma_start3A_51 = arith.constant 0 : i32
      %dma_start3A_52 = tpu.memref_slice %arg7[%dma_start3A_50, %dma_start3A_51] : memref<20x64xi32, #tpu.memory_space<vmem>> -> memref<1x64xi32, #tpu.memory_space<vmem>>
      %dma_start3A_53 = tpu.memref_squeeze %dma_start3A_52 : memref<1x64xi32, #tpu.memory_space<vmem>> -> memref<64xi32, #tpu.memory_space<vmem>>
      %dma_start3A_54 = arith.constant 0 : i32
      %dma_start3A_55 = arith.constant 0 : i32
      %dma_start3A_56 = tpu.memref_slice %arg2[%dma_start3A_54, %dma_start3A_55] : memref<10000x128xf32, #tpu.memory_space<hbm>> -> memref<10000x128xf32, #tpu.memory_space<hbm>>
      tpu.enqueue_indirect_dma source(%dma_start3A_56 : memref<10000x128xf32, #tpu.memory_space<hbm>>) target(%arg11 : memref<64x128xf32, #tpu.memory_space<vmem>>) offsets(%dma_start3A_53 : memref<64xi32, #tpu.memory_space<vmem>>) semaphore(%arg16 : memref<!tpu.dma_semaphore, #tpu.memory_space<semaphore_mem>>)
      %scan3A_57 = arith.constant 0 : i32
      %scan3A_58 = arith.constant 0 : i32
      %scan3A_59 = arith.constant 4 : i32
      %scan3A_60 = arith.addi %scan3A_58, %scan3A_59 : i32
      %scan3A_61 = arith.constant 1 : i32
      scf.for %scan3A_100 = %scan3A_58 to %scan3A_60 step %scan3A_61  : i32 {
        %mul3A_101 = arith.constant 4 : i32
        %mul3A_102 = arith.muli %scan3A_100, %mul3A_101 : i32
        %add3A_103 = arith.constant 0 : i32
        %add3A_104 = arith.addi %mul3A_102, %add3A_103 : i32
        %add3A_105 = arith.constant 3 : i32
        %add3A_106 = arith.addi %add3A_104, %add3A_105 : i32
        %dma_start3A_107 = arith.constant 0 : i32
        %dma_start3A_108 = tpu.memref_slice %arg7[%add3A_106, %dma_start3A_107] : memref<20x64xi32, #tpu.memory_space<vmem>> -> memref<1x64xi32, #tpu.memory_space<vmem>>
        %dma_start3A_109 = tpu.memref_squeeze %dma_start3A_108 : memref<1x64xi32, #tpu.memory_space<vmem>> -> memref<64xi32, #tpu.memory_space<vmem>>
        %dma_start3A_110 = arith.constant 0 : i32
        %dma_start3A_111 = arith.constant 0 : i32
        %dma_start3A_112 = tpu.memref_slice %arg2[%dma_start3A_110, %dma_start3A_111] : memref<10000x128xf32, #tpu.memory_space<hbm>> -> memref<10000x128xf32, #tpu.memory_space<hbm>>
        tpu.enqueue_indirect_dma source(%dma_start3A_112 : memref<10000x128xf32, #tpu.memory_space<hbm>>) target(%arg12 : memref<64x128xf32, #tpu.memory_space<vmem>>) offsets(%dma_start3A_109 : memref<64xi32, #tpu.memory_space<vmem>>) semaphore(%arg17 : memref<!tpu.dma_semaphore, #tpu.memory_space<semaphore_mem>>)
        %dma_wait3A_113 = arith.constant 0 : i32
        %dma_wait3A_114 = tpu.memref_slice %arg7[%add3A_104, %dma_wait3A_113] : memref<20x64xi32, #tpu.memory_space<vmem>> -> memref<1x64xi32, #tpu.memory_space<vmem>>
        %dma_wait3A_115 = tpu.memref_squeeze %dma_wait3A_114 : memref<1x64xi32, #tpu.memory_space<vmem>> -> memref<64xi32, #tpu.memory_space<vmem>>
        %dma_wait3A_116 = arith.constant 0 : i32
        %dma_wait3A_117 = arith.constant 0 : i32
        %dma_wait3A_118 = tpu.memref_slice %arg2[%dma_wait3A_116, %dma_wait3A_117] : memref<10000x128xf32, #tpu.memory_space<hbm>> -> memref<10000x128xf32, #tpu.memory_space<hbm>>
        tpu.wait_indirect_dma semaphore(%arg14 : memref<!tpu.dma_semaphore, #tpu.memory_space<semaphore_mem>>) src(%dma_wait3A_118 : memref<10000x128xf32, #tpu.memory_space<hbm>>) dst(%arg9 : memref<64x128xf32, #tpu.memory_space<vmem>>)
        "tpu.region"() ({
          %run_scoped3A_173 = tpu.sem_alloc : memref<!tpu.dma_semaphore, #tpu.memory_space<semaphore_mem>>
          %dma_start3A_174 = arith.constant 0 : i32
          %dma_start3A_175 = tpu.memref_slice %arg8[%add3A_104, %dma_start3A_174] : memref<20x64xi32, #tpu.memory_space<vmem>> -> memref<1x64xi32, #tpu.memory_space<vmem>>
          %dma_start3A_176 = tpu.memref_squeeze %dma_start3A_175 : memref<1x64xi32, #tpu.memory_space<vmem>> -> memref<64xi32, #tpu.memory_space<vmem>>
          %dma_start3A_177 = arith.constant 0 : i32
          %dma_start3A_178 = arith.constant 0 : i32
          %dma_start3A_179 = tpu.memref_slice %arg13[%dma_start3A_177, %dma_start3A_178] : memref<10240x128xf32, #tpu.memory_space<vmem_shared>> -> memref<10240x128xf32, #tpu.memory_space<vmem_shared>>
          tpu.enqueue_indirect_dma source(%arg9 : memref<64x128xf32, #tpu.memory_space<vmem>>) target(%dma_start3A_179 : memref<10240x128xf32, #tpu.memory_space<vmem_shared>>) offsets(%dma_start3A_176 : memref<64xi32, #tpu.memory_space<vmem>>) semaphore(%run_scoped3A_173 : memref<!tpu.dma_semaphore, #tpu.memory_space<semaphore_mem>>) {add = true}
          %dma_wait3A_180 = arith.constant 0 : i32
          %dma_wait3A_181 = tpu.memref_slice %arg8[%add3A_104, %dma_wait3A_180] : memref<20x64xi32, #tpu.memory_space<vmem>> -> memref<1x64xi32, #tpu.memory_space<vmem>>
          %dma_wait3A_182 = tpu.memref_squeeze %dma_wait3A_181 : memref<1x64xi32, #tpu.memory_space<vmem>> -> memref<64xi32, #tpu.memory_space<vmem>>
          %dma_wait3A_183 = arith.constant 0 : i32
          %dma_wait3A_184 = arith.constant 0 : i32
          %dma_wait3A_185 = tpu.memref_slice %arg13[%dma_wait3A_183, %dma_wait3A_184] : memref<10240x128xf32, #tpu.memory_space<vmem_shared>> -> memref<10240x128xf32, #tpu.memory_space<vmem_shared>>
          tpu.wait_indirect_dma semaphore(%run_scoped3A_173 : memref<!tpu.dma_semaphore, #tpu.memory_space<semaphore_mem>>) src(%arg9 : memref<64x128xf32, #tpu.memory_space<vmem>>) dst(%dma_wait3A_185 : memref<10240x128xf32, #tpu.memory_space<vmem_shared>>)
          tpu.yield
        }) : () -> ()
        %mul3A_119 = arith.constant 4 : i32
        %mul3A_120 = arith.muli %scan3A_100, %mul3A_119 : i32
        %add3A_121 = arith.constant 1 : i32
        %add3A_122 = arith.addi %mul3A_120, %add3A_121 : i32
        %add3A_123 = arith.constant 3 : i32
        %add3A_124 = arith.addi %add3A_122, %add3A_123 : i32
        %dma_start3A_125 = arith.constant 0 : i32
        %dma_start3A_126 = tpu.memref_slice %arg7[%add3A_124, %dma_start3A_125] : memref<20x64xi32, #tpu.memory_space<vmem>> -> memref<1x64xi32, #tpu.memory_space<vmem>>
        %dma_start3A_127 = tpu.memref_squeeze %dma_start3A_126 : memref<1x64xi32, #tpu.memory_space<vmem>> -> memref<64xi32, #tpu.memory_space<vmem>>
        %dma_start3A_128 = arith.constant 0 : i32
        %dma_start3A_129 = arith.constant 0 : i32
        %dma_start3A_130 = tpu.memref_slice %arg2[%dma_start3A_128, %dma_start3A_129] : memref<10000x128xf32, #tpu.memory_space<hbm>> -> memref<10000x128xf32, #tpu.memory_space<hbm>>
        tpu.enqueue_indirect_dma source(%dma_start3A_130 : memref<10000x128xf32, #tpu.memory_space<hbm>>) target(%arg9 : memref<64x128xf32, #tpu.memory_space<vmem>>) offsets(%dma_start3A_127 : memref<64xi32, #tpu.memory_space<vmem>>) semaphore(%arg14 : memref<!tpu.dma_semaphore, #tpu.memory_space<semaphore_mem>>)
        %dma_wait3A_131 = arith.constant 0 : i32
        %dma_wait3A_132 = tpu.memref_slice %arg7[%add3A_122, %dma_wait3A_131] : memref<20x64xi32, #tpu.memory_space<vmem>> -> memref<1x64xi32, #tpu.memory_space<vmem>>
        %dma_wait3A_133 = tpu.memref_squeeze %dma_wait3A_132 : memref<1x64xi32, #tpu.memory_space<vmem>> -> memref<64xi32, #tpu.memory_space<vmem>>
        %dma_wait3A_134 = arith.constant 0 : i32
        %dma_wait3A_135 = arith.constant 0 : i32
        %dma_wait3A_136 = tpu.memref_slice %arg2[%dma_wait3A_134, %dma_wait3A_135] : memref<10000x128xf32, #tpu.memory_space<hbm>> -> memref<10000x128xf32, #tpu.memory_space<hbm>>
        tpu.wait_indirect_dma semaphore(%arg15 : memref<!tpu.dma_semaphore, #tpu.memory_space<semaphore_mem>>) src(%dma_wait3A_136 : memref<10000x128xf32, #tpu.memory_space<hbm>>) dst(%arg10 : memref<64x128xf32, #tpu.memory_space<vmem>>)
        "tpu.region"() ({
          %run_scoped3A_173 = tpu.sem_alloc : memref<!tpu.dma_semaphore, #tpu.memory_space<semaphore_mem>>
          %dma_start3A_174 = arith.constant 0 : i32
          %dma_start3A_175 = tpu.memref_slice %arg8[%add3A_122, %dma_start3A_174] : memref<20x64xi32, #tpu.memory_space<vmem>> -> memref<1x64xi32, #tpu.memory_space<vmem>>
          %dma_start3A_176 = tpu.memref_squeeze %dma_start3A_175 : memref<1x64xi32, #tpu.memory_space<vmem>> -> memref<64xi32, #tpu.memory_space<vmem>>
          %dma_start3A_177 = arith.constant 0 : i32
          %dma_start3A_178 = arith.constant 0 : i32
          %dma_start3A_179 = tpu.memref_slice %arg13[%dma_start3A_177, %dma_start3A_178] : memref<10240x128xf32, #tpu.memory_space<vmem_shared>> -> memref<10240x128xf32, #tpu.memory_space<vmem_shared>>
          tpu.enqueue_indirect_dma source(%arg10 : memref<64x128xf32, #tpu.memory_space<vmem>>) target(%dma_start3A_179 : memref<10240x128xf32, #tpu.memory_space<vmem_shared>>) offsets(%dma_start3A_176 : memref<64xi32, #tpu.memory_space<vmem>>) semaphore(%run_scoped3A_173 : memref<!tpu.dma_semaphore, #tpu.memory_space<semaphore_mem>>) {add = true}
          %dma_wait3A_180 = arith.constant 0 : i32
          %dma_wait3A_181 = tpu.memref_slice %arg8[%add3A_122, %dma_wait3A_180] : memref<20x64xi32, #tpu.memory_space<vmem>> -> memref<1x64xi32, #tpu.memory_space<vmem>>
          %dma_wait3A_182 = tpu.memref_squeeze %dma_wait3A_181 : memref<1x64xi32, #tpu.memory_space<vmem>> -> memref<64xi32, #tpu.memory_space<vmem>>
          %dma_wait3A_183 = arith.constant 0 : i32
          %dma_wait3A_184 = arith.constant 0 : i32
          %dma_wait3A_185 = tpu.memref_slice %arg13[%dma_wait3A_183, %dma_wait3A_184] : memref<10240x128xf32, #tpu.memory_space<vmem_shared>> -> memref<10240x128xf32, #tpu.memory_space<vmem_shared>>
          tpu.wait_indirect_dma semaphore(%run_scoped3A_173 : memref<!tpu.dma_semaphore, #tpu.memory_space<semaphore_mem>>) src(%arg10 : memref<64x128xf32, #tpu.memory_space<vmem>>) dst(%dma_wait3A_185 : memref<10240x128xf32, #tpu.memory_space<vmem_shared>>)
          tpu.yield
        }) : () -> ()
        %mul3A_137 = arith.constant 4 : i32
        %mul3A_138 = arith.muli %scan3A_100, %mul3A_137 : i32
        %add3A_139 = arith.constant 2 : i32
        %add3A_140 = arith.addi %mul3A_138, %add3A_139 : i32
        %add3A_141 = arith.constant 3 : i32
        %add3A_142 = arith.addi %add3A_140, %add3A_141 : i32
        %dma_start3A_143 = arith.constant 0 : i32
        %dma_start3A_144 = tpu.memref_slice %arg7[%add3A_142, %dma_start3A_143] : memref<20x64xi32, #tpu.memory_space<vmem>> -> memref<1x64xi32, #tpu.memory_space<vmem>>
        %dma_start3A_145 = tpu.memref_squeeze %dma_start3A_144 : memref<1x64xi32, #tpu.memory_space<vmem>> -> memref<64xi32, #tpu.memory_space<vmem>>
        %dma_start3A_146 = arith.constant 0 : i32
        %dma_start3A_147 = arith.constant 0 : i32
        %dma_start3A_148 = tpu.memref_slice %arg2[%dma_start3A_146, %dma_start3A_147] : memref<10000x128xf32, #tpu.memory_space<hbm>> -> memref<10000x128xf32, #tpu.memory_space<hbm>>
        tpu.enqueue_indirect_dma source(%dma_start3A_148 : memref<10000x128xf32, #tpu.memory_space<hbm>>) target(%arg10 : memref<64x128xf32, #tpu.memory_space<vmem>>) offsets(%dma_start3A_145 : memref<64xi32, #tpu.memory_space<vmem>>) semaphore(%arg15 : memref<!tpu.dma_semaphore, #tpu.memory_space<semaphore_mem>>)
        %dma_wait3A_149 = arith.constant 0 : i32
        %dma_wait3A_150 = tpu.memref_slice %arg7[%add3A_140, %dma_wait3A_149] : memref<20x64xi32, #tpu.memory_space<vmem>> -> memref<1x64xi32, #tpu.memory_space<vmem>>
        %dma_wait3A_151 = tpu.memref_squeeze %dma_wait3A_150 : memref<1x64xi32, #tpu.memory_space<vmem>> -> memref<64xi32, #tpu.memory_space<vmem>>
        %dma_wait3A_152 = arith.constant 0 : i32
        %dma_wait3A_153 = arith.constant 0 : i32
        %dma_wait3A_154 = tpu.memref_slice %arg2[%dma_wait3A_152, %dma_wait3A_153] : memref<10000x128xf32, #tpu.memory_space<hbm>> -> memref<10000x128xf32, #tpu.memory_space<hbm>>
        tpu.wait_indirect_dma semaphore(%arg16 : memref<!tpu.dma_semaphore, #tpu.memory_space<semaphore_mem>>) src(%dma_wait3A_154 : memref<10000x128xf32, #tpu.memory_space<hbm>>) dst(%arg11 : memref<64x128xf32, #tpu.memory_space<vmem>>)
        "tpu.region"() ({
          %run_scoped3A_173 = tpu.sem_alloc : memref<!tpu.dma_semaphore, #tpu.memory_space<semaphore_mem>>
          %dma_start3A_174 = arith.constant 0 : i32
          %dma_start3A_175 = tpu.memref_slice %arg8[%add3A_140, %dma_start3A_174] : memref<20x64xi32, #tpu.memory_space<vmem>> -> memref<1x64xi32, #tpu.memory_space<vmem>>
          %dma_start3A_176 = tpu.memref_squeeze %dma_start3A_175 : memref<1x64xi32, #tpu.memory_space<vmem>> -> memref<64xi32, #tpu.memory_space<vmem>>
          %dma_start3A_177 = arith.constant 0 : i32
          %dma_start3A_178 = arith.constant 0 : i32
          %dma_start3A_179 = tpu.memref_slice %arg13[%dma_start3A_177, %dma_start3A_178] : memref<10240x128xf32, #tpu.memory_space<vmem_shared>> -> memref<10240x128xf32, #tpu.memory_space<vmem_shared>>
          tpu.enqueue_indirect_dma source(%arg11 : memref<64x128xf32, #tpu.memory_space<vmem>>) target(%dma_start3A_179 : memref<10240x128xf32, #tpu.memory_space<vmem_shared>>) offsets(%dma_start3A_176 : memref<64xi32, #tpu.memory_space<vmem>>) semaphore(%run_scoped3A_173 : memref<!tpu.dma_semaphore, #tpu.memory_space<semaphore_mem>>) {add = true}
          %dma_wait3A_180 = arith.constant 0 : i32
          %dma_wait3A_181 = tpu.memref_slice %arg8[%add3A_140, %dma_wait3A_180] : memref<20x64xi32, #tpu.memory_space<vmem>> -> memref<1x64xi32, #tpu.memory_space<vmem>>
          %dma_wait3A_182 = tpu.memref_squeeze %dma_wait3A_181 : memref<1x64xi32, #tpu.memory_space<vmem>> -> memref<64xi32, #tpu.memory_space<vmem>>
          %dma_wait3A_183 = arith.constant 0 : i32
          %dma_wait3A_184 = arith.constant 0 : i32
          %dma_wait3A_185 = tpu.memref_slice %arg13[%dma_wait3A_183, %dma_wait3A_184] : memref<10240x128xf32, #tpu.memory_space<vmem_shared>> -> memref<10240x128xf32, #tpu.memory_space<vmem_shared>>
          tpu.wait_indirect_dma semaphore(%run_scoped3A_173 : memref<!tpu.dma_semaphore, #tpu.memory_space<semaphore_mem>>) src(%arg11 : memref<64x128xf32, #tpu.memory_space<vmem>>) dst(%dma_wait3A_185 : memref<10240x128xf32, #tpu.memory_space<vmem_shared>>)
          tpu.yield
        }) : () -> ()
        %mul3A_155 = arith.constant 4 : i32
        %mul3A_156 = arith.muli %scan3A_100, %mul3A_155 : i32
        %add3A_157 = arith.constant 3 : i32
        %add3A_158 = arith.addi %mul3A_156, %add3A_157 : i32
        %add3A_159 = arith.constant 3 : i32
        %add3A_160 = arith.addi %add3A_158, %add3A_159 : i32
        %dma_start3A_161 = arith.constant 0 : i32
        %dma_start3A_162 = tpu.memref_slice %arg7[%add3A_160, %dma_start3A_161] : memref<20x64xi32, #tpu.memory_space<vmem>> -> memref<1x64xi32, #tpu.memory_space<vmem>>
        %dma_start3A_163 = tpu.memref_squeeze %dma_start3A_162 : memref<1x64xi32, #tpu.memory_space<vmem>> -> memref<64xi32, #tpu.memory_space<vmem>>
        %dma_start3A_164 = arith.constant 0 : i32
        %dma_start3A_165 = arith.constant 0 : i32
        %dma_start3A_166 = tpu.memref_slice %arg2[%dma_start3A_164, %dma_start3A_165] : memref<10000x128xf32, #tpu.memory_space<hbm>> -> memref<10000x128xf32, #tpu.memory_space<hbm>>
        tpu.enqueue_indirect_dma source(%dma_start3A_166 : memref<10000x128xf32, #tpu.memory_space<hbm>>) target(%arg11 : memref<64x128xf32, #tpu.memory_space<vmem>>) offsets(%dma_start3A_163 : memref<64xi32, #tpu.memory_space<vmem>>) semaphore(%arg16 : memref<!tpu.dma_semaphore, #tpu.memory_space<semaphore_mem>>)
        %dma_wait3A_167 = arith.constant 0 : i32
        %dma_wait3A_168 = tpu.memref_slice %arg7[%add3A_158, %dma_wait3A_167] : memref<20x64xi32, #tpu.memory_space<vmem>> -> memref<1x64xi32, #tpu.memory_space<vmem>>
        %dma_wait3A_169 = tpu.memref_squeeze %dma_wait3A_168 : memref<1x64xi32, #tpu.memory_space<vmem>> -> memref<64xi32, #tpu.memory_space<vmem>>
        %dma_wait3A_170 = arith.constant 0 : i32
        %dma_wait3A_171 = arith.constant 0 : i32
        %dma_wait3A_172 = tpu.memref_slice %arg2[%dma_wait3A_170, %dma_wait3A_171] : memref<10000x128xf32, #tpu.memory_space<hbm>> -> memref<10000x128xf32, #tpu.memory_space<hbm>>
        tpu.wait_indirect_dma semaphore(%arg17 : memref<!tpu.dma_semaphore, #tpu.memory_space<semaphore_mem>>) src(%dma_wait3A_172 : memref<10000x128xf32, #tpu.memory_space<hbm>>) dst(%arg12 : memref<64x128xf32, #tpu.memory_space<vmem>>)
        "tpu.region"() ({
          %run_scoped3A_173 = tpu.sem_alloc : memref<!tpu.dma_semaphore, #tpu.memory_space<semaphore_mem>>
          %dma_start3A_174 = arith.constant 0 : i32
          %dma_start3A_175 = tpu.memref_slice %arg8[%add3A_158, %dma_start3A_174] : memref<20x64xi32, #tpu.memory_space<vmem>> -> memref<1x64xi32, #tpu.memory_space<vmem>>
          %dma_start3A_176 = tpu.memref_squeeze %dma_start3A_175 : memref<1x64xi32, #tpu.memory_space<vmem>> -> memref<64xi32, #tpu.memory_space<vmem>>
          %dma_start3A_177 = arith.constant 0 : i32
          %dma_start3A_178 = arith.constant 0 : i32
          %dma_start3A_179 = tpu.memref_slice %arg13[%dma_start3A_177, %dma_start3A_178] : memref<10240x128xf32, #tpu.memory_space<vmem_shared>> -> memref<10240x128xf32, #tpu.memory_space<vmem_shared>>
          tpu.enqueue_indirect_dma source(%arg12 : memref<64x128xf32, #tpu.memory_space<vmem>>) target(%dma_start3A_179 : memref<10240x128xf32, #tpu.memory_space<vmem_shared>>) offsets(%dma_start3A_176 : memref<64xi32, #tpu.memory_space<vmem>>) semaphore(%run_scoped3A_173 : memref<!tpu.dma_semaphore, #tpu.memory_space<semaphore_mem>>) {add = true}
          %dma_wait3A_180 = arith.constant 0 : i32
          %dma_wait3A_181 = tpu.memref_slice %arg8[%add3A_158, %dma_wait3A_180] : memref<20x64xi32, #tpu.memory_space<vmem>> -> memref<1x64xi32, #tpu.memory_space<vmem>>
          %dma_wait3A_182 = tpu.memref_squeeze %dma_wait3A_181 : memref<1x64xi32, #tpu.memory_space<vmem>> -> memref<64xi32, #tpu.memory_space<vmem>>
          %dma_wait3A_183 = arith.constant 0 : i32
          %dma_wait3A_184 = arith.constant 0 : i32
          %dma_wait3A_185 = tpu.memref_slice %arg13[%dma_wait3A_183, %dma_wait3A_184] : memref<10240x128xf32, #tpu.memory_space<vmem_shared>> -> memref<10240x128xf32, #tpu.memory_space<vmem_shared>>
          tpu.wait_indirect_dma semaphore(%run_scoped3A_173 : memref<!tpu.dma_semaphore, #tpu.memory_space<semaphore_mem>>) src(%arg12 : memref<64x128xf32, #tpu.memory_space<vmem>>) dst(%dma_wait3A_185 : memref<10240x128xf32, #tpu.memory_space<vmem_shared>>)
          tpu.yield
        }) : () -> ()
      }
      %scan3A_62 = arith.constant 4 : i32
      %dma_start3A_63 = arith.constant 19 : i32
      %dma_start3A_64 = arith.constant 0 : i32
      %dma_start3A_65 = tpu.memref_slice %arg7[%dma_start3A_63, %dma_start3A_64] : memref<20x64xi32, #tpu.memory_space<vmem>> -> memref<1x64xi32, #tpu.memory_space<vmem>>
      %dma_start3A_66 = tpu.memref_squeeze %dma_start3A_65 : memref<1x64xi32, #tpu.memory_space<vmem>> -> memref<64xi32, #tpu.memory_space<vmem>>
      %dma_start3A_67 = arith.constant 0 : i32
      %dma_start3A_68 = arith.constant 0 : i32
      %dma_start3A_69 = tpu.memref_slice %arg2[%dma_start3A_67, %dma_start3A_68] : memref<10000x128xf32, #tpu.memory_space<hbm>> -> memref<10000x128xf32, #tpu.memory_space<hbm>>
      tpu.enqueue_indirect_dma source(%dma_start3A_69 : memref<10000x128xf32, #tpu.memory_space<hbm>>) target(%arg12 : memref<64x128xf32, #tpu.memory_space<vmem>>) offsets(%dma_start3A_66 : memref<64xi32, #tpu.memory_space<vmem>>) semaphore(%arg17 : memref<!tpu.dma_semaphore, #tpu.memory_space<semaphore_mem>>)
      %dma_wait3A = arith.constant 16 : i32
      %dma_wait3A_70 = arith.constant 0 : i32
      %dma_wait3A_71 = tpu.memref_slice %arg7[%dma_wait3A, %dma_wait3A_70] : memref<20x64xi32, #tpu.memory_space<vmem>> -> memref<1x64xi32, #tpu.memory_space<vmem>>
      %dma_wait3A_72 = tpu.memref_squeeze %dma_wait3A_71 : memref<1x64xi32, #tpu.memory_space<vmem>> -> memref<64xi32, #tpu.memory_space<vmem>>
      %dma_wait3A_73 = arith.constant 0 : i32
      %dma_wait3A_74 = arith.constant 0 : i32
      %dma_wait3A_75 = tpu.memref_slice %arg2[%dma_wait3A_73, %dma_wait3A_74] : memref<10000x128xf32, #tpu.memory_space<hbm>> -> memref<10000x128xf32, #tpu.memory_space<hbm>>
      tpu.wait_indirect_dma semaphore(%arg14 : memref<!tpu.dma_semaphore, #tpu.memory_space<semaphore_mem>>) src(%dma_wait3A_75 : memref<10000x128xf32, #tpu.memory_space<hbm>>) dst(%arg9 : memref<64x128xf32, #tpu.memory_space<vmem>>)
      %run_scoped3A = arith.constant 16 : i32
      "tpu.region"() ({
        %run_scoped3A_100 = tpu.sem_alloc : memref<!tpu.dma_semaphore, #tpu.memory_space<semaphore_mem>>
        %dma_start3A_101 = arith.constant 0 : i32
        %dma_start3A_102 = tpu.memref_slice %arg8[%run_scoped3A, %dma_start3A_101] : memref<20x64xi32, #tpu.memory_space<vmem>> -> memref<1x64xi32, #tpu.memory_space<vmem>>
        %dma_start3A_103 = tpu.memref_squeeze %dma_start3A_102 : memref<1x64xi32, #tpu.memory_space<vmem>> -> memref<64xi32, #tpu.memory_space<vmem>>
        %dma_start3A_104 = arith.constant 0 : i32
        %dma_start3A_105 = arith.constant 0 : i32
        %dma_start3A_106 = tpu.memref_slice %arg13[%dma_start3A_104, %dma_start3A_105] : memref<10240x128xf32, #tpu.memory_space<vmem_shared>> -> memref<10240x128xf32, #tpu.memory_space<vmem_shared>>
        tpu.enqueue_indirect_dma source(%arg9 : memref<64x128xf32, #tpu.memory_space<vmem>>) target(%dma_start3A_106 : memref<10240x128xf32, #tpu.memory_space<vmem_shared>>) offsets(%dma_start3A_103 : memref<64xi32, #tpu.memory_space<vmem>>) semaphore(%run_scoped3A_100 : memref<!tpu.dma_semaphore, #tpu.memory_space<semaphore_mem>>) {add = true}
        %dma_wait3A_107 = arith.constant 0 : i32
        %dma_wait3A_108 = tpu.memref_slice %arg8[%run_scoped3A, %dma_wait3A_107] : memref<20x64xi32, #tpu.memory_space<vmem>> -> memref<1x64xi32, #tpu.memory_space<vmem>>
        %dma_wait3A_109 = tpu.memref_squeeze %dma_wait3A_108 : memref<1x64xi32, #tpu.memory_space<vmem>> -> memref<64xi32, #tpu.memory_space<vmem>>
        %dma_wait3A_110 = arith.constant 0 : i32
        %dma_wait3A_111 = arith.constant 0 : i32
        %dma_wait3A_112 = tpu.memref_slice %arg13[%dma_wait3A_110, %dma_wait3A_111] : memref<10240x128xf32, #tpu.memory_space<vmem_shared>> -> memref<10240x128xf32, #tpu.memory_space<vmem_shared>>
        tpu.wait_indirect_dma semaphore(%run_scoped3A_100 : memref<!tpu.dma_semaphore, #tpu.memory_space<semaphore_mem>>) src(%arg9 : memref<64x128xf32, #tpu.memory_space<vmem>>) dst(%dma_wait3A_112 : memref<10240x128xf32, #tpu.memory_space<vmem_shared>>)
        tpu.yield
      }) : () -> ()
      %dma_wait3A_76 = arith.constant 17 : i32
      %dma_wait3A_77 = arith.constant 0 : i32
      %dma_wait3A_78 = tpu.memref_slice %arg7[%dma_wait3A_76, %dma_wait3A_77] : memref<20x64xi32, #tpu.memory_space<vmem>> -> memref<1x64xi32, #tpu.memory_space<vmem>>
      %dma_wait3A_79 = tpu.memref_squeeze %dma_wait3A_78 : memref<1x64xi32, #tpu.memory_space<vmem>> -> memref<64xi32, #tpu.memory_space<vmem>>
      %dma_wait3A_80 = arith.constant 0 : i32
      %dma_wait3A_81 = arith.constant 0 : i32
      %dma_wait3A_82 = tpu.memref_slice %arg2[%dma_wait3A_80, %dma_wait3A_81] : memref<10000x128xf32, #tpu.memory_space<hbm>> -> memref<10000x128xf32, #tpu.memory_space<hbm>>
      tpu.wait_indirect_dma semaphore(%arg15 : memref<!tpu.dma_semaphore, #tpu.memory_space<semaphore_mem>>) src(%dma_wait3A_82 : memref<10000x128xf32, #tpu.memory_space<hbm>>) dst(%arg10 : memref<64x128xf32, #tpu.memory_space<vmem>>)
      %run_scoped3A_83 = arith.constant 17 : i32
      "tpu.region"() ({
        %run_scoped3A_100 = tpu.sem_alloc : memref<!tpu.dma_semaphore, #tpu.memory_space<semaphore_mem>>
        %dma_start3A_101 = arith.constant 0 : i32
        %dma_start3A_102 = tpu.memref_slice %arg8[%run_scoped3A_83, %dma_start3A_101] : memref<20x64xi32, #tpu.memory_space<vmem>> -> memref<1x64xi32, #tpu.memory_space<vmem>>
        %dma_start3A_103 = tpu.memref_squeeze %dma_start3A_102 : memref<1x64xi32, #tpu.memory_space<vmem>> -> memref<64xi32, #tpu.memory_space<vmem>>
        %dma_start3A_104 = arith.constant 0 : i32
        %dma_start3A_105 = arith.constant 0 : i32
        %dma_start3A_106 = tpu.memref_slice %arg13[%dma_start3A_104, %dma_start3A_105] : memref<10240x128xf32, #tpu.memory_space<vmem_shared>> -> memref<10240x128xf32, #tpu.memory_space<vmem_shared>>
        tpu.enqueue_indirect_dma source(%arg10 : memref<64x128xf32, #tpu.memory_space<vmem>>) target(%dma_start3A_106 : memref<10240x128xf32, #tpu.memory_space<vmem_shared>>) offsets(%dma_start3A_103 : memref<64xi32, #tpu.memory_space<vmem>>) semaphore(%run_scoped3A_100 : memref<!tpu.dma_semaphore, #tpu.memory_space<semaphore_mem>>) {add = true}
        %dma_wait3A_107 = arith.constant 0 : i32
        %dma_wait3A_108 = tpu.memref_slice %arg8[%run_scoped3A_83, %dma_wait3A_107] : memref<20x64xi32, #tpu.memory_space<vmem>> -> memref<1x64xi32, #tpu.memory_space<vmem>>
        %dma_wait3A_109 = tpu.memref_squeeze %dma_wait3A_108 : memref<1x64xi32, #tpu.memory_space<vmem>> -> memref<64xi32, #tpu.memory_space<vmem>>
        %dma_wait3A_110 = arith.constant 0 : i32
        %dma_wait3A_111 = arith.constant 0 : i32
        %dma_wait3A_112 = tpu.memref_slice %arg13[%dma_wait3A_110, %dma_wait3A_111] : memref<10240x128xf32, #tpu.memory_space<vmem_shared>> -> memref<10240x128xf32, #tpu.memory_space<vmem_shared>>
        tpu.wait_indirect_dma semaphore(%run_scoped3A_100 : memref<!tpu.dma_semaphore, #tpu.memory_space<semaphore_mem>>) src(%arg10 : memref<64x128xf32, #tpu.memory_space<vmem>>) dst(%dma_wait3A_112 : memref<10240x128xf32, #tpu.memory_space<vmem_shared>>)
        tpu.yield
      }) : () -> ()
      %dma_wait3A_84 = arith.constant 18 : i32
      %dma_wait3A_85 = arith.constant 0 : i32
      %dma_wait3A_86 = tpu.memref_slice %arg7[%dma_wait3A_84, %dma_wait3A_85] : memref<20x64xi32, #tpu.memory_space<vmem>> -> memref<1x64xi32, #tpu.memory_space<vmem>>
      %dma_wait3A_87 = tpu.memref_squeeze %dma_wait3A_86 : memref<1x64xi32, #tpu.memory_space<vmem>> -> memref<64xi32, #tpu.memory_space<vmem>>
      %dma_wait3A_88 = arith.constant 0 : i32
      %dma_wait3A_89 = arith.constant 0 : i32
      %dma_wait3A_90 = tpu.memref_slice %arg2[%dma_wait3A_88, %dma_wait3A_89] : memref<10000x128xf32, #tpu.memory_space<hbm>> -> memref<10000x128xf32, #tpu.memory_space<hbm>>
      tpu.wait_indirect_dma semaphore(%arg16 : memref<!tpu.dma_semaphore, #tpu.memory_space<semaphore_mem>>) src(%dma_wait3A_90 : memref<10000x128xf32, #tpu.memory_space<hbm>>) dst(%arg11 : memref<64x128xf32, #tpu.memory_space<vmem>>)
      %run_scoped3A_91 = arith.constant 18 : i32
      "tpu.region"() ({
        %run_scoped3A_100 = tpu.sem_alloc : memref<!tpu.dma_semaphore, #tpu.memory_space<semaphore_mem>>
        %dma_start3A_101 = arith.constant 0 : i32
        %dma_start3A_102 = tpu.memref_slice %arg8[%run_scoped3A_91, %dma_start3A_101] : memref<20x64xi32, #tpu.memory_space<vmem>> -> memref<1x64xi32, #tpu.memory_space<vmem>>
        %dma_start3A_103 = tpu.memref_squeeze %dma_start3A_102 : memref<1x64xi32, #tpu.memory_space<vmem>> -> memref<64xi32, #tpu.memory_space<vmem>>
        %dma_start3A_104 = arith.constant 0 : i32
        %dma_start3A_105 = arith.constant 0 : i32
        %dma_start3A_106 = tpu.memref_slice %arg13[%dma_start3A_104, %dma_start3A_105] : memref<10240x128xf32, #tpu.memory_space<vmem_shared>> -> memref<10240x128xf32, #tpu.memory_space<vmem_shared>>
        tpu.enqueue_indirect_dma source(%arg11 : memref<64x128xf32, #tpu.memory_space<vmem>>) target(%dma_start3A_106 : memref<10240x128xf32, #tpu.memory_space<vmem_shared>>) offsets(%dma_start3A_103 : memref<64xi32, #tpu.memory_space<vmem>>) semaphore(%run_scoped3A_100 : memref<!tpu.dma_semaphore, #tpu.memory_space<semaphore_mem>>) {add = true}
        %dma_wait3A_107 = arith.constant 0 : i32
        %dma_wait3A_108 = tpu.memref_slice %arg8[%run_scoped3A_91, %dma_wait3A_107] : memref<20x64xi32, #tpu.memory_space<vmem>> -> memref<1x64xi32, #tpu.memory_space<vmem>>
        %dma_wait3A_109 = tpu.memref_squeeze %dma_wait3A_108 : memref<1x64xi32, #tpu.memory_space<vmem>> -> memref<64xi32, #tpu.memory_space<vmem>>
        %dma_wait3A_110 = arith.constant 0 : i32
        %dma_wait3A_111 = arith.constant 0 : i32
        %dma_wait3A_112 = tpu.memref_slice %arg13[%dma_wait3A_110, %dma_wait3A_111] : memref<10240x128xf32, #tpu.memory_space<vmem_shared>> -> memref<10240x128xf32, #tpu.memory_space<vmem_shared>>
        tpu.wait_indirect_dma semaphore(%run_scoped3A_100 : memref<!tpu.dma_semaphore, #tpu.memory_space<semaphore_mem>>) src(%arg11 : memref<64x128xf32, #tpu.memory_space<vmem>>) dst(%dma_wait3A_112 : memref<10240x128xf32, #tpu.memory_space<vmem_shared>>)
        tpu.yield
      }) : () -> ()
      %dma_wait3A_92 = arith.constant 19 : i32
      %dma_wait3A_93 = arith.constant 0 : i32
      %dma_wait3A_94 = tpu.memref_slice %arg7[%dma_wait3A_92, %dma_wait3A_93] : memref<20x64xi32, #tpu.memory_space<vmem>> -> memref<1x64xi32, #tpu.memory_space<vmem>>
      %dma_wait3A_95 = tpu.memref_squeeze %dma_wait3A_94 : memref<1x64xi32, #tpu.memory_space<vmem>> -> memref<64xi32, #tpu.memory_space<vmem>>
      %dma_wait3A_96 = arith.constant 0 : i32
      %dma_wait3A_97 = arith.constant 0 : i32
      %dma_wait3A_98 = tpu.memref_slice %arg2[%dma_wait3A_96, %dma_wait3A_97] : memref<10000x128xf32, #tpu.memory_space<hbm>> -> memref<10000x128xf32, #tpu.memory_space<hbm>>
      tpu.wait_indirect_dma semaphore(%arg17 : memref<!tpu.dma_semaphore, #tpu.memory_space<semaphore_mem>>) src(%dma_wait3A_98 : memref<10000x128xf32, #tpu.memory_space<hbm>>) dst(%arg12 : memref<64x128xf32, #tpu.memory_space<vmem>>)
      %run_scoped3A_99 = arith.constant 19 : i32
      "tpu.region"() ({
        %run_scoped3A_100 = tpu.sem_alloc : memref<!tpu.dma_semaphore, #tpu.memory_space<semaphore_mem>>
        %dma_start3A_101 = arith.constant 0 : i32
        %dma_start3A_102 = tpu.memref_slice %arg8[%run_scoped3A_99, %dma_start3A_101] : memref<20x64xi32, #tpu.memory_space<vmem>> -> memref<1x64xi32, #tpu.memory_space<vmem>>
        %dma_start3A_103 = tpu.memref_squeeze %dma_start3A_102 : memref<1x64xi32, #tpu.memory_space<vmem>> -> memref<64xi32, #tpu.memory_space<vmem>>
        %dma_start3A_104 = arith.constant 0 : i32
        %dma_start3A_105 = arith.constant 0 : i32
        %dma_start3A_106 = tpu.memref_slice %arg13[%dma_start3A_104, %dma_start3A_105] : memref<10240x128xf32, #tpu.memory_space<vmem_shared>> -> memref<10240x128xf32, #tpu.memory_space<vmem_shared>>
        tpu.enqueue_indirect_dma source(%arg12 : memref<64x128xf32, #tpu.memory_space<vmem>>) target(%dma_start3A_106 : memref<10240x128xf32, #tpu.memory_space<vmem_shared>>) offsets(%dma_start3A_103 : memref<64xi32, #tpu.memory_space<vmem>>) semaphore(%run_scoped3A_100 : memref<!tpu.dma_semaphore, #tpu.memory_space<semaphore_mem>>) {add = true}
        %dma_wait3A_107 = arith.constant 0 : i32
        %dma_wait3A_108 = tpu.memref_slice %arg8[%run_scoped3A_99, %dma_wait3A_107] : memref<20x64xi32, #tpu.memory_space<vmem>> -> memref<1x64xi32, #tpu.memory_space<vmem>>
        %dma_wait3A_109 = tpu.memref_squeeze %dma_wait3A_108 : memref<1x64xi32, #tpu.memory_space<vmem>> -> memref<64xi32, #tpu.memory_space<vmem>>
        %dma_wait3A_110 = arith.constant 0 : i32
        %dma_wait3A_111 = arith.constant 0 : i32
        %dma_wait3A_112 = tpu.memref_slice %arg13[%dma_wait3A_110, %dma_wait3A_111] : memref<10240x128xf32, #tpu.memory_space<vmem_shared>> -> memref<10240x128xf32, #tpu.memory_space<vmem_shared>>
        tpu.wait_indirect_dma semaphore(%run_scoped3A_100 : memref<!tpu.dma_semaphore, #tpu.memory_space<semaphore_mem>>) src(%arg12 : memref<64x128xf32, #tpu.memory_space<vmem>>) dst(%dma_wait3A_112 : memref<10240x128xf32, #tpu.memory_space<vmem_shared>>)
        tpu.yield
      }) : () -> ()
    }
    %while3A_25 = arith.constant 1 : i32
    scf.for %while3A_33 = %while3A_23 to %while3A_19 step %while3A_25  : i32 {
      %mul3A_34 = arith.constant 20 : i32
      %mul3A_35 = arith.muli %while3A_33, %mul3A_34 : i32
      %add3A_36 = arith.addi %select_n3A_16, %mul3A_35 : i32
      "tpu.region"() ({
        %run_scoped3A_100 = tpu.sem_alloc : memref<!tpu.dma_semaphore, #tpu.memory_space<semaphore_mem>>
        %dma_start3A_101 = arith.constant 0 : i32
        %dma_start3A_102 = tpu.memref_slice %arg3[%add3A_36, %dma_start3A_101] : memref<5120x64xi32, #tpu.memory_space<hbm>> -> memref<20x64xi32, #tpu.memory_space<hbm>>
        %dma_start3A_103 = arith.constant 0 : i32
        %dma_start3A_104 = tpu.memref_slice %arg3[%add3A_36, %dma_start3A_103] : memref<5120x64xi32, #tpu.memory_space<hbm>> -> memref<20x64xi32, #tpu.memory_space<hbm>>
        tpu.enqueue_dma source(%dma_start3A_104 : memref<20x64xi32, #tpu.memory_space<hbm>>) target(%arg7 : memref<20x64xi32, #tpu.memory_space<vmem>>) target_semaphore(%run_scoped3A_100 : memref<!tpu.dma_semaphore, #tpu.memory_space<semaphore_mem>>)
        %dma_wait3A_105 = arith.constant 0 : i32
        %dma_wait3A_106 = tpu.memref_slice %arg3[%add3A_36, %dma_wait3A_105] : memref<5120x64xi32, #tpu.memory_space<hbm>> -> memref<20x64xi32, #tpu.memory_space<hbm>>
        %dma_wait3A_107 = arith.constant 0 : i32
        %dma_wait3A_108 = tpu.memref_slice %arg3[%add3A_36, %dma_wait3A_107] : memref<5120x64xi32, #tpu.memory_space<hbm>> -> memref<20x64xi32, #tpu.memory_space<hbm>>
        tpu.wait_dma2 semaphore(%run_scoped3A_100 : memref<!tpu.dma_semaphore, #tpu.memory_space<semaphore_mem>>) src(%dma_wait3A_108 : memref<20x64xi32, #tpu.memory_space<hbm>>) dst(%arg7 : memref<20x64xi32, #tpu.memory_space<vmem>>)
        tpu.yield
      }) : () -> ()
      "tpu.region"() ({
        %run_scoped3A_100 = tpu.sem_alloc : memref<!tpu.dma_semaphore, #tpu.memory_space<semaphore_mem>>
        %dma_start3A_101 = arith.constant 0 : i32
        %dma_start3A_102 = tpu.memref_slice %arg4[%add3A_36, %dma_start3A_101] : memref<5120x64xi32, #tpu.memory_space<hbm>> -> memref<20x64xi32, #tpu.memory_space<hbm>>
        %dma_start3A_103 = arith.constant 0 : i32
        %dma_start3A_104 = tpu.memref_slice %arg4[%add3A_36, %dma_start3A_103] : memref<5120x64xi32, #tpu.memory_space<hbm>> -> memref<20x64xi32, #tpu.memory_space<hbm>>
        tpu.enqueue_dma source(%dma_start3A_104 : memref<20x64xi32, #tpu.memory_space<hbm>>) target(%arg8 : memref<20x64xi32, #tpu.memory_space<vmem>>) target_semaphore(%run_scoped3A_100 : memref<!tpu.dma_semaphore, #tpu.memory_space<semaphore_mem>>)
        %dma_wait3A_105 = arith.constant 0 : i32
        %dma_wait3A_106 = tpu.memref_slice %arg4[%add3A_36, %dma_wait3A_105] : memref<5120x64xi32, #tpu.memory_space<hbm>> -> memref<20x64xi32, #tpu.memory_space<hbm>>
        %dma_wait3A_107 = arith.constant 0 : i32
        %dma_wait3A_108 = tpu.memref_slice %arg4[%add3A_36, %dma_wait3A_107] : memref<5120x64xi32, #tpu.memory_space<hbm>> -> memref<20x64xi32, #tpu.memory_space<hbm>>
        tpu.wait_dma2 semaphore(%run_scoped3A_100 : memref<!tpu.dma_semaphore, #tpu.memory_space<semaphore_mem>>) src(%dma_wait3A_108 : memref<20x64xi32, #tpu.memory_space<hbm>>) dst(%arg8 : memref<20x64xi32, #tpu.memory_space<vmem>>)
        tpu.yield
      }) : () -> ()
      %dma_start3A = arith.constant 0 : i32
      %dma_start3A_37 = arith.constant 0 : i32
      %dma_start3A_38 = tpu.memref_slice %arg7[%dma_start3A, %dma_start3A_37] : memref<20x64xi32, #tpu.memory_space<vmem>> -> memref<1x64xi32, #tpu.memory_space<vmem>>
      %dma_start3A_39 = tpu.memref_squeeze %dma_start3A_38 : memref<1x64xi32, #tpu.memory_space<vmem>> -> memref<64xi32, #tpu.memory_space<vmem>>
      %dma_start3A_40 = arith.constant 0 : i32
      %dma_start3A_41 = arith.constant 0 : i32
      %dma_start3A_42 = tpu.memref_slice %arg2[%dma_start3A_40, %dma_start3A_41] : memref<10000x128xf32, #tpu.memory_space<hbm>> -> memref<10000x128xf32, #tpu.memory_space<hbm>>
      tpu.enqueue_indirect_dma source(%dma_start3A_42 : memref<10000x128xf32, #tpu.memory_space<hbm>>) target(%arg9 : memref<64x128xf32, #tpu.memory_space<vmem>>) offsets(%dma_start3A_39 : memref<64xi32, #tpu.memory_space<vmem>>) semaphore(%arg14 : memref<!tpu.dma_semaphore, #tpu.memory_space<semaphore_mem>>)
      %dma_start3A_43 = arith.constant 1 : i32
      %dma_start3A_44 = arith.constant 0 : i32
      %dma_start3A_45 = tpu.memref_slice %arg7[%dma_start3A_43, %dma_start3A_44] : memref<20x64xi32, #tpu.memory_space<vmem>> -> memref<1x64xi32, #tpu.memory_space<vmem>>
      %dma_start3A_46 = tpu.memref_squeeze %dma_start3A_45 : memref<1x64xi32, #tpu.memory_space<vmem>> -> memref<64xi32, #tpu.memory_space<vmem>>
      %dma_start3A_47 = arith.constant 0 : i32
      %dma_start3A_48 = arith.constant 0 : i32
      %dma_start3A_49 = tpu.memref_slice %arg2[%dma_start3A_47, %dma_start3A_48] : memref<10000x128xf32, #tpu.memory_space<hbm>> -> memref<10000x128xf32, #tpu.memory_space<hbm>>
      tpu.enqueue_indirect_dma source(%dma_start3A_49 : memref<10000x128xf32, #tpu.memory_space<hbm>>) target(%arg10 : memref<64x128xf32, #tpu.memory_space<vmem>>) offsets(%dma_start3A_46 : memref<64xi32, #tpu.memory_space<vmem>>) semaphore(%arg15 : memref<!tpu.dma_semaphore, #tpu.memory_space<semaphore_mem>>)
      %dma_start3A_50 = arith.constant 2 : i32
      %dma_start3A_51 = arith.constant 0 : i32
      %dma_start3A_52 = tpu.memref_slice %arg7[%dma_start3A_50, %dma_start3A_51] : memref<20x64xi32, #tpu.memory_space<vmem>> -> memref<1x64xi32, #tpu.memory_space<vmem>>
      %dma_start3A_53 = tpu.memref_squeeze %dma_start3A_52 : memref<1x64xi32, #tpu.memory_space<vmem>> -> memref<64xi32, #tpu.memory_space<vmem>>
      %dma_start3A_54 = arith.constant 0 : i32
      %dma_start3A_55 = arith.constant 0 : i32
      %dma_start3A_56 = tpu.memref_slice %arg2[%dma_start3A_54, %dma_start3A_55] : memref<10000x128xf32, #tpu.memory_space<hbm>> -> memref<10000x128xf32, #tpu.memory_space<hbm>>
      tpu.enqueue_indirect_dma source(%dma_start3A_56 : memref<10000x128xf32, #tpu.memory_space<hbm>>) target(%arg11 : memref<64x128xf32, #tpu.memory_space<vmem>>) offsets(%dma_start3A_53 : memref<64xi32, #tpu.memory_space<vmem>>) semaphore(%arg16 : memref<!tpu.dma_semaphore, #tpu.memory_space<semaphore_mem>>)
      %scan3A_57 = arith.constant 0 : i32
      %scan3A_58 = arith.constant 0 : i32
      %scan3A_59 = arith.constant 4 : i32
      %scan3A_60 = arith.addi %scan3A_58, %scan3A_59 : i32
      %scan3A_61 = arith.constant 1 : i32
      scf.for %scan3A_100 = %scan3A_58 to %scan3A_60 step %scan3A_61  : i32 {
        %mul3A_101 = arith.constant 4 : i32
        %mul3A_102 = arith.muli %scan3A_100, %mul3A_101 : i32
        %add3A_103 = arith.constant 0 : i32
        %add3A_104 = arith.addi %mul3A_102, %add3A_103 : i32
        %add3A_105 = arith.constant 3 : i32
        %add3A_106 = arith.addi %add3A_104, %add3A_105 : i32
        %dma_start3A_107 = arith.constant 0 : i32
        %dma_start3A_108 = tpu.memref_slice %arg7[%add3A_106, %dma_start3A_107] : memref<20x64xi32, #tpu.memory_space<vmem>> -> memref<1x64xi32, #tpu.memory_space<vmem>>
        %dma_start3A_109 = tpu.memref_squeeze %dma_start3A_108 : memref<1x64xi32, #tpu.memory_space<vmem>> -> memref<64xi32, #tpu.memory_space<vmem>>
        %dma_start3A_110 = arith.constant 0 : i32
        %dma_start3A_111 = arith.constant 0 : i32
        %dma_start3A_112 = tpu.memref_slice %arg2[%dma_start3A_110, %dma_start3A_111] : memref<10000x128xf32, #tpu.memory_space<hbm>> -> memref<10000x128xf32, #tpu.memory_space<hbm>>
        tpu.enqueue_indirect_dma source(%dma_start3A_112 : memref<10000x128xf32, #tpu.memory_space<hbm>>) target(%arg12 : memref<64x128xf32, #tpu.memory_space<vmem>>) offsets(%dma_start3A_109 : memref<64xi32, #tpu.memory_space<vmem>>) semaphore(%arg17 : memref<!tpu.dma_semaphore, #tpu.memory_space<semaphore_mem>>)
        %dma_wait3A_113 = arith.constant 0 : i32
        %dma_wait3A_114 = tpu.memref_slice %arg7[%add3A_104, %dma_wait3A_113] : memref<20x64xi32, #tpu.memory_space<vmem>> -> memref<1x64xi32, #tpu.memory_space<vmem>>
        %dma_wait3A_115 = tpu.memref_squeeze %dma_wait3A_114 : memref<1x64xi32, #tpu.memory_space<vmem>> -> memref<64xi32, #tpu.memory_space<vmem>>
        %dma_wait3A_116 = arith.constant 0 : i32
        %dma_wait3A_117 = arith.constant 0 : i32
        %dma_wait3A_118 = tpu.memref_slice %arg2[%dma_wait3A_116, %dma_wait3A_117] : memref<10000x128xf32, #tpu.memory_space<hbm>> -> memref<10000x128xf32, #tpu.memory_space<hbm>>
        tpu.wait_indirect_dma semaphore(%arg14 : memref<!tpu.dma_semaphore, #tpu.memory_space<semaphore_mem>>) src(%dma_wait3A_118 : memref<10000x128xf32, #tpu.memory_space<hbm>>) dst(%arg9 : memref<64x128xf32, #tpu.memory_space<vmem>>)
        "tpu.region"() ({
          %run_scoped3A_173 = tpu.sem_alloc : memref<!tpu.dma_semaphore, #tpu.memory_space<semaphore_mem>>
          %dma_start3A_174 = arith.constant 0 : i32
          %dma_start3A_175 = tpu.memref_slice %arg8[%add3A_104, %dma_start3A_174] : memref<20x64xi32, #tpu.memory_space<vmem>> -> memref<1x64xi32, #tpu.memory_space<vmem>>
          %dma_start3A_176 = tpu.memref_squeeze %dma_start3A_175 : memref<1x64xi32, #tpu.memory_space<vmem>> -> memref<64xi32, #tpu.memory_space<vmem>>
          %dma_start3A_177 = arith.constant 0 : i32
          %dma_start3A_178 = arith.constant 0 : i32
          %dma_start3A_179 = tpu.memref_slice %arg13[%dma_start3A_177, %dma_start3A_178] : memref<10240x128xf32, #tpu.memory_space<vmem_shared>> -> memref<10240x128xf32, #tpu.memory_space<vmem_shared>>
          tpu.enqueue_indirect_dma source(%arg9 : memref<64x128xf32, #tpu.memory_space<vmem>>) target(%dma_start3A_179 : memref<10240x128xf32, #tpu.memory_space<vmem_shared>>) offsets(%dma_start3A_176 : memref<64xi32, #tpu.memory_space<vmem>>) semaphore(%run_scoped3A_173 : memref<!tpu.dma_semaphore, #tpu.memory_space<semaphore_mem>>) {add = true}
          %dma_wait3A_180 = arith.constant 0 : i32
          %dma_wait3A_181 = tpu.memref_slice %arg8[%add3A_104, %dma_wait3A_180] : memref<20x64xi32, #tpu.memory_space<vmem>> -> memref<1x64xi32, #tpu.memory_space<vmem>>
          %dma_wait3A_182 = tpu.memref_squeeze %dma_wait3A_181 : memref<1x64xi32, #tpu.memory_space<vmem>> -> memref<64xi32, #tpu.memory_space<vmem>>
          %dma_wait3A_183 = arith.constant 0 : i32
          %dma_wait3A_184 = arith.constant 0 : i32
          %dma_wait3A_185 = tpu.memref_slice %arg13[%dma_wait3A_183, %dma_wait3A_184] : memref<10240x128xf32, #tpu.memory_space<vmem_shared>> -> memref<10240x128xf32, #tpu.memory_space<vmem_shared>>
          tpu.wait_indirect_dma semaphore(%run_scoped3A_173 : memref<!tpu.dma_semaphore, #tpu.memory_space<semaphore_mem>>) src(%arg9 : memref<64x128xf32, #tpu.memory_space<vmem>>) dst(%dma_wait3A_185 : memref<10240x128xf32, #tpu.memory_space<vmem_shared>>)
          tpu.yield
        }) : () -> ()
        %mul3A_119 = arith.constant 4 : i32
        %mul3A_120 = arith.muli %scan3A_100, %mul3A_119 : i32
        %add3A_121 = arith.constant 1 : i32
        %add3A_122 = arith.addi %mul3A_120, %add3A_121 : i32
        %add3A_123 = arith.constant 3 : i32
        %add3A_124 = arith.addi %add3A_122, %add3A_123 : i32
        %dma_start3A_125 = arith.constant 0 : i32
        %dma_start3A_126 = tpu.memref_slice %arg7[%add3A_124, %dma_start3A_125] : memref<20x64xi32, #tpu.memory_space<vmem>> -> memref<1x64xi32, #tpu.memory_space<vmem>>
        %dma_start3A_127 = tpu.memref_squeeze %dma_start3A_126 : memref<1x64xi32, #tpu.memory_space<vmem>> -> memref<64xi32, #tpu.memory_space<vmem>>
        %dma_start3A_128 = arith.constant 0 : i32
        %dma_start3A_129 = arith.constant 0 : i32
        %dma_start3A_130 = tpu.memref_slice %arg2[%dma_start3A_128, %dma_start3A_129] : memref<10000x128xf32, #tpu.memory_space<hbm>> -> memref<10000x128xf32, #tpu.memory_space<hbm>>
        tpu.enqueue_indirect_dma source(%dma_start3A_130 : memref<10000x128xf32, #tpu.memory_space<hbm>>) target(%arg9 : memref<64x128xf32, #tpu.memory_space<vmem>>) offsets(%dma_start3A_127 : memref<64xi32, #tpu.memory_space<vmem>>) semaphore(%arg14 : memref<!tpu.dma_semaphore, #tpu.memory_space<semaphore_mem>>)
        %dma_wait3A_131 = arith.constant 0 : i32
        %dma_wait3A_132 = tpu.memref_slice %arg7[%add3A_122, %dma_wait3A_131] : memref<20x64xi32, #tpu.memory_space<vmem>> -> memref<1x64xi32, #tpu.memory_space<vmem>>
        %dma_wait3A_133 = tpu.memref_squeeze %dma_wait3A_132 : memref<1x64xi32, #tpu.memory_space<vmem>> -> memref<64xi32, #tpu.memory_space<vmem>>
        %dma_wait3A_134 = arith.constant 0 : i32
        %dma_wait3A_135 = arith.constant 0 : i32
        %dma_wait3A_136 = tpu.memref_slice %arg2[%dma_wait3A_134, %dma_wait3A_135] : memref<10000x128xf32, #tpu.memory_space<hbm>> -> memref<10000x128xf32, #tpu.memory_space<hbm>>
        tpu.wait_indirect_dma semaphore(%arg15 : memref<!tpu.dma_semaphore, #tpu.memory_space<semaphore_mem>>) src(%dma_wait3A_136 : memref<10000x128xf32, #tpu.memory_space<hbm>>) dst(%arg10 : memref<64x128xf32, #tpu.memory_space<vmem>>)
        "tpu.region"() ({
          %run_scoped3A_173 = tpu.sem_alloc : memref<!tpu.dma_semaphore, #tpu.memory_space<semaphore_mem>>
          %dma_start3A_174 = arith.constant 0 : i32
          %dma_start3A_175 = tpu.memref_slice %arg8[%add3A_122, %dma_start3A_174] : memref<20x64xi32, #tpu.memory_space<vmem>> -> memref<1x64xi32, #tpu.memory_space<vmem>>
          %dma_start3A_176 = tpu.memref_squeeze %dma_start3A_175 : memref<1x64xi32, #tpu.memory_space<vmem>> -> memref<64xi32, #tpu.memory_space<vmem>>
          %dma_start3A_177 = arith.constant 0 : i32
          %dma_start3A_178 = arith.constant 0 : i32
          %dma_start3A_179 = tpu.memref_slice %arg13[%dma_start3A_177, %dma_start3A_178] : memref<10240x128xf32, #tpu.memory_space<vmem_shared>> -> memref<10240x128xf32, #tpu.memory_space<vmem_shared>>
          tpu.enqueue_indirect_dma source(%arg10 : memref<64x128xf32, #tpu.memory_space<vmem>>) target(%dma_start3A_179 : memref<10240x128xf32, #tpu.memory_space<vmem_shared>>) offsets(%dma_start3A_176 : memref<64xi32, #tpu.memory_space<vmem>>) semaphore(%run_scoped3A_173 : memref<!tpu.dma_semaphore, #tpu.memory_space<semaphore_mem>>) {add = true}
          %dma_wait3A_180 = arith.constant 0 : i32
          %dma_wait3A_181 = tpu.memref_slice %arg8[%add3A_122, %dma_wait3A_180] : memref<20x64xi32, #tpu.memory_space<vmem>> -> memref<1x64xi32, #tpu.memory_space<vmem>>
          %dma_wait3A_182 = tpu.memref_squeeze %dma_wait3A_181 : memref<1x64xi32, #tpu.memory_space<vmem>> -> memref<64xi32, #tpu.memory_space<vmem>>
          %dma_wait3A_183 = arith.constant 0 : i32
          %dma_wait3A_184 = arith.constant 0 : i32
          %dma_wait3A_185 = tpu.memref_slice %arg13[%dma_wait3A_183, %dma_wait3A_184] : memref<10240x128xf32, #tpu.memory_space<vmem_shared>> -> memref<10240x128xf32, #tpu.memory_space<vmem_shared>>
          tpu.wait_indirect_dma semaphore(%run_scoped3A_173 : memref<!tpu.dma_semaphore, #tpu.memory_space<semaphore_mem>>) src(%arg10 : memref<64x128xf32, #tpu.memory_space<vmem>>) dst(%dma_wait3A_185 : memref<10240x128xf32, #tpu.memory_space<vmem_shared>>)
          tpu.yield
        }) : () -> ()
        %mul3A_137 = arith.constant 4 : i32
        %mul3A_138 = arith.muli %scan3A_100, %mul3A_137 : i32
        %add3A_139 = arith.constant 2 : i32
        %add3A_140 = arith.addi %mul3A_138, %add3A_139 : i32
        %add3A_141 = arith.constant 3 : i32
        %add3A_142 = arith.addi %add3A_140, %add3A_141 : i32
        %dma_start3A_143 = arith.constant 0 : i32
        %dma_start3A_144 = tpu.memref_slice %arg7[%add3A_142, %dma_start3A_143] : memref<20x64xi32, #tpu.memory_space<vmem>> -> memref<1x64xi32, #tpu.memory_space<vmem>>
        %dma_start3A_145 = tpu.memref_squeeze %dma_start3A_144 : memref<1x64xi32, #tpu.memory_space<vmem>> -> memref<64xi32, #tpu.memory_space<vmem>>
        %dma_start3A_146 = arith.constant 0 : i32
        %dma_start3A_147 = arith.constant 0 : i32
        %dma_start3A_148 = tpu.memref_slice %arg2[%dma_start3A_146, %dma_start3A_147] : memref<10000x128xf32, #tpu.memory_space<hbm>> -> memref<10000x128xf32, #tpu.memory_space<hbm>>
        tpu.enqueue_indirect_dma source(%dma_start3A_148 : memref<10000x128xf32, #tpu.memory_space<hbm>>) target(%arg10 : memref<64x128xf32, #tpu.memory_space<vmem>>) offsets(%dma_start3A_145 : memref<64xi32, #tpu.memory_space<vmem>>) semaphore(%arg15 : memref<!tpu.dma_semaphore, #tpu.memory_space<semaphore_mem>>)
        %dma_wait3A_149 = arith.constant 0 : i32
        %dma_wait3A_150 = tpu.memref_slice %arg7[%add3A_140, %dma_wait3A_149] : memref<20x64xi32, #tpu.memory_space<vmem>> -> memref<1x64xi32, #tpu.memory_space<vmem>>
        %dma_wait3A_151 = tpu.memref_squeeze %dma_wait3A_150 : memref<1x64xi32, #tpu.memory_space<vmem>> -> memref<64xi32, #tpu.memory_space<vmem>>
        %dma_wait3A_152 = arith.constant 0 : i32
        %dma_wait3A_153 = arith.constant 0 : i32
        %dma_wait3A_154 = tpu.memref_slice %arg2[%dma_wait3A_152, %dma_wait3A_153] : memref<10000x128xf32, #tpu.memory_space<hbm>> -> memref<10000x128xf32, #tpu.memory_space<hbm>>
        tpu.wait_indirect_dma semaphore(%arg16 : memref<!tpu.dma_semaphore, #tpu.memory_space<semaphore_mem>>) src(%dma_wait3A_154 : memref<10000x128xf32, #tpu.memory_space<hbm>>) dst(%arg11 : memref<64x128xf32, #tpu.memory_space<vmem>>)
        "tpu.region"() ({
          %run_scoped3A_173 = tpu.sem_alloc : memref<!tpu.dma_semaphore, #tpu.memory_space<semaphore_mem>>
          %dma_start3A_174 = arith.constant 0 : i32
          %dma_start3A_175 = tpu.memref_slice %arg8[%add3A_140, %dma_start3A_174] : memref<20x64xi32, #tpu.memory_space<vmem>> -> memref<1x64xi32, #tpu.memory_space<vmem>>
          %dma_start3A_176 = tpu.memref_squeeze %dma_start3A_175 : memref<1x64xi32, #tpu.memory_space<vmem>> -> memref<64xi32, #tpu.memory_space<vmem>>
          %dma_start3A_177 = arith.constant 0 : i32
          %dma_start3A_178 = arith.constant 0 : i32
          %dma_start3A_179 = tpu.memref_slice %arg13[%dma_start3A_177, %dma_start3A_178] : memref<10240x128xf32, #tpu.memory_space<vmem_shared>> -> memref<10240x128xf32, #tpu.memory_space<vmem_shared>>
          tpu.enqueue_indirect_dma source(%arg11 : memref<64x128xf32, #tpu.memory_space<vmem>>) target(%dma_start3A_179 : memref<10240x128xf32, #tpu.memory_space<vmem_shared>>) offsets(%dma_start3A_176 : memref<64xi32, #tpu.memory_space<vmem>>) semaphore(%run_scoped3A_173 : memref<!tpu.dma_semaphore, #tpu.memory_space<semaphore_mem>>) {add = true}
          %dma_wait3A_180 = arith.constant 0 : i32
          %dma_wait3A_181 = tpu.memref_slice %arg8[%add3A_140, %dma_wait3A_180] : memref<20x64xi32, #tpu.memory_space<vmem>> -> memref<1x64xi32, #tpu.memory_space<vmem>>
          %dma_wait3A_182 = tpu.memref_squeeze %dma_wait3A_181 : memref<1x64xi32, #tpu.memory_space<vmem>> -> memref<64xi32, #tpu.memory_space<vmem>>
          %dma_wait3A_183 = arith.constant 0 : i32
          %dma_wait3A_184 = arith.constant 0 : i32
          %dma_wait3A_185 = tpu.memref_slice %arg13[%dma_wait3A_183, %dma_wait3A_184] : memref<10240x128xf32, #tpu.memory_space<vmem_shared>> -> memref<10240x128xf32, #tpu.memory_space<vmem_shared>>
          tpu.wait_indirect_dma semaphore(%run_scoped3A_173 : memref<!tpu.dma_semaphore, #tpu.memory_space<semaphore_mem>>) src(%arg11 : memref<64x128xf32, #tpu.memory_space<vmem>>) dst(%dma_wait3A_185 : memref<10240x128xf32, #tpu.memory_space<vmem_shared>>)
          tpu.yield
        }) : () -> ()
        %mul3A_155 = arith.constant 4 : i32
        %mul3A_156 = arith.muli %scan3A_100, %mul3A_155 : i32
        %add3A_157 = arith.constant 3 : i32
        %add3A_158 = arith.addi %mul3A_156, %add3A_157 : i32
        %add3A_159 = arith.constant 3 : i32
        %add3A_160 = arith.addi %add3A_158, %add3A_159 : i32
        %dma_start3A_161 = arith.constant 0 : i32
        %dma_start3A_162 = tpu.memref_slice %arg7[%add3A_160, %dma_start3A_161] : memref<20x64xi32, #tpu.memory_space<vmem>> -> memref<1x64xi32, #tpu.memory_space<vmem>>
        %dma_start3A_163 = tpu.memref_squeeze %dma_start3A_162 : memref<1x64xi32, #tpu.memory_space<vmem>> -> memref<64xi32, #tpu.memory_space<vmem>>
        %dma_start3A_164 = arith.constant 0 : i32
        %dma_start3A_165 = arith.constant 0 : i32
        %dma_start3A_166 = tpu.memref_slice %arg2[%dma_start3A_164, %dma_start3A_165] : memref<10000x128xf32, #tpu.memory_space<hbm>> -> memref<10000x128xf32, #tpu.memory_space<hbm>>
        tpu.enqueue_indirect_dma source(%dma_start3A_166 : memref<10000x128xf32, #tpu.memory_space<hbm>>) target(%arg11 : memref<64x128xf32, #tpu.memory_space<vmem>>) offsets(%dma_start3A_163 : memref<64xi32, #tpu.memory_space<vmem>>) semaphore(%arg16 : memref<!tpu.dma_semaphore, #tpu.memory_space<semaphore_mem>>)
        %dma_wait3A_167 = arith.constant 0 : i32
        %dma_wait3A_168 = tpu.memref_slice %arg7[%add3A_158, %dma_wait3A_167] : memref<20x64xi32, #tpu.memory_space<vmem>> -> memref<1x64xi32, #tpu.memory_space<vmem>>
        %dma_wait3A_169 = tpu.memref_squeeze %dma_wait3A_168 : memref<1x64xi32, #tpu.memory_space<vmem>> -> memref<64xi32, #tpu.memory_space<vmem>>
        %dma_wait3A_170 = arith.constant 0 : i32
        %dma_wait3A_171 = arith.constant 0 : i32
        %dma_wait3A_172 = tpu.memref_slice %arg2[%dma_wait3A_170, %dma_wait3A_171] : memref<10000x128xf32, #tpu.memory_space<hbm>> -> memref<10000x128xf32, #tpu.memory_space<hbm>>
        tpu.wait_indirect_dma semaphore(%arg17 : memref<!tpu.dma_semaphore, #tpu.memory_space<semaphore_mem>>) src(%dma_wait3A_172 : memref<10000x128xf32, #tpu.memory_space<hbm>>) dst(%arg12 : memref<64x128xf32, #tpu.memory_space<vmem>>)
        "tpu.region"() ({
          %run_scoped3A_173 = tpu.sem_alloc : memref<!tpu.dma_semaphore, #tpu.memory_space<semaphore_mem>>
          %dma_start3A_174 = arith.constant 0 : i32
          %dma_start3A_175 = tpu.memref_slice %arg8[%add3A_158, %dma_start3A_174] : memref<20x64xi32, #tpu.memory_space<vmem>> -> memref<1x64xi32, #tpu.memory_space<vmem>>
          %dma_start3A_176 = tpu.memref_squeeze %dma_start3A_175 : memref<1x64xi32, #tpu.memory_space<vmem>> -> memref<64xi32, #tpu.memory_space<vmem>>
          %dma_start3A_177 = arith.constant 0 : i32
          %dma_start3A_178 = arith.constant 0 : i32
          %dma_start3A_179 = tpu.memref_slice %arg13[%dma_start3A_177, %dma_start3A_178] : memref<10240x128xf32, #tpu.memory_space<vmem_shared>> -> memref<10240x128xf32, #tpu.memory_space<vmem_shared>>
          tpu.enqueue_indirect_dma source(%arg12 : memref<64x128xf32, #tpu.memory_space<vmem>>) target(%dma_start3A_179 : memref<10240x128xf32, #tpu.memory_space<vmem_shared>>) offsets(%dma_start3A_176 : memref<64xi32, #tpu.memory_space<vmem>>) semaphore(%run_scoped3A_173 : memref<!tpu.dma_semaphore, #tpu.memory_space<semaphore_mem>>) {add = true}
          %dma_wait3A_180 = arith.constant 0 : i32
          %dma_wait3A_181 = tpu.memref_slice %arg8[%add3A_158, %dma_wait3A_180] : memref<20x64xi32, #tpu.memory_space<vmem>> -> memref<1x64xi32, #tpu.memory_space<vmem>>
          %dma_wait3A_182 = tpu.memref_squeeze %dma_wait3A_181 : memref<1x64xi32, #tpu.memory_space<vmem>> -> memref<64xi32, #tpu.memory_space<vmem>>
          %dma_wait3A_183 = arith.constant 0 : i32
          %dma_wait3A_184 = arith.constant 0 : i32
          %dma_wait3A_185 = tpu.memref_slice %arg13[%dma_wait3A_183, %dma_wait3A_184] : memref<10240x128xf32, #tpu.memory_space<vmem_shared>> -> memref<10240x128xf32, #tpu.memory_space<vmem_shared>>
          tpu.wait_indirect_dma semaphore(%run_scoped3A_173 : memref<!tpu.dma_semaphore, #tpu.memory_space<semaphore_mem>>) src(%arg12 : memref<64x128xf32, #tpu.memory_space<vmem>>) dst(%dma_wait3A_185 : memref<10240x128xf32, #tpu.memory_space<vmem_shared>>)
          tpu.yield
        }) : () -> ()
      }
      %scan3A_62 = arith.constant 4 : i32
      %dma_start3A_63 = arith.constant 19 : i32
      %dma_start3A_64 = arith.constant 0 : i32
      %dma_start3A_65 = tpu.memref_slice %arg7[%dma_start3A_63, %dma_start3A_64] : memref<20x64xi32, #tpu.memory_space<vmem>> -> memref<1x64xi32, #tpu.memory_space<vmem>>
      %dma_start3A_66 = tpu.memref_squeeze %dma_start3A_65 : memref<1x64xi32, #tpu.memory_space<vmem>> -> memref<64xi32, #tpu.memory_space<vmem>>
      %dma_start3A_67 = arith.constant 0 : i32
      %dma_start3A_68 = arith.constant 0 : i32
      %dma_start3A_69 = tpu.memref_slice %arg2[%dma_start3A_67, %dma_start3A_68] : memref<10000x128xf32, #tpu.memory_space<hbm>> -> memref<10000x128xf32, #tpu.memory_space<hbm>>
      tpu.enqueue_indirect_dma source(%dma_start3A_69 : memref<10000x128xf32, #tpu.memory_space<hbm>>) target(%arg12 : memref<64x128xf32, #tpu.memory_space<vmem>>) offsets(%dma_start3A_66 : memref<64xi32, #tpu.memory_space<vmem>>) semaphore(%arg17 : memref<!tpu.dma_semaphore, #tpu.memory_space<semaphore_mem>>)
      %dma_wait3A = arith.constant 16 : i32
      %dma_wait3A_70 = arith.constant 0 : i32
      %dma_wait3A_71 = tpu.memref_slice %arg7[%dma_wait3A, %dma_wait3A_70] : memref<20x64xi32, #tpu.memory_space<vmem>> -> memref<1x64xi32, #tpu.memory_space<vmem>>
      %dma_wait3A_72 = tpu.memref_squeeze %dma_wait3A_71 : memref<1x64xi32, #tpu.memory_space<vmem>> -> memref<64xi32, #tpu.memory_space<vmem>>
      %dma_wait3A_73 = arith.constant 0 : i32
      %dma_wait3A_74 = arith.constant 0 : i32
      %dma_wait3A_75 = tpu.memref_slice %arg2[%dma_wait3A_73, %dma_wait3A_74] : memref<10000x128xf32, #tpu.memory_space<hbm>> -> memref<10000x128xf32, #tpu.memory_space<hbm>>
      tpu.wait_indirect_dma semaphore(%arg14 : memref<!tpu.dma_semaphore, #tpu.memory_space<semaphore_mem>>) src(%dma_wait3A_75 : memref<10000x128xf32, #tpu.memory_space<hbm>>) dst(%arg9 : memref<64x128xf32, #tpu.memory_space<vmem>>)
      %run_scoped3A = arith.constant 16 : i32
      "tpu.region"() ({
        %run_scoped3A_100 = tpu.sem_alloc : memref<!tpu.dma_semaphore, #tpu.memory_space<semaphore_mem>>
        %dma_start3A_101 = arith.constant 0 : i32
        %dma_start3A_102 = tpu.memref_slice %arg8[%run_scoped3A, %dma_start3A_101] : memref<20x64xi32, #tpu.memory_space<vmem>> -> memref<1x64xi32, #tpu.memory_space<vmem>>
        %dma_start3A_103 = tpu.memref_squeeze %dma_start3A_102 : memref<1x64xi32, #tpu.memory_space<vmem>> -> memref<64xi32, #tpu.memory_space<vmem>>
        %dma_start3A_104 = arith.constant 0 : i32
        %dma_start3A_105 = arith.constant 0 : i32
        %dma_start3A_106 = tpu.memref_slice %arg13[%dma_start3A_104, %dma_start3A_105] : memref<10240x128xf32, #tpu.memory_space<vmem_shared>> -> memref<10240x128xf32, #tpu.memory_space<vmem_shared>>
        tpu.enqueue_indirect_dma source(%arg9 : memref<64x128xf32, #tpu.memory_space<vmem>>) target(%dma_start3A_106 : memref<10240x128xf32, #tpu.memory_space<vmem_shared>>) offsets(%dma_start3A_103 : memref<64xi32, #tpu.memory_space<vmem>>) semaphore(%run_scoped3A_100 : memref<!tpu.dma_semaphore, #tpu.memory_space<semaphore_mem>>) {add = true}
        %dma_wait3A_107 = arith.constant 0 : i32
        %dma_wait3A_108 = tpu.memref_slice %arg8[%run_scoped3A, %dma_wait3A_107] : memref<20x64xi32, #tpu.memory_space<vmem>> -> memref<1x64xi32, #tpu.memory_space<vmem>>
        %dma_wait3A_109 = tpu.memref_squeeze %dma_wait3A_108 : memref<1x64xi32, #tpu.memory_space<vmem>> -> memref<64xi32, #tpu.memory_space<vmem>>
        %dma_wait3A_110 = arith.constant 0 : i32
        %dma_wait3A_111 = arith.constant 0 : i32
        %dma_wait3A_112 = tpu.memref_slice %arg13[%dma_wait3A_110, %dma_wait3A_111] : memref<10240x128xf32, #tpu.memory_space<vmem_shared>> -> memref<10240x128xf32, #tpu.memory_space<vmem_shared>>
        tpu.wait_indirect_dma semaphore(%run_scoped3A_100 : memref<!tpu.dma_semaphore, #tpu.memory_space<semaphore_mem>>) src(%arg9 : memref<64x128xf32, #tpu.memory_space<vmem>>) dst(%dma_wait3A_112 : memref<10240x128xf32, #tpu.memory_space<vmem_shared>>)
        tpu.yield
      }) : () -> ()
      %dma_wait3A_76 = arith.constant 17 : i32
      %dma_wait3A_77 = arith.constant 0 : i32
      %dma_wait3A_78 = tpu.memref_slice %arg7[%dma_wait3A_76, %dma_wait3A_77] : memref<20x64xi32, #tpu.memory_space<vmem>> -> memref<1x64xi32, #tpu.memory_space<vmem>>
      %dma_wait3A_79 = tpu.memref_squeeze %dma_wait3A_78 : memref<1x64xi32, #tpu.memory_space<vmem>> -> memref<64xi32, #tpu.memory_space<vmem>>
      %dma_wait3A_80 = arith.constant 0 : i32
      %dma_wait3A_81 = arith.constant 0 : i32
      %dma_wait3A_82 = tpu.memref_slice %arg2[%dma_wait3A_80, %dma_wait3A_81] : memref<10000x128xf32, #tpu.memory_space<hbm>> -> memref<10000x128xf32, #tpu.memory_space<hbm>>
      tpu.wait_indirect_dma semaphore(%arg15 : memref<!tpu.dma_semaphore, #tpu.memory_space<semaphore_mem>>) src(%dma_wait3A_82 : memref<10000x128xf32, #tpu.memory_space<hbm>>) dst(%arg10 : memref<64x128xf32, #tpu.memory_space<vmem>>)
      %run_scoped3A_83 = arith.constant 17 : i32
      "tpu.region"() ({
        %run_scoped3A_100 = tpu.sem_alloc : memref<!tpu.dma_semaphore, #tpu.memory_space<semaphore_mem>>
        %dma_start3A_101 = arith.constant 0 : i32
        %dma_start3A_102 = tpu.memref_slice %arg8[%run_scoped3A_83, %dma_start3A_101] : memref<20x64xi32, #tpu.memory_space<vmem>> -> memref<1x64xi32, #tpu.memory_space<vmem>>
        %dma_start3A_103 = tpu.memref_squeeze %dma_start3A_102 : memref<1x64xi32, #tpu.memory_space<vmem>> -> memref<64xi32, #tpu.memory_space<vmem>>
        %dma_start3A_104 = arith.constant 0 : i32
        %dma_start3A_105 = arith.constant 0 : i32
        %dma_start3A_106 = tpu.memref_slice %arg13[%dma_start3A_104, %dma_start3A_105] : memref<10240x128xf32, #tpu.memory_space<vmem_shared>> -> memref<10240x128xf32, #tpu.memory_space<vmem_shared>>
        tpu.enqueue_indirect_dma source(%arg10 : memref<64x128xf32, #tpu.memory_space<vmem>>) target(%dma_start3A_106 : memref<10240x128xf32, #tpu.memory_space<vmem_shared>>) offsets(%dma_start3A_103 : memref<64xi32, #tpu.memory_space<vmem>>) semaphore(%run_scoped3A_100 : memref<!tpu.dma_semaphore, #tpu.memory_space<semaphore_mem>>) {add = true}
        %dma_wait3A_107 = arith.constant 0 : i32
        %dma_wait3A_108 = tpu.memref_slice %arg8[%run_scoped3A_83, %dma_wait3A_107] : memref<20x64xi32, #tpu.memory_space<vmem>> -> memref<1x64xi32, #tpu.memory_space<vmem>>
        %dma_wait3A_109 = tpu.memref_squeeze %dma_wait3A_108 : memref<1x64xi32, #tpu.memory_space<vmem>> -> memref<64xi32, #tpu.memory_space<vmem>>
        %dma_wait3A_110 = arith.constant 0 : i32
        %dma_wait3A_111 = arith.constant 0 : i32
        %dma_wait3A_112 = tpu.memref_slice %arg13[%dma_wait3A_110, %dma_wait3A_111] : memref<10240x128xf32, #tpu.memory_space<vmem_shared>> -> memref<10240x128xf32, #tpu.memory_space<vmem_shared>>
        tpu.wait_indirect_dma semaphore(%run_scoped3A_100 : memref<!tpu.dma_semaphore, #tpu.memory_space<semaphore_mem>>) src(%arg10 : memref<64x128xf32, #tpu.memory_space<vmem>>) dst(%dma_wait3A_112 : memref<10240x128xf32, #tpu.memory_space<vmem_shared>>)
        tpu.yield
      }) : () -> ()
      %dma_wait3A_84 = arith.constant 18 : i32
      %dma_wait3A_85 = arith.constant 0 : i32
      %dma_wait3A_86 = tpu.memref_slice %arg7[%dma_wait3A_84, %dma_wait3A_85] : memref<20x64xi32, #tpu.memory_space<vmem>> -> memref<1x64xi32, #tpu.memory_space<vmem>>
      %dma_wait3A_87 = tpu.memref_squeeze %dma_wait3A_86 : memref<1x64xi32, #tpu.memory_space<vmem>> -> memref<64xi32, #tpu.memory_space<vmem>>
      %dma_wait3A_88 = arith.constant 0 : i32
      %dma_wait3A_89 = arith.constant 0 : i32
      %dma_wait3A_90 = tpu.memref_slice %arg2[%dma_wait3A_88, %dma_wait3A_89] : memref<10000x128xf32, #tpu.memory_space<hbm>> -> memref<10000x128xf32, #tpu.memory_space<hbm>>
      tpu.wait_indirect_dma semaphore(%arg16 : memref<!tpu.dma_semaphore, #tpu.memory_space<semaphore_mem>>) src(%dma_wait3A_90 : memref<10000x128xf32, #tpu.memory_space<hbm>>) dst(%arg11 : memref<64x128xf32, #tpu.memory_space<vmem>>)
      %run_scoped3A_91 = arith.constant 18 : i32
      "tpu.region"() ({
        %run_scoped3A_100 = tpu.sem_alloc : memref<!tpu.dma_semaphore, #tpu.memory_space<semaphore_mem>>
        %dma_start3A_101 = arith.constant 0 : i32
        %dma_start3A_102 = tpu.memref_slice %arg8[%run_scoped3A_91, %dma_start3A_101] : memref<20x64xi32, #tpu.memory_space<vmem>> -> memref<1x64xi32, #tpu.memory_space<vmem>>
        %dma_start3A_103 = tpu.memref_squeeze %dma_start3A_102 : memref<1x64xi32, #tpu.memory_space<vmem>> -> memref<64xi32, #tpu.memory_space<vmem>>
        %dma_start3A_104 = arith.constant 0 : i32
        %dma_start3A_105 = arith.constant 0 : i32
        %dma_start3A_106 = tpu.memref_slice %arg13[%dma_start3A_104, %dma_start3A_105] : memref<10240x128xf32, #tpu.memory_space<vmem_shared>> -> memref<10240x128xf32, #tpu.memory_space<vmem_shared>>
        tpu.enqueue_indirect_dma source(%arg11 : memref<64x128xf32, #tpu.memory_space<vmem>>) target(%dma_start3A_106 : memref<10240x128xf32, #tpu.memory_space<vmem_shared>>) offsets(%dma_start3A_103 : memref<64xi32, #tpu.memory_space<vmem>>) semaphore(%run_scoped3A_100 : memref<!tpu.dma_semaphore, #tpu.memory_space<semaphore_mem>>) {add = true}
        %dma_wait3A_107 = arith.constant 0 : i32
        %dma_wait3A_108 = tpu.memref_slice %arg8[%run_scoped3A_91, %dma_wait3A_107] : memref<20x64xi32, #tpu.memory_space<vmem>> -> memref<1x64xi32, #tpu.memory_space<vmem>>
        %dma_wait3A_109 = tpu.memref_squeeze %dma_wait3A_108 : memref<1x64xi32, #tpu.memory_space<vmem>> -> memref<64xi32, #tpu.memory_space<vmem>>
        %dma_wait3A_110 = arith.constant 0 : i32
        %dma_wait3A_111 = arith.constant 0 : i32
        %dma_wait3A_112 = tpu.memref_slice %arg13[%dma_wait3A_110, %dma_wait3A_111] : memref<10240x128xf32, #tpu.memory_space<vmem_shared>> -> memref<10240x128xf32, #tpu.memory_space<vmem_shared>>
        tpu.wait_indirect_dma semaphore(%run_scoped3A_100 : memref<!tpu.dma_semaphore, #tpu.memory_space<semaphore_mem>>) src(%arg11 : memref<64x128xf32, #tpu.memory_space<vmem>>) dst(%dma_wait3A_112 : memref<10240x128xf32, #tpu.memory_space<vmem_shared>>)
        tpu.yield
      }) : () -> ()
      %dma_wait3A_92 = arith.constant 19 : i32
      %dma_wait3A_93 = arith.constant 0 : i32
      %dma_wait3A_94 = tpu.memref_slice %arg7[%dma_wait3A_92, %dma_wait3A_93] : memref<20x64xi32, #tpu.memory_space<vmem>> -> memref<1x64xi32, #tpu.memory_space<vmem>>
      %dma_wait3A_95 = tpu.memref_squeeze %dma_wait3A_94 : memref<1x64xi32, #tpu.memory_space<vmem>> -> memref<64xi32, #tpu.memory_space<vmem>>
      %dma_wait3A_96 = arith.constant 0 : i32
      %dma_wait3A_97 = arith.constant 0 : i32
      %dma_wait3A_98 = tpu.memref_slice %arg2[%dma_wait3A_96, %dma_wait3A_97] : memref<10000x128xf32, #tpu.memory_space<hbm>> -> memref<10000x128xf32, #tpu.memory_space<hbm>>
      tpu.wait_indirect_dma semaphore(%arg17 : memref<!tpu.dma_semaphore, #tpu.memory_space<semaphore_mem>>) src(%dma_wait3A_98 : memref<10000x128xf32, #tpu.memory_space<hbm>>) dst(%arg12 : memref<64x128xf32, #tpu.memory_space<vmem>>)
      %run_scoped3A_99 = arith.constant 19 : i32
      "tpu.region"() ({
        %run_scoped3A_100 = tpu.sem_alloc : memref<!tpu.dma_semaphore, #tpu.memory_space<semaphore_mem>>
        %dma_start3A_101 = arith.constant 0 : i32
        %dma_start3A_102 = tpu.memref_slice %arg8[%run_scoped3A_99, %dma_start3A_101] : memref<20x64xi32, #tpu.memory_space<vmem>> -> memref<1x64xi32, #tpu.memory_space<vmem>>
        %dma_start3A_103 = tpu.memref_squeeze %dma_start3A_102 : memref<1x64xi32, #tpu.memory_space<vmem>> -> memref<64xi32, #tpu.memory_space<vmem>>
        %dma_start3A_104 = arith.constant 0 : i32
        %dma_start3A_105 = arith.constant 0 : i32
        %dma_start3A_106 = tpu.memref_slice %arg13[%dma_start3A_104, %dma_start3A_105] : memref<10240x128xf32, #tpu.memory_space<vmem_shared>> -> memref<10240x128xf32, #tpu.memory_space<vmem_shared>>
        tpu.enqueue_indirect_dma source(%arg12 : memref<64x128xf32, #tpu.memory_space<vmem>>) target(%dma_start3A_106 : memref<10240x128xf32, #tpu.memory_space<vmem_shared>>) offsets(%dma_start3A_103 : memref<64xi32, #tpu.memory_space<vmem>>) semaphore(%run_scoped3A_100 : memref<!tpu.dma_semaphore, #tpu.memory_space<semaphore_mem>>) {add = true}
        %dma_wait3A_107 = arith.constant 0 : i32
        %dma_wait3A_108 = tpu.memref_slice %arg8[%run_scoped3A_99, %dma_wait3A_107] : memref<20x64xi32, #tpu.memory_space<vmem>> -> memref<1x64xi32, #tpu.memory_space<vmem>>
        %dma_wait3A_109 = tpu.memref_squeeze %dma_wait3A_108 : memref<1x64xi32, #tpu.memory_space<vmem>> -> memref<64xi32, #tpu.memory_space<vmem>>
        %dma_wait3A_110 = arith.constant 0 : i32
        %dma_wait3A_111 = arith.constant 0 : i32
        %dma_wait3A_112 = tpu.memref_slice %arg13[%dma_wait3A_110, %dma_wait3A_111] : memref<10240x128xf32, #tpu.memory_space<vmem_shared>> -> memref<10240x128xf32, #tpu.memory_space<vmem_shared>>
        tpu.wait_indirect_dma semaphore(%run_scoped3A_100 : memref<!tpu.dma_semaphore, #tpu.memory_space<semaphore_mem>>) src(%arg12 : memref<64x128xf32, #tpu.memory_space<vmem>>) dst(%dma_wait3A_112 : memref<10240x128xf32, #tpu.memory_space<vmem_shared>>)
        tpu.yield
      }) : () -> ()
    }
    %barrier3A_26 = arith.constant 0 : index
    tpu.barrier barrier_id(%barrier3A_26)
    %scan3A_27 = arith.constant 0 : i32
    %scan3A_28 = arith.constant 0 : i32
    %scan3A_29 = arith.constant 10 : i32
    %scan3A_30 = arith.addi %scan3A_28, %scan3A_29 : i32
    %scan3A_31 = arith.constant 1 : i32
    scf.for %scan3A_33 = %scan3A_28 to %scan3A_30 step %scan3A_31  : i32 {
      %mul3A_34 = arith.constant 640 : i32
      %mul3A_35 = arith.muli %arg1, %mul3A_34 : i32
      %mul3A_36 = arith.constant 64 : i32
      %mul3A_37 = arith.muli %scan3A_33, %mul3A_36 : i32
      %add3A_38 = arith.addi %mul3A_35, %mul3A_37 : i32
      %mul3A_39 = arith.constant 640 : i32
      %mul3A_40 = arith.muli %arg1, %mul3A_39 : i32
      %mul3A_41 = arith.constant 64 : i32
      %mul3A_42 = arith.muli %scan3A_33, %mul3A_41 : i32
      %add3A_43 = arith.addi %mul3A_40, %mul3A_42 : i32
      "tpu.region"() ({
        %run_scoped3A = tpu.sem_alloc : memref<!tpu.dma_semaphore, #tpu.memory_space<semaphore_mem>>
        %dma_start3A = arith.constant 0 : i32
        %dma_start3A_44 = tpu.memref_slice %arg6[%arg0, %add3A_43, %dma_start3A] : memref<2x10240x128xf32, #tpu.memory_space<hbm>> -> memref<1x64x128xf32, #tpu.memory_space<hbm>>
        %dma_start3A_45 = tpu.memref_squeeze %dma_start3A_44 : memref<1x64x128xf32, #tpu.memory_space<hbm>> -> memref<64x128xf32, #tpu.memory_space<hbm>>
        %dma_start3A_46 = arith.constant 0 : i32
        %dma_start3A_47 = tpu.memref_slice %arg13[%add3A_38, %dma_start3A_46] : memref<10240x128xf32, #tpu.memory_space<vmem_shared>> -> memref<64x128xf32, #tpu.memory_space<vmem_shared>>
        tpu.enqueue_dma source(%dma_start3A_47 : memref<64x128xf32, #tpu.memory_space<vmem_shared>>) target(%dma_start3A_45 : memref<64x128xf32, #tpu.memory_space<hbm>>) target_semaphore(%run_scoped3A : memref<!tpu.dma_semaphore, #tpu.memory_space<semaphore_mem>>)
        %dma_wait3A = arith.constant 0 : i32
        %dma_wait3A_48 = tpu.memref_slice %arg6[%arg0, %add3A_43, %dma_wait3A] : memref<2x10240x128xf32, #tpu.memory_space<hbm>> -> memref<1x64x128xf32, #tpu.memory_space<hbm>>
        %dma_wait3A_49 = tpu.memref_squeeze %dma_wait3A_48 : memref<1x64x128xf32, #tpu.memory_space<hbm>> -> memref<64x128xf32, #tpu.memory_space<hbm>>
        %dma_wait3A_50 = arith.constant 0 : i32
        %dma_wait3A_51 = tpu.memref_slice %arg13[%add3A_38, %dma_wait3A_50] : memref<10240x128xf32, #tpu.memory_space<vmem_shared>> -> memref<64x128xf32, #tpu.memory_space<vmem_shared>>
        tpu.wait_dma2 semaphore(%run_scoped3A : memref<!tpu.dma_semaphore, #tpu.memory_space<semaphore_mem>>) src(%dma_wait3A_51 : memref<64x128xf32, #tpu.memory_space<vmem_shared>>) dst(%dma_wait3A_49 : memref<64x128xf32, #tpu.memory_space<hbm>>)
        tpu.yield
      }) : () -> ()
    }
    %scan3A_32 = arith.constant 10 : i32
    return
  }
}

module attributes {stable_mosaic.version = 14 : i64} {
  func.func @_k2_body(%arg0: i32, %arg1: memref<1000x128xf32, #tpu.memory_space<vmem>>, %arg2: memref<128x128xf32, #tpu.memory_space<vmem>>, %arg3: memref<1000x2xf32, #tpu.memory_space<vmem>>, %arg4: memref<1000x128xf32, #tpu.memory_space<vmem>>, %arg5: memref<1000x1xf32, #tpu.memory_space<vmem>>) attributes {dimension_semantics = [#tpu.dimension_semantics<arbitrary>], iteration_bounds = array<i64: 10>, scalar_prefetch = 0 : i64, scratch_operands = 0 : i64, tpu.core_type = #tpu.core_type<tc>, window_params = [{transform_indices = @transform_0, window_bounds = array<i64: 1000, 128>}, {pipeline_mode = #tpu.pipeline_mode<synchronous>, transform_indices = @transform_1, window_bounds = array<i64: 128, 128>}, {transform_indices = @transform_2, window_bounds = array<i64: 1000, 2>}, {transform_indices = @transform_3, window_bounds = array<i64: 1000, 128>}, {transform_indices = @transform_4, window_bounds = array<i64: 1000, 1>}]} {
    %get3A = arith.constant 0 : index
    %get3A_0 = arith.constant 0 : index
    %get3A_1 = vector.load %arg3[%get3A, %get3A_0] : memref<1000x2xf32, #tpu.memory_space<vmem>>, vector<1000x1xf32>
    %get3A_2 = vector.shape_cast %get3A_1 : vector<1000x1xf32> to vector<1000xf32>
    %get3A_3 = arith.constant 0 : index
    %get3A_4 = arith.constant 1 : index
    %get3A_5 = vector.load %arg3[%get3A_3, %get3A_4] : memref<1000x2xf32, #tpu.memory_space<vmem>>, vector<1000x1xf32>
    %get3A_6 = vector.shape_cast %get3A_5 : vector<1000x1xf32> to vector<1000xf32>
    %add3A = arith.addf %get3A_2, %get3A_6 : vector<1000xf32>
    %add3A_7 = arith.constant 1.000000e+00 : f32
    %add3A_8 = vector.broadcast %add3A_7 : f32 to vector<1000xf32>
    %add3A_9 = arith.addf %add3A, %add3A_8 : vector<1000xf32>
    %rsqrt3A = math.rsqrt %add3A_9 : vector<1000xf32>
    %get3A_10 = arith.constant 0 : index
    %get3A_11 = arith.constant 0 : index
    %get3A_12 = vector.load %arg1[%get3A_10, %get3A_11] : memref<1000x128xf32, #tpu.memory_space<vmem>>, vector<1000x128xf32>
    %get3A_13 = arith.constant 0 : index
    %get3A_14 = arith.constant 0 : index
    %get3A_15 = vector.load %arg2[%get3A_13, %get3A_14] : memref<128x128xf32, #tpu.memory_space<vmem>>, vector<128x128xf32>
    %dot_general3A = arith.constant dense<0.000000e+00> : vector<1000x128xf32>
    %dot_general3A_16 = tpu.matmul %get3A_12, %get3A_15, %dot_general3A {dimension_numbers = #tpu.dot_dimension_numbers<[1], [0], [0], [1], [0, 0, 1, 1], [], []>, transpose_lhs_hint = false} : vector<1000x128xf32>, vector<128x128xf32>, vector<1000x128xf32> -> vector<1000x128xf32>
    %broadcast_in_dim3A = vector.shape_cast %rsqrt3A : vector<1000xf32> to vector<1000x1xf32>
    %mul3A = vector.broadcast %broadcast_in_dim3A : vector<1000x1xf32> to vector<1000x128xf32>
    %mul3A_17 = arith.mulf %dot_general3A_16, %mul3A : vector<1000x128xf32>
    %swap3A = arith.constant 0 : index
    %swap3A_18 = arith.constant 0 : index
    %swap3A_19 = vector.load %arg4[%swap3A, %swap3A_18] : memref<1000x128xf32, #tpu.memory_space<vmem>>, vector<1000x128xf32>
    tpu.vector_store %arg4[%swap3A, %swap3A_18], %mul3A_17 {strides = array<i32>} : memref<1000x128xf32, #tpu.memory_space<vmem>>, vector<1000x128xf32>,
    %broadcast_in_dim3A_20 = vector.shape_cast %rsqrt3A : vector<1000xf32> to vector<1000x1xf32>
    %swap3A_21 = arith.constant 0 : index
    %swap3A_22 = arith.constant 0 : index
    %swap3A_23 = vector.load %arg5[%swap3A_21, %swap3A_22] : memref<1000x1xf32, #tpu.memory_space<vmem>>, vector<1000x1xf32>
    tpu.vector_store %arg5[%swap3A_21, %swap3A_22], %broadcast_in_dim3A_20 {strides = array<i32>} : memref<1000x1xf32, #tpu.memory_space<vmem>>, vector<1000x1xf32>,
    return
  }
  func.func @transform_0(%arg0: i32) -> (i32, i32) {
    %c0_i32 = arith.constant 0 : i32
    %c0_i32_0 = arith.constant 0 : i32
    return %arg0, %c0_i32 : i32, i32
  }
  func.func @transform_1(%arg0: i32) -> (i32, i32) {
    %c0_i32 = arith.constant 0 : i32
    %c0_i32_0 = arith.constant 0 : i32
    %c0_i32_1 = arith.constant 0 : i32
    return %c0_i32, %c0_i32_0 : i32, i32
  }
  func.func @transform_2(%arg0: i32) -> (i32, i32) {
    %c0_i32 = arith.constant 0 : i32
    %c0_i32_0 = arith.constant 0 : i32
    return %arg0, %c0_i32 : i32, i32
  }
  func.func @transform_3(%arg0: i32) -> (i32, i32) {
    %c0_i32 = arith.constant 0 : i32
    %c0_i32_0 = arith.constant 0 : i32
    return %arg0, %c0_i32 : i32, i32
  }
  func.func @transform_4(%arg0: i32) -> (i32, i32) {
    %c0_i32 = arith.constant 0 : i32
    %c0_i32_0 = arith.constant 0 : i32
    return %arg0, %c0_i32 : i32, i32
  }
}

module attributes {stable_mosaic.version = 14 : i64} {
  func.func @_k4_body(%arg0: i32, %arg1: memref<2x1000x128xf32, #tpu.memory_space<vmem>>, %arg2: memref<1000x128xf32, #tpu.memory_space<vmem>>, %arg3: memref<1000x1xf32, #tpu.memory_space<vmem>>, %arg4: memref<1x128xf32, #tpu.memory_space<vmem>>, %arg5: memref<128x8xf32, #tpu.memory_space<vmem>>, %arg6: memref<1000x8xf32, #tpu.memory_space<vmem>>) attributes {dimension_semantics = [#tpu.dimension_semantics<arbitrary>], iteration_bounds = array<i64: 10>, scalar_prefetch = 0 : i64, scratch_operands = 0 : i64, tpu.core_type = #tpu.core_type<tc>, window_params = [{transform_indices = @transform_0, window_bounds = array<i64: 2, 1000, 128>}, {transform_indices = @transform_1, window_bounds = array<i64: 1000, 128>}, {transform_indices = @transform_2, window_bounds = array<i64: 1000, 1>}, {pipeline_mode = #tpu.pipeline_mode<synchronous>, transform_indices = @transform_3, window_bounds = array<i64: 1, 128>}, {pipeline_mode = #tpu.pipeline_mode<synchronous>, transform_indices = @transform_4, window_bounds = array<i64: 128, 8>}, {transform_indices = @transform_5, window_bounds = array<i64: 1000, 8>}]} {
    %get3A = arith.constant 0 : index
    %get3A_0 = arith.constant 0 : index
    %get3A_1 = vector.load %arg3[%get3A, %get3A_0] : memref<1000x1xf32, #tpu.memory_space<vmem>>, vector<1000x1xf32>
    %get3A_2 = arith.constant 0 : index
    %get3A_3 = arith.constant 0 : index
    %get3A_4 = arith.constant 0 : index
    %get3A_5 = vector.load %arg1[%get3A_2, %get3A_3, %get3A_4] : memref<2x1000x128xf32, #tpu.memory_space<vmem>>, vector<1x1000x128xf32>
    %get3A_6 = vector.shape_cast %get3A_5 : vector<1x1000x128xf32> to vector<1000x128xf32>
    %get3A_7 = arith.constant 1 : index
    %get3A_8 = arith.constant 0 : index
    %get3A_9 = arith.constant 0 : index
    %get3A_10 = vector.load %arg1[%get3A_7, %get3A_8, %get3A_9] : memref<2x1000x128xf32, #tpu.memory_space<vmem>>, vector<1x1000x128xf32>
    %get3A_11 = vector.shape_cast %get3A_10 : vector<1x1000x128xf32> to vector<1000x128xf32>
    %add3A = arith.addf %get3A_6, %get3A_11 : vector<1000x128xf32>
    %get3A_12 = arith.constant 0 : index
    %get3A_13 = arith.constant 0 : index
    %get3A_14 = vector.load %arg2[%get3A_12, %get3A_13] : memref<1000x128xf32, #tpu.memory_space<vmem>>, vector<1000x128xf32>
    %add3A_15 = arith.addf %add3A, %get3A_14 : vector<1000x128xf32>
    %mul3A = vector.broadcast %get3A_1 : vector<1000x1xf32> to vector<1000x128xf32>
    %mul3A_16 = arith.mulf %mul3A, %add3A_15 : vector<1000x128xf32>
    %get3A_17 = arith.constant 0 : index
    %get3A_18 = arith.constant 0 : index
    %get3A_19 = vector.load %arg4[%get3A_17, %get3A_18] : memref<1x128xf32, #tpu.memory_space<vmem>>, vector<1x128xf32>
    %add3A_20 = vector.broadcast %get3A_19 : vector<1x128xf32> to vector<1000x128xf32>
    %add3A_21 = arith.addf %mul3A_16, %add3A_20 : vector<1000x128xf32>
    %ge3A = arith.constant 0.000000e+00 : f32
    %ge3A_22 = vector.broadcast %ge3A : f32 to vector<1000x128xf32>
    %ge3A_23 = arith.cmpf oge, %add3A_21, %ge3A_22 : vector<1000x128xf32>
    %mul3A_24 = arith.constant 2.000000e-01 : f32
    %mul3A_25 = vector.broadcast %mul3A_24 : f32 to vector<1000x128xf32>
    %mul3A_26 = arith.mulf %mul3A_25, %add3A_21 : vector<1000x128xf32>
    %select_n3A = arith.select %ge3A_23, %add3A_21, %mul3A_26 : vector<1000x128xi1>, vector<1000x128xf32>
    %get3A_27 = arith.constant 0 : index
    %get3A_28 = arith.constant 0 : index
    %get3A_29 = vector.load %arg5[%get3A_27, %get3A_28] : memref<128x8xf32, #tpu.memory_space<vmem>>, vector<128x8xf32>
    %dot_general3A = arith.constant dense<0.000000e+00> : vector<1000x8xf32>
    %dot_general3A_30 = tpu.matmul %select_n3A, %get3A_29, %dot_general3A {dimension_numbers = #tpu.dot_dimension_numbers<[1], [0], [0], [1], [0, 0, 1, 1], [], []>, transpose_lhs_hint = false} : vector<1000x128xf32>, vector<128x8xf32>, vector<1000x8xf32> -> vector<1000x8xf32>
    %mul3A_31 = vector.broadcast %get3A_1 : vector<1000x1xf32> to vector<1000x8xf32>
    %mul3A_32 = arith.mulf %dot_general3A_30, %mul3A_31 : vector<1000x8xf32>
    %swap3A = arith.constant 0 : index
    %swap3A_33 = arith.constant 0 : index
    %swap3A_34 = vector.load %arg6[%swap3A, %swap3A_33] : memref<1000x8xf32, #tpu.memory_space<vmem>>, vector<1000x8xf32>
    tpu.vector_store %arg6[%swap3A, %swap3A_33], %mul3A_32 {strides = array<i32>} : memref<1000x8xf32, #tpu.memory_space<vmem>>, vector<1000x8xf32>,
    return
  }
  func.func @transform_0(%arg0: i32) -> (i32, i32, i32) {
    %c0_i32 = arith.constant 0 : i32
    %c0_i32_0 = arith.constant 0 : i32
    %c0_i32_1 = arith.constant 0 : i32
    return %c0_i32, %arg0, %c0_i32_0 : i32, i32, i32
  }
  func.func @transform_1(%arg0: i32) -> (i32, i32) {
    %c0_i32 = arith.constant 0 : i32
    %c0_i32_0 = arith.constant 0 : i32
    return %arg0, %c0_i32 : i32, i32
  }
  func.func @transform_2(%arg0: i32) -> (i32, i32) {
    %c0_i32 = arith.constant 0 : i32
    %c0_i32_0 = arith.constant 0 : i32
    return %arg0, %c0_i32 : i32, i32
  }
  func.func @transform_3(%arg0: i32) -> (i32, i32) {
    %c0_i32 = arith.constant 0 : i32
    %c0_i32_0 = arith.constant 0 : i32
    %c0_i32_1 = arith.constant 0 : i32
    return %c0_i32, %c0_i32_0 : i32, i32
  }
  func.func @transform_4(%arg0: i32) -> (i32, i32) {
    %c0_i32 = arith.constant 0 : i32
    %c0_i32_0 = arith.constant 0 : i32
    %c0_i32_1 = arith.constant 0 : i32
    return %c0_i32, %c0_i32_0 : i32, i32
  }
  func.func @transform_5(%arg0: i32) -> (i32, i32) {
    %c0_i32 = arith.constant 0 : i32
    %c0_i32_0 = arith.constant 0 : i32
    return %arg0, %c0_i32 : i32, i32
  }
}

module attributes {stable_mosaic.version = 14 : i64} {
  func.func @_k6_body(%arg0: memref<2x10240x8xf32, #tpu.memory_space<vmem>>, %arg1: memref<10000x8xf32, #tpu.memory_space<vmem>>, %arg2: memref<10000x1xf32, #tpu.memory_space<vmem>>, %arg3: memref<1x8xf32, #tpu.memory_space<vmem>>, %arg4: memref<1x10000xi32, #tpu.memory_space<vmem>>, %arg5: memref<8x8xf32, #tpu.memory_space<vmem>>, %arg6: memref<1x8xf32, #tpu.memory_space<vmem>>, %arg7: memref<8x2xf32, #tpu.memory_space<vmem>>, %arg8: memref<1x2xf32, #tpu.memory_space<vmem>>, %arg9: memref<64x2xf32, #tpu.memory_space<vmem>>) attributes {dimension_semantics = [], scalar_prefetch = 0 : i64, scratch_operands = 0 : i64, tpu.core_type = #tpu.core_type<tc>} {
    %get3A = arith.constant 0 : index
    %get3A_0 = arith.constant 0 : index
    %get3A_1 = vector.load %arg2[%get3A, %get3A_0] : memref<10000x1xf32, #tpu.memory_space<vmem>>, vector<10000x1xf32>
    %get3A_2 = arith.constant 0 : index
    %get3A_3 = arith.constant 0 : index
    %get3A_4 = arith.constant 0 : index
    %get3A_5 = vector.load %arg0[%get3A_2, %get3A_3, %get3A_4] : memref<2x10240x8xf32, #tpu.memory_space<vmem>>, vector<1x10000x8xf32>
    %get3A_6 = vector.shape_cast %get3A_5 : vector<1x10000x8xf32> to vector<10000x8xf32>
    %get3A_7 = arith.constant 1 : index
    %get3A_8 = arith.constant 0 : index
    %get3A_9 = arith.constant 0 : index
    %get3A_10 = vector.load %arg0[%get3A_7, %get3A_8, %get3A_9] : memref<2x10240x8xf32, #tpu.memory_space<vmem>>, vector<1x10000x8xf32>
    %get3A_11 = vector.shape_cast %get3A_10 : vector<1x10000x8xf32> to vector<10000x8xf32>
    %add3A = arith.addf %get3A_6, %get3A_11 : vector<10000x8xf32>
    %get3A_12 = arith.constant 0 : index
    %get3A_13 = arith.constant 0 : index
    %get3A_14 = vector.load %arg1[%get3A_12, %get3A_13] : memref<10000x8xf32, #tpu.memory_space<vmem>>, vector<10000x8xf32>
    %add3A_15 = arith.addf %add3A, %get3A_14 : vector<10000x8xf32>
    %mul3A = vector.broadcast %get3A_1 : vector<10000x1xf32> to vector<10000x8xf32>
    %mul3A_16 = arith.mulf %mul3A, %add3A_15 : vector<10000x8xf32>
    %get3A_17 = arith.constant 0 : index
    %get3A_18 = arith.constant 0 : index
    %get3A_19 = vector.load %arg3[%get3A_17, %get3A_18] : memref<1x8xf32, #tpu.memory_space<vmem>>, vector<1x8xf32>
    %add3A_20 = vector.broadcast %get3A_19 : vector<1x8xf32> to vector<10000x8xf32>
    %add3A_21 = arith.addf %mul3A_16, %add3A_20 : vector<10000x8xf32>
    %ge3A = arith.constant 0.000000e+00 : f32
    %ge3A_22 = vector.broadcast %ge3A : f32 to vector<10000x8xf32>
    %ge3A_23 = arith.cmpf oge, %add3A_21, %ge3A_22 : vector<10000x8xf32>
    %mul3A_24 = arith.constant 2.000000e-01 : f32
    %mul3A_25 = vector.broadcast %mul3A_24 : f32 to vector<10000x8xf32>
    %mul3A_26 = arith.mulf %mul3A_25, %add3A_21 : vector<10000x8xf32>
    %select_n3A = arith.select %ge3A_23, %add3A_21, %mul3A_26 : vector<10000x8xi1>, vector<10000x8xf32>
    %iota3A = tpu.iota {dimensions = array<i32: 0>} : vector<64x10000xi32>
    %get3A_27 = arith.constant 0 : index
    %get3A_28 = arith.constant 0 : index
    %get3A_29 = vector.load %arg4[%get3A_27, %get3A_28] : memref<1x10000xi32, #tpu.memory_space<vmem>>, vector<1x10000xi32>
    %eq3A = vector.broadcast %get3A_29 : vector<1x10000xi32> to vector<64x10000xi32>
    %eq3A_30 = arith.cmpi eq, %iota3A, %eq3A : vector<64x10000xi32>
    %convert_element_type3A = arith.extui %eq3A_30 : vector<64x10000xi1> to vector<64x10000xi32>
    %convert_element_type3A_31 = arith.sitofp %convert_element_type3A : vector<64x10000xi32> to vector<64x10000xf32>
    %dot_general3A = arith.constant dense<0.000000e+00> : vector<64x8xf32>
    %dot_general3A_32 = tpu.matmul %convert_element_type3A_31, %select_n3A, %dot_general3A {dimension_numbers = #tpu.dot_dimension_numbers<[1], [0], [0], [1], [0, 0, 1, 1], [], []>, transpose_lhs_hint = false} : vector<64x10000xf32>, vector<10000x8xf32>, vector<64x8xf32> -> vector<64x8xf32>
    %reduce_sum3A = arith.constant dense<0.000000e+00> : vector<64xf32>
    %reduce_sum3A_33 = vector.multi_reduction <add>, %convert_element_type3A_31, %reduce_sum3A [1] : vector<64x10000xf32> to vector<64xf32>
    %broadcast_in_dim3A = vector.shape_cast %reduce_sum3A_33 : vector<64xf32> to vector<64x1xf32>
    %max3A = arith.constant 1.000000e+00 : f32
    %max3A_34 = vector.broadcast %max3A : f32 to vector<64x1xf32>
    %max3A_35 = arith.maximumf %broadcast_in_dim3A, %max3A_34 : vector<64x1xf32>
    %div3A = vector.broadcast %max3A_35 : vector<64x1xf32> to vector<64x8xf32>
    %div3A_36 = arith.divf %dot_general3A_32, %div3A : vector<64x8xf32>
    %get3A_37 = arith.constant 0 : index
    %get3A_38 = arith.constant 0 : index
    %get3A_39 = vector.load %arg5[%get3A_37, %get3A_38] : memref<8x8xf32, #tpu.memory_space<vmem>>, vector<8x8xf32>
    %dot_general3A_40 = arith.constant dense<0.000000e+00> : vector<64x8xf32>
    %dot_general3A_41 = tpu.matmul %div3A_36, %get3A_39, %dot_general3A_40 {dimension_numbers = #tpu.dot_dimension_numbers<[1], [0], [0], [1], [0, 0, 1, 1], [], []>, transpose_lhs_hint = false} : vector<64x8xf32>, vector<8x8xf32>, vector<64x8xf32> -> vector<64x8xf32>
    %get3A_42 = arith.constant 0 : index
    %get3A_43 = arith.constant 0 : index
    %get3A_44 = vector.load %arg6[%get3A_42, %get3A_43] : memref<1x8xf32, #tpu.memory_space<vmem>>, vector<1x8xf32>
    %add3A_45 = vector.broadcast %get3A_44 : vector<1x8xf32> to vector<64x8xf32>
    %add3A_46 = arith.addf %dot_general3A_41, %add3A_45 : vector<64x8xf32>
    %ge3A_47 = arith.constant 0.000000e+00 : f32
    %ge3A_48 = vector.broadcast %ge3A_47 : f32 to vector<64x8xf32>
    %ge3A_49 = arith.cmpf oge, %add3A_46, %ge3A_48 : vector<64x8xf32>
    %mul3A_50 = arith.constant 2.000000e-01 : f32
    %mul3A_51 = vector.broadcast %mul3A_50 : f32 to vector<64x8xf32>
    %mul3A_52 = arith.mulf %mul3A_51, %add3A_46 : vector<64x8xf32>
    %select_n3A_53 = arith.select %ge3A_49, %add3A_46, %mul3A_52 : vector<64x8xi1>, vector<64x8xf32>
    %get3A_54 = arith.constant 0 : index
    %get3A_55 = arith.constant 0 : index
    %get3A_56 = vector.load %arg7[%get3A_54, %get3A_55] : memref<8x2xf32, #tpu.memory_space<vmem>>, vector<8x2xf32>
    %dot_general3A_57 = arith.constant dense<0.000000e+00> : vector<64x2xf32>
    %dot_general3A_58 = tpu.matmul %select_n3A_53, %get3A_56, %dot_general3A_57 {dimension_numbers = #tpu.dot_dimension_numbers<[1], [0], [0], [1], [0, 0, 1, 1], [], []>, transpose_lhs_hint = false} : vector<64x8xf32>, vector<8x2xf32>, vector<64x2xf32> -> vector<64x2xf32>
    %get3A_59 = arith.constant 0 : index
    %get3A_60 = arith.constant 0 : index
    %get3A_61 = vector.load %arg8[%get3A_59, %get3A_60] : memref<1x2xf32, #tpu.memory_space<vmem>>, vector<1x2xf32>
    %add3A_62 = vector.broadcast %get3A_61 : vector<1x2xf32> to vector<64x2xf32>
    %add3A_63 = arith.addf %dot_general3A_58, %add3A_62 : vector<64x2xf32>
    %swap3A = arith.constant 0 : index
    %swap3A_64 = arith.constant 0 : index
    %swap3A_65 = vector.load %arg9[%swap3A, %swap3A_64] : memref<64x2xf32, #tpu.memory_space<vmem>>, vector<64x2xf32>
    tpu.vector_store %arg9[%swap3A, %swap3A_64], %add3A_63 {strides = array<i32>} : memref<64x2xf32, #tpu.memory_space<vmem>>, vector<64x2xf32>,
    return
  }
}

</mosaic_0001>

<sc_bundles>
// kernel: kernel.11.cloned.1.call-start
scs
__scs_entry_jumppad:
0x0: {  	(pc) =	sbr.rel $0x88, $3  }
0x1: {  	(tag) =	ssettag $0x0;
	lr =	simm.s32 $0x1  }
0x2: {  	[smem:$0x3F96] =	sst lr;
	_ =	strace $0xD0000000  }
0x3: {  	_ = 	snop  }
0x4: {  	_ = 	snop  }
0x5: {  	_ = 	snop  }
0x6: {  	_ = 	snop  }
0x7: {  	_ = 	snop  }
__scs_overlays_trampoline_lowered:
0x8: {  	[smem:$0x3FA5] =	sst s0  }
0x9: {  	[smem:$0x3FA6] =	sst s1  }
0xa: {  	[smem:$0x3FA7] =	sst s2  }
0xb: {  	[smem:$0x3FA8] =	sst s3  }
0xc: {  	[smem:$0x3FA9] =	sst s4  }
0xd: {  	[smem:$0x3FAA] =	sst s5  }
0xe: {  	[smem:$0x3FAB] =	sst s6  }
0xf: {  	[smem:$0x3FAC] =	sst s7  }
0x10: {  	[smem:$0x3FAD] =	sst s8  }
0x11: {  	[smem:$0x3FAE] =	sst s9;
	s0 =	simm.s32 @!p0 $0x0  }
0x12: {  	s1 =	sld [smem:$0x3F94];
	s0 =	simm.s32 @p0 $0x1  }
0x13: {  	[smem:$0x3FAF] =	sst s0;
	s0 =	simm.s32 @!p1 $0x0  }
0x14: {  	s2 =	sld [smem:$0x3F93];
	s0 =	simm.s32 @p1 $0x1  }
0x15: {  	[smem:$0x3FB0] =	sst s0;
	s0 =	simm.s32 @!p2 $0x0  }
0x16: {  	s3 =	sld [smem:$0x3FDB];
	s0 =	simm.s32 @p2 $0x1  }
0x17: {  	s4 =	simm.s32 $0x1BF5;
	[smem:$0x3FB2] =	sst s0  }
0x18: {  	s0 =	sld [smem:$0x3F95];
	_ =	swait.ge [sflag:s4], $0x0  }
0x19: {  	s7 =	sld [smem:$0x3F96]  }
0x1a: {  	s8 =	sadd.s32 $0xFFFFE003, lr  }
0x1b: {  	s9 =	sadd.s32 $0xFFFFFEF7, lr;
	s5 =	simm.s32 $0xFFFFFFFF;
	p2 =	slt.u32 s8, $0xFFFFF086  }
0x1c: {  	p1 =	slt.u32 s9, $0xF7A;
	s5 =	simm.s32 @!p2 $0x0  }
0x1d: {  	s5 =	simm.s32 @p1 $0x1;
	p0 =	seq.s32 s7, s2  }
0x1e: {  	s7 =	smul.u32 @!p0 $0xF7A, s2;
	p2 =	seq.s32 @!p0 s5, $0x0  }
0x1f: {  	s9 =	smul.u32 $0xF7A, s1;
	s8 =	simm.s32 @!p0 $0x1BF5;
	p2 =	por !p2, p0  }
0x20: {  	[sflag:s8] =	ssyncset.s32 @!p0 $0xFFFFF086;
	s6 =	sadd.s32 @!p0 s3, s7;
	s7 =	simm.s32 @!p0 $0x108  }
0x21: {  	s3 =	sadd.s32 s3, s9;
	s6 =	sadd.s32 @!p0 $0x88, s6;
	s7 =	simm.s32 @p2 $0x1082  }
0x22: {  	[simem:s7], [sflag:s8] =	dma.local @!p0 [hbm:s6], $0xF7A  }
0x23: {  	s9 =	sor.u32 $0xD0000000, s2;
	s6 =	simm.s32 $0x108;
	_ =	swait.ge @!p0 [sflag:s8], $0x0  }
0x24: {  	s3 =	sadd.s32 $0x88, s3;
	s6 =	simm.s32 @!p1 $0x1082;
	[sflag:s4] =	ssyncset.s32 $0xFFFFF086  }
0x25: {  	[simem:s6], [sflag:s4] =	dma.local [hbm:s3], $0xF7A  }
0x26: {  	[smem:$0x3F96] =	sst s1;
	(tag) =	ssettag s2;
	_ =	strace s9  }
0x27: {  	s1 =	sld [smem:$0x3FA6]  }
0x28: {  	s2 =	sld [smem:$0x3FA7]  }
0x29: {  	s4 =	sld [smem:$0x3FA9]  }
0x2a: {  	p0 =	seq.s32 s5, $0x0;
	s5 =	sld [smem:$0x3FAA]  }
0x2b: {  	s6 =	sld [smem:$0x3FAB]  }
0x2c: {  	s7 =	sld [smem:$0x3FAC]  }
0x2d: {  	s3 =	simm.s32 $0x108;
	s8 =	sld [smem:$0x3FAD]  }
0x2e: {  	s3 =	simm.s32 @!p0 $0x1082;
	s9 =	sld [smem:$0x3FAE]  }
0x2f: {  	lr =	sadd.s32 s0, s3;
	s0 =	sld [smem:$0x3FA5]  }
0x30: {  	s3 =	sld [smem:$0x3FA8]  }
0x31: {  	[smem:$0x3FB1] =	sst s10  }
0x32: {  	s10 =	sld [smem:$0x3FAF];
	_ =	sdelay $0x3  }
0x33: {  	p0 =	seq.s32 s10, $0x1;
	s10 =	sld [smem:$0x3FB1];
	_ =	sdelay $0x3  }
0x34: {  	[smem:$0x3FB1] =	sst s10  }
0x35: {  	s10 =	sld [smem:$0x3FB0];
	_ =	sdelay $0x3  }
0x36: {  	p1 =	seq.s32 s10, $0x1;
	s10 =	sld [smem:$0x3FB1];
	_ =	sdelay $0x3  }
0x37: {  	[smem:$0x3FB1] =	sst s10  }
0x38: {  	s10 =	sld [smem:$0x3FB2]  }
0x39: {  	_ = 	snop;
	(pc) =	sbr.ind lr, $3  }
0x3a: {  	_ = 	snop  }
0x3b: {  	_ = 	snop  }
0x3c: {  	p2 =	seq.s32 s10, $0x1;
	s10 =	sld [smem:$0x3FB1]  }
0x3d: {  	_ =	shalt  }
0x3e: {  	_ =	shalt  }
0x3f: {  	_ =	shalt  }
0x40: {  	_ =	shalt  }
0x41: {  	_ =	shalt  }
0x42: {  	_ =	shalt  }
0x43: {  	_ =	shalt  }
0x44: {  	_ =	shalt  }
0x45: {  	_ =	shalt  }
0x46: {  	_ =	shalt  }
0x47: {  	_ =	shalt  }
0x48: {  	_ =	shalt  }
0x49: {  	_ =	shalt  }
0x4a: {  	_ =	shalt  }
0x4b: {  	_ =	shalt  }
0x4c: {  	_ =	shalt  }
0x4d: {  	_ =	shalt  }
0x4e: {  	_ =	shalt  }
0x4f: {  	_ =	shalt  }
0x50: {  	_ =	shalt  }
0x51: {  	_ =	shalt  }
0x52: {  	_ =	shalt  }
0x53: {  	_ =	shalt  }
0x54: {  	_ =	shalt  }
0x55: {  	_ =	shalt  }
0x56: {  	_ =	shalt  }
0x57: {  	_ =	shalt  }
0x58: {  	_ =	shalt  }
0x59: {  	_ =	shalt  }
0x5a: {  	_ =	shalt  }
0x5b: {  	_ =	shalt  }
0x5c: {  	_ =	shalt  }
0x5d: {  	_ =	shalt  }
0x5e: {  	_ =	shalt  }
0x5f: {  	_ =	shalt  }
0x60: {  	_ =	shalt  }
0x61: {  	_ =	shalt  }
0x62: {  	_ =	shalt  }
0x63: {  	_ =	shalt  }
0x64: {  	_ =	shalt  }
0x65: {  	_ =	shalt  }
0x66: {  	_ =	shalt  }
0x67: {  	_ =	shalt  }
0x68: {  	_ =	shalt  }
0x69: {  	_ =	shalt  }
0x6a: {  	_ =	shalt  }
0x6b: {  	_ =	shalt  }
0x6c: {  	_ =	shalt  }
0x6d: {  	_ =	shalt  }
0x6e: {  	_ =	shalt  }
0x6f: {  	_ =	shalt  }
0x70: {  	_ =	shalt  }
0x71: {  	_ =	shalt  }
0x72: {  	_ =	shalt  }
0x73: {  	_ =	shalt  }
0x74: {  	_ =	shalt  }
0x75: {  	_ =	shalt  }
0x76: {  	_ =	shalt  }
0x77: {  	_ =	shalt  }
0x78: {  	_ =	shalt  }
0x79: {  	_ =	shalt  }
0x7a: {  	_ =	shalt  }
0x7b: {  	_ =	shalt  }
0x7c: {  	_ =	shalt  }
0x7d: {  	_ =	shalt  }
0x7e: {  	_ =	shalt  }
0x7f: {  	_ =	shalt  }
0x80: {  	_ =	shalt  }
0x81: {  	_ =	shalt  }
0x82: {  	_ =	shalt  }
0x83: {  	_ =	shalt  }
0x84: {  	_ =	shalt  }
0x85: {  	_ =	shalt  }
0x86: {  	_ =	shalt  }
0x87: {  	_ =	shalt  }
.Lfunc_end0:
.L_simem_size_0:
called_computation.1_lowered:
.L_overlay_start_0:
0x88: {  	s2 =	sld [smem:$0x3FD9]  }
0x89: {  	s3 =	sld [smem:$0x3FFE];
	_ =	sdelay $0x1  }
0x8a: {  	s1 =	srdreg.scid  }
0x8b: {  	s0 =	sand.u32 $0x1, s1  }
0x8c: {  	s16 =	sshll.u32 s0, $0xA;
	s2 =	sadd.s32 s3, s2  }
0x8d: {  	s2 =	sadd.s32 s2, s16  }
0x8e: {  	[smem:$0x3FBD] =	sst s2  }
0x8f: {  	_ = 	snop  }
0x90: {  	(tm) =	ssettm $0x1  }
0x91: {  	s17 =	sld [smem:$0x3FFB];
	_ =	sdelay $0x3  }
0x92: {  	_ =	strace s17  }
0x93: {  	s2 =	sld [smem:$0x3FFC];
	_ =	sdelay $0x3  }
0x94: {  	_ =	strace s2  }
0x95: {  	s2 =	sld [smem:$0x3FFD];
	_ =	sdelay $0x3  }
0x96: {  	_ =	strace s2  }
0x97: {  	_ =	strace $0x8FFFFFFF  }
0x98: {  	s18 =	sld [smem:$0x3FDB];
	_ =	sdelay $0x1  }
0x99: {  	s19 =	simm.s32 $_scs_section_size  }
0x9a: {  	s4 =	simm.s32 $_size__tile_overlayer_lowered;
	s5 =	simm.s32 $_tile_overlayer_lowered  }
0x9b: {  	s22 =	simm.s32 $0x1BFF;
	s21 =	sshll.u32 s5, $0x1;
	s2 =	sadd.s32 s19, s18  }
0x9c: {  	s6 =	simm.s32 $0x0;
	s20 =	sshll.u32 s4, $0x1;
	s4 =	sadd.s32 s21, s2  }
0x9d: {  	[timem:s6], [sflag:s22] =	dma.local [hbm:s4], s20  }
0x9e: {  	_ =	swait.ge [sflag:s22], s20  }
0x9f: {  	s3 =	ssub.s32 $0x0, s20;
	[sflag:s22] =	ssyncset.done $0x0  }
0xa0: {  	[sflag:s22] =	ssyncadd.s32 s3;
	_ =	sdelay $0x1  }
0xa1: {  	s23 =	simm.s32 $0x1B8B  }
0xa2: {  	_ =	swait.ge [sflag:s23], $0x1  }
0xa3: {  	[sflag:s23] =	ssyncset.done $0x0  }
0xa4: {  	s25 =	simm.s32 $0x1B8E;
	s24 =	sld [smem:$0x3FFE];
	[sflag:s23] =	ssyncadd.s32 $0xFFFFFFFF  }
0xa5: {  	s26 =	simm.s32 $execute0_lowered;
	[smem:$0x3FD2] =	sst s25  }
0xa6: {  	s4 =	sshll.u32 s26, $0x1;
	_ =	strace $0x80000049;
	[dreg:$0x1] =	wrdreg $0xFFFFFFFF  }
0xa7: {  	s28 =	simm.s32 $_size_execute0_lowered;
	s2 =	sadd.s32 s2, s4;
	[dreg:$0x0] =	wrdreg $0x0  }
0xa8: {  	s4 =	sshll.u32 s28, $0x1;
	[dreg:$0x2] =	wrdreg s2  }
0xa9: {  	[dreg:$0x3] =	wrdreg s4  }
0xaa: {  	[dreg:$0x4] =	wrdreg $0xC0  }
0xab: {  	_ =	task [dreg:s6], $0x5FFFF  }
0xac: {  	[dreg:$0x1] =	wrdreg $0xFFFFFFFF  }
0xad: {  	[dreg:$0x0] =	wrdreg $0x60  }
0xae: {  	[dreg:$0x2] =	wrdreg s24  }
0xaf: {  	[dreg:$0x3] =	wrdreg $0x8A000  }
0xb0: {  	[dreg:$0x4] =	wrdreg $0x9  }
0xb1: {  	_ =	task.clear_ibuf [dreg:s6], $0x5FFFF;
	_ =	strace $0x90000049  }
0xb2: {  	s29 =	simm.s32 $0x9;
	_ =	strace $0x8000004B  }
0xb3: {  	_ =	swait.ge [sflag:s29], $0x1  }
0xb4: {  	[sflag:s29] =	ssyncadd.s32 $0xFFFFFFFF  }
0xb5: {  	_ =	strace $0x9000004B  }
0xb6: {  	_ =	sfence  }
0xb7: {  	s30 =	sld [smem:$0x0];
	_ =	sdelay $0x2  }
0xb8: {  	s31 =	sshll.u32 s1, $0xD;
	s1 =	sshrl.u32 s1, $0x2  }
0xb9: {  	s3 =	sand.u32 $0x4000, s31;
	s1 =	sadd.s32 s1, s30  }
0xba: {  	s0 =	sor.u32 s3, s0;
	s1 =	sshll.u32 s1, $0x11  }
0xbb: {  	s0 =	sor.u32 s1, s0  }
0xbc: {  	s0 =	sadd.s32 $0x8F2B, s0  }
0xbd: {  	[sflag:s0] =	ssyncadd.remote.s32 $0x1  }
0xbe: {  	_ =	sfence.sel $0xFFFF  }
0xbf: {  	[dreg:$0x0] =	wrdreg $0xFFFFFFFF;
	(pc) =	sbr.abs _section_cstart, $3  }
0xc0: {  	[dreg:$0x1] =	wrdreg $0xFFFFFFFF  }
0xc1: {  	_ =	task.clear_ibuf [dreg:s6], $0x2FFFF;
	_ =	strace $0x9FFFFFFF  }
0xc2: {  	(tm) =	ssettm $0x7FFFFFFF  }
0xc3: {  	_ =	shalt  }
tec
execute0_lowered:
.L_overlay_start_1:
0x0: {  	(tag) =	ssettag $0x1  }
0x1: {  	s0 =	rddreg [dreg:$0x0]  }
0x2: {  	s2 =	rddreg [dreg:$0x1];
	s3 =	simm.s32 $0x0  }
0x3: {  	s10 =	simm.s32 $0x80;
	[smem:$0x7FF] =	sst s3  }
0x4: {  	s20 =	simm.s32 $0xC0;
	_ =	strace $0x8000004A;
	[dreg:$0x3] =	wrdreg s10  }
0x5: {  	s21 =	simm.s32 $0x100;
	[dreg:$0x4] =	wrdreg s20  }
0x6: {  	s22 =	simm.s32 $0x540;
	[dreg:$0x5] =	wrdreg s21  }
0x7: {  	s23 =	simm.s32 $0x140;
	[dreg:$0x6] =	wrdreg s22  }
0x8: {  	s24 =	simm.s32 $0x580;
	[dreg:$0x7] =	wrdreg s23  }
0x9: {  	s15 =	stileid.u32;
	s25 =	simm.s32 $0x180;
	[dreg:$0x8] =	wrdreg s24  }
0xa: {  	s1 =	srdreg.scid;
	s26 =	simm.s32 $0x5C0;
	[dreg:$0x9] =	wrdreg s25  }
0xb: {  	s13 =	simm.s32 $0x1C0;
	s14 =	simm.s32 $0x600;
	[dreg:$0xa] =	wrdreg s26  }
0xc: {  	s16 =	simm.s32 $0x200;
	s17 =	simm.s32 $0x640;
	[dreg:$0xb] =	wrdreg s13  }
0xd: {  	s28 =	simm.s32 $0x1;
	s29 =	simm.s32 $0x2;
	[dreg:$0xc] =	wrdreg s14  }
0xe: {  	s30 =	simm.s32 $0x4;
	s31 =	simm.s32 $0x400;
	[dreg:$0xd] =	wrdreg s16  }
0xf: {  	s4 =	smul.u32 $0x3C, s15;
	[dreg:$0xe] =	wrdreg s17;
	s20 =	simm.s32 $0x280  }
0x10: {  	s5 =	sand.u32 $0x1, s1;
	s21 =	simm.s32 $0x6C0;
	[dreg:$0x11] =	wrdreg s20  }
0x11: {  	s6 =	smul.u32 $0x104, s15;
	s22 =	simm.s32 $0x2C0;
	[dreg:$0x12] =	wrdreg s21  }
0x12: {  	s8 =	sadd.s32 $0x52800, s0;
	s23 =	simm.s32 $0x700;
	[dreg:$0x13] =	wrdreg s22  }
0x13: {  	p0 =	seq.s32 s5, $0x0;
	s24 =	simm.s32 $0x300;
	[dreg:$0x14] =	wrdreg s23  }
0x14: {  	s7 =	smul.u32 $0x140000, s5;
	s25 =	simm.s32 $0x740;
	[dreg:$0x15] =	wrdreg s24  }
0x15: {  	s18 =	ssub.s32 $0x2, s5;
	s17 =	simm.s32 $0x340;
	[dreg:$0x16] =	wrdreg s25  }
0x16: {  	s1 =	sadd.s32 $0x1040, s4;
	s5 =	sshrl.u32 s18, $0x1;
	[dreg:$0x17] =	wrdreg s17  }
0x17: {  	s20 =	simm.s32 $0x7C0;
	s21 =	simm.s32 $0x3C0;
	s25 =	smul.u32 $0x50000, s15  }
0x18: {  	s6 =	smov.u32 @p0 s1;
	s1 =	smul.u32 $0x14000, s15;
	[dreg:$0x1a] =	wrdreg s20  }
0x19: {  	s4 =	ssub.s32 s18, s5;
	s18 =	simm.s32 $0x240;
	[dreg:$0x1b] =	wrdreg s21  }
0x1a: {  	s6 =	sshll.u32 s6, $0x3;
	[dreg:$0xf] =	wrdreg s18;
	s18 =	simm.s32 $0x780  }
0x1b: {  	s9 =	sadd.s32 s7, s1;
	s5 =	sor.u32 $0x2000, s1;
	s10 =	sadd.s32 $0x6000, s1  }
0x1c: {  	s16 =	sadd.s32 $0xC000, s1;
	[dreg:$0x18] =	wrdreg s18;
	s17 =	sadd.s32 $0xE000, s1  }
0x1d: {  	s20 =	sadd.s32 $0x12000, s1;
	s6 =	sadd.s32 s6, s0;
	s18 =	sshll.u32 s15, $0x6  }
0x1e: {  	s9 =	sshrl.u32 s9, $0x3;
	s19 =	sadd.s32 s7, s5;
	s12 =	sadd.s32 s7, s10  }
0x1f: {  	s26 =	sadd.s32 s7, s16;
	s9 =	sadd.s32 s8, s9;
	s12 =	sshrl.u32 s12, $0x3  }
0x20: {  	s22 =	sadd.s32 s7, s17;
	[dreg:$0x1d] =	wrdreg s9;
	s12 =	sadd.s32 s8, s12  }
0x21: {  	s9 =	sshrl.u32 s19, $0x3;
	s19 =	simm.s32 $0x680;
	[smem:$0x7DE] =	sst s12  }
0x22: {  	s18 =	sor.u32 $0x1C05, s18;
	s9 =	sadd.s32 s8, s9;
	[dreg:$0x10] =	wrdreg s19  }
0x23: {  	s19 =	simm.s32 $0x380;
	s12 =	sshrl.u32 s22, $0x3;
	[dreg:$0x1e] =	wrdreg s9  }
0x24: {  	s22 =	smax.u32 s4, $0x1;
	s9 =	sadd.s32 $0x4000, s1;
	[dreg:$0x19] =	wrdreg s19  }
0x25: {  	s19 =	sadd.s32 $0x10000, s1;
	s12 =	sadd.s32 s8, s12;
	s11 =	sadd.s32 s7, s9  }
0x26: {  	[smem:$0x7E7] =	sst s22;
	s23 =	sadd.s32 s7, s19;
	s11 =	sshrl.u32 s11, $0x3  }
0x27: {  	[smem:$0x7E2] =	sst s12;
	s12 =	sshrl.u32 s25, $0x2;
	s11 =	sadd.s32 s8, s11  }
0x28: {  	s4 =	sadd.s32 s9, s2;
	[dreg:$0x1f] =	wrdreg s11;
	s11 =	sadd.s32 $0x8000, s1  }
0x29: {  	s9 =	sadd.s32 s16, s2;
	s21 =	sadd.s32 s12, s2;
	s13 =	sadd.s32 s7, s11  }
0x2a: {  	s12 =	sadd.s32 s20, s2;
	s25 =	sadd.s32 $0x4000, s21;
	s13 =	sshrl.u32 s13, $0x3  }
0x2b: {  	[smem:$0x7F0] =	sst s21;
	s15 =	sshrl.u32 s25, $0x3;
	s13 =	sadd.s32 s8, s13  }
0x2c: {  	s25 =	sadd.s32 $0x10000, s21;
	[smem:$0x7DF] =	sst s13;
	s13 =	sadd.s32 $0xA000, s1  }
0x2d: {  	[smem:$0x7EB] =	sst s15;
	s15 =	sshrl.u32 s25, $0x3;
	s14 =	sadd.s32 s7, s13  }
0x2e: {  	[smem:$0x7F2] =	sst s15;
	s7 =	sadd.s32 s7, s20;
	s14 =	sshrl.u32 s14, $0x3  }
0x2f: {  	s20 =	sadd.s32 $0xC000, s21;
	s7 =	sshrl.u32 s7, $0x3;
	s14 =	sadd.s32 s8, s14  }
0x30: {  	s7 =	sadd.s32 s8, s7;
	[smem:$0x7E0] =	sst s14;
	s14 =	sshrl.u32 s26, $0x3  }
0x31: {  	s26 =	simm.s32 $0x800;
	[smem:$0x7E4] =	sst s7;
	s7 =	simm.s32 $0x3  }
0x32: {  	s14 =	sadd.s32 s8, s14;
	[dreg:$0x1c] =	wrdreg s26;
	s7 =	simm.s32 @!p0 $0xD  }
0x33: {  	s26 =	sadd.s32 $0x6000, s21;
	[smem:$0x7E1] =	sst s14;
	s14 =	sshrl.u32 s23, $0x3  }
0x34: {  	[smem:$0x7E6] =	sst s7;
	s7 =	sadd.s32 s11, s2;
	s11 =	sadd.s32 s19, s2  }
0x35: {  	s23 =	sadd.s32 $0x21600, s6;
	s6 =	sadd.s32 $0x2C00, s6;
	s16 =	sshrl.u32 s26, $0x3  }
0x36: {  	s19 =	sadd.s32 $0xA000, s21;
	s26 =	sadd.s32 $0x12000, s21;
	[smem:$0x7E8] =	sst s23  }
0x37: {  	s24 =	sadd.s32 s8, s14;
	s14 =	sadd.s32 $0x2B600, s0;
	[smem:$0x7E9] =	sst s6  }
0x38: {  	s0 =	sadd.s32 $0xCC00, s0;
	s8 =	sadd.s32 s13, s2;
	[smem:$0x7EC] =	sst s16  }
0x39: {  	s22 =	sshrl.u32 s19, $0x3;
	s23 =	sshrl.u32 s20, $0x3;
	s16 =	sshrl.u32 s26, $0x3  }
0x3a: {  	s19 =	sshrl.u32 s4, $0x3;
	s25 =	sshrl.u32 s11, $0x3;
	[smem:$0x7E3] =	sst s24  }
0x3b: {  	s26 =	sshrl.u32 s12, $0x3;
	s12 =	simm.s32 $0x3;
	[smem:$0x7E5] =	sst s0  }
0x3c: {  	s13 =	simm.s32 $0x5;
	s4 =	simm.s32 $0x880;
	[smem:$0x7EE] =	sst s22  }
0x3d: {  	s11 =	simm.s32 $0x9C0;
	s0 =	sadd.s32 s1, s2;
	[smem:$0x7EF] =	sst s23  }
0x3e: {  	s1 =	sadd.s32 s5, s2;
	s5 =	sadd.s32 s10, s2;
	[smem:$0x7F3] =	sst s16  }
0x3f: {  	s10 =	sadd.s32 s17, s2;
	s24 =	sadd.s32 $0x2000, s21;
	[smem:$0x7F6] =	sst s19  }
0x40: {  	s17 =	sadd.s32 $0x8000, s21;
	s22 =	sshrl.u32 s8, $0x3;
	[smem:$0x7FC] =	sst s25  }
0x41: {  	s23 =	sshrl.u32 s9, $0x3;
	[smem:$0x7FD] =	sst s26;
	s19 =	simm.s32 $0x500  }
0x42: {  	s25 =	simm.s32 $0x4A00;
	s26 =	simm.s32 $0x6A00;
	s8 =	simm.s32 $0x900  }
0x43: {  	s9 =	simm.s32 $0x940;
	s16 =	simm.s32 $0x0;
	[smem:$0x7F9] =	sst s22  }
0x44: {  	s6 =	sshrl.u32 s24, $0x3;
	s24 =	sadd.s32 $0xE000, s21;
	[smem:$0x7FA] =	sst s23  }
0x45: {  	s0 =	sshrl.u32 s0, $0x3;
	s20 =	sshrl.u32 s5, $0x3;
	[smem:$0x7EA] =	sst s6  }
0x46: {  	s21 =	sshrl.u32 s7, $0x3;
	s22 =	simm.s32 $0x40;
	[smem:$0x7F4] =	sst s0  }
0x47: {  	s23 =	simm.s32 $0xA00;
	s5 =	simm.s32 $0x480;
	[smem:$0x7F7] =	sst s20  }
0x48: {  	s7 =	simm.s32 $0x4C0;
	s6 =	sshrl.u32 s17, $0x3;
	[smem:$0x7F8] =	sst s21  }
0x49: {  	s17 =	sshrl.u32 s1, $0x3;
	s0 =	simm.s32 $0x840;
	[smem:$0x7ED] =	sst s6  }
0x4a: {  	s1 =	simm.s32 $0x440;
	s6 =	sshrl.u32 s24, $0x3;
	[smem:$0x7F5] =	sst s17  }
0x4b: {  	s24 =	sshrl.u32 s10, $0x3;
	s10 =	simm.s32 $0x980;
	[smem:$0x7F1] =	sst s6  }
0x4c: {  	[smem:$0x7FB] =	sst s24;
	s24 =	simm.s32 $0x2A00;
	s6 =	simm.s32 $0x8C0  }
.LBB2_1:
0x4d: {  	s15 =	sld [smem:$0x7F0];
	_ =	sdelay $0x2  }
0x4e: {  	s17 =	sshrl.u32 s15, $0x3;
	s15 =	sld [smem:$0x7E5];
	_ =	sdelay $0x1  }
0x4f: {  	[smem:$0x7DD] =	sst s16  }
0x50: {  	[spmem:s17], [sflag:s18] =	dma.local [hbm:s15], $0x400  }
0x51: {  	_ =	swait.ge [sflag:s13], $0x400  }
0x52: {  	s17 =	sld [smem:$0x7EA]  }
0x53: {  	[sflag:s13] =	ssyncset.done $0x0  }
0x54: {  	[sflag:s13] =	ssyncadd.s32 $0xFFFFFC00  }
0x55: {  	[spmem:s17], [sflag:s18] =	dma.local [hbm:s15], $0x400  }
0x56: {  	_ =	swait.ge [sflag:s13], $0x400  }
0x57: {  	s20 =	sld [smem:$0x7EB]  }
0x58: {  	[sflag:s13] =	ssyncset.done $0x0  }
0x59: {  	[sflag:s13] =	ssyncadd.s32 $0xFFFFFC00  }
0x5a: {  	[spmem:s20], [sflag:s18] =	dma.local [hbm:s15], $0x400  }
0x5b: {  	_ =	swait.ge [sflag:s13], $0x400  }
0x5c: {  	s21 =	sld [smem:$0x7EC]  }
0x5d: {  	[sflag:s13] =	ssyncset.done $0x0  }
0x5e: {  	[sflag:s13] =	ssyncadd.s32 $0xFFFFFC00  }
0x5f: {  	[spmem:s21], [sflag:s18] =	dma.local [hbm:s15], $0x400  }
0x60: {  	_ =	swait.ge [sflag:s13], $0x400  }
0x61: {  	s17 =	sld [smem:$0x7ED]  }
0x62: {  	[sflag:s13] =	ssyncset.done $0x0  }
0x63: {  	[sflag:s13] =	ssyncadd.s32 $0xFFFFFC00  }
0x64: {  	[spmem:s17], [sflag:s18] =	dma.local [hbm:s15], $0x400  }
0x65: {  	_ =	swait.ge [sflag:s13], $0x400  }
0x66: {  	s20 =	sld [smem:$0x7EE]  }
0x67: {  	[sflag:s13] =	ssyncset.done $0x0  }
0x68: {  	[sflag:s13] =	ssyncadd.s32 $0xFFFFFC00  }
0x69: {  	[spmem:s20], [sflag:s18] =	dma.local [hbm:s15], $0x400  }
0x6a: {  	_ =	swait.ge [sflag:s13], $0x400  }
0x6b: {  	s21 =	sld [smem:$0x7EF]  }
0x6c: {  	[sflag:s13] =	ssyncset.done $0x0  }
0x6d: {  	[sflag:s13] =	ssyncadd.s32 $0xFFFFFC00  }
0x6e: {  	[spmem:s21], [sflag:s18] =	dma.local [hbm:s15], $0x400  }
0x6f: {  	_ =	swait.ge [sflag:s13], $0x400  }
0x70: {  	s17 =	sld [smem:$0x7F1]  }
0x71: {  	[sflag:s13] =	ssyncset.done $0x0  }
0x72: {  	[sflag:s13] =	ssyncadd.s32 $0xFFFFFC00  }
0x73: {  	[spmem:s17], [sflag:s18] =	dma.local [hbm:s15], $0x400  }
0x74: {  	_ =	swait.ge [sflag:s13], $0x400  }
0x75: {  	s20 =	sld [smem:$0x7F2]  }
0x76: {  	[sflag:s13] =	ssyncset.done $0x0  }
0x77: {  	[sflag:s13] =	ssyncadd.s32 $0xFFFFFC00  }
0x78: {  	[spmem:s20], [sflag:s18] =	dma.local [hbm:s15], $0x400  }
0x79: {  	_ =	swait.ge [sflag:s13], $0x400  }
0x7a: {  	s21 =	sld [smem:$0x7F3]  }
0x7b: {  	[sflag:s13] =	ssyncset.done $0x0  }
0x7c: {  	[sflag:s13] =	ssyncadd.s32 $0xFFFFFC00  }
0x7d: {  	[spmem:s21], [sflag:s18] =	dma.local [hbm:s15], $0x400  }
0x7e: {  	_ =	swait.ge [sflag:s13], $0x400  }
0x7f: {  	[sflag:s13] =	ssyncset.done $0x0  }
0x80: {  	[sflag:s13] =	ssyncadd.s32 $0xFFFFFC00  }
0x81: {  	[bflag:$0x0] =	sbarrier.arrive $0xFFFF  }
0x82: {  	s21 =	sld [smem:$0x7E8];
	_ =	sdelay $0x2  }
0x83: {  	[tilespmem:s3], [sflag:$0x5] =	stream.linear.gather [hbm4b:s21+s3], $0x500, $0x38;
	[tilespmem:$0x1CA00] =	vst v63  }
0x84: {  	_ =	swait.ge [sflag:s13], $0x500  }
0x85: {  	s16 =	sld [smem:$0x7E9]  }
0x86: {  	[sflag:s13] =	ssyncset.done $0x0  }
0x87: {  	[sflag:s13] =	ssyncadd.s32 $0xFFFFFB00  }
0x88: {  	[tilespmem:s19], [sflag:$0x5] =	stream.linear.gather [hbm4b:s16+s3], $0x500, $0x38;
	[tilespmem:$0x1CA00] =	vst v63  }
0x89: {  	_ =	swait.ge [sflag:s13], $0x500  }
0x8a: {  	[sflag:s13] =	ssyncset.done $0x0  }
0x8b: {  	[sflag:s13] =	ssyncadd.s32 $0xFFFFFB00  }
0x8c: {  	[tilespmem:s23], [sflag:$0x1] =	stream.indirect.gather [hbm4b:s14+s22], $0x80, s3, s22, $0xb8;
	[tilespmem:$0x1CA00] =	vst v63  }
0x8d: {  	_ = 	snop  }
0x8e: {  	[tilespmem:s24], [sflag:$0x2] =	stream.indirect.gather [hbm4b:s14+s22], $0x80, s22, s22, $0xb8;
	[tilespmem:$0x1CA00] =	vst v63  }
0x8f: {  	s15 =	rddreg [dreg:$0x3]  }
0x90: {  	[tilespmem:s25], [sflag:$0x3] =	stream.indirect.gather [hbm4b:s14+s22], $0x80, s15, s22, $0xb8;
	[tilespmem:$0x1CA00] =	vst v63  }
0x91: {  	s20 =	rddreg [dreg:$0x4]  }
0x92: {  	[tilespmem:s26], [sflag:$0x4] =	stream.indirect.gather [hbm4b:s14+s22], $0x80, s20, s22, $0xb8;
	[tilespmem:$0x1CA00] =	vst v63  }
0x93: {  	_ =	swait.ge [sflag:s28], $0x2000  }
0x94: {  	[sflag:s28] =	ssyncset.done $0x0  }
0x95: {  	[sflag:s28] =	ssyncadd.s32 $0xFFFFE000  }
0x96: {  	[spmem:s2] =	stream.indirect.scatter.add.f32 [tilespmem:s23], [sflag:$0x5], $0x80, s19, s22, $0xb8;
	[tilespmem:$0x1CA00] =	vst v63  }
0x97: {  	_ =	swait.ge [sflag:s13], $0x2000  }
0x98: {  	[sflag:s13] =	ssyncset.done $0x0  }
0x99: {  	s20 =	rddreg [dreg:$0x5];
	[sflag:s13] =	ssyncadd.s32 $0xFFFFE000  }
0x9a: {  	[tilespmem:s23], [sflag:$0x1] =	stream.indirect.gather [hbm4b:s14+s22], $0x80, s20, s22, $0xb8;
	[tilespmem:$0x1CA00] =	vst v63  }
0x9b: {  	_ =	swait.ge [sflag:s29], $0x2000  }
0x9c: {  	[sflag:s29] =	ssyncset.done $0x0  }
0x9d: {  	s15 =	rddreg [dreg:$0x6];
	[sflag:s29] =	ssyncadd.s32 $0xFFFFE000  }
0x9e: {  	[spmem:s2] =	stream.indirect.scatter.add.f32 [tilespmem:s24], [sflag:$0x5], $0x80, s15, s22, $0xb8;
	[tilespmem:$0x1CA00] =	vst v63  }
0x9f: {  	_ =	swait.ge [sflag:s13], $0x2000  }
0xa0: {  	[sflag:s13] =	ssyncset.done $0x0  }
0xa1: {  	s20 =	rddreg [dreg:$0x7];
	[sflag:s13] =	ssyncadd.s32 $0xFFFFE000  }
0xa2: {  	[tilespmem:s24], [sflag:$0x2] =	stream.indirect.gather [hbm4b:s14+s22], $0x80, s20, s22, $0xb8;
	[tilespmem:$0x1CA00] =	vst v63  }
0xa3: {  	_ =	swait.ge [sflag:s12], $0x2000  }
0xa4: {  	[sflag:s12] =	ssyncset.done $0x0  }
0xa5: {  	s15 =	rddreg [dreg:$0x8];
	[sflag:s12] =	ssyncadd.s32 $0xFFFFE000  }
0xa6: {  	[spmem:s2] =	stream.indirect.scatter.add.f32 [tilespmem:s25], [sflag:$0x5], $0x80, s15, s22, $0xb8;
	[tilespmem:$0x1CA00] =	vst v63  }
0xa7: {  	_ =	swait.ge [sflag:s13], $0x2000  }
0xa8: {  	[sflag:s13] =	ssyncset.done $0x0  }
0xa9: {  	s20 =	rddreg [dreg:$0x9];
	[sflag:s13] =	ssyncadd.s32 $0xFFFFE000  }
0xaa: {  	[tilespmem:s25], [sflag:$0x3] =	stream.indirect.gather [hbm4b:s14+s22], $0x80, s20, s22, $0xb8;
	[tilespmem:$0x1CA00] =	vst v63  }
0xab: {  	_ =	swait.ge [sflag:s30], $0x2000  }
0xac: {  	[sflag:s30] =	ssyncset.done $0x0  }
0xad: {  	s15 =	rddreg [dreg:$0xa];
	[sflag:s30] =	ssyncadd.s32 $0xFFFFE000  }
0xae: {  	[spmem:s2] =	stream.indirect.scatter.add.f32 [tilespmem:s26], [sflag:$0x5], $0x80, s15, s22, $0xb8;
	[tilespmem:$0x1CA00] =	vst v63  }
0xaf: {  	_ =	swait.ge [sflag:s13], $0x2000  }
0xb0: {  	[sflag:s13] =	ssyncset.done $0x0  }
0xb1: {  	s20 =	rddreg [dreg:$0xb];
	[sflag:s13] =	ssyncadd.s32 $0xFFFFE000  }
0xb2: {  	[tilespmem:s26], [sflag:$0x4] =	stream.indirect.gather [hbm4b:s14+s22], $0x80, s20, s22, $0xb8;
	[tilespmem:$0x1CA00] =	vst v63  }
0xb3: {  	_ =	swait.ge [sflag:s28], $0x2000  }
0xb4: {  	[sflag:s28] =	ssyncset.done $0x0  }
0xb5: {  	s15 =	rddreg [dreg:$0xc];
	[sflag:s28] =	ssyncadd.s32 $0xFFFFE000  }
0xb6: {  	[spmem:s2] =	stream.indirect.scatter.add.f32 [tilespmem:s23], [sflag:$0x5], $0x80, s15, s22, $0xb8;
	[tilespmem:$0x1CA00] =	vst v63  }
0xb7: {  	_ =	swait.ge [sflag:s13], $0x2000  }
0xb8: {  	[sflag:s13] =	ssyncset.done $0x0  }
0xb9: {  	s20 =	rddreg [dreg:$0xd];
	[sflag:s13] =	ssyncadd.s32 $0xFFFFE000  }
0xba: {  	[tilespmem:s23], [sflag:$0x1] =	stream.indirect.gather [hbm4b:s14+s22], $0x80, s20, s22, $0xb8;
	[tilespmem:$0x1CA00] =	vst v63  }
0xbb: {  	_ =	swait.ge [sflag:s29], $0x2000  }
0xbc: {  	[sflag:s29] =	ssyncset.done $0x0  }
0xbd: {  	s15 =	rddreg [dreg:$0xe];
	[sflag:s29] =	ssyncadd.s32 $0xFFFFE000  }
0xbe: {  	[spmem:s2] =	stream.indirect.scatter.add.f32 [tilespmem:s24], [sflag:$0x5], $0x80, s15, s22, $0xb8;
	[tilespmem:$0x1CA00] =	vst v63  }
0xbf: {  	_ =	swait.ge [sflag:s13], $0x2000  }
0xc0: {  	[sflag:s13] =	ssyncset.done $0x0  }
0xc1: {  	s20 =	rddreg [dreg:$0xf];
	[sflag:s13] =	ssyncadd.s32 $0xFFFFE000  }
0xc2: {  	[tilespmem:s24], [sflag:$0x2] =	stream.indirect.gather [hbm4b:s14+s22], $0x80, s20, s22, $0xb8;
	[tilespmem:$0x1CA00] =	vst v63  }
0xc3: {  	_ =	swait.ge [sflag:s12], $0x2000  }
0xc4: {  	[sflag:s12] =	ssyncset.done $0x0  }
0xc5: {  	s15 =	rddreg [dreg:$0x10];
	[sflag:s12] =	ssyncadd.s32 $0xFFFFE000  }
0xc6: {  	[spmem:s2] =	stream.indirect.scatter.add.f32 [tilespmem:s25], [sflag:$0x5], $0x80, s15, s22, $0xb8;
	[tilespmem:$0x1CA00] =	vst v63  }
0xc7: {  	_ =	swait.ge [sflag:s13], $0x2000  }
0xc8: {  	[sflag:s13] =	ssyncset.done $0x0  }
0xc9: {  	s20 =	rddreg [dreg:$0x11];
	[sflag:s13] =	ssyncadd.s32 $0xFFFFE000  }
0xca: {  	[tilespmem:s25], [sflag:$0x3] =	stream.indirect.gather [hbm4b:s14+s22], $0x80, s20, s22, $0xb8;
	[tilespmem:$0x1CA00] =	vst v63  }
0xcb: {  	_ =	swait.ge [sflag:s30], $0x2000  }
0xcc: {  	[sflag:s30] =	ssyncset.done $0x0  }
0xcd: {  	s15 =	rddreg [dreg:$0x12];
	[sflag:s30] =	ssyncadd.s32 $0xFFFFE000  }
0xce: {  	[spmem:s2] =	stream.indirect.scatter.add.f32 [tilespmem:s26], [sflag:$0x5], $0x80, s15, s22, $0xb8;
	[tilespmem:$0x1CA00] =	vst v63  }
0xcf: {  	_ =	swait.ge [sflag:s13], $0x2000  }
0xd0: {  	[sflag:s13] =	ssyncset.done $0x0  }
0xd1: {  	s20 =	rddreg [dreg:$0x13];
	[sflag:s13] =	ssyncadd.s32 $0xFFFFE000  }
0xd2: {  	[tilespmem:s26], [sflag:$0x4] =	stream.indirect.gather [hbm4b:s14+s22], $0x80, s20, s22, $0xb8;
	[tilespmem:$0x1CA00] =	vst v63  }
0xd3: {  	_ =	swait.ge [sflag:s28], $0x2000  }
0xd4: {  	[sflag:s28] =	ssyncset.done $0x0  }
0xd5: {  	s15 =	rddreg [dreg:$0x14];
	[sflag:s28] =	ssyncadd.s32 $0xFFFFE000  }
0xd6: {  	[spmem:s2] =	stream.indirect.scatter.add.f32 [tilespmem:s23], [sflag:$0x5], $0x80, s15, s22, $0xb8;
	[tilespmem:$0x1CA00] =	vst v63  }
0xd7: {  	_ =	swait.ge [sflag:s13], $0x2000  }
0xd8: {  	[sflag:s13] =	ssyncset.done $0x0  }
0xd9: {  	s20 =	rddreg [dreg:$0x15];
	[sflag:s13] =	ssyncadd.s32 $0xFFFFE000  }
0xda: {  	[tilespmem:s23], [sflag:$0x1] =	stream.indirect.gather [hbm4b:s14+s22], $0x80, s20, s22, $0xb8;
	[tilespmem:$0x1CA00] =	vst v63  }
0xdb: {  	_ =	swait.ge [sflag:s29], $0x2000  }
0xdc: {  	[sflag:s29] =	ssyncset.done $0x0  }
0xdd: {  	s15 =	rddreg [dreg:$0x16];
	[sflag:s29] =	ssyncadd.s32 $0xFFFFE000  }
0xde: {  	[spmem:s2] =	stream.indirect.scatter.add.f32 [tilespmem:s24], [sflag:$0x5], $0x80, s15, s22, $0xb8;
	[tilespmem:$0x1CA00] =	vst v63  }
0xdf: {  	_ =	swait.ge [sflag:s13], $0x2000  }
0xe0: {  	[sflag:s13] =	ssyncset.done $0x0  }
0xe1: {  	s20 =	rddreg [dreg:$0x17];
	[sflag:s13] =	ssyncadd.s32 $0xFFFFE000  }
0xe2: {  	[tilespmem:s24], [sflag:$0x2] =	stream.indirect.gather [hbm4b:s14+s22], $0x80, s20, s22, $0xb8;
	[tilespmem:$0x1CA00] =	vst v63  }
0xe3: {  	_ =	swait.ge [sflag:s12], $0x2000  }
0xe4: {  	[sflag:s12] =	ssyncset.done $0x0  }
0xe5: {  	s15 =	rddreg [dreg:$0x18];
	[sflag:s12] =	ssyncadd.s32 $0xFFFFE000  }
0xe6: {  	[spmem:s2] =	stream.indirect.scatter.add.f32 [tilespmem:s25], [sflag:$0x5], $0x80, s15, s22, $0xb8;
	[tilespmem:$0x1CA00] =	vst v63  }
0xe7: {  	_ =	swait.ge [sflag:s13], $0x2000  }
0xe8: {  	[sflag:s13] =	ssyncset.done $0x0  }
0xe9: {  	s20 =	rddreg [dreg:$0x19];
	[sflag:s13] =	ssyncadd.s32 $0xFFFFE000  }
0xea: {  	[tilespmem:s25], [sflag:$0x3] =	stream.indirect.gather [hbm4b:s14+s22], $0x80, s20, s22, $0xb8;
	[tilespmem:$0x1CA00] =	vst v63  }
0xeb: {  	_ =	swait.ge [sflag:s30], $0x2000  }
0xec: {  	[sflag:s30] =	ssyncset.done $0x0  }
0xed: {  	s15 =	rddreg [dreg:$0x1a];
	[sflag:s30] =	ssyncadd.s32 $0xFFFFE000  }
0xee: {  	[spmem:s2] =	stream.indirect.scatter.add.f32 [tilespmem:s26], [sflag:$0x5], $0x80, s15, s22, $0xb8;
	[tilespmem:$0x1CA00] =	vst v63  }
0xef: {  	_ =	swait.ge [sflag:s13], $0x2000  }
0xf0: {  	[sflag:s13] =	ssyncset.done $0x0  }
0xf1: {  	s20 =	rddreg [dreg:$0x1b];
	[sflag:s13] =	ssyncadd.s32 $0xFFFFE000  }
0xf2: {  	[tilespmem:s26], [sflag:$0x4] =	stream.indirect.gather [hbm4b:s14+s22], $0x80, s20, s22, $0xb8;
	[tilespmem:$0x1CA00] =	vst v63  }
0xf3: {  	_ =	swait.ge [sflag:s28], $0x2000  }
0xf4: {  	[sflag:s28] =	ssyncset.done $0x0  }
0xf5: {  	s15 =	rddreg [dreg:$0x1c];
	[sflag:s28] =	ssyncadd.s32 $0xFFFFE000  }
0xf6: {  	[spmem:s2] =	stream.indirect.scatter.add.f32 [tilespmem:s23], [sflag:$0x5], $0x80, s15, s22, $0xb8;
	[tilespmem:$0x1CA00] =	vst v63  }
0xf7: {  	_ =	swait.ge [sflag:s13], $0x2000  }
0xf8: {  	[sflag:s13] =	ssyncset.done $0x0  }
0xf9: {  	[sflag:s13] =	ssyncadd.s32 $0xFFFFE000  }
0xfa: {  	[tilespmem:s23], [sflag:$0x1] =	stream.indirect.gather [hbm4b:s14+s22], $0x80, s31, s22, $0xb8;
	[tilespmem:$0x1CA00] =	vst v63  }
0xfb: {  	_ =	swait.ge [sflag:s29], $0x2000  }
0xfc: {  	[sflag:s29] =	ssyncset.done $0x0  }
0xfd: {  	[sflag:s29] =	ssyncadd.s32 $0xFFFFE000  }
0xfe: {  	[spmem:s2] =	stream.indirect.scatter.add.f32 [tilespmem:s24], [sflag:$0x5], $0x80, s0, s22, $0xb8;
	[tilespmem:$0x1CA00] =	vst v63  }
0xff: {  	_ =	swait.ge [sflag:s13], $0x2000  }
0x100: {  	[sflag:s13] =	ssyncset.done $0x0  }
0x101: {  	[sflag:s13] =	ssyncadd.s32 $0xFFFFE000  }
0x102: {  	[tilespmem:s24], [sflag:$0x2] =	stream.indirect.gather [hbm4b:s14+s22], $0x80, s1, s22, $0xb8;
	[tilespmem:$0x1CA00] =	vst v63  }
0x103: {  	_ =	swait.ge [sflag:s12], $0x2000  }
0x104: {  	[sflag:s12] =	ssyncset.done $0x0  }
0x105: {  	[sflag:s12] =	ssyncadd.s32 $0xFFFFE000  }
0x106: {  	[spmem:s2] =	stream.indirect.scatter.add.f32 [tilespmem:s25], [sflag:$0x5], $0x80, s4, s22, $0xb8;
	[tilespmem:$0x1CA00] =	vst v63  }
0x107: {  	_ =	swait.ge [sflag:s13], $0x2000  }
0x108: {  	[sflag:s13] =	ssyncset.done $0x0  }
0x109: {  	[sflag:s13] =	ssyncadd.s32 $0xFFFFE000  }
0x10a: {  	[tilespmem:s25], [sflag:$0x3] =	stream.indirect.gather [hbm4b:s14+s22], $0x80, s5, s22, $0xb8;
	[tilespmem:$0x1CA00] =	vst v63  }
0x10b: {  	_ =	swait.ge [sflag:s30], $0x2000  }
0x10c: {  	[sflag:s30] =	ssyncset.done $0x0  }
0x10d: {  	[sflag:s30] =	ssyncadd.s32 $0xFFFFE000  }
0x10e: {  	[spmem:s2] =	stream.indirect.scatter.add.f32 [tilespmem:s26], [sflag:$0x5], $0x80, s6, s22, $0xb8;
	[tilespmem:$0x1CA00] =	vst v63  }
0x10f: {  	_ =	swait.ge [sflag:s13], $0x2000  }
0x110: {  	[sflag:s13] =	ssyncset.done $0x0  }
0x111: {  	[sflag:s13] =	ssyncadd.s32 $0xFFFFE000  }
0x112: {  	[tilespmem:s26], [sflag:$0x4] =	stream.indirect.gather [hbm4b:s14+s22], $0x80, s7, s22, $0xb8;
	[tilespmem:$0x1CA00] =	vst v63  }
0x113: {  	_ =	swait.ge [sflag:s28], $0x2000  }
0x114: {  	[sflag:s28] =	ssyncset.done $0x0  }
0x115: {  	[sflag:s28] =	ssyncadd.s32 $0xFFFFE000  }
0x116: {  	[spmem:s2] =	stream.indirect.scatter.add.f32 [tilespmem:s23], [sflag:$0x5], $0x80, s8, s22, $0xb8;
	[tilespmem:$0x1CA00] =	vst v63  }
0x117: {  	_ =	swait.ge [sflag:s13], $0x2000  }
0x118: {  	[sflag:s13] =	ssyncset.done $0x0  }
0x119: {  	[sflag:s13] =	ssyncadd.s32 $0xFFFFE000  }
0x11a: {  	_ =	swait.ge [sflag:s29], $0x2000  }
0x11b: {  	[sflag:s29] =	ssyncset.done $0x0  }
0x11c: {  	[sflag:s29] =	ssyncadd.s32 $0xFFFFE000  }
0x11d: {  	[spmem:s2] =	stream.indirect.scatter.add.f32 [tilespmem:s24], [sflag:$0x5], $0x80, s9, s22, $0xb8;
	[tilespmem:$0x1CA00] =	vst v63  }
0x11e: {  	_ =	swait.ge [sflag:s13], $0x2000  }
0x11f: {  	[sflag:s13] =	ssyncset.done $0x0  }
0x120: {  	[sflag:s13] =	ssyncadd.s32 $0xFFFFE000  }
0x121: {  	_ =	swait.ge [sflag:s12], $0x2000  }
0x122: {  	[sflag:s12] =	ssyncset.done $0x0  }
0x123: {  	[sflag:s12] =	ssyncadd.s32 $0xFFFFE000  }
0x124: {  	[spmem:s2] =	stream.indirect.scatter.add.f32 [tilespmem:s25], [sflag:$0x5], $0x80, s10, s22, $0xb8;
	[tilespmem:$0x1CA00] =	vst v63  }
0x125: {  	_ =	swait.ge [sflag:s13], $0x2000  }
0x126: {  	[sflag:s13] =	ssyncset.done $0x0  }
0x127: {  	[sflag:s13] =	ssyncadd.s32 $0xFFFFE000  }
0x128: {  	_ =	swait.ge [sflag:s30], $0x2000  }
0x129: {  	s20 =	sld [smem:$0x7E6];
	_ =	sdelay $0x2  }
0x12a: {  	p0 =	sne.s32 s20, $0x1  }
.Ltmp0:
0x12b: {  	[sflag:s30] =	ssyncset.done $0x0;
	(pc) =	sbr.rel @!p0 .LBB2_3-.Ltmp0, $4  }
0x12c: {  	[sflag:s30] =	ssyncadd.s32 $0xFFFFE000  }
0x12d: {  	[spmem:s2] =	stream.indirect.scatter.add.f32 [tilespmem:s26], [sflag:$0x5], $0x80, s11, s22, $0xb8;
	[tilespmem:$0x1CA00] =	vst v63  }
0x12e: {  	_ =	swait.ge [sflag:s13], $0x2000  }
0x12f: {  	s17 =	smov.u32 s16;
	s20 =	sadd.s32 $0xFFFFFFFF, s20;
	[sflag:s13] =	ssyncset.done $0x0  }
.LBB2_2:
0x130: {  	[sflag:s13] =	ssyncadd.s32 $0xFFFFE000;
	s21 =	sadd.s32 $0xA0, s21  }
0x131: {  	[tilespmem:s3], [sflag:$0x5] =	stream.linear.gather [hbm4b:s21+s3], $0x500, $0x38;
	[tilespmem:$0x1CA00] =	vst v63  }
0x132: {  	_ =	swait.ge [sflag:s13], $0x500  }
0x133: {  	[sflag:s13] =	ssyncset.done $0x0  }
0x134: {  	s17 =	sadd.s32 $0xA0, s17;
	[sflag:s13] =	ssyncadd.s32 $0xFFFFFB00  }
0x135: {  	[tilespmem:s19], [sflag:$0x5] =	stream.linear.gather [hbm4b:s17+s3], $0x500, $0x38;
	[tilespmem:$0x1CA00] =	vst v63  }
0x136: {  	_ =	swait.ge [sflag:s13], $0x500  }
0x137: {  	[sflag:s13] =	ssyncset.done $0x0  }
0x138: {  	[sflag:s13] =	ssyncadd.s32 $0xFFFFFB00  }
0x139: {  	[tilespmem:s23], [sflag:$0x1] =	stream.indirect.gather [hbm4b:s14+s22], $0x80, s3, s22, $0xb8;
	[tilespmem:$0x1CA00] =	vst v63  }
0x13a: {  	_ = 	snop  }
0x13b: {  	[tilespmem:s24], [sflag:$0x2] =	stream.indirect.gather [hbm4b:s14+s22], $0x80, s22, s22, $0xb8;
	[tilespmem:$0x1CA00] =	vst v63  }
0x13c: {  	s16 =	rddreg [dreg:$0x3]  }
0x13d: {  	[tilespmem:s25], [sflag:$0x3] =	stream.indirect.gather [hbm4b:s14+s22], $0x80, s16, s22, $0xb8;
	[tilespmem:$0x1CA00] =	vst v63  }
0x13e: {  	s15 =	rddreg [dreg:$0x4]  }
0x13f: {  	[tilespmem:s26], [sflag:$0x4] =	stream.indirect.gather [hbm4b:s14+s22], $0x80, s15, s22, $0xb8;
	[tilespmem:$0x1CA00] =	vst v63  }
0x140: {  	_ =	swait.ge [sflag:s28], $0x2000  }
0x141: {  	[sflag:s28] =	ssyncset.done $0x0  }
0x142: {  	[sflag:s28] =	ssyncadd.s32 $0xFFFFE000  }
0x143: {  	[spmem:s2] =	stream.indirect.scatter.add.f32 [tilespmem:s23], [sflag:$0x5], $0x80, s19, s22, $0xb8;
	[tilespmem:$0x1CA00] =	vst v63  }
0x144: {  	_ =	swait.ge [sflag:s13], $0x2000  }
0x145: {  	[sflag:s13] =	ssyncset.done $0x0  }
0x146: {  	s16 =	rddreg [dreg:$0x5];
	[sflag:s13] =	ssyncadd.s32 $0xFFFFE000  }
0x147: {  	[tilespmem:s23], [sflag:$0x1] =	stream.indirect.gather [hbm4b:s14+s22], $0x80, s16, s22, $0xb8;
	[tilespmem:$0x1CA00] =	vst v63  }
0x148: {  	_ =	swait.ge [sflag:s29], $0x2000  }
0x149: {  	[sflag:s29] =	ssyncset.done $0x0  }
0x14a: {  	s16 =	rddreg [dreg:$0x6];
	[sflag:s29] =	ssyncadd.s32 $0xFFFFE000  }
0x14b: {  	[spmem:s2] =	stream.indirect.scatter.add.f32 [tilespmem:s24], [sflag:$0x5], $0x80, s16, s22, $0xb8;
	[tilespmem:$0x1CA00] =	vst v63  }
0x14c: {  	_ =	swait.ge [sflag:s13], $0x2000  }
0x14d: {  	[sflag:s13] =	ssyncset.done $0x0  }
0x14e: {  	s16 =	rddreg [dreg:$0x7];
	[sflag:s13] =	ssyncadd.s32 $0xFFFFE000  }
0x14f: {  	[tilespmem:s24], [sflag:$0x2] =	stream.indirect.gather [hbm4b:s14+s22], $0x80, s16, s22, $0xb8;
	[tilespmem:$0x1CA00] =	vst v63  }
0x150: {  	_ =	swait.ge [sflag:s12], $0x2000  }
0x151: {  	[sflag:s12] =	ssyncset.done $0x0  }
0x152: {  	s16 =	rddreg [dreg:$0x8];
	[sflag:s12] =	ssyncadd.s32 $0xFFFFE000  }
0x153: {  	[spmem:s2] =	stream.indirect.scatter.add.f32 [tilespmem:s25], [sflag:$0x5], $0x80, s16, s22, $0xb8;
	[tilespmem:$0x1CA00] =	vst v63  }
0x154: {  	_ =	swait.ge [sflag:s13], $0x2000  }
0x155: {  	[sflag:s13] =	ssyncset.done $0x0  }
0x156: {  	s16 =	rddreg [dreg:$0x9];
	[sflag:s13] =	ssyncadd.s32 $0xFFFFE000  }
0x157: {  	[tilespmem:s25], [sflag:$0x3] =	stream.indirect.gather [hbm4b:s14+s22], $0x80, s16, s22, $0xb8;
	[tilespmem:$0x1CA00] =	vst v63  }
0x158: {  	_ =	swait.ge [sflag:s30], $0x2000  }
0x159: {  	[sflag:s30] =	ssyncset.done $0x0  }
0x15a: {  	s16 =	rddreg [dreg:$0xa];
	[sflag:s30] =	ssyncadd.s32 $0xFFFFE000  }
0x15b: {  	[spmem:s2] =	stream.indirect.scatter.add.f32 [tilespmem:s26], [sflag:$0x5], $0x80, s16, s22, $0xb8;
	[tilespmem:$0x1CA00] =	vst v63  }
0x15c: {  	_ =	swait.ge [sflag:s13], $0x2000  }
0x15d: {  	[sflag:s13] =	ssyncset.done $0x0  }
0x15e: {  	s16 =	rddreg [dreg:$0xb];
	[sflag:s13] =	ssyncadd.s32 $0xFFFFE000  }
0x15f: {  	[tilespmem:s26], [sflag:$0x4] =	stream.indirect.gather [hbm4b:s14+s22], $0x80, s16, s22, $0xb8;
	[tilespmem:$0x1CA00] =	vst v63  }
0x160: {  	_ =	swait.ge [sflag:s28], $0x2000  }
0x161: {  	[sflag:s28] =	ssyncset.done $0x0  }
0x162: {  	s16 =	rddreg [dreg:$0xc];
	[sflag:s28] =	ssyncadd.s32 $0xFFFFE000  }
0x163: {  	[spmem:s2] =	stream.indirect.scatter.add.f32 [tilespmem:s23], [sflag:$0x5], $0x80, s16, s22, $0xb8;
	[tilespmem:$0x1CA00] =	vst v63  }
0x164: {  	_ =	swait.ge [sflag:s13], $0x2000  }
0x165: {  	[sflag:s13] =	ssyncset.done $0x0  }
0x166: {  	s16 =	rddreg [dreg:$0xd];
	[sflag:s13] =	ssyncadd.s32 $0xFFFFE000  }
0x167: {  	[tilespmem:s23], [sflag:$0x1] =	stream.indirect.gather [hbm4b:s14+s22], $0x80, s16, s22, $0xb8;
	[tilespmem:$0x1CA00] =	vst v63  }
0x168: {  	_ =	swait.ge [sflag:s29], $0x2000  }
0x169: {  	[sflag:s29] =	ssyncset.done $0x0  }
0x16a: {  	s16 =	rddreg [dreg:$0xe];
	[sflag:s29] =	ssyncadd.s32 $0xFFFFE000  }
0x16b: {  	[spmem:s2] =	stream.indirect.scatter.add.f32 [tilespmem:s24], [sflag:$0x5], $0x80, s16, s22, $0xb8;
	[tilespmem:$0x1CA00] =	vst v63  }
0x16c: {  	_ =	swait.ge [sflag:s13], $0x2000  }
0x16d: {  	[sflag:s13] =	ssyncset.done $0x0  }
0x16e: {  	s16 =	rddreg [dreg:$0xf];
	[sflag:s13] =	ssyncadd.s32 $0xFFFFE000  }
0x16f: {  	[tilespmem:s24], [sflag:$0x2] =	stream.indirect.gather [hbm4b:s14+s22], $0x80, s16, s22, $0xb8;
	[tilespmem:$0x1CA00] =	vst v63  }
0x170: {  	_ =	swait.ge [sflag:s12], $0x2000  }
0x171: {  	[sflag:s12] =	ssyncset.done $0x0  }
0x172: {  	s16 =	rddreg [dreg:$0x10];
	[sflag:s12] =	ssyncadd.s32 $0xFFFFE000  }
0x173: {  	[spmem:s2] =	stream.indirect.scatter.add.f32 [tilespmem:s25], [sflag:$0x5], $0x80, s16, s22, $0xb8;
	[tilespmem:$0x1CA00] =	vst v63  }
0x174: {  	_ =	swait.ge [sflag:s13], $0x2000  }
0x175: {  	[sflag:s13] =	ssyncset.done $0x0  }
0x176: {  	s16 =	rddreg [dreg:$0x11];
	[sflag:s13] =	ssyncadd.s32 $0xFFFFE000  }
0x177: {  	[tilespmem:s25], [sflag:$0x3] =	stream.indirect.gather [hbm4b:s14+s22], $0x80, s16, s22, $0xb8;
	[tilespmem:$0x1CA00] =	vst v63  }
0x178: {  	_ =	swait.ge [sflag:s30], $0x2000  }
0x179: {  	[sflag:s30] =	ssyncset.done $0x0  }
0x17a: {  	s16 =	rddreg [dreg:$0x12];
	[sflag:s30] =	ssyncadd.s32 $0xFFFFE000  }
0x17b: {  	[spmem:s2] =	stream.indirect.scatter.add.f32 [tilespmem:s26], [sflag:$0x5], $0x80, s16, s22, $0xb8;
	[tilespmem:$0x1CA00] =	vst v63  }
0x17c: {  	_ =	swait.ge [sflag:s13], $0x2000  }
0x17d: {  	[sflag:s13] =	ssyncset.done $0x0  }
0x17e: {  	s16 =	rddreg [dreg:$0x13];
	[sflag:s13] =	ssyncadd.s32 $0xFFFFE000  }
0x17f: {  	[tilespmem:s26], [sflag:$0x4] =	stream.indirect.gather [hbm4b:s14+s22], $0x80, s16, s22, $0xb8;
	[tilespmem:$0x1CA00] =	vst v63  }
0x180: {  	_ =	swait.ge [sflag:s28], $0x2000  }
0x181: {  	[sflag:s28] =	ssyncset.done $0x0  }
0x182: {  	s16 =	rddreg [dreg:$0x14];
	[sflag:s28] =	ssyncadd.s32 $0xFFFFE000  }
0x183: {  	[spmem:s2] =	stream.indirect.scatter.add.f32 [tilespmem:s23], [sflag:$0x5], $0x80, s16, s22, $0xb8;
	[tilespmem:$0x1CA00] =	vst v63  }
0x184: {  	_ =	swait.ge [sflag:s13], $0x2000  }
0x185: {  	[sflag:s13] =	ssyncset.done $0x0  }
0x186: {  	s16 =	rddreg [dreg:$0x15];
	[sflag:s13] =	ssyncadd.s32 $0xFFFFE000  }
0x187: {  	[tilespmem:s23], [sflag:$0x1] =	stream.indirect.gather [hbm4b:s14+s22], $0x80, s16, s22, $0xb8;
	[tilespmem:$0x1CA00] =	vst v63  }
0x188: {  	_ =	swait.ge [sflag:s29], $0x2000  }
0x189: {  	[sflag:s29] =	ssyncset.done $0x0  }
0x18a: {  	s16 =	rddreg [dreg:$0x16];
	[sflag:s29] =	ssyncadd.s32 $0xFFFFE000  }
0x18b: {  	[spmem:s2] =	stream.indirect.scatter.add.f32 [tilespmem:s24], [sflag:$0x5], $0x80, s16, s22, $0xb8;
	[tilespmem:$0x1CA00] =	vst v63  }
0x18c: {  	_ =	swait.ge [sflag:s13], $0x2000  }
0x18d: {  	[sflag:s13] =	ssyncset.done $0x0  }
0x18e: {  	s16 =	rddreg [dreg:$0x17];
	[sflag:s13] =	ssyncadd.s32 $0xFFFFE000  }
0x18f: {  	[tilespmem:s24], [sflag:$0x2] =	stream.indirect.gather [hbm4b:s14+s22], $0x80, s16, s22, $0xb8;
	[tilespmem:$0x1CA00] =	vst v63  }
0x190: {  	_ =	swait.ge [sflag:s12], $0x2000  }
0x191: {  	[sflag:s12] =	ssyncset.done $0x0  }
0x192: {  	s16 =	rddreg [dreg:$0x18];
	[sflag:s12] =	ssyncadd.s32 $0xFFFFE000  }
0x193: {  	[spmem:s2] =	stream.indirect.scatter.add.f32 [tilespmem:s25], [sflag:$0x5], $0x80, s16, s22, $0xb8;
	[tilespmem:$0x1CA00] =	vst v63  }
0x194: {  	_ =	swait.ge [sflag:s13], $0x2000  }
0x195: {  	[sflag:s13] =	ssyncset.done $0x0  }
0x196: {  	s16 =	rddreg [dreg:$0x19];
	[sflag:s13] =	ssyncadd.s32 $0xFFFFE000  }
0x197: {  	[tilespmem:s25], [sflag:$0x3] =	stream.indirect.gather [hbm4b:s14+s22], $0x80, s16, s22, $0xb8;
	[tilespmem:$0x1CA00] =	vst v63  }
0x198: {  	_ =	swait.ge [sflag:s30], $0x2000  }
0x199: {  	[sflag:s30] =	ssyncset.done $0x0  }
0x19a: {  	s16 =	rddreg [dreg:$0x1a];
	[sflag:s30] =	ssyncadd.s32 $0xFFFFE000  }
0x19b: {  	[spmem:s2] =	stream.indirect.scatter.add.f32 [tilespmem:s26], [sflag:$0x5], $0x80, s16, s22, $0xb8;
	[tilespmem:$0x1CA00] =	vst v63  }
0x19c: {  	_ =	swait.ge [sflag:s13], $0x2000  }
0x19d: {  	[sflag:s13] =	ssyncset.done $0x0  }
0x19e: {  	s16 =	rddreg [dreg:$0x1b];
	[sflag:s13] =	ssyncadd.s32 $0xFFFFE000  }
0x19f: {  	[tilespmem:s26], [sflag:$0x4] =	stream.indirect.gather [hbm4b:s14+s22], $0x80, s16, s22, $0xb8;
	[tilespmem:$0x1CA00] =	vst v63  }
0x1a0: {  	_ =	swait.ge [sflag:s28], $0x2000  }
0x1a1: {  	[sflag:s28] =	ssyncset.done $0x0  }
0x1a2: {  	s16 =	rddreg [dreg:$0x1c];
	[sflag:s28] =	ssyncadd.s32 $0xFFFFE000  }
0x1a3: {  	[spmem:s2] =	stream.indirect.scatter.add.f32 [tilespmem:s23], [sflag:$0x5], $0x80, s16, s22, $0xb8;
	[tilespmem:$0x1CA00] =	vst v63  }
0x1a4: {  	_ =	swait.ge [sflag:s13], $0x2000  }
0x1a5: {  	[sflag:s13] =	ssyncset.done $0x0  }
0x1a6: {  	[sflag:s13] =	ssyncadd.s32 $0xFFFFE000  }
0x1a7: {  	[tilespmem:s23], [sflag:$0x1] =	stream.indirect.gather [hbm4b:s14+s22], $0x80, s31, s22, $0xb8;
	[tilespmem:$0x1CA00] =	vst v63  }
0x1a8: {  	_ =	swait.ge [sflag:s29], $0x2000  }
0x1a9: {  	[sflag:s29] =	ssyncset.done $0x0  }
0x1aa: {  	[sflag:s29] =	ssyncadd.s32 $0xFFFFE000  }
0x1ab: {  	[spmem:s2] =	stream.indirect.scatter.add.f32 [tilespmem:s24], [sflag:$0x5], $0x80, s0, s22, $0xb8;
	[tilespmem:$0x1CA00] =	vst v63  }
0x1ac: {  	_ =	swait.ge [sflag:s13], $0x2000  }
0x1ad: {  	[sflag:s13] =	ssyncset.done $0x0  }
0x1ae: {  	[sflag:s13] =	ssyncadd.s32 $0xFFFFE000  }
0x1af: {  	[tilespmem:s24], [sflag:$0x2] =	stream.indirect.gather [hbm4b:s14+s22], $0x80, s1, s22, $0xb8;
	[tilespmem:$0x1CA00] =	vst v63  }
0x1b0: {  	_ =	swait.ge [sflag:s12], $0x2000  }
0x1b1: {  	[sflag:s12] =	ssyncset.done $0x0  }
0x1b2: {  	[sflag:s12] =	ssyncadd.s32 $0xFFFFE000  }
0x1b3: {  	[spmem:s2] =	stream.indirect.scatter.add.f32 [tilespmem:s25], [sflag:$0x5], $0x80, s4, s22, $0xb8;
	[tilespmem:$0x1CA00] =	vst v63  }
0x1b4: {  	_ =	swait.ge [sflag:s13], $0x2000  }
0x1b5: {  	[sflag:s13] =	ssyncset.done $0x0  }
0x1b6: {  	[sflag:s13] =	ssyncadd.s32 $0xFFFFE000  }
0x1b7: {  	[tilespmem:s25], [sflag:$0x3] =	stream.indirect.gather [hbm4b:s14+s22], $0x80, s5, s22, $0xb8;
	[tilespmem:$0x1CA00] =	vst v63  }
0x1b8: {  	_ =	swait.ge [sflag:s30], $0x2000  }
0x1b9: {  	[sflag:s30] =	ssyncset.done $0x0  }
0x1ba: {  	[sflag:s30] =	ssyncadd.s32 $0xFFFFE000  }
0x1bb: {  	[spmem:s2] =	stream.indirect.scatter.add.f32 [tilespmem:s26], [sflag:$0x5], $0x80, s6, s22, $0xb8;
	[tilespmem:$0x1CA00] =	vst v63  }
0x1bc: {  	_ =	swait.ge [sflag:s13], $0x2000  }
0x1bd: {  	[sflag:s13] =	ssyncset.done $0x0  }
0x1be: {  	[sflag:s13] =	ssyncadd.s32 $0xFFFFE000  }
0x1bf: {  	[tilespmem:s26], [sflag:$0x4] =	stream.indirect.gather [hbm4b:s14+s22], $0x80, s7, s22, $0xb8;
	[tilespmem:$0x1CA00] =	vst v63  }
0x1c0: {  	_ =	swait.ge [sflag:s28], $0x2000  }
0x1c1: {  	[sflag:s28] =	ssyncset.done $0x0  }
0x1c2: {  	[sflag:s28] =	ssyncadd.s32 $0xFFFFE000  }
0x1c3: {  	[spmem:s2] =	stream.indirect.scatter.add.f32 [tilespmem:s23], [sflag:$0x5], $0x80, s8, s22, $0xb8;
	[tilespmem:$0x1CA00] =	vst v63  }
0x1c4: {  	_ =	swait.ge [sflag:s13], $0x2000  }
0x1c5: {  	[sflag:s13] =	ssyncset.done $0x0  }
0x1c6: {  	[sflag:s13] =	ssyncadd.s32 $0xFFFFE000  }
0x1c7: {  	_ =	swait.ge [sflag:s29], $0x2000  }
0x1c8: {  	[sflag:s29] =	ssyncset.done $0x0  }
0x1c9: {  	[sflag:s29] =	ssyncadd.s32 $0xFFFFE000  }
0x1ca: {  	[spmem:s2] =	stream.indirect.scatter.add.f32 [tilespmem:s24], [sflag:$0x5], $0x80, s9, s22, $0xb8;
	[tilespmem:$0x1CA00] =	vst v63  }
0x1cb: {  	_ =	swait.ge [sflag:s13], $0x2000  }
0x1cc: {  	[sflag:s13] =	ssyncset.done $0x0  }
0x1cd: {  	[sflag:s13] =	ssyncadd.s32 $0xFFFFE000  }
0x1ce: {  	_ =	swait.ge [sflag:s12], $0x2000  }
0x1cf: {  	[sflag:s12] =	ssyncset.done $0x0  }
0x1d0: {  	[sflag:s12] =	ssyncadd.s32 $0xFFFFE000  }
0x1d1: {  	[spmem:s2] =	stream.indirect.scatter.add.f32 [tilespmem:s25], [sflag:$0x5], $0x80, s10, s22, $0xb8;
	[tilespmem:$0x1CA00] =	vst v63  }
0x1d2: {  	_ =	swait.ge [sflag:s13], $0x2000  }
0x1d3: {  	[sflag:s13] =	ssyncset.done $0x0  }
0x1d4: {  	[sflag:s13] =	ssyncadd.s32 $0xFFFFE000  }
0x1d5: {  	p0 =	sne.s32 s20, $0x1;
	_ =	swait.ge [sflag:s30], $0x2000  }
.Ltmp1:
0x1d6: {  	[sflag:s30] =	ssyncset.done $0x0;
	(pc) =	sbr.rel @p0 .LBB2_2-.Ltmp1, $4  }
0x1d7: {  	[sflag:s30] =	ssyncadd.s32 $0xFFFFE000  }
0x1d8: {  	[spmem:s2] =	stream.indirect.scatter.add.f32 [tilespmem:s26], [sflag:$0x5], $0x80, s11, s22, $0xb8;
	[tilespmem:$0x1CA00] =	vst v63  }
0x1d9: {  	_ =	swait.ge [sflag:s13], $0x2000  }
0x1da: {  	s20 =	sadd.s32 $0xFFFFFFFF, s20;
	[sflag:s13] =	ssyncset.done $0x0  }
.LBB2_3:
0x1db: {  	[sflag:s13] =	ssyncadd.s32 $0xFFFFE000  }
0x1dc: {  	[bflag:$0x0] =	sbarrier.arrive $0xFFFF  }
0x1dd: {  	s16 =	sld [smem:$0x7F4];
	_ =	sdelay $0x1  }
0x1de: {  	s15 =	rddreg [dreg:$0x1d]  }
0x1df: {  	[hbm:s15], [sflag:s18] =	dma.local [spmem:s16], $0x400  }
0x1e0: {  	_ =	swait.ge [sflag:s13], $0x400  }
0x1e1: {  	s17 =	sld [smem:$0x7F5]  }
0x1e2: {  	[sflag:s13] =	ssyncset.done $0x0  }
0x1e3: {  	s16 =	rddreg [dreg:$0x1e];
	[sflag:s13] =	ssyncadd.s32 $0xFFFFFC00  }
0x1e4: {  	[hbm:s16], [sflag:s18] =	dma.local [spmem:s17], $0x400  }
0x1e5: {  	_ =	swait.ge [sflag:s13], $0x400  }
0x1e6: {  	s21 =	sld [smem:$0x7F6]  }
0x1e7: {  	[sflag:s13] =	ssyncset.done $0x0  }
0x1e8: {  	s20 =	rddreg [dreg:$0x1f];
	[sflag:s13] =	ssyncadd.s32 $0xFFFFFC00  }
0x1e9: {  	[hbm:s20], [sflag:s18] =	dma.local [spmem:s21], $0x400  }
0x1ea: {  	_ =	swait.ge [sflag:s13], $0x400  }
0x1eb: {  	s16 =	sld [smem:$0x7DE]  }
0x1ec: {  	s17 =	sld [smem:$0x7F7]  }
0x1ed: {  	[sflag:s13] =	ssyncset.done $0x0  }
0x1ee: {  	[sflag:s13] =	ssyncadd.s32 $0xFFFFFC00  }
0x1ef: {  	[hbm:s16], [sflag:s18] =	dma.local [spmem:s17], $0x400  }
0x1f0: {  	_ =	swait.ge [sflag:s13], $0x400  }
0x1f1: {  	s20 =	sld [smem:$0x7DF]  }
0x1f2: {  	s21 =	sld [smem:$0x7F8]  }
0x1f3: {  	[sflag:s13] =	ssyncset.done $0x0  }
0x1f4: {  	[sflag:s13] =	ssyncadd.s32 $0xFFFFFC00  }
0x1f5: {  	[hbm:s20], [sflag:s18] =	dma.local [spmem:s21], $0x400  }
0x1f6: {  	_ =	swait.ge [sflag:s13], $0x400  }
0x1f7: {  	s16 =	sld [smem:$0x7E0]  }
0x1f8: {  	s17 =	sld [smem:$0x7F9]  }
0x1f9: {  	[sflag:s13] =	ssyncset.done $0x0  }
0x1fa: {  	[sflag:s13] =	ssyncadd.s32 $0xFFFFFC00  }
0x1fb: {  	[hbm:s16], [sflag:s18] =	dma.local [spmem:s17], $0x400  }
0x1fc: {  	_ =	swait.ge [sflag:s13], $0x400  }
0x1fd: {  	s20 =	sld [smem:$0x7E1]  }
0x1fe: {  	s21 =	sld [smem:$0x7FA]  }
0x1ff: {  	[sflag:s13] =	ssyncset.done $0x0  }
0x200: {  	[sflag:s13] =	ssyncadd.s32 $0xFFFFFC00  }
0x201: {  	[hbm:s20], [sflag:s18] =	dma.local [spmem:s21], $0x400  }
0x202: {  	_ =	swait.ge [sflag:s13], $0x400  }
0x203: {  	s16 =	sld [smem:$0x7E2]  }
0x204: {  	s17 =	sld [smem:$0x7FB]  }
0x205: {  	[sflag:s13] =	ssyncset.done $0x0  }
0x206: {  	[sflag:s13] =	ssyncadd.s32 $0xFFFFFC00  }
0x207: {  	[hbm:s16], [sflag:s18] =	dma.local [spmem:s17], $0x400  }
0x208: {  	_ =	swait.ge [sflag:s13], $0x400  }
0x209: {  	s20 =	sld [smem:$0x7E3]  }
0x20a: {  	s21 =	sld [smem:$0x7FC]  }
0x20b: {  	[sflag:s13] =	ssyncset.done $0x0  }
0x20c: {  	[sflag:s13] =	ssyncadd.s32 $0xFFFFFC00  }
0x20d: {  	[hbm:s20], [sflag:s18] =	dma.local [spmem:s21], $0x400  }
0x20e: {  	_ =	swait.ge [sflag:s13], $0x400  }
0x20f: {  	s16 =	sld [smem:$0x7E4]  }
0x210: {  	s17 =	sld [smem:$0x7FD]  }
0x211: {  	[sflag:s13] =	ssyncset.done $0x0  }
0x212: {  	[sflag:s13] =	ssyncadd.s32 $0xFFFFFC00  }
0x213: {  	[hbm:s16], [sflag:s18] =	dma.local [spmem:s17], $0x400  }
0x214: {  	_ =	swait.ge [sflag:s13], $0x400  }
0x215: {  	s20 =	sld [smem:$0x7DD]  }
0x216: {  	s21 =	sld [smem:$0x7E7];
	_ =	sdelay $0x1  }
0x217: {  	s16 =	sadd.s32 $0x1, s20  }
0x218: {  	p0 =	sne.s32 s16, s21  }
.Ltmp2:
0x219: {  	_ = 	snop;
	(pc) =	sbr.rel @p0 .LBB2_1-.Ltmp2, $3  }
0x21a: {  	_ =	sdelay $0x1  }
0x21b: {  	[sflag:s13] =	ssyncset.done $0x0  }
0x21c: {  	[sflag:s13] =	ssyncadd.s32 $0xFFFFFC00  }
0x21d: {  	_ =	sfence.sel $0x180000  }
0x21e: {  	[bflag:$0x0] =	sbarrier.arrive $0xFFFF  }
0x21f: {  	_ =	strace $0x9000004A  }
0x220: {  	s0 =	stileid.u32;
	[bflag:$0x2] =	sbarrier.arrive $0xFFFF  }
0x221: {  	p0 =	sne.s32 s0, $0x0;
	s0 =	rddreg [dreg:$0x2]  }
0x222: {  	s0 =	sadd.s32 @!p0 $0x100000, s0  }
0x223: {  	[sflag:s0] =	ssyncadd.tile.s32 @!p0 $0x1;
	_ =	shalt  }
.Lfunc_end2:
_tile_overlayer_lowered:
.L_overlay_start_2:
0x224: {  	(tag) =	ssettag $0x2  }
0x225: {  	s0 =	rddreg [dreg:$0x0];
	s2 =	stileid.u32  }
0x226: {  	s1 =	rddreg [dreg:$0x1];
	p0 =	sne.s32 s2, $0x0  }
0x227: {  	s3 =	rddreg [dreg:$0x2];
	[bflag:$0x3] =	sbarrier.arrive $0xFFFF;
	s2 =	simm.s32 @!p0 $0x1C05  }
0x228: {  	[timem:s3], [sflag:s2] =	dma.local @!p0 [hbm:s0], s1  }
0x229: {  	s0 =	simm.s32 @!p0 $0x5  }
0x22a: {  	_ =	swait.ge @!p0 [sflag:s0], s1  }
0x22b: {  	s1 =	ssub.s32 @!p0 $0x0, s1;
	[sflag:s0] =	ssyncset.done @!p0 $0x0  }
0x22c: {  	[sflag:s0] =	ssyncadd.s32 @!p0 s1  }
0x22d: {  	[bflag:$0x3] =	sbarrier.arrive $0xFFFF  }
0x22e: {  	_ =	shalt  }

// kernel: kernel.14.cloned.1.call-start
scs
__scs_entry_jumppad:
0x0: {  	(pc) =	sbr.rel $0x88, $3  }
0x1: {  	(tag) =	ssettag $0x0;
	lr =	simm.s32 $0x1  }
0x2: {  	[smem:$0x3F96] =	sst lr;
	_ =	strace $0xD0000000  }
0x3: {  	_ = 	snop  }
0x4: {  	_ = 	snop  }
0x5: {  	_ = 	snop  }
0x6: {  	_ = 	snop  }
0x7: {  	_ = 	snop  }
__scs_overlays_trampoline_lowered:
0x8: {  	[smem:$0x3FA5] =	sst s0  }
0x9: {  	[smem:$0x3FA6] =	sst s1  }
0xa: {  	[smem:$0x3FA7] =	sst s2  }
0xb: {  	[smem:$0x3FA8] =	sst s3  }
0xc: {  	[smem:$0x3FA9] =	sst s4  }
0xd: {  	[smem:$0x3FAA] =	sst s5  }
0xe: {  	[smem:$0x3FAB] =	sst s6  }
0xf: {  	[smem:$0x3FAC] =	sst s7  }
0x10: {  	[smem:$0x3FAD] =	sst s8  }
0x11: {  	[smem:$0x3FAE] =	sst s9;
	s0 =	simm.s32 @!p0 $0x0  }
0x12: {  	s1 =	sld [smem:$0x3F94];
	s0 =	simm.s32 @p0 $0x1  }
0x13: {  	[smem:$0x3FAF] =	sst s0;
	s0 =	simm.s32 @!p1 $0x0  }
0x14: {  	s2 =	sld [smem:$0x3F93];
	s0 =	simm.s32 @p1 $0x1  }
0x15: {  	[smem:$0x3FB0] =	sst s0;
	s0 =	simm.s32 @!p2 $0x0  }
0x16: {  	s3 =	sld [smem:$0x3FDB];
	s0 =	simm.s32 @p2 $0x1  }
0x17: {  	s4 =	simm.s32 $0x1BF5;
	[smem:$0x3FB2] =	sst s0  }
0x18: {  	s0 =	sld [smem:$0x3F95];
	_ =	swait.ge [sflag:s4], $0x0  }
0x19: {  	s7 =	sld [smem:$0x3F96]  }
0x1a: {  	s8 =	sadd.s32 $0xFFFFE003, lr  }
0x1b: {  	s9 =	sadd.s32 $0xFFFFFEF7, lr;
	s5 =	simm.s32 $0xFFFFFFFF;
	p2 =	slt.u32 s8, $0xFFFFF086  }
0x1c: {  	p1 =	slt.u32 s9, $0xF7A;
	s5 =	simm.s32 @!p2 $0x0  }
0x1d: {  	s5 =	simm.s32 @p1 $0x1;
	p0 =	seq.s32 s7, s2  }
0x1e: {  	s7 =	smul.u32 @!p0 $0xF7A, s2;
	p2 =	seq.s32 @!p0 s5, $0x0  }
0x1f: {  	s9 =	smul.u32 $0xF7A, s1;
	s8 =	simm.s32 @!p0 $0x1BF5;
	p2 =	por !p2, p0  }
0x20: {  	[sflag:s8] =	ssyncset.s32 @!p0 $0xFFFFF086;
	s6 =	sadd.s32 @!p0 s3, s7;
	s7 =	simm.s32 @!p0 $0x108  }
0x21: {  	s3 =	sadd.s32 s3, s9;
	s6 =	sadd.s32 @!p0 $0x88, s6;
	s7 =	simm.s32 @p2 $0x1082  }
0x22: {  	[simem:s7], [sflag:s8] =	dma.local @!p0 [hbm:s6], $0xF7A  }
0x23: {  	s9 =	sor.u32 $0xD0000000, s2;
	s6 =	simm.s32 $0x108;
	_ =	swait.ge @!p0 [sflag:s8], $0x0  }
0x24: {  	s3 =	sadd.s32 $0x88, s3;
	s6 =	simm.s32 @!p1 $0x1082;
	[sflag:s4] =	ssyncset.s32 $0xFFFFF086  }
0x25: {  	[simem:s6], [sflag:s4] =	dma.local [hbm:s3], $0xF7A  }
0x26: {  	[smem:$0x3F96] =	sst s1;
	(tag) =	ssettag s2;
	_ =	strace s9  }
0x27: {  	s1 =	sld [smem:$0x3FA6]  }
0x28: {  	s2 =	sld [smem:$0x3FA7]  }
0x29: {  	s4 =	sld [smem:$0x3FA9]  }
0x2a: {  	p0 =	seq.s32 s5, $0x0;
	s5 =	sld [smem:$0x3FAA]  }
0x2b: {  	s6 =	sld [smem:$0x3FAB]  }
0x2c: {  	s7 =	sld [smem:$0x3FAC]  }
0x2d: {  	s3 =	simm.s32 $0x108;
	s8 =	sld [smem:$0x3FAD]  }
0x2e: {  	s3 =	simm.s32 @!p0 $0x1082;
	s9 =	sld [smem:$0x3FAE]  }
0x2f: {  	lr =	sadd.s32 s0, s3;
	s0 =	sld [smem:$0x3FA5]  }
0x30: {  	s3 =	sld [smem:$0x3FA8]  }
0x31: {  	[smem:$0x3FB1] =	sst s10  }
0x32: {  	s10 =	sld [smem:$0x3FAF];
	_ =	sdelay $0x3  }
0x33: {  	p0 =	seq.s32 s10, $0x1;
	s10 =	sld [smem:$0x3FB1];
	_ =	sdelay $0x3  }
0x34: {  	[smem:$0x3FB1] =	sst s10  }
0x35: {  	s10 =	sld [smem:$0x3FB0];
	_ =	sdelay $0x3  }
0x36: {  	p1 =	seq.s32 s10, $0x1;
	s10 =	sld [smem:$0x3FB1];
	_ =	sdelay $0x3  }
0x37: {  	[smem:$0x3FB1] =	sst s10  }
0x38: {  	s10 =	sld [smem:$0x3FB2]  }
0x39: {  	_ = 	snop;
	(pc) =	sbr.ind lr, $3  }
0x3a: {  	_ = 	snop  }
0x3b: {  	_ = 	snop  }
0x3c: {  	p2 =	seq.s32 s10, $0x1;
	s10 =	sld [smem:$0x3FB1]  }
0x3d: {  	_ =	shalt  }
0x3e: {  	_ =	shalt  }
0x3f: {  	_ =	shalt  }
0x40: {  	_ =	shalt  }
0x41: {  	_ =	shalt  }
0x42: {  	_ =	shalt  }
0x43: {  	_ =	shalt  }
0x44: {  	_ =	shalt  }
0x45: {  	_ =	shalt  }
0x46: {  	_ =	shalt  }
0x47: {  	_ =	shalt  }
0x48: {  	_ =	shalt  }
0x49: {  	_ =	shalt  }
0x4a: {  	_ =	shalt  }
0x4b: {  	_ =	shalt  }
0x4c: {  	_ =	shalt  }
0x4d: {  	_ =	shalt  }
0x4e: {  	_ =	shalt  }
0x4f: {  	_ =	shalt  }
0x50: {  	_ =	shalt  }
0x51: {  	_ =	shalt  }
0x52: {  	_ =	shalt  }
0x53: {  	_ =	shalt  }
0x54: {  	_ =	shalt  }
0x55: {  	_ =	shalt  }
0x56: {  	_ =	shalt  }
0x57: {  	_ =	shalt  }
0x58: {  	_ =	shalt  }
0x59: {  	_ =	shalt  }
0x5a: {  	_ =	shalt  }
0x5b: {  	_ =	shalt  }
0x5c: {  	_ =	shalt  }
0x5d: {  	_ =	shalt  }
0x5e: {  	_ =	shalt  }
0x5f: {  	_ =	shalt  }
0x60: {  	_ =	shalt  }
0x61: {  	_ =	shalt  }
0x62: {  	_ =	shalt  }
0x63: {  	_ =	shalt  }
0x64: {  	_ =	shalt  }
0x65: {  	_ =	shalt  }
0x66: {  	_ =	shalt  }
0x67: {  	_ =	shalt  }
0x68: {  	_ =	shalt  }
0x69: {  	_ =	shalt  }
0x6a: {  	_ =	shalt  }
0x6b: {  	_ =	shalt  }
0x6c: {  	_ =	shalt  }
0x6d: {  	_ =	shalt  }
0x6e: {  	_ =	shalt  }
0x6f: {  	_ =	shalt  }
0x70: {  	_ =	shalt  }
0x71: {  	_ =	shalt  }
0x72: {  	_ =	shalt  }
0x73: {  	_ =	shalt  }
0x74: {  	_ =	shalt  }
0x75: {  	_ =	shalt  }
0x76: {  	_ =	shalt  }
0x77: {  	_ =	shalt  }
0x78: {  	_ =	shalt  }
0x79: {  	_ =	shalt  }
0x7a: {  	_ =	shalt  }
0x7b: {  	_ =	shalt  }
0x7c: {  	_ =	shalt  }
0x7d: {  	_ =	shalt  }
0x7e: {  	_ =	shalt  }
0x7f: {  	_ =	shalt  }
0x80: {  	_ =	shalt  }
0x81: {  	_ =	shalt  }
0x82: {  	_ =	shalt  }
0x83: {  	_ =	shalt  }
0x84: {  	_ =	shalt  }
0x85: {  	_ =	shalt  }
0x86: {  	_ =	shalt  }
0x87: {  	_ =	shalt  }
.Lfunc_end0:
.L_simem_size_0:
called_computation.2_lowered:
.L_overlay_start_0:
0x88: {  	s2 =	sld [smem:$0x3FD9]  }
0x89: {  	s3 =	sld [smem:$0x3FFE];
	_ =	sdelay $0x1  }
0x8a: {  	s1 =	srdreg.scid  }
0x8b: {  	s0 =	sand.u32 $0x1, s1  }
0x8c: {  	s16 =	sshll.u32 s0, $0xA;
	s2 =	sadd.s32 s3, s2  }
0x8d: {  	s2 =	sadd.s32 s2, s16  }
0x8e: {  	[smem:$0x3FBD] =	sst s2  }
0x8f: {  	_ = 	snop  }
0x90: {  	(tm) =	ssettm $0x1  }
0x91: {  	s17 =	sld [smem:$0x3FFB];
	_ =	sdelay $0x3  }
0x92: {  	_ =	strace s17  }
0x93: {  	s2 =	sld [smem:$0x3FFC];
	_ =	sdelay $0x3  }
0x94: {  	_ =	strace s2  }
0x95: {  	s2 =	sld [smem:$0x3FFD];
	_ =	sdelay $0x3  }
0x96: {  	_ =	strace s2  }
0x97: {  	_ =	strace $0x8FFFFFFF  }
0x98: {  	s18 =	sld [smem:$0x3FDB];
	_ =	sdelay $0x1  }
0x99: {  	s19 =	simm.s32 $_scs_section_size  }
0x9a: {  	s4 =	simm.s32 $_size__tile_overlayer_lowered;
	s5 =	simm.s32 $_tile_overlayer_lowered  }
0x9b: {  	s22 =	simm.s32 $0x1BFF;
	s21 =	sshll.u32 s5, $0x1;
	s2 =	sadd.s32 s19, s18  }
0x9c: {  	s6 =	simm.s32 $0x0;
	s20 =	sshll.u32 s4, $0x1;
	s4 =	sadd.s32 s21, s2  }
0x9d: {  	[timem:s6], [sflag:s22] =	dma.local [hbm:s4], s20  }
0x9e: {  	_ =	swait.ge [sflag:s22], s20  }
0x9f: {  	s3 =	ssub.s32 $0x0, s20;
	[sflag:s22] =	ssyncset.done $0x0  }
0xa0: {  	[sflag:s22] =	ssyncadd.s32 s3;
	_ =	sdelay $0x1  }
0xa1: {  	s23 =	simm.s32 $0x1B8B  }
0xa2: {  	_ =	swait.ge [sflag:s23], $0x1  }
0xa3: {  	[sflag:s23] =	ssyncset.done $0x0  }
0xa4: {  	s25 =	simm.s32 $0x1B8E;
	s24 =	sld [smem:$0x3FFE];
	[sflag:s23] =	ssyncadd.s32 $0xFFFFFFFF  }
0xa5: {  	s26 =	simm.s32 $execute0_lowered;
	[smem:$0x3FD2] =	sst s25  }
0xa6: {  	s4 =	sshll.u32 s26, $0x1;
	_ =	strace $0x8000004C;
	[dreg:$0x1] =	wrdreg $0xFFFFFFFF  }
0xa7: {  	s28 =	simm.s32 $_size_execute0_lowered;
	s2 =	sadd.s32 s2, s4;
	[dreg:$0x0] =	wrdreg $0x0  }
0xa8: {  	s4 =	sshll.u32 s28, $0x1;
	[dreg:$0x2] =	wrdreg s2  }
0xa9: {  	[dreg:$0x3] =	wrdreg s4  }
0xaa: {  	[dreg:$0x4] =	wrdreg $0xC0  }
0xab: {  	_ =	task [dreg:s6], $0x5FFFF  }
0xac: {  	[dreg:$0x1] =	wrdreg $0xFFFFFFFF  }
0xad: {  	[dreg:$0x0] =	wrdreg $0x60  }
0xae: {  	[dreg:$0x2] =	wrdreg s24  }
0xaf: {  	[dreg:$0x3] =	wrdreg $0x60000  }
0xb0: {  	[dreg:$0x4] =	wrdreg $0x74000  }
0xb1: {  	[dreg:$0x5] =	wrdreg $0x9  }
0xb2: {  	_ =	task.clear_ibuf [dreg:s6], $0x6FFFF;
	_ =	strace $0x9000004C  }
0xb3: {  	s29 =	simm.s32 $0x9;
	_ =	strace $0x8000004E  }
0xb4: {  	_ =	swait.ge [sflag:s29], $0x1  }
0xb5: {  	[sflag:s29] =	ssyncadd.s32 $0xFFFFFFFF  }
0xb6: {  	_ =	strace $0x9000004E  }
0xb7: {  	_ =	sfence  }
0xb8: {  	s30 =	sld [smem:$0x0];
	_ =	sdelay $0x2  }
0xb9: {  	s31 =	sshll.u32 s1, $0xD;
	s1 =	sshrl.u32 s1, $0x2  }
0xba: {  	s3 =	sand.u32 $0x4000, s31;
	s1 =	sadd.s32 s1, s30  }
0xbb: {  	s0 =	sor.u32 s3, s0;
	s1 =	sshll.u32 s1, $0x11  }
0xbc: {  	s0 =	sor.u32 s1, s0  }
0xbd: {  	s0 =	sadd.s32 $0x8F2B, s0  }
0xbe: {  	[sflag:s0] =	ssyncadd.remote.s32 $0x1  }
0xbf: {  	_ =	sfence.sel $0xFFFF  }
0xc0: {  	[dreg:$0x0] =	wrdreg $0xFFFFFFFF;
	(pc) =	sbr.abs _section_cstart, $3  }
0xc1: {  	[dreg:$0x1] =	wrdreg $0xFFFFFFFF  }
0xc2: {  	_ =	task.clear_ibuf [dreg:s6], $0x2FFFF;
	_ =	strace $0x9FFFFFFF  }
0xc3: {  	(tm) =	ssettm $0x7FFFFFFF  }
tec
execute0_lowered:
.L_overlay_start_1:
0x0: {  	(tag) =	ssettag $0x1  }
0x1: {  	s0 =	rddreg [dreg:$0x0]  }
0x2: {  	s1 =	rddreg [dreg:$0x1]  }
0x3: {  	s3 =	simm.s32 $0x0;
	s2 =	srdreg.scid;
	s19 =	stileid.u32  }
0x4: {  	s28 =	simm.s32 $0x2;
	s29 =	simm.s32 $0x5C00;
	s30 =	simm.s32 $0x3  }
0x5: {  	s31 =	simm.s32 $0x5E00;
	[smem:$0x7FF] =	sst s3;
	s2 =	sand.u32 $0x1, s2  }
0x6: {  	s6 =	smul.u32 $0x1400, s19;
	s7 =	sadd.s32 $0xF600, s0;
	s16 =	sshll.u32 s2, $0x4  }
0x7: {  	s4 =	ssub.s32 $0x2, s2;
	s2 =	smul.u32 $0x14000, s2;
	s3 =	sor.u32 s19, s16  }
0x8: {  	s5 =	sshrl.u32 s4, $0x1;
	s8 =	sor.u32 $0x200, s6;
	s9 =	sadd.s32 $0x400, s6  }
0x9: {  	s12 =	sadd.s32 $0xA00, s6;
	s15 =	sadd.s32 $0x1000, s6;
	s3 =	smul.u32 $0x500, s3  }
0xa: {  	s4 =	ssub.s32 s4, s5;
	s17 =	sadd.s32 s2, s6;
	s10 =	sadd.s32 s2, s8  }
0xb: {  	s11 =	sadd.s32 s2, s9;
	s14 =	sadd.s32 s2, s12;
	s5 =	sshrl.u32 s17, $0x3  }
0xc: {  	s18 =	sshrl.u32 s10, $0x3;
	s20 =	sshrl.u32 s11, $0x3;
	s11 =	sadd.s32 $0x800, s6  }
0xd: {  	s24 =	sshrl.u32 s14, $0x3;
	s14 =	sadd.s32 $0xE00, s6;
	s17 =	sadd.s32 s2, s15  }
0xe: {  	s5 =	sadd.s32 s7, s5;
	s21 =	sadd.s32 s7, s20;
	s13 =	sadd.s32 s2, s11  }
0xf: {  	s25 =	sadd.s32 s7, s24;
	s16 =	sadd.s32 s2, s14;
	[dreg:$0x4] =	wrdreg s5  }
0x10: {  	s3 =	sadd.s32 s3, s0;
	s5 =	sadd.s32 s7, s18;
	[dreg:$0x6] =	wrdreg s21  }
0x11: {  	s23 =	sshrl.u32 s13, $0x3;
	[dreg:$0x9] =	wrdreg s25;
	s16 =	sshrl.u32 s16, $0x3  }
0x12: {  	s18 =	sshrl.u32 s17, $0x3;
	[dreg:$0x5] =	wrdreg s5;
	s5 =	sadd.s32 $0x600, s6  }
0x13: {  	s21 =	sadd.s32 $0x1200, s6;
	s25 =	sshll.u32 s19, $0x6;
	s22 =	sadd.s32 s2, s5  }
0x14: {  	s20 =	sadd.s32 s7, s18;
	s18 =	smul.u32 $0x1388, s19;
	s10 =	sshrl.u32 s22, $0x3  }
0x15: {  	[dreg:$0xc] =	wrdreg s20;
	s5 =	sadd.s32 s5, s1;
	s10 =	sadd.s32 s7, s10  }
0x16: {  	s22 =	smul.u32 $0x5000, s19;
	[dreg:$0x7] =	wrdreg s10;
	s10 =	sadd.s32 s7, s23  }
0x17: {  	s19 =	sor.u32 $0x1C11, s25;
	[dreg:$0x8] =	wrdreg s10;
	s10 =	sadd.s32 $0xC00, s6  }
0x18: {  	s23 =	sshrl.u32 s18, $0x3;
	s24 =	sshrl.u32 s22, $0x2;
	s26 =	sadd.s32 s2, s10  }
0x19: {  	s17 =	sadd.s32 s24, s1;
	s2 =	sadd.s32 s2, s21;
	s13 =	sshrl.u32 s26, $0x3  }
0x1a: {  	s20 =	sadd.s32 $0x600, s17;
	s2 =	sshrl.u32 s2, $0x3;
	s13 =	sadd.s32 s7, s13  }
0x1b: {  	s22 =	sadd.s32 $0xA00, s17;
	s2 =	sadd.s32 s7, s2;
	[dreg:$0xa] =	wrdreg s13  }
0x1c: {  	s24 =	sadd.s32 $0xC00, s17;
	s13 =	sadd.s32 s7, s16;
	[dreg:$0xd] =	wrdreg s2  }
0x1d: {  	s25 =	sadd.s32 $0xE00, s17;
	s26 =	sadd.s32 $0x21600, s3;
	[dreg:$0xb] =	wrdreg s13  }
0x1e: {  	s2 =	sadd.s32 s23, s0;
	s0 =	sadd.s32 $0xF400, s0;
	s13 =	rddreg [dreg:$0x2]  }
0x1f: {  	s2 =	sadd.s32 $0xCC00, s2;
	_ =	strace $0x8000004D;
	[dreg:$0xe] =	wrdreg s0  }
0x20: {  	s3 =	sadd.s32 $0x2C00, s3;
	s7 =	smax.u32 s4, $0x1;
	[dreg:$0x11] =	wrdreg s2  }
0x21: {  	s4 =	sadd.s32 s9, s1;
	s9 =	sadd.s32 s14, s1;
	[dreg:$0x12] =	wrdreg s26  }
0x22: {  	s16 =	sadd.s32 $0x400, s17;
	s23 =	sshrl.u32 s22, $0x3;
	[dreg:$0x13] =	wrdreg s3  }
0x23: {  	s0 =	sadd.s32 s18, s13;
	[dreg:$0x14] =	wrdreg s7;
	s2 =	sadd.s32 s6, s1  }
0x24: {  	s3 =	sadd.s32 s8, s1;
	s6 =	sadd.s32 s11, s1;
	s7 =	sadd.s32 s12, s1  }
0x25: {  	s8 =	sadd.s32 s10, s1;
	s10 =	sadd.s32 s15, s1;
	s11 =	sadd.s32 s21, s1  }
0x26: {  	s15 =	sadd.s32 $0x200, s17;
	s18 =	sshrl.u32 s16, $0x3;
	[dreg:$0x19] =	wrdreg s23  }
0x27: {  	s21 =	sadd.s32 $0x800, s17;
	s26 =	sadd.s32 $0x1000, s17;
	[dreg:$0xf] =	wrdreg s17  }
0x28: {  	s12 =	sshrl.u32 s15, $0x3;
	[dreg:$0x16] =	wrdreg s18;
	s14 =	sshrl.u32 s26, $0x3  }
0x29: {  	s15 =	sadd.s32 $0x1200, s17;
	s17 =	smov.u32 s19;
	[dreg:$0x15] =	wrdreg s12  }
0x2a: {  	s0 =	sshrl.u32 s0, $0x3;
	s16 =	sshrl.u32 s2, $0x3;
	[dreg:$0x1c] =	wrdreg s14  }
0x2b: {  	s18 =	sshrl.u32 s3, $0x3;
	s19 =	sshrl.u32 s4, $0x3;
	[dreg:$0x1e] =	wrdreg s0  }
0x2c: {  	s22 =	sshrl.u32 s7, $0x3;
	s23 =	sshrl.u32 s8, $0x3;
	[dreg:$0x1f] =	wrdreg s16  }
0x2d: {  	s26 =	sshrl.u32 s11, $0x3;
	s11 =	simm.s32 $0x4;
	[smem:$0x7F5] =	sst s18  }
0x2e: {  	s3 =	simm.s32 $0x5;
	s4 =	simm.s32 $0xA;
	[smem:$0x7F6] =	sst s19  }
0x2f: {  	s7 =	simm.s32 $0xC;
	s8 =	simm.s32 $0x8;
	[smem:$0x7F9] =	sst s22  }
0x30: {  	s12 =	sshrl.u32 s20, $0x3;
	s20 =	sshrl.u32 s5, $0x3;
	[smem:$0x7FA] =	sst s23  }
0x31: {  	[smem:$0x7FD] =	sst s26;
	s14 =	simm.s32 $0x11;
	s19 =	simm.s32 $0x40  }
0x32: {  	s22 =	simm.s32 $0x5400;
	s23 =	simm.s32 $0x5600;
	s26 =	simm.s32 $0x5A00  }
0x33: {  	s0 =	simm.s32 $0x9;
	s18 =	simm.s32 $0x6;
	[dreg:$0x10] =	wrdreg s17  }
0x34: {  	s5 =	simm.s32 $0xB;
	s16 =	simm.s32 $0x10;
	[dreg:$0x17] =	wrdreg s12  }
0x35: {  	s12 =	sshrl.u32 s21, $0x3;
	[smem:$0x7F7] =	sst s20;
	s21 =	sshrl.u32 s6, $0x3  }
0x36: {  	s20 =	simm.s32 $0x5000;
	s6 =	simm.s32 $0x7;
	[dreg:$0x18] =	wrdreg s12  }
0x37: {  	s12 =	sshrl.u32 s24, $0x3;
	[smem:$0x7F8] =	sst s21;
	s24 =	sshrl.u32 s9, $0x3  }
0x38: {  	s21 =	simm.s32 $0x5200;
	s9 =	simm.s32 $0xD;
	[dreg:$0x1a] =	wrdreg s12  }
0x39: {  	s12 =	sshrl.u32 s25, $0x3;
	[smem:$0x7FB] =	sst s24;
	s25 =	sshrl.u32 s10, $0x3  }
0x3a: {  	s24 =	simm.s32 $0x5800;
	s10 =	simm.s32 $0xE;
	[dreg:$0x1b] =	wrdreg s12  }
0x3b: {  	s12 =	sshrl.u32 s15, $0x3;
	[smem:$0x7FC] =	sst s25;
	s25 =	simm.s32 $0x1  }
0x3c: {  	s15 =	simm.s32 $0x0;
	[dreg:$0x1d] =	wrdreg s12;
	s12 =	simm.s32 $0xF  }
.LBB2_1:
0x3d: {  	[smem:$0x7F4] =	sst s15  }
0x3e: {  	s2 =	rddreg [dreg:$0xf]  }
0x3f: {  	s15 =	rddreg [dreg:$0xe];
	s2 =	sshrl.u32 s2, $0x3  }
0x40: {  	[spmem:s2], [sflag:s17] =	dma.local [hbm:s15], $0x40  }
0x41: {  	_ =	swait.ge [sflag:s14], $0x40  }
0x42: {  	[sflag:s14] =	ssyncset.done $0x0  }
0x43: {  	s2 =	rddreg [dreg:$0x15];
	[sflag:s14] =	ssyncadd.s32 $0xFFFFFFC0  }
0x44: {  	[spmem:s2], [sflag:s17] =	dma.local [hbm:s15], $0x40  }
0x45: {  	_ =	swait.ge [sflag:s14], $0x40  }
0x46: {  	[sflag:s14] =	ssyncset.done $0x0  }
0x47: {  	s2 =	rddreg [dreg:$0x16];
	[sflag:s14] =	ssyncadd.s32 $0xFFFFFFC0  }
0x48: {  	[spmem:s2], [sflag:s17] =	dma.local [hbm:s15], $0x40  }
0x49: {  	_ =	swait.ge [sflag:s14], $0x40  }
0x4a: {  	[sflag:s14] =	ssyncset.done $0x0  }
0x4b: {  	s2 =	rddreg [dreg:$0x17];
	[sflag:s14] =	ssyncadd.s32 $0xFFFFFFC0  }
0x4c: {  	[spmem:s2], [sflag:s17] =	dma.local [hbm:s15], $0x40  }
0x4d: {  	_ =	swait.ge [sflag:s14], $0x40  }
0x4e: {  	[sflag:s14] =	ssyncset.done $0x0  }
0x4f: {  	s2 =	rddreg [dreg:$0x18];
	[sflag:s14] =	ssyncadd.s32 $0xFFFFFFC0  }
0x50: {  	[spmem:s2], [sflag:s17] =	dma.local [hbm:s15], $0x40  }
0x51: {  	_ =	swait.ge [sflag:s14], $0x40  }
0x52: {  	[sflag:s14] =	ssyncset.done $0x0  }
0x53: {  	s2 =	rddreg [dreg:$0x19];
	[sflag:s14] =	ssyncadd.s32 $0xFFFFFFC0  }
0x54: {  	[spmem:s2], [sflag:s17] =	dma.local [hbm:s15], $0x40  }
0x55: {  	_ =	swait.ge [sflag:s14], $0x40  }
0x56: {  	[sflag:s14] =	ssyncset.done $0x0  }
0x57: {  	s2 =	rddreg [dreg:$0x1a];
	[sflag:s14] =	ssyncadd.s32 $0xFFFFFFC0  }
0x58: {  	[spmem:s2], [sflag:s17] =	dma.local [hbm:s15], $0x40  }
0x59: {  	_ =	swait.ge [sflag:s14], $0x40  }
0x5a: {  	[sflag:s14] =	ssyncset.done $0x0  }
0x5b: {  	s2 =	rddreg [dreg:$0x1b];
	[sflag:s14] =	ssyncadd.s32 $0xFFFFFFC0  }
0x5c: {  	[spmem:s2], [sflag:s17] =	dma.local [hbm:s15], $0x40  }
0x5d: {  	_ =	swait.ge [sflag:s14], $0x40  }
0x5e: {  	[sflag:s14] =	ssyncset.done $0x0  }
0x5f: {  	s2 =	rddreg [dreg:$0x1c];
	[sflag:s14] =	ssyncadd.s32 $0xFFFFFFC0  }
0x60: {  	[spmem:s2], [sflag:s17] =	dma.local [hbm:s15], $0x40  }
0x61: {  	_ =	swait.ge [sflag:s14], $0x40  }
0x62: {  	[sflag:s14] =	ssyncset.done $0x0  }
0x63: {  	s2 =	rddreg [dreg:$0x1d];
	[sflag:s14] =	ssyncadd.s32 $0xFFFFFFC0  }
0x64: {  	[spmem:s2], [sflag:s17] =	dma.local [hbm:s15], $0x40  }
0x65: {  	_ =	swait.ge [sflag:s14], $0x40  }
0x66: {  	[sflag:s14] =	ssyncset.done $0x0;
	s2 =	rddreg [dreg:$0x11]  }
0x67: {  	s15 =	rddreg [dreg:$0x1e];
	[sflag:s14] =	ssyncadd.s32 $0xFFFFFFC0  }
0x68: {  	[spmem:s15], [sflag:s17] =	dma.local [hbm:s2], $0x271  }
0x69: {  	_ =	swait.ge [sflag:s14], $0x271  }
0x6a: {  	[sflag:s14] =	ssyncset.done $0x0  }
0x6b: {  	s2 =	simm.s32 $0x0;
	s17 =	rddreg [dreg:$0x12];
	[sflag:s14] =	ssyncadd.s32 $0xFFFFFD8F  }
0x6c: {  	[tilespmem:s2], [sflag:$0x11] =	stream.linear.gather [hbm4b:s17+s2], $0x2800, $0x38;
	[tilespmem:$0x8800] =	vst v63  }
0x6d: {  	_ =	swait.ge [sflag:s14], $0x2800  }
0x6e: {  	[sflag:s14] =	ssyncset.done $0x0  }
0x6f: {  	s17 =	simm.s32 $0x2800;
	s15 =	rddreg [dreg:$0x13];
	[sflag:s14] =	ssyncadd.s32 $0xFFFFD800  }
0x70: {  	[tilespmem:s17], [sflag:$0x11] =	stream.linear.gather [hbm4b:s15+s2], $0x2800, $0x38;
	[tilespmem:$0x8800] =	vst v63  }
0x71: {  	_ =	swait.ge [sflag:s14], $0x2800  }
0x72: {  	[sflag:s14] =	ssyncset.done $0x0  }
0x73: {  	[sflag:s14] =	ssyncadd.s32 $0xFFFFD800  }
0x74: {  	[bflag:$0x0] =	sbarrier.arrive $0xFFFF  }
0x75: {  	[tilespmem:s20], [sflag:$0x1] =	stream.indirect.gather [spmem:s13], $0x8, s2, s19, $0xb8;
	[tilespmem:$0x8800] =	vst v63  }
0x76: {  	_ = 	snop  }
0x77: {  	[tilespmem:s21], [sflag:$0x2] =	stream.indirect.gather [spmem:s13], $0x8, s19, s19, $0xb8;
	[tilespmem:$0x8800] =	vst v63  }
0x78: {  	s15 =	simm.s32 $0x80  }
0x79: {  	[tilespmem:s22], [sflag:$0x3] =	stream.indirect.gather [spmem:s13], $0x8, s15, s19, $0xb8;
	[tilespmem:$0x8800] =	vst v63  }
0x7a: {  	s15 =	simm.s32 $0xC0  }
0x7b: {  	[tilespmem:s23], [sflag:$0x4] =	stream.indirect.gather [spmem:s13], $0x8, s15, s19, $0xb8;
	[tilespmem:$0x8800] =	vst v63  }
0x7c: {  	s15 =	simm.s32 $0x100  }
0x7d: {  	[tilespmem:s24], [sflag:$0x5] =	stream.indirect.gather [spmem:s13], $0x8, s15, s19, $0xb8;
	[tilespmem:$0x8800] =	vst v63  }
0x7e: {  	_ =	swait.ge [sflag:s25], $0x200  }
0x7f: {  	[sflag:s25] =	ssyncset.done $0x0  }
0x80: {  	[sflag:s25] =	ssyncadd.s32 $0xFFFFFE00  }
0x81: {  	[spmem:s1] =	stream.indirect.scatter.add.f32 [tilespmem:s20], [sflag:$0x9], $0x8, s17, s19, $0xb8;
	[tilespmem:$0x8800] =	vst v63  }
0x82: {  	s17 =	simm.s32 $0x140  }
0x83: {  	[tilespmem:s26], [sflag:$0x6] =	stream.indirect.gather [spmem:s13], $0x8, s17, s19, $0xb8;
	[tilespmem:$0x8800] =	vst v63  }
0x84: {  	_ =	swait.ge [sflag:s28], $0x200  }
0x85: {  	[sflag:s28] =	ssyncset.done $0x0  }
0x86: {  	s15 =	simm.s32 $0x2840;
	[sflag:s28] =	ssyncadd.s32 $0xFFFFFE00  }
0x87: {  	[spmem:s1] =	stream.indirect.scatter.add.f32 [tilespmem:s21], [sflag:$0xA], $0x8, s15, s19, $0xb8;
	[tilespmem:$0x8800] =	vst v63  }
0x88: {  	s17 =	simm.s32 $0x180  }
0x89: {  	[tilespmem:s29], [sflag:$0x7] =	stream.indirect.gather [spmem:s13], $0x8, s17, s19, $0xb8;
	[tilespmem:$0x8800] =	vst v63  }
0x8a: {  	_ =	swait.ge [sflag:s30], $0x200  }
0x8b: {  	[sflag:s30] =	ssyncset.done $0x0  }
0x8c: {  	s15 =	simm.s32 $0x2880;
	[sflag:s30] =	ssyncadd.s32 $0xFFFFFE00  }
0x8d: {  	[spmem:s1] =	stream.indirect.scatter.add.f32 [tilespmem:s22], [sflag:$0xB], $0x8, s15, s19, $0xb8;
	[tilespmem:$0x8800] =	vst v63  }
0x8e: {  	s17 =	simm.s32 $0x1C0  }
0x8f: {  	[tilespmem:s31], [sflag:$0x8] =	stream.indirect.gather [spmem:s13], $0x8, s17, s19, $0xb8;
	[tilespmem:$0x8800] =	vst v63  }
0x90: {  	_ =	swait.ge [sflag:s11], $0x200  }
0x91: {  	[sflag:s11] =	ssyncset.done $0x0  }
0x92: {  	s15 =	simm.s32 $0x28C0;
	[sflag:s11] =	ssyncadd.s32 $0xFFFFFE00  }
0x93: {  	[spmem:s1] =	stream.indirect.scatter.add.f32 [tilespmem:s23], [sflag:$0xC], $0x8, s15, s19, $0xb8;
	[tilespmem:$0x8800] =	vst v63  }
0x94: {  	_ =	swait.ge [sflag:s0], $0x200  }
0x95: {  	[sflag:s0] =	ssyncset.done $0x0  }
0x96: {  	s17 =	simm.s32 $0x200;
	[sflag:s0] =	ssyncadd.s32 $0xFFFFFE00  }
0x97: {  	[tilespmem:s20], [sflag:$0x1] =	stream.indirect.gather [spmem:s13], $0x8, s17, s19, $0xb8;
	[tilespmem:$0x8800] =	vst v63  }
0x98: {  	_ =	swait.ge [sflag:s3], $0x200  }
0x99: {  	[sflag:s3] =	ssyncset.done $0x0  }
0x9a: {  	s15 =	simm.s32 $0x2900;
	[sflag:s3] =	ssyncadd.s32 $0xFFFFFE00  }
0x9b: {  	[spmem:s1] =	stream.indirect.scatter.add.f32 [tilespmem:s24], [sflag:$0xD], $0x8, s15, s19, $0xb8;
	[tilespmem:$0x8800] =	vst v63  }
0x9c: {  	_ =	swait.ge [sflag:s4], $0x200  }
0x9d: {  	[sflag:s4] =	ssyncset.done $0x0  }
0x9e: {  	s17 =	simm.s32 $0x240;
	[sflag:s4] =	ssyncadd.s32 $0xFFFFFE00  }
0x9f: {  	[tilespmem:s21], [sflag:$0x2] =	stream.indirect.gather [spmem:s13], $0x8, s17, s19, $0xb8;
	[tilespmem:$0x8800] =	vst v63  }
0xa0: {  	_ =	swait.ge [sflag:s18], $0x200  }
0xa1: {  	[sflag:s18] =	ssyncset.done $0x0  }
0xa2: {  	s15 =	simm.s32 $0x2940;
	[sflag:s18] =	ssyncadd.s32 $0xFFFFFE00  }
0xa3: {  	[spmem:s1] =	stream.indirect.scatter.add.f32 [tilespmem:s26], [sflag:$0xE], $0x8, s15, s19, $0xb8;
	[tilespmem:$0x8800] =	vst v63  }
0xa4: {  	_ =	swait.ge [sflag:s5], $0x200  }
0xa5: {  	[sflag:s5] =	ssyncset.done $0x0  }
0xa6: {  	s17 =	simm.s32 $0x280;
	[sflag:s5] =	ssyncadd.s32 $0xFFFFFE00  }
0xa7: {  	[tilespmem:s22], [sflag:$0x3] =	stream.indirect.gather [spmem:s13], $0x8, s17, s19, $0xb8;
	[tilespmem:$0x8800] =	vst v63  }
0xa8: {  	_ =	swait.ge [sflag:s6], $0x200  }
0xa9: {  	[sflag:s6] =	ssyncset.done $0x0  }
0xaa: {  	s15 =	simm.s32 $0x2980;
	[sflag:s6] =	ssyncadd.s32 $0xFFFFFE00  }
0xab: {  	[spmem:s1] =	stream.indirect.scatter.add.f32 [tilespmem:s29], [sflag:$0xF], $0x8, s15, s19, $0xb8;
	[tilespmem:$0x8800] =	vst v63  }
0xac: {  	_ =	swait.ge [sflag:s7], $0x200  }
0xad: {  	[sflag:s7] =	ssyncset.done $0x0  }
0xae: {  	s17 =	simm.s32 $0x2C0;
	[sflag:s7] =	ssyncadd.s32 $0xFFFFFE00  }
0xaf: {  	[tilespmem:s23], [sflag:$0x4] =	stream.indirect.gather [spmem:s13], $0x8, s17, s19, $0xb8;
	[tilespmem:$0x8800] =	vst v63  }
0xb0: {  	_ =	swait.ge [sflag:s8], $0x200  }
0xb1: {  	[sflag:s8] =	ssyncset.done $0x0  }
0xb2: {  	s15 =	simm.s32 $0x29C0;
	[sflag:s8] =	ssyncadd.s32 $0xFFFFFE00  }
0xb3: {  	[spmem:s1] =	stream.indirect.scatter.add.f32 [tilespmem:s31], [sflag:$0x10], $0x8, s15, s19, $0xb8;
	[tilespmem:$0x8800] =	vst v63  }
0xb4: {  	_ =	swait.ge [sflag:s9], $0x200  }
0xb5: {  	[sflag:s9] =	ssyncset.done $0x0  }
0xb6: {  	s17 =	simm.s32 $0x300;
	[sflag:s9] =	ssyncadd.s32 $0xFFFFFE00  }
0xb7: {  	[tilespmem:s24], [sflag:$0x5] =	stream.indirect.gather [spmem:s13], $0x8, s17, s19, $0xb8;
	[tilespmem:$0x8800] =	vst v63  }
0xb8: {  	_ =	swait.ge [sflag:s25], $0x200  }
0xb9: {  	[sflag:s25] =	ssyncset.done $0x0  }
0xba: {  	s15 =	simm.s32 $0x2A00;
	[sflag:s25] =	ssyncadd.s32 $0xFFFFFE00  }
0xbb: {  	[spmem:s1] =	stream.indirect.scatter.add.f32 [tilespmem:s20], [sflag:$0x9], $0x8, s15, s19, $0xb8;
	[tilespmem:$0x8800] =	vst v63  }
0xbc: {  	_ =	swait.ge [sflag:s10], $0x200  }
0xbd: {  	[sflag:s10] =	ssyncset.done $0x0  }
0xbe: {  	s17 =	simm.s32 $0x340;
	[sflag:s10] =	ssyncadd.s32 $0xFFFFFE00  }
0xbf: {  	[tilespmem:s26], [sflag:$0x6] =	stream.indirect.gather [spmem:s13], $0x8, s17, s19, $0xb8;
	[tilespmem:$0x8800] =	vst v63  }
0xc0: {  	_ =	swait.ge [sflag:s28], $0x200  }
0xc1: {  	[sflag:s28] =	ssyncset.done $0x0  }
0xc2: {  	s15 =	simm.s32 $0x2A40;
	[sflag:s28] =	ssyncadd.s32 $0xFFFFFE00  }
0xc3: {  	[spmem:s1] =	stream.indirect.scatter.add.f32 [tilespmem:s21], [sflag:$0xA], $0x8, s15, s19, $0xb8;
	[tilespmem:$0x8800] =	vst v63  }
0xc4: {  	_ =	swait.ge [sflag:s12], $0x200  }
0xc5: {  	[sflag:s12] =	ssyncset.done $0x0  }
0xc6: {  	s17 =	simm.s32 $0x380;
	[sflag:s12] =	ssyncadd.s32 $0xFFFFFE00  }
0xc7: {  	[tilespmem:s29], [sflag:$0x7] =	stream.indirect.gather [spmem:s13], $0x8, s17, s19, $0xb8;
	[tilespmem:$0x8800] =	vst v63  }
0xc8: {  	_ =	swait.ge [sflag:s30], $0x200  }
0xc9: {  	[sflag:s30] =	ssyncset.done $0x0  }
0xca: {  	s15 =	simm.s32 $0x2A80;
	[sflag:s30] =	ssyncadd.s32 $0xFFFFFE00  }
0xcb: {  	[spmem:s1] =	stream.indirect.scatter.add.f32 [tilespmem:s22], [sflag:$0xB], $0x8, s15, s19, $0xb8;
	[tilespmem:$0x8800] =	vst v63  }
0xcc: {  	_ =	swait.ge [sflag:s16], $0x200  }
0xcd: {  	[sflag:s16] =	ssyncset.done $0x0  }
0xce: {  	s17 =	simm.s32 $0x3C0;
	[sflag:s16] =	ssyncadd.s32 $0xFFFFFE00  }
0xcf: {  	[tilespmem:s31], [sflag:$0x8] =	stream.indirect.gather [spmem:s13], $0x8, s17, s19, $0xb8;
	[tilespmem:$0x8800] =	vst v63  }
0xd0: {  	_ =	swait.ge [sflag:s11], $0x200  }
0xd1: {  	[sflag:s11] =	ssyncset.done $0x0  }
0xd2: {  	s15 =	simm.s32 $0x2AC0;
	[sflag:s11] =	ssyncadd.s32 $0xFFFFFE00  }
0xd3: {  	[spmem:s1] =	stream.indirect.scatter.add.f32 [tilespmem:s23], [sflag:$0xC], $0x8, s15, s19, $0xb8;
	[tilespmem:$0x8800] =	vst v63  }
0xd4: {  	_ =	swait.ge [sflag:s0], $0x200  }
0xd5: {  	[sflag:s0] =	ssyncset.done $0x0  }
0xd6: {  	s17 =	simm.s32 $0x400;
	[sflag:s0] =	ssyncadd.s32 $0xFFFFFE00  }
0xd7: {  	[tilespmem:s20], [sflag:$0x1] =	stream.indirect.gather [spmem:s13], $0x8, s17, s19, $0xb8;
	[tilespmem:$0x8800] =	vst v63  }
0xd8: {  	_ =	swait.ge [sflag:s3], $0x200  }
0xd9: {  	[sflag:s3] =	ssyncset.done $0x0  }
0xda: {  	s15 =	simm.s32 $0x2B00;
	[sflag:s3] =	ssyncadd.s32 $0xFFFFFE00  }
0xdb: {  	[spmem:s1] =	stream.indirect.scatter.add.f32 [tilespmem:s24], [sflag:$0xD], $0x8, s15, s19, $0xb8;
	[tilespmem:$0x8800] =	vst v63  }
0xdc: {  	_ =	swait.ge [sflag:s4], $0x200  }
0xdd: {  	[sflag:s4] =	ssyncset.done $0x0  }
0xde: {  	s17 =	simm.s32 $0x440;
	[sflag:s4] =	ssyncadd.s32 $0xFFFFFE00  }
0xdf: {  	[tilespmem:s21], [sflag:$0x2] =	stream.indirect.gather [spmem:s13], $0x8, s17, s19, $0xb8;
	[tilespmem:$0x8800] =	vst v63  }
0xe0: {  	_ =	swait.ge [sflag:s18], $0x200  }
0xe1: {  	[sflag:s18] =	ssyncset.done $0x0  }
0xe2: {  	s15 =	simm.s32 $0x2B40;
	[sflag:s18] =	ssyncadd.s32 $0xFFFFFE00  }
0xe3: {  	[spmem:s1] =	stream.indirect.scatter.add.f32 [tilespmem:s26], [sflag:$0xE], $0x8, s15, s19, $0xb8;
	[tilespmem:$0x8800] =	vst v63  }
0xe4: {  	_ =	swait.ge [sflag:s5], $0x200  }
0xe5: {  	[sflag:s5] =	ssyncset.done $0x0  }
0xe6: {  	s17 =	simm.s32 $0x480;
	[sflag:s5] =	ssyncadd.s32 $0xFFFFFE00  }
0xe7: {  	[tilespmem:s22], [sflag:$0x3] =	stream.indirect.gather [spmem:s13], $0x8, s17, s19, $0xb8;
	[tilespmem:$0x8800] =	vst v63  }
0xe8: {  	_ =	swait.ge [sflag:s6], $0x200  }
0xe9: {  	[sflag:s6] =	ssyncset.done $0x0  }
0xea: {  	s15 =	simm.s32 $0x2B80;
	[sflag:s6] =	ssyncadd.s32 $0xFFFFFE00  }
0xeb: {  	[spmem:s1] =	stream.indirect.scatter.add.f32 [tilespmem:s29], [sflag:$0xF], $0x8, s15, s19, $0xb8;
	[tilespmem:$0x8800] =	vst v63  }
0xec: {  	_ =	swait.ge [sflag:s7], $0x200  }
0xed: {  	[sflag:s7] =	ssyncset.done $0x0  }
0xee: {  	s17 =	simm.s32 $0x4C0;
	[sflag:s7] =	ssyncadd.s32 $0xFFFFFE00  }
0xef: {  	[tilespmem:s23], [sflag:$0x4] =	stream.indirect.gather [spmem:s13], $0x8, s17, s19, $0xb8;
	[tilespmem:$0x8800] =	vst v63  }
0xf0: {  	_ =	swait.ge [sflag:s8], $0x200  }
0xf1: {  	[sflag:s8] =	ssyncset.done $0x0  }
0xf2: {  	s2 =	simm.s32 $0x800;
	s15 =	simm.s32 $0x2BC0;
	[sflag:s8] =	ssyncadd.s32 $0xFFFFFE00  }
.LBB2_2:
0xf3: {  	[spmem:s1] =	stream.indirect.scatter.add.f32 [tilespmem:s31], [sflag:$0x10], $0x8, s15, s19, $0xb8;
	[tilespmem:$0x8800] =	vst v63  }
0xf4: {  	s15 =	smov.u32 s2  }
0xf5: {  	p0 =	sne.s32 s2, $0x8800;
	s2 =	sadd.s32 $0x800, s2;
	_ =	swait.ge [sflag:s9], $0x200  }
0xf6: {  	s15 =	sshra.s32 s15, $0x2;
	[sflag:s9] =	ssyncset.done $0x0  }
0xf7: {  	s17 =	sadd.s32 $0x300, s15;
	[sflag:s9] =	ssyncadd.s32 $0xFFFFFE00  }
0xf8: {  	[tilespmem:s24], [sflag:$0x5] =	stream.indirect.gather [spmem:s13], $0x8, s17, s19, $0xb8;
	[tilespmem:$0x8800] =	vst v63  }
0xf9: {  	_ =	swait.ge [sflag:s25], $0x200  }
0xfa: {  	[sflag:s25] =	ssyncset.done $0x0  }
0xfb: {  	s17 =	sadd.s32 $0x2A00, s15;
	[sflag:s25] =	ssyncadd.s32 $0xFFFFFE00  }
0xfc: {  	[spmem:s1] =	stream.indirect.scatter.add.f32 [tilespmem:s20], [sflag:$0x9], $0x8, s17, s19, $0xb8;
	[tilespmem:$0x8800] =	vst v63  }
0xfd: {  	_ =	swait.ge [sflag:s10], $0x200  }
0xfe: {  	[sflag:s10] =	ssyncset.done $0x0  }
0xff: {  	s17 =	sadd.s32 $0x340, s15;
	[sflag:s10] =	ssyncadd.s32 $0xFFFFFE00  }
0x100: {  	[tilespmem:s26], [sflag:$0x6] =	stream.indirect.gather [spmem:s13], $0x8, s17, s19, $0xb8;
	[tilespmem:$0x8800] =	vst v63  }
0x101: {  	_ =	swait.ge [sflag:s28], $0x200  }
0x102: {  	[sflag:s28] =	ssyncset.done $0x0  }
0x103: {  	s17 =	sadd.s32 $0x2A40, s15;
	[sflag:s28] =	ssyncadd.s32 $0xFFFFFE00  }
0x104: {  	[spmem:s1] =	stream.indirect.scatter.add.f32 [tilespmem:s21], [sflag:$0xA], $0x8, s17, s19, $0xb8;
	[tilespmem:$0x8800] =	vst v63  }
0x105: {  	_ =	swait.ge [sflag:s12], $0x200  }
0x106: {  	[sflag:s12] =	ssyncset.done $0x0  }
0x107: {  	s17 =	sadd.s32 $0x380, s15;
	[sflag:s12] =	ssyncadd.s32 $0xFFFFFE00  }
0x108: {  	[tilespmem:s29], [sflag:$0x7] =	stream.indirect.gather [spmem:s13], $0x8, s17, s19, $0xb8;
	[tilespmem:$0x8800] =	vst v63  }
0x109: {  	_ =	swait.ge [sflag:s30], $0x200  }
0x10a: {  	[sflag:s30] =	ssyncset.done $0x0  }
0x10b: {  	s17 =	sadd.s32 $0x2A80, s15;
	[sflag:s30] =	ssyncadd.s32 $0xFFFFFE00  }
0x10c: {  	[spmem:s1] =	stream.indirect.scatter.add.f32 [tilespmem:s22], [sflag:$0xB], $0x8, s17, s19, $0xb8;
	[tilespmem:$0x8800] =	vst v63  }
0x10d: {  	_ =	swait.ge [sflag:s16], $0x200  }
0x10e: {  	[sflag:s16] =	ssyncset.done $0x0  }
0x10f: {  	s17 =	sadd.s32 $0x3C0, s15;
	[sflag:s16] =	ssyncadd.s32 $0xFFFFFE00  }
0x110: {  	[tilespmem:s31], [sflag:$0x8] =	stream.indirect.gather [spmem:s13], $0x8, s17, s19, $0xb8;
	[tilespmem:$0x8800] =	vst v63  }
0x111: {  	_ =	swait.ge [sflag:s11], $0x200  }
0x112: {  	[sflag:s11] =	ssyncset.done $0x0  }
0x113: {  	s17 =	sadd.s32 $0x2AC0, s15;
	[sflag:s11] =	ssyncadd.s32 $0xFFFFFE00  }
0x114: {  	[spmem:s1] =	stream.indirect.scatter.add.f32 [tilespmem:s23], [sflag:$0xC], $0x8, s17, s19, $0xb8;
	[tilespmem:$0x8800] =	vst v63  }
0x115: {  	_ =	swait.ge [sflag:s0], $0x200  }
0x116: {  	[sflag:s0] =	ssyncset.done $0x0  }
0x117: {  	s17 =	sadd.s32 $0x400, s15;
	[sflag:s0] =	ssyncadd.s32 $0xFFFFFE00  }
0x118: {  	[tilespmem:s20], [sflag:$0x1] =	stream.indirect.gather [spmem:s13], $0x8, s17, s19, $0xb8;
	[tilespmem:$0x8800] =	vst v63  }
0x119: {  	_ =	swait.ge [sflag:s3], $0x200  }
0x11a: {  	[sflag:s3] =	ssyncset.done $0x0  }
0x11b: {  	s17 =	sadd.s32 $0x2B00, s15;
	[sflag:s3] =	ssyncadd.s32 $0xFFFFFE00  }
0x11c: {  	[spmem:s1] =	stream.indirect.scatter.add.f32 [tilespmem:s24], [sflag:$0xD], $0x8, s17, s19, $0xb8;
	[tilespmem:$0x8800] =	vst v63  }
0x11d: {  	_ =	swait.ge [sflag:s4], $0x200  }
0x11e: {  	[sflag:s4] =	ssyncset.done $0x0  }
0x11f: {  	s17 =	sadd.s32 $0x440, s15;
	[sflag:s4] =	ssyncadd.s32 $0xFFFFFE00  }
0x120: {  	[tilespmem:s21], [sflag:$0x2] =	stream.indirect.gather [spmem:s13], $0x8, s17, s19, $0xb8;
	[tilespmem:$0x8800] =	vst v63  }
0x121: {  	_ =	swait.ge [sflag:s18], $0x200  }
0x122: {  	[sflag:s18] =	ssyncset.done $0x0  }
0x123: {  	s17 =	sadd.s32 $0x2B40, s15;
	[sflag:s18] =	ssyncadd.s32 $0xFFFFFE00  }
0x124: {  	[spmem:s1] =	stream.indirect.scatter.add.f32 [tilespmem:s26], [sflag:$0xE], $0x8, s17, s19, $0xb8;
	[tilespmem:$0x8800] =	vst v63  }
0x125: {  	_ =	swait.ge [sflag:s5], $0x200  }
0x126: {  	[sflag:s5] =	ssyncset.done $0x0  }
0x127: {  	s17 =	sadd.s32 $0x480, s15;
	[sflag:s5] =	ssyncadd.s32 $0xFFFFFE00  }
0x128: {  	[tilespmem:s22], [sflag:$0x3] =	stream.indirect.gather [spmem:s13], $0x8, s17, s19, $0xb8;
	[tilespmem:$0x8800] =	vst v63  }
0x129: {  	_ =	swait.ge [sflag:s6], $0x200  }
0x12a: {  	[sflag:s6] =	ssyncset.done $0x0  }
0x12b: {  	s17 =	sadd.s32 $0x2B80, s15;
	[sflag:s6] =	ssyncadd.s32 $0xFFFFFE00  }
0x12c: {  	[spmem:s1] =	stream.indirect.scatter.add.f32 [tilespmem:s29], [sflag:$0xF], $0x8, s17, s19, $0xb8;
	[tilespmem:$0x8800] =	vst v63  }
0x12d: {  	_ =	swait.ge [sflag:s7], $0x200  }
0x12e: {  	[sflag:s7] =	ssyncset.done $0x0  }
.Ltmp0:
0x12f: {  	s17 =	sadd.s32 $0x4C0, s15;
	[sflag:s7] =	ssyncadd.s32 $0xFFFFFE00;
	(pc) =	sbr.rel @p0 .LBB2_2-.Ltmp0, $4  }
0x130: {  	[tilespmem:s23], [sflag:$0x4] =	stream.indirect.gather [spmem:s13], $0x8, s17, s19, $0xb8;
	[tilespmem:$0x8800] =	vst v63  }
0x131: {  	_ =	swait.ge [sflag:s8], $0x200  }
0x132: {  	[sflag:s8] =	ssyncset.done $0x0  }
0x133: {  	s15 =	sadd.s32 $0x2BC0, s15;
	[sflag:s8] =	ssyncadd.s32 $0xFFFFFE00  }
0x134: {  	[spmem:s1] =	stream.indirect.scatter.add.f32 [tilespmem:s31], [sflag:$0x10], $0x8, s15, s19, $0xb8;
	[tilespmem:$0x8800] =	vst v63  }
0x135: {  	_ =	swait.ge [sflag:s9], $0x200  }
0x136: {  	[sflag:s9] =	ssyncset.done $0x0  }
0x137: {  	s2 =	simm.s32 $0x2700;
	[sflag:s9] =	ssyncadd.s32 $0xFFFFFE00  }
0x138: {  	[tilespmem:s24], [sflag:$0x5] =	stream.indirect.gather [spmem:s13], $0x8, s2, s19, $0xb8;
	[tilespmem:$0x8800] =	vst v63  }
0x139: {  	_ =	swait.ge [sflag:s25], $0x200  }
0x13a: {  	[sflag:s25] =	ssyncset.done $0x0  }
0x13b: {  	s17 =	simm.s32 $0x4E00;
	[sflag:s25] =	ssyncadd.s32 $0xFFFFFE00  }
0x13c: {  	[spmem:s1] =	stream.indirect.scatter.add.f32 [tilespmem:s20], [sflag:$0x9], $0x8, s17, s19, $0xb8;
	[tilespmem:$0x8800] =	vst v63  }
0x13d: {  	_ =	swait.ge [sflag:s10], $0x200  }
0x13e: {  	[sflag:s10] =	ssyncset.done $0x0  }
0x13f: {  	s15 =	simm.s32 $0x2740;
	[sflag:s10] =	ssyncadd.s32 $0xFFFFFE00  }
0x140: {  	[tilespmem:s26], [sflag:$0x6] =	stream.indirect.gather [spmem:s13], $0x8, s15, s19, $0xb8;
	[tilespmem:$0x8800] =	vst v63  }
0x141: {  	_ =	swait.ge [sflag:s28], $0x200  }
0x142: {  	[sflag:s28] =	ssyncset.done $0x0  }
0x143: {  	s17 =	simm.s32 $0x4E40;
	[sflag:s28] =	ssyncadd.s32 $0xFFFFFE00  }
0x144: {  	[spmem:s1] =	stream.indirect.scatter.add.f32 [tilespmem:s21], [sflag:$0xA], $0x8, s17, s19, $0xb8;
	[tilespmem:$0x8800] =	vst v63  }
0x145: {  	_ =	swait.ge [sflag:s12], $0x200  }
0x146: {  	[sflag:s12] =	ssyncset.done $0x0  }
0x147: {  	s15 =	simm.s32 $0x2780;
	[sflag:s12] =	ssyncadd.s32 $0xFFFFFE00  }
0x148: {  	[tilespmem:s29], [sflag:$0x7] =	stream.indirect.gather [spmem:s13], $0x8, s15, s19, $0xb8;
	[tilespmem:$0x8800] =	vst v63  }
0x149: {  	_ =	swait.ge [sflag:s30], $0x200  }
0x14a: {  	[sflag:s30] =	ssyncset.done $0x0  }
0x14b: {  	s17 =	simm.s32 $0x4E80;
	[sflag:s30] =	ssyncadd.s32 $0xFFFFFE00  }
0x14c: {  	[spmem:s1] =	stream.indirect.scatter.add.f32 [tilespmem:s22], [sflag:$0xB], $0x8, s17, s19, $0xb8;
	[tilespmem:$0x8800] =	vst v63  }
0x14d: {  	_ =	swait.ge [sflag:s16], $0x200  }
0x14e: {  	[sflag:s16] =	ssyncset.done $0x0  }
0x14f: {  	s15 =	simm.s32 $0x27C0;
	[sflag:s16] =	ssyncadd.s32 $0xFFFFFE00  }
0x150: {  	[tilespmem:s31], [sflag:$0x8] =	stream.indirect.gather [spmem:s13], $0x8, s15, s19, $0xb8;
	[tilespmem:$0x8800] =	vst v63  }
0x151: {  	_ =	swait.ge [sflag:s11], $0x200  }
0x152: {  	[sflag:s11] =	ssyncset.done $0x0  }
0x153: {  	s17 =	simm.s32 $0x4EC0;
	[sflag:s11] =	ssyncadd.s32 $0xFFFFFE00  }
0x154: {  	[spmem:s1] =	stream.indirect.scatter.add.f32 [tilespmem:s23], [sflag:$0xC], $0x8, s17, s19, $0xb8;
	[tilespmem:$0x8800] =	vst v63  }
0x155: {  	_ =	swait.ge [sflag:s3], $0x200  }
0x156: {  	[sflag:s3] =	ssyncset.done $0x0  }
0x157: {  	s15 =	simm.s32 $0x4F00;
	[sflag:s3] =	ssyncadd.s32 $0xFFFFFE00  }
0x158: {  	[spmem:s1] =	stream.indirect.scatter.add.f32 [tilespmem:s24], [sflag:$0xD], $0x8, s15, s19, $0xb8;
	[tilespmem:$0x8800] =	vst v63  }
0x159: {  	_ =	swait.ge [sflag:s18], $0x200  }
0x15a: {  	[sflag:s18] =	ssyncset.done $0x0  }
0x15b: {  	s17 =	simm.s32 $0x4F40;
	[sflag:s18] =	ssyncadd.s32 $0xFFFFFE00  }
0x15c: {  	[spmem:s1] =	stream.indirect.scatter.add.f32 [tilespmem:s26], [sflag:$0xE], $0x8, s17, s19, $0xb8;
	[tilespmem:$0x8800] =	vst v63  }
0x15d: {  	_ =	swait.ge [sflag:s6], $0x200  }
0x15e: {  	[sflag:s6] =	ssyncset.done $0x0  }
0x15f: {  	s15 =	simm.s32 $0x4F80;
	[sflag:s6] =	ssyncadd.s32 $0xFFFFFE00  }
0x160: {  	[spmem:s1] =	stream.indirect.scatter.add.f32 [tilespmem:s29], [sflag:$0xF], $0x8, s15, s19, $0xb8;
	[tilespmem:$0x8800] =	vst v63  }
0x161: {  	_ =	swait.ge [sflag:s8], $0x200  }
0x162: {  	[sflag:s8] =	ssyncset.done $0x0  }
0x163: {  	s17 =	simm.s32 $0x4FC0;
	[sflag:s8] =	ssyncadd.s32 $0xFFFFFE00  }
0x164: {  	[spmem:s1] =	stream.indirect.scatter.add.f32 [tilespmem:s31], [sflag:$0x10], $0x8, s17, s19, $0xb8;
	[tilespmem:$0x8800] =	vst v63  }
0x165: {  	_ =	swait.ge [sflag:s0], $0x200  }
0x166: {  	[sflag:s0] =	ssyncset.done $0x0  }
0x167: {  	[sflag:s0] =	ssyncadd.s32 $0xFFFFFE00  }
0x168: {  	_ =	swait.ge [sflag:s4], $0x200  }
0x169: {  	[sflag:s4] =	ssyncset.done $0x0  }
0x16a: {  	[sflag:s4] =	ssyncadd.s32 $0xFFFFFE00  }
0x16b: {  	_ =	swait.ge [sflag:s5], $0x200  }
0x16c: {  	[sflag:s5] =	ssyncset.done $0x0  }
0x16d: {  	[sflag:s5] =	ssyncadd.s32 $0xFFFFFE00  }
0x16e: {  	_ =	swait.ge [sflag:s7], $0x200  }
0x16f: {  	[sflag:s7] =	ssyncset.done $0x0  }
0x170: {  	[sflag:s7] =	ssyncadd.s32 $0xFFFFFE00  }
0x171: {  	_ =	swait.ge [sflag:s9], $0x200  }
0x172: {  	[sflag:s9] =	ssyncset.done $0x0  }
0x173: {  	[sflag:s9] =	ssyncadd.s32 $0xFFFFFE00  }
0x174: {  	_ =	swait.ge [sflag:s10], $0x200  }
0x175: {  	[sflag:s10] =	ssyncset.done $0x0  }
0x176: {  	[sflag:s10] =	ssyncadd.s32 $0xFFFFFE00  }
0x177: {  	_ =	swait.ge [sflag:s12], $0x200  }
0x178: {  	[sflag:s12] =	ssyncset.done $0x0  }
0x179: {  	[sflag:s12] =	ssyncadd.s32 $0xFFFFFE00  }
0x17a: {  	_ =	swait.ge [sflag:s16], $0x200  }
0x17b: {  	[sflag:s16] =	ssyncset.done $0x0  }
0x17c: {  	[sflag:s16] =	ssyncadd.s32 $0xFFFFFE00  }
0x17d: {  	[bflag:$0x0] =	sbarrier.arrive $0xFFFF  }
0x17e: {  	s2 =	rddreg [dreg:$0x4]  }
0x17f: {  	s17 =	rddreg [dreg:$0x10]  }
0x180: {  	s15 =	rddreg [dreg:$0x1f]  }
0x181: {  	[hbm:s2], [sflag:s17] =	dma.local [spmem:s15], $0x40  }
0x182: {  	_ =	swait.ge [sflag:s14], $0x40  }
0x183: {  	s15 =	sld [smem:$0x7F5]  }
0x184: {  	[sflag:s14] =	ssyncset.done $0x0  }
0x185: {  	s2 =	rddreg [dreg:$0x5];
	[sflag:s14] =	ssyncadd.s32 $0xFFFFFFC0  }
0x186: {  	[hbm:s2], [sflag:s17] =	dma.local [spmem:s15], $0x40  }
0x187: {  	_ =	swait.ge [sflag:s14], $0x40  }
0x188: {  	s15 =	sld [smem:$0x7F6]  }
0x189: {  	[sflag:s14] =	ssyncset.done $0x0  }
0x18a: {  	s2 =	rddreg [dreg:$0x6];
	[sflag:s14] =	ssyncadd.s32 $0xFFFFFFC0  }
0x18b: {  	[hbm:s2], [sflag:s17] =	dma.local [spmem:s15], $0x40  }
0x18c: {  	_ =	swait.ge [sflag:s14], $0x40  }
0x18d: {  	s15 =	sld [smem:$0x7F7]  }
0x18e: {  	[sflag:s14] =	ssyncset.done $0x0  }
0x18f: {  	s2 =	rddreg [dreg:$0x7];
	[sflag:s14] =	ssyncadd.s32 $0xFFFFFFC0  }
0x190: {  	[hbm:s2], [sflag:s17] =	dma.local [spmem:s15], $0x40  }
0x191: {  	_ =	swait.ge [sflag:s14], $0x40  }
0x192: {  	s15 =	sld [smem:$0x7F8]  }
0x193: {  	[sflag:s14] =	ssyncset.done $0x0  }
0x194: {  	s2 =	rddreg [dreg:$0x8];
	[sflag:s14] =	ssyncadd.s32 $0xFFFFFFC0  }
0x195: {  	[hbm:s2], [sflag:s17] =	dma.local [spmem:s15], $0x40  }
0x196: {  	_ =	swait.ge [sflag:s14], $0x40  }
0x197: {  	s15 =	sld [smem:$0x7F9]  }
0x198: {  	[sflag:s14] =	ssyncset.done $0x0  }
0x199: {  	s2 =	rddreg [dreg:$0x9];
	[sflag:s14] =	ssyncadd.s32 $0xFFFFFFC0  }
0x19a: {  	[hbm:s2], [sflag:s17] =	dma.local [spmem:s15], $0x40  }
0x19b: {  	_ =	swait.ge [sflag:s14], $0x40  }
0x19c: {  	s15 =	sld [smem:$0x7FA]  }
0x19d: {  	[sflag:s14] =	ssyncset.done $0x0  }
0x19e: {  	s2 =	rddreg [dreg:$0xa];
	[sflag:s14] =	ssyncadd.s32 $0xFFFFFFC0  }
0x19f: {  	[hbm:s2], [sflag:s17] =	dma.local [spmem:s15], $0x40  }
0x1a0: {  	_ =	swait.ge [sflag:s14], $0x40  }
0x1a1: {  	s15 =	sld [smem:$0x7FB]  }
0x1a2: {  	[sflag:s14] =	ssyncset.done $0x0  }
0x1a3: {  	s2 =	rddreg [dreg:$0xb];
	[sflag:s14] =	ssyncadd.s32 $0xFFFFFFC0  }
0x1a4: {  	[hbm:s2], [sflag:s17] =	dma.local [spmem:s15], $0x40  }
0x1a5: {  	_ =	swait.ge [sflag:s14], $0x40  }
0x1a6: {  	s15 =	sld [smem:$0x7FC]  }
0x1a7: {  	[sflag:s14] =	ssyncset.done $0x0  }
0x1a8: {  	s2 =	rddreg [dreg:$0xc];
	[sflag:s14] =	ssyncadd.s32 $0xFFFFFFC0  }
0x1a9: {  	[hbm:s2], [sflag:s17] =	dma.local [spmem:s15], $0x40  }
0x1aa: {  	_ =	swait.ge [sflag:s14], $0x40  }
0x1ab: {  	s15 =	sld [smem:$0x7FD]  }
0x1ac: {  	[sflag:s14] =	ssyncset.done $0x0  }
0x1ad: {  	s2 =	rddreg [dreg:$0xd];
	[sflag:s14] =	ssyncadd.s32 $0xFFFFFFC0  }
0x1ae: {  	[hbm:s2], [sflag:s17] =	dma.local [spmem:s15], $0x40  }
0x1af: {  	_ =	swait.ge [sflag:s14], $0x40  }
0x1b0: {  	s2 =	sld [smem:$0x7F4];
	_ =	sdelay $0x2  }
0x1b1: {  	s15 =	sadd.s32 $0x1, s2;
	s2 =	rddreg [dreg:$0x14]  }
0x1b2: {  	p0 =	sne.s32 s15, s2  }
.Ltmp1:
0x1b3: {  	_ = 	snop;
	(pc) =	sbr.rel @p0 .LBB2_1-.Ltmp1, $3  }
0x1b4: {  	_ =	sdelay $0x1  }
0x1b5: {  	[sflag:s14] =	ssyncset.done $0x0  }
0x1b6: {  	[sflag:s14] =	ssyncadd.s32 $0xFFFFFFC0  }
0x1b7: {  	_ =	sfence.sel $0x180000  }
0x1b8: {  	[bflag:$0x0] =	sbarrier.arrive $0xFFFF  }
0x1b9: {  	_ =	strace $0x9000004D  }
0x1ba: {  	s0 =	stileid.u32;
	[bflag:$0x2] =	sbarrier.arrive $0xFFFF  }
0x1bb: {  	p0 =	sne.s32 s0, $0x0;
	s0 =	rddreg [dreg:$0x3]  }
0x1bc: {  	s0 =	sadd.s32 @!p0 $0x100000, s0  }
0x1bd: {  	[sflag:s0] =	ssyncadd.tile.s32 @!p0 $0x1;
	_ =	shalt  }
.Lfunc_end2:
_tile_overlayer_lowered:
.L_overlay_start_2:
0x1be: {  	(tag) =	ssettag $0x2  }
0x1bf: {  	s0 =	rddreg [dreg:$0x0];
	s2 =	stileid.u32  }
0x1c0: {  	s1 =	rddreg [dreg:$0x1];
	p0 =	sne.s32 s2, $0x0  }
0x1c1: {  	s3 =	rddreg [dreg:$0x2];
	[bflag:$0x3] =	sbarrier.arrive $0xFFFF;
	s2 =	simm.s32 @!p0 $0x1C11  }
0x1c2: {  	[timem:s3], [sflag:s2] =	dma.local @!p0 [hbm:s0], s1  }
0x1c3: {  	s0 =	simm.s32 @!p0 $0x11  }
0x1c4: {  	_ =	swait.ge @!p0 [sflag:s0], s1  }
0x1c5: {  	s1 =	ssub.s32 @!p0 $0x0, s1;
	[sflag:s0] =	ssyncset.done @!p0 $0x0  }
0x1c6: {  	[sflag:s0] =	ssyncadd.s32 @!p0 s1  }
0x1c7: {  	[bflag:$0x3] =	sbarrier.arrive $0xFFFF  }
0x1c8: {  	_ =	shalt  }

// kernel: kernel.8.cloned.1.call-start
scs
__scs_entry_jumppad:
0x0: {  	(pc) =	sbr.rel $0x88, $3  }
0x1: {  	(tag) =	ssettag $0x0;
	lr =	simm.s32 $0x1  }
0x2: {  	[smem:$0x3F96] =	sst lr;
	_ =	strace $0xD0000000  }
0x3: {  	_ = 	snop  }
0x4: {  	_ = 	snop  }
0x5: {  	_ = 	snop  }
0x6: {  	_ = 	snop  }
0x7: {  	_ = 	snop  }
__scs_overlays_trampoline_lowered:
0x8: {  	[smem:$0x3FA5] =	sst s0  }
0x9: {  	[smem:$0x3FA6] =	sst s1  }
0xa: {  	[smem:$0x3FA7] =	sst s2  }
0xb: {  	[smem:$0x3FA8] =	sst s3  }
0xc: {  	[smem:$0x3FA9] =	sst s4  }
0xd: {  	[smem:$0x3FAA] =	sst s5  }
0xe: {  	[smem:$0x3FAB] =	sst s6  }
0xf: {  	[smem:$0x3FAC] =	sst s7  }
0x10: {  	[smem:$0x3FAD] =	sst s8  }
0x11: {  	[smem:$0x3FAE] =	sst s9;
	s0 =	simm.s32 @!p0 $0x0  }
0x12: {  	s1 =	sld [smem:$0x3F94];
	s0 =	simm.s32 @p0 $0x1  }
0x13: {  	[smem:$0x3FAF] =	sst s0;
	s0 =	simm.s32 @!p1 $0x0  }
0x14: {  	s2 =	sld [smem:$0x3F93];
	s0 =	simm.s32 @p1 $0x1  }
0x15: {  	[smem:$0x3FB0] =	sst s0;
	s0 =	simm.s32 @!p2 $0x0  }
0x16: {  	s3 =	sld [smem:$0x3FDB];
	s0 =	simm.s32 @p2 $0x1  }
0x17: {  	s4 =	simm.s32 $0x1BF5;
	[smem:$0x3FB2] =	sst s0  }
0x18: {  	s0 =	sld [smem:$0x3F95];
	_ =	swait.ge [sflag:s4], $0x0  }
0x19: {  	s7 =	sld [smem:$0x3F96]  }
0x1a: {  	s8 =	sadd.s32 $0xFFFFE003, lr  }
0x1b: {  	s9 =	sadd.s32 $0xFFFFFEF7, lr;
	s5 =	simm.s32 $0xFFFFFFFF;
	p2 =	slt.u32 s8, $0xFFFFF086  }
0x1c: {  	p1 =	slt.u32 s9, $0xF7A;
	s5 =	simm.s32 @!p2 $0x0  }
0x1d: {  	s5 =	simm.s32 @p1 $0x1;
	p0 =	seq.s32 s7, s2  }
0x1e: {  	s7 =	smul.u32 @!p0 $0xF7A, s2;
	p2 =	seq.s32 @!p0 s5, $0x0  }
0x1f: {  	s9 =	smul.u32 $0xF7A, s1;
	s8 =	simm.s32 @!p0 $0x1BF5;
	p2 =	por !p2, p0  }
0x20: {  	[sflag:s8] =	ssyncset.s32 @!p0 $0xFFFFF086;
	s6 =	sadd.s32 @!p0 s3, s7;
	s7 =	simm.s32 @!p0 $0x108  }
0x21: {  	s3 =	sadd.s32 s3, s9;
	s6 =	sadd.s32 @!p0 $0x88, s6;
	s7 =	simm.s32 @p2 $0x1082  }
0x22: {  	[simem:s7], [sflag:s8] =	dma.local @!p0 [hbm:s6], $0xF7A  }
0x23: {  	s9 =	sor.u32 $0xD0000000, s2;
	s6 =	simm.s32 $0x108;
	_ =	swait.ge @!p0 [sflag:s8], $0x0  }
0x24: {  	s3 =	sadd.s32 $0x88, s3;
	s6 =	simm.s32 @!p1 $0x1082;
	[sflag:s4] =	ssyncset.s32 $0xFFFFF086  }
0x25: {  	[simem:s6], [sflag:s4] =	dma.local [hbm:s3], $0xF7A  }
0x26: {  	[smem:$0x3F96] =	sst s1;
	(tag) =	ssettag s2;
	_ =	strace s9  }
0x27: {  	s1 =	sld [smem:$0x3FA6]  }
0x28: {  	s2 =	sld [smem:$0x3FA7]  }
0x29: {  	s4 =	sld [smem:$0x3FA9]  }
0x2a: {  	p0 =	seq.s32 s5, $0x0;
	s5 =	sld [smem:$0x3FAA]  }
0x2b: {  	s6 =	sld [smem:$0x3FAB]  }
0x2c: {  	s7 =	sld [smem:$0x3FAC]  }
0x2d: {  	s3 =	simm.s32 $0x108;
	s8 =	sld [smem:$0x3FAD]  }
0x2e: {  	s3 =	simm.s32 @!p0 $0x1082;
	s9 =	sld [smem:$0x3FAE]  }
0x2f: {  	lr =	sadd.s32 s0, s3;
	s0 =	sld [smem:$0x3FA5]  }
0x30: {  	s3 =	sld [smem:$0x3FA8]  }
0x31: {  	[smem:$0x3FB1] =	sst s10  }
0x32: {  	s10 =	sld [smem:$0x3FAF];
	_ =	sdelay $0x3  }
0x33: {  	p0 =	seq.s32 s10, $0x1;
	s10 =	sld [smem:$0x3FB1];
	_ =	sdelay $0x3  }
0x34: {  	[smem:$0x3FB1] =	sst s10  }
0x35: {  	s10 =	sld [smem:$0x3FB0];
	_ =	sdelay $0x3  }
0x36: {  	p1 =	seq.s32 s10, $0x1;
	s10 =	sld [smem:$0x3FB1];
	_ =	sdelay $0x3  }
0x37: {  	[smem:$0x3FB1] =	sst s10  }
0x38: {  	s10 =	sld [smem:$0x3FB2]  }
0x39: {  	_ = 	snop;
	(pc) =	sbr.ind lr, $3  }
0x3a: {  	_ = 	snop  }
0x3b: {  	_ = 	snop  }
0x3c: {  	p2 =	seq.s32 s10, $0x1;
	s10 =	sld [smem:$0x3FB1]  }
0x3d: {  	_ =	shalt  }
0x3e: {  	_ =	shalt  }
0x3f: {  	_ =	shalt  }
0x40: {  	_ =	shalt  }
0x41: {  	_ =	shalt  }
0x42: {  	_ =	shalt  }
0x43: {  	_ =	shalt  }
0x44: {  	_ =	shalt  }
0x45: {  	_ =	shalt  }
0x46: {  	_ =	shalt  }
0x47: {  	_ =	shalt  }
0x48: {  	_ =	shalt  }
0x49: {  	_ =	shalt  }
0x4a: {  	_ =	shalt  }
0x4b: {  	_ =	shalt  }
0x4c: {  	_ =	shalt  }
0x4d: {  	_ =	shalt  }
0x4e: {  	_ =	shalt  }
0x4f: {  	_ =	shalt  }
0x50: {  	_ =	shalt  }
0x51: {  	_ =	shalt  }
0x52: {  	_ =	shalt  }
0x53: {  	_ =	shalt  }
0x54: {  	_ =	shalt  }
0x55: {  	_ =	shalt  }
0x56: {  	_ =	shalt  }
0x57: {  	_ =	shalt  }
0x58: {  	_ =	shalt  }
0x59: {  	_ =	shalt  }
0x5a: {  	_ =	shalt  }
0x5b: {  	_ =	shalt  }
0x5c: {  	_ =	shalt  }
0x5d: {  	_ =	shalt  }
0x5e: {  	_ =	shalt  }
0x5f: {  	_ =	shalt  }
0x60: {  	_ =	shalt  }
0x61: {  	_ =	shalt  }
0x62: {  	_ =	shalt  }
0x63: {  	_ =	shalt  }
0x64: {  	_ =	shalt  }
0x65: {  	_ =	shalt  }
0x66: {  	_ =	shalt  }
0x67: {  	_ =	shalt  }
0x68: {  	_ =	shalt  }
0x69: {  	_ =	shalt  }
0x6a: {  	_ =	shalt  }
0x6b: {  	_ =	shalt  }
0x6c: {  	_ =	shalt  }
0x6d: {  	_ =	shalt  }
0x6e: {  	_ =	shalt  }
0x6f: {  	_ =	shalt  }
0x70: {  	_ =	shalt  }
0x71: {  	_ =	shalt  }
0x72: {  	_ =	shalt  }
0x73: {  	_ =	shalt  }
0x74: {  	_ =	shalt  }
0x75: {  	_ =	shalt  }
0x76: {  	_ =	shalt  }
0x77: {  	_ =	shalt  }
0x78: {  	_ =	shalt  }
0x79: {  	_ =	shalt  }
0x7a: {  	_ =	shalt  }
0x7b: {  	_ =	shalt  }
0x7c: {  	_ =	shalt  }
0x7d: {  	_ =	shalt  }
0x7e: {  	_ =	shalt  }
0x7f: {  	_ =	shalt  }
0x80: {  	_ =	shalt  }
0x81: {  	_ =	shalt  }
0x82: {  	_ =	shalt  }
0x83: {  	_ =	shalt  }
0x84: {  	_ =	shalt  }
0x85: {  	_ =	shalt  }
0x86: {  	_ =	shalt  }
0x87: {  	_ =	shalt  }
.Lfunc_end0:
.L_simem_size_0:
called_computation_lowered:
.L_overlay_start_0:
0x88: {  	s2 =	sld [smem:$0x3FD9]  }
0x89: {  	s3 =	sld [smem:$0x3FFE];
	_ =	sdelay $0x1  }
0x8a: {  	s1 =	srdreg.scid  }
0x8b: {  	s0 =	sand.u32 $0x1, s1  }
0x8c: {  	s16 =	sshll.u32 s0, $0xA;
	s2 =	sadd.s32 s3, s2  }
0x8d: {  	s2 =	sadd.s32 s2, s16  }
0x8e: {  	[smem:$0x3FBD] =	sst s2  }
0x8f: {  	_ = 	snop  }
0x90: {  	(tm) =	ssettm $0x1  }
0x91: {  	s17 =	sld [smem:$0x3FFB];
	_ =	sdelay $0x3  }
0x92: {  	_ =	strace s17  }
0x93: {  	s2 =	sld [smem:$0x3FFC];
	_ =	sdelay $0x3  }
0x94: {  	_ =	strace s2  }
0x95: {  	s2 =	sld [smem:$0x3FFD];
	_ =	sdelay $0x3  }
0x96: {  	_ =	strace s2  }
0x97: {  	_ =	strace $0x8FFFFFFF  }
0x98: {  	s18 =	sld [smem:$0x3FDB];
	_ =	sdelay $0x1  }
0x99: {  	s19 =	simm.s32 $_scs_section_size  }
0x9a: {  	s4 =	simm.s32 $_size__tile_overlayer_lowered;
	s5 =	simm.s32 $_tile_overlayer_lowered  }
0x9b: {  	s22 =	simm.s32 $0x1BFF;
	s21 =	sshll.u32 s5, $0x1;
	s2 =	sadd.s32 s19, s18  }
0x9c: {  	s6 =	simm.s32 $0x0;
	s20 =	sshll.u32 s4, $0x1;
	s4 =	sadd.s32 s21, s2  }
0x9d: {  	[timem:s6], [sflag:s22] =	dma.local [hbm:s4], s20  }
0x9e: {  	_ =	swait.ge [sflag:s22], s20  }
0x9f: {  	s3 =	ssub.s32 $0x0, s20;
	[sflag:s22] =	ssyncset.done $0x0  }
0xa0: {  	[sflag:s22] =	ssyncadd.s32 s3;
	_ =	sdelay $0x1  }
0xa1: {  	s23 =	simm.s32 $0x1B8B  }
0xa2: {  	_ =	swait.ge [sflag:s23], $0x1  }
0xa3: {  	[sflag:s23] =	ssyncset.done $0x0  }
0xa4: {  	s25 =	simm.s32 $0x1B8E;
	s24 =	sld [smem:$0x3FFE];
	[sflag:s23] =	ssyncadd.s32 $0xFFFFFFFF  }
0xa5: {  	s26 =	simm.s32 $execute0_lowered;
	[smem:$0x3FD2] =	sst s25  }
0xa6: {  	s4 =	sshll.u32 s26, $0x1;
	_ =	strace $0x80000046;
	[dreg:$0x1] =	wrdreg $0xFFFFFFFF  }
0xa7: {  	s28 =	simm.s32 $_size_execute0_lowered;
	s2 =	sadd.s32 s2, s4;
	[dreg:$0x0] =	wrdreg $0x0  }
0xa8: {  	s4 =	sshll.u32 s28, $0x1;
	[dreg:$0x2] =	wrdreg s2  }
0xa9: {  	[dreg:$0x3] =	wrdreg s4  }
0xaa: {  	[dreg:$0x4] =	wrdreg $0xC0  }
0xab: {  	_ =	task [dreg:s6], $0x5FFFF  }
0xac: {  	[dreg:$0x1] =	wrdreg $0xFFFFFFFF  }
0xad: {  	[dreg:$0x0] =	wrdreg $0x60  }
0xae: {  	[dreg:$0x2] =	wrdreg s24  }
0xaf: {  	[dreg:$0x3] =	wrdreg $0x53000  }
0xb0: {  	[dreg:$0x4] =	wrdreg $0x9  }
0xb1: {  	_ =	task.clear_ibuf [dreg:s6], $0x5FFFF;
	_ =	strace $0x90000046  }
0xb2: {  	s29 =	simm.s32 $0x9;
	_ =	strace $0x80000048  }
0xb3: {  	_ =	swait.ge [sflag:s29], $0x1  }
0xb4: {  	[sflag:s29] =	ssyncadd.s32 $0xFFFFFFFF  }
0xb5: {  	_ =	strace $0x90000048  }
0xb6: {  	_ =	sfence  }
0xb7: {  	s30 =	sld [smem:$0x0];
	_ =	sdelay $0x2  }
0xb8: {  	s31 =	sshll.u32 s1, $0xD;
	s1 =	sshrl.u32 s1, $0x2  }
0xb9: {  	s3 =	sand.u32 $0x4000, s31;
	s1 =	sadd.s32 s1, s30  }
0xba: {  	s0 =	sor.u32 s3, s0;
	s1 =	sshll.u32 s1, $0x11  }
0xbb: {  	s0 =	sor.u32 s1, s0  }
0xbc: {  	s0 =	sadd.s32 $0x8F2B, s0  }
0xbd: {  	[sflag:s0] =	ssyncadd.remote.s32 $0x1  }
0xbe: {  	_ =	sfence.sel $0xFFFF  }
0xbf: {  	[dreg:$0x0] =	wrdreg $0xFFFFFFFF;
	(pc) =	sbr.abs _section_cstart, $3  }
0xc0: {  	[dreg:$0x1] =	wrdreg $0xFFFFFFFF  }
0xc1: {  	_ =	task.clear_ibuf [dreg:s6], $0x2FFFF;
	_ =	strace $0x9FFFFFFF  }
0xc2: {  	(tm) =	ssettm $0x7FFFFFFF  }
0xc3: {  	_ =	shalt  }
tec
execute0_lowered:
.L_overlay_start_1:
0x0: {  	(tag) =	ssettag $0x1  }
0x1: {  	s4 =	rddreg [dreg:$0x0];
	s0 =	srdreg.scid  }
0x2: {  	s2 =	rddreg [dreg:$0x1];
	s1 =	stileid.u32  }
0x3: {  	s3 =	simm.s32 $0x0;
	s10 =	simm.s32 $0x40;
	s11 =	simm.s32 $0x5000  }
0x4: {  	s14 =	simm.s32 $0x20;
	s15 =	simm.s32 $0x10;
	s16 =	simm.s32 $0x0  }
0x5: {  	s5 =	sand.u32 $0x1, s0;
	s0 =	rddreg [dreg:$0x2];
	s7 =	smul.u32 $0x500, s1  }
0x6: {  	[smem:$0x7FF] =	sst s3;
	s30 =	smul.u32 $0xA00, s1;
	s12 =	sshll.u32 s1, $0x6  }
0x7: {  	s6 =	sshll.u32 s5, $0x4;
	s8 =	sshll.u32 s5, $0x7;
	_ =	strace $0x80000047  }
0x8: {  	s5 =	ssub.s32 $0x2, s5;
	s12 =	sor.u32 $0x1C01, s12;
	s6 =	sor.u32 s1, s6  }
0x9: {  	s7 =	sor.u32 s8, s7;
	s31 =	sshrl.u32 s5, $0x1;
	s6 =	smul.u32 $0xA00, s6  }
0xa: {  	s8 =	sshrl.u32 s30, $0x2;
	s7 =	sshrl.u32 s7, $0x3;
	s9 =	ssub.s32 s5, s31  }
0xb: {  	s7 =	sadd.s32 s7, s4;
	s6 =	sadd.s32 s6, s4;
	s4 =	sadd.s32 s8, s2  }
0xc: {  	s8 =	simm.s32 $0x5080;
	s5 =	sadd.s32 $0xCC00, s6;
	s6 =	sadd.s32 $0x20C00, s7  }
0xd: {  	v0 =	vimm.f32 $0.0e+00;
	v1 =	vimm.f32 $1.000000000e+00;
	s7 =	smax.u32 s9, $0x1;
	s9 =	simm.s32 $0x1;
	s13 =	sshrl.u32 s4, $0x3  }
.LBB2_1:
0xe: {  	s17 =	simm.s32 $0x10;
	[tilespmem:s8+$0x0] =	vst v0;
	s19 =	sand.u32 $0x30, s3;
	s18 =	simm.s32 $0x5080  }
.LBB2_2:
0xf: {  	p0 =	sne.s32 s17, $0x270  }
0x10: {  	[tilespmem:s19+$0x5000] =	vst v1;
	s18 =	sadd.s32 $0x10, s18;
	s19 =	smov.u32 s17;
	s17 =	sadd.s32 $0x10, s17  }
.Ltmp0:
0x11: {  	(pc) =	sbr.rel @p0 .LBB2_2-.Ltmp0, $2  }
0x12: {  	_ =	sdelay $0x2  }
0x13: {  	s19 =	sand.u32 $0x30, s19;
	[tilespmem:s18+$0x0] =	vst v0  }
0x14: {  	[tilespmem:s19+$0x5000] =	vst v1  }
0x15: {  	[spmem:s4] =	stream.linear.scatter [tilespmem:s8], [sflag:$0x1], $0x280, $0x38;
	[tilespmem:$0x5580] =	vst v63  }
0x16: {  	_ =	swait.ge [sflag:s9], $0x280  }
0x17: {  	[sflag:s9] =	ssyncset.done $0x0  }
0x18: {  	s17 =	simm.s32 $0x0;
	[sflag:s9] =	ssyncadd.s32 $0xFFFFFD80  }
0x19: {  	[tilespmem:s17], [sflag:$0x1] =	stream.linear.gather [hbm4b:s5+s17], $0x5000, $0x38;
	[tilespmem:$0x5580] =	vst v63  }
0x1a: {  	_ =	swait.ge [sflag:s9], $0x5000  }
0x1b: {  	[sflag:s9] =	ssyncset.done $0x0  }
0x1c: {  	[sflag:s9] =	ssyncadd.s32 $0xFFFFB000  }
0x1d: {  	s31 =	simm.s32 $0x0;
	[bflag:$0x0] =	sbarrier.arrive $0xFFFF  }
0x1e: {  	[spmem:s2] =	stream.indirect.scatter.add.f32 [tilespmem:s11], [sflag:$0x1], $0x1, s31, s10, $0xb8;
	[tilespmem:$0x5580] =	vst v63  }
0x1f: {  	_ =	swait.ge [sflag:s9], $0x40  }
0x20: {  	s17 =	simm.s32 $0x200;
	[sflag:s9] =	ssyncset.done $0x0  }
.LBB2_4:
0x21: {  	s18 =	sshra.s32 s17, $0x2;
	[sflag:s9] =	ssyncadd.s32 $0xFFFFFFC0;
	p0 =	sne.s32 s17, $0x13E00  }
0x22: {  	[spmem:s2] =	stream.indirect.scatter.add.f32 [tilespmem:s11], [sflag:$0x1], $0x1, s18, s10, $0xb8;
	[tilespmem:$0x5580] =	vst v63  }
.Ltmp1:
0x23: {  	_ = 	snop;
	(pc) =	sbr.rel @p0 .LBB2_4-.Ltmp1, $4  }
0x24: {  	_ = 	snop  }
0x25: {  	s17 =	sadd.s32 $0x200, s17  }
0x26: {  	_ =	swait.ge [sflag:s9], $0x40  }
0x27: {  	[sflag:s9] =	ssyncset.done $0x0  }
0x28: {  	s16 =	sadd.s32 $0x1, s16  }
0x29: {  	[sflag:s9] =	ssyncadd.s32 $0xFFFFFFC0;
	p0 =	sne.s32 s16, s7  }
.Ltmp2:
0x2a: {  	[bflag:$0x0] =	sbarrier.arrive $0xFFFF;
	(pc) =	sbr.rel @p0 .LBB2_1-.Ltmp2, $4  }
0x2b: {  	[hbm:s6@s14], [sflag:s12] =	dma.strided [spmem:s13@s15], $0x50, s9, $0x10   }
0x2c: {  	_ =	swait.ge [sflag:s9], $0x50  }
0x2d: {  	[sflag:s9] =	ssyncset.done $0x0  }
0x2e: {  	[sflag:s9] =	ssyncadd.s32 $0xFFFFFFB0  }
0x2f: {  	_ =	sfence.sel $0x180000  }
0x30: {  	[bflag:$0x0] =	sbarrier.arrive $0xFFFF  }
0x31: {  	p0 =	sne.s32 s1, $0x0;
	_ =	strace $0x90000047  }
0x32: {  	s0 =	sadd.s32 @!p0 $0x100000, s0;
	[bflag:$0x2] =	sbarrier.arrive $0xFFFF  }
0x33: {  	[sflag:s0] =	ssyncadd.tile.s32 @!p0 $0x1;
	_ =	shalt  }
.Lfunc_end2:
_tile_overlayer_lowered:
.L_overlay_start_2:
0x34: {  	(tag) =	ssettag $0x2  }
0x35: {  	s0 =	rddreg [dreg:$0x0];
	s2 =	stileid.u32  }
0x36: {  	s1 =	rddreg [dreg:$0x1];
	p0 =	sne.s32 s2, $0x0  }
0x37: {  	s3 =	rddreg [dreg:$0x2];
	[bflag:$0x3] =	sbarrier.arrive $0xFFFF;
	s2 =	simm.s32 @!p0 $0x1C01  }
0x38: {  	[timem:s3], [sflag:s2] =	dma.local @!p0 [hbm:s0], s1  }
0x39: {  	s0 =	simm.s32 @!p0 $0x1  }
0x3a: {  	_ =	swait.ge @!p0 [sflag:s0], s1  }
0x3b: {  	s1 =	ssub.s32 @!p0 $0x0, s1;
	[sflag:s0] =	ssyncset.done @!p0 $0x0  }
0x3c: {  	[sflag:s0] =	ssyncadd.s32 @!p0 s1  }
0x3d: {  	[bflag:$0x3] =	sbarrier.arrive $0xFFFF  }
0x3e: {  	_ =	shalt  }

</sc_bundles>
